<compile_context>
chip_gen: v7x
topology: tpu7x:2x2x1
jax: 0.10.2.dev20260603
libtpu: 0.0.44.dev20260713+nightly
codegen_flags: <defaults>
</compile_context>

<pallas_src>
import functools

import jax
import jax.numpy as jnp
from jax import lax
from jax.experimental import pallas as pl
from jax.experimental.pallas import tpu as pltpu
from jax.experimental.pallas import tpu_sc as plsc

C = 64
NX, NY = 432, 496
NPOS = NX * NY
NXP = 512
PPOS = NX * NXP
P = 4512
L = 16
NC, NS = 2, 16
NW = NC * NS
W = NPOS // NW
MZ = PPOS // NW
PV = P // L
PID_BITS = 13
KEY_SENT = 1 << 26
CAPW = 256

_MESH = plsc.VectorSubcoreMesh(
    core_axis_name="c", subcore_axis_name="s", num_cores=NC, num_subcores=NS
)


@functools.partial(
    pl.kernel,
    out_type=(
        jax.ShapeDtypeStruct((PPOS, 2 * C), jnp.float32),
        jax.ShapeDtypeStruct((PPOS,), jnp.float32),
    ),
    mesh=_MESH,
    scratch_types=[
        pltpu.VMEM((P * 4,), jnp.int32),
        pltpu.VMEM((P + 2 * L,), jnp.int32),
        pltpu.VMEM((P + 2 * L,), jnp.int32),
        pltpu.VMEM((P + 2 * L,), jnp.int32),
        pltpu.VMEM((P + 2 * L,), jnp.int32),
        pltpu.VMEM((W,), jnp.int32),
        pltpu.VMEM((P + 8 * L + 2 * L,), jnp.int32),
        pltpu.VMEM((P + 8 * L + 2 * L,), jnp.int32),
        pltpu.VMEM((CAPW, 2 * C), jnp.float32),
        pltpu.VMEM((CAPW, 2 * C), jnp.float32),
        pltpu.VMEM((MZ,), jnp.float32),
        pltpu.VMEM((2 * L,), jnp.int32),
        pltpu.SemaphoreType.DMA,
        pltpu.SemaphoreType.DMA,
    ],
    compiler_params=pltpu.CompilerParams(needs_layout_passes=False),
)
def _scatter_kernel(pf_hbm, coords_hbm, wt_hbm, mk_hbm,
                    coords_v, keyw, colb, pidb, iwinb, wslab, pposb, wpidb,
                    rowbuf, paybuf, zob, nxtb, sem_row, sem_sc):
    w = lax.axis_index("s") * NC + lax.axis_index("c")
    lo = w * W
    iota = lax.iota(jnp.int32, L)
    zeros16i = jnp.zeros((L,), jnp.int32)
    zeros16f = jnp.zeros((L,), jnp.float32)

    def zsrc(r, _):
        zob[pl.ds(r * L, L)] = zeros16f
        return 0
    lax.fori_loop(0, MZ // L, zsrc, 0)
    pltpu.sync_copy(zob, mk_hbm.at[pl.ds(w * MZ, MZ)])
    for r in range(8):
        zob[pl.ds(r * L, L)] = zeros16f + 1.0

    pltpu.sync_copy(coords_hbm, coords_v)

    def scan_body(i, cnt):
        p0 = i * L
        base4 = (p0 + iota) * 4
        c1 = plsc.load_gather(coords_v, [base4 + 1])
        c2 = plsc.load_gather(coords_v, [base4 + 2])
        c3 = plsc.load_gather(coords_v, [base4 + 3])
        idx = c1 + c2 * NX + c3
        m = (idx >= lo) & (idx < lo + W)
        key = (idx - lo) * (1 << PID_BITS) + (p0 + iota)
        mi = m.astype(jnp.int32)
        pos = cnt + plsc.cumsum(mi) - 1
        pos = jnp.where(m, pos, 0)
        plsc.store_scatter(keyw, [pos], key, mask=m)
        return cnt + jnp.sum(mi)

    nmemb = lax.fori_loop(0, PV, scan_body, jnp.int32(0))
    plsc.store_scatter(keyw, [nmemb + iota],
                       jnp.full((L,), KEY_SENT, jnp.int32))
    ngrp = (nmemb + L - 1) // L
    nxtb[pl.ds(L, L)] = jnp.full((L,), KEY_SENT, jnp.int32)

    def prep(g, _):
        kv = keyw[pl.ds(g * L, L)]
        sk, _sv = plsc.sort_key_val(kv, kv)
        nxtb[pl.ds(0, L)] = sk
        nxt = nxtb[pl.ds(1, L)]
        win = ((sk >> PID_BITS) != (nxt >> PID_BITS)) & (sk < KEY_SENT)
        col = jnp.minimum(sk >> PID_BITS, W - 1)
        pid = sk & ((1 << PID_BITS) - 1)
        at = g * L + iota
        plsc.store_scatter(colb, [at], col)
        plsc.store_scatter(pidb, [at], pid)
        plsc.store_scatter(iwinb, [at], win.astype(jnp.int32))
        plsc.store_scatter(wslab, [col], pid, mask=win)
        return 0

    lax.fori_loop(0, ngrp, prep, 0)

    def wchk(g, cnt):
        at = g * L + iota
        col = plsc.load_gather(colb, [at])
        pid = plsc.load_gather(pidb, [at])
        iwin = plsc.load_gather(iwinb, [at]) != 0
        gwin = iwin & (plsc.load_gather(wslab, [col]) == pid)
        j = col + lo
        y = ((j.astype(jnp.float32) + 0.5) * (1.0 / NX)).astype(jnp.int32)
        x = j - y * NX
        ppos = x * NXP + y
        gi = gwin.astype(jnp.int32)
        pos = cnt + plsc.cumsum(gi) - 1
        pos = jnp.where(gwin, pos, 0)
        plsc.store_scatter(pposb, [pos], ppos, mask=gwin)
        plsc.store_scatter(wpidb, [pos], pid, mask=gwin)
        return cnt + jnp.sum(gi)

    nwin = lax.fori_loop(0, ngrp, wchk, jnp.int32(0))

    @pl.when(nwin > 0)
    def _():
        q0 = plsc.load_gather(pposb, [zeros16i])
        p0 = plsc.load_gather(wpidb, [zeros16i])
        for r in range(8):
            plsc.store_scatter(pposb, [nwin + r * L + iota], q0)
            plsc.store_scatter(wpidb, [nwin + r * L + iota], p0)

        nwin_pad = ((nwin + L - 1) // L) * L
        nbatch = (nwin_pad + CAPW - 1) // CAPW

        def batch_body(b, _):
            r0 = b * CAPW
            nb = jnp.minimum(nwin_pad - r0, CAPW)
            nqch = (nb + 127) // 128
            nrch = nqch * 8

            def gfire(ch, _):
                pidv = wpidb[pl.ds(r0 + ch * L, L)]
                pltpu.async_copy(pf_hbm.at[pidv >> 1],
                                 rowbuf.at[pl.ds(ch * L, L), :], sem_row)
                return 0
            lax.fori_loop(0, nrch, gfire, 0)

            def gdrain(ch, _):
                pltpu.make_async_copy(
                    pf_hbm.at[pl.ds(0, L), :],
                    rowbuf.at[pl.ds(ch * L, L), :], sem_row).wait()
                return 0
            lax.fori_loop(0, nrch, gdrain, 0)

            def bld(ch, _):
                rl = ch * L + iota
                pidv = wpidb[pl.ds(r0 + ch * L, L)]
                half = (pidv & 1) * C
                for c in range(C):
                    pay = plsc.load_gather(rowbuf, [rl, half + c])
                    plsc.store_scatter(paybuf, [rl, jnp.full((L,), c,
                                                             jnp.int32)], pay)
                return 0
            lax.fori_loop(0, nrch, bld, 0)

            def sfire(k, _):
                rows = pl.ds(k * 128, 128)
                pltpu.async_copy(paybuf.at[rows, :],
                                 wt_hbm.at[pposb.at[pl.ds(r0 + k * 128, 128)]],
                                 sem_sc)
                pltpu.async_copy(zob.at[pl.ds(0, 128)],
                                 mk_hbm.at[pposb.at[pl.ds(r0 + k * 128, 128)]],
                                 sem_sc)
                return 0
            lax.fori_loop(0, nqch, sfire, 0)

            def sdrain(k, _):
                rows = pl.ds(k * 128, 128)
                pltpu.make_async_copy(
                    paybuf.at[rows, :],
                    wt_hbm.at[pposb.at[pl.ds(r0 + k * 128, 128)]],
                    sem_sc).wait()
                pltpu.make_async_copy(
                    zob.at[pl.ds(0, 128)],
                    mk_hbm.at[pposb.at[pl.ds(r0 + k * 128, 128)]],
                    sem_sc).wait()
                return 0
            lax.fori_loop(0, nqch, sdrain, 0)
            return 0

        lax.fori_loop(0, nbatch, batch_body, 0)


def _fin_body(w_ref, m_ref, o_ref):
    wt = w_ref[...]
    m2 = m_ref[...]
    a = wt[:, 0:C]
    a3 = a.T.reshape(C, 16, NXP)
    m3 = m2.reshape(16, 4, 128)
    m512 = jnp.concatenate(
        [m3[:, 0, :], m3[:, 1, :], m3[:, 2, :], m3[:, 3, :]], axis=-1)
    o = jnp.where(m512[None] != 0.0, a3, 0.0)
    o_ref[...] = o[:, :, :NY][None]


_finalize = pl.pallas_call(
    _fin_body,
    out_shape=jax.ShapeDtypeStruct((1, C, NX, NY), jnp.float32),
    grid=(NX // 16,),
    in_specs=[
        pl.BlockSpec((16 * NXP, 2 * C), lambda i: (i, 0)),
        pl.BlockSpec((16 * NXP // 128, 128), lambda i: (i, 0)),
    ],
    out_specs=pl.BlockSpec((1, C, 16, NY), lambda i: (0, 0, i, 0)),
)


def kernel(pillar_features, coords):
    pf_pairs = pillar_features.reshape(P // 2, 2 * C)
    coords_flat = coords.reshape(P * 4).astype(jnp.int32)
    wt, mk = _scatter_kernel(pf_pairs, coords_flat)
    mk2 = mk.reshape(PPOS // 128, 128)
    return jnp.transpose(_finalize(wt, mk2), (0, 1, 3, 2))

# --- scband reference (transcript-rebuilt; emitter-appended) ---
"""Pipeline reference for scband-point-pillar-scatter-51539607552769 (READ-ONLY COPY).

The authoritative reference and input builder live on the scoring server;
editing this copy changes nothing except your own understanding.
"""

import jax, jax.numpy as jnp
import numpy as np

NUM_BEV_FEATURES = 64
NX, NY = 432, 496
NUM_PILLARS = 4512


def setup_inputs(seed: int = 0) -> dict:
    key = jax.random.key(seed)
    k1, k2 = jax.random.split(key)
    pillar_features = jax.random.normal(k1, (NUM_PILLARS, NUM_BEV_FEATURES), dtype=jnp.float32)
    # coords channels 1,2,3 are used: idx = c1 + c2*nx + c3; keep all in [0, 432)
    # so max idx = 431 + 431*432 + 431 = 187054 < nx*ny = 214272
    coords = jax.random.randint(k2, (1, NUM_PILLARS, 4, 1), 0, 432, dtype=jnp.int64)
    return {"pillar_features": pillar_features, "coords": coords}


def reference(pillar_features, coords):
    # Faithful CPU-path translation of PointPillarScatter.forward
    this_coords = coords  # [1, P, 4, 1]
    indices = this_coords[:, :, 1] + this_coords[:, :, 2] * NX + this_coords[:, :, 3]  # [1, P, 1]
    indices = indices.astype(jnp.int32).squeeze()  # [P]
    pillars = pillar_features.T  # [C, P]
    spatial_feature = jnp.zeros((NUM_BEV_FEATURES, NX * NY), dtype=pillar_features.dtype)
    spatial_feature = spatial_feature.at[:, indices].set(pillars)  # scatter-overwrite
    spatial_feature = spatial_feature.reshape(1, NUM_BEV_FEATURES, NY, NX)
    return spatial_feature

if __name__ == "__main__":
    import jax
    _d = setup_inputs()
    print(jax.jit(kernel)(*tuple(_d.values())))

</pallas_src>

<mosaic_0001>
#map = affine_map<(d0, d1) -> (0, 0)>
#map1 = affine_map<(d0, d1) -> (0)>
module attributes {stable_mosaic.version = 14 : i64} {
  func.func @_scatter_kernel(%arg0: i32, %arg1: i32, %arg2: memref<2256x128xf32, #tpu.memory_space<hbm>>, %arg3: memref<18048xi32, #tpu.memory_space<hbm>>, %arg4: memref<221184x128xf32, #tpu.memory_space<hbm>>, %arg5: memref<221184xf32, #tpu.memory_space<hbm>>, %arg6: memref<18048xi32, #tpu.memory_space<vmem>>, %arg7: memref<4544xi32, #tpu.memory_space<vmem>>, %arg8: memref<4544xi32, #tpu.memory_space<vmem>>, %arg9: memref<4544xi32, #tpu.memory_space<vmem>>, %arg10: memref<4544xi32, #tpu.memory_space<vmem>>, %arg11: memref<6696xi32, #tpu.memory_space<vmem>>, %arg12: memref<4672xi32, #tpu.memory_space<vmem>>, %arg13: memref<4672xi32, #tpu.memory_space<vmem>>, %arg14: memref<256x128xf32, #tpu.memory_space<vmem>>, %arg15: memref<256x128xf32, #tpu.memory_space<vmem>>, %arg16: memref<6912xf32, #tpu.memory_space<vmem>>, %arg17: memref<32xi32, #tpu.memory_space<vmem>>, %arg18: memref<!tpu.dma_semaphore, #tpu.memory_space<semaphore_mem>>, %arg19: memref<!tpu.dma_semaphore, #tpu.memory_space<semaphore_mem>>) attributes {dimension_semantics = [#tpu.dimension_semantics<core_parallel>, #tpu.dimension_semantics<subcore_parallel>], iteration_bounds = array<i64: 2, 16>, scalar_prefetch = 0 : i64, scratch_operands = 14 : i64, tpu.core_type = #tpu.core_type<sc_vector_subcore>, window_params = [{transform_indices = #map}, {transform_indices = #map1}, {transform_indices = #map}, {transform_indices = #map1}]} {
    %mul3A = arith.constant 2 : i32
    %mul3A_0 = arith.muli %arg1, %mul3A : i32
    %add3A = arith.addi %mul3A_0, %arg0 : i32
    %mul3A_1 = arith.constant 6696 : i32
    %mul3A_2 = arith.muli %add3A, %mul3A_1 : i32
    %iota3A = tpu.iota {dimensions = array<i32: 0>} : vector<16xi32>
    %broadcast_in_dim3A = arith.constant 0 : i32
    %broadcast_in_dim3A_3 = vector.broadcast %broadcast_in_dim3A : i32 to vector<16xi32>
    %broadcast_in_dim3A_4 = arith.constant 0.000000e+00 : f32
    %broadcast_in_dim3A_5 = vector.broadcast %broadcast_in_dim3A_4 : f32 to vector<16xf32>
    %scan3A = arith.constant 0 : i32
    %scan3A_6 = arith.constant 0 : i32
    %scan3A_7 = arith.constant 432 : i32
    %scan3A_8 = arith.addi %scan3A_6, %scan3A_7 : i32
    %scan3A_9 = arith.constant 1 : i32
    %scan3A_10 = scf.for %scan3A_113 = %scan3A_6 to %scan3A_8 step %scan3A_9 iter_args(%scan3A_114 = %scan3A) -> (i32)  : i32 {
      %mul3A_115 = arith.constant 16 : i32
      %mul3A_116 = arith.muli %scan3A_113, %mul3A_115 : i32
      %swap3A_117 = arith.index_cast %mul3A_116 : i32 to index
      %swap3A_118 = tpu.vector_load %arg16[%swap3A_117] {strides = array<i32>} : memref<6912xf32, #tpu.memory_space<vmem>>, vector<16xf32>,
      tpu.vector_store %arg16[%swap3A_117], %broadcast_in_dim3A_5 {strides = array<i32>} : memref<6912xf32, #tpu.memory_space<vmem>>, vector<16xf32>,
      %scan3A_119 = arith.constant 0 : i32
      scf.yield %scan3A_119 : i32
    }
    %scan3A_11 = arith.constant 432 : i32
    %mul3A_12 = arith.constant 6912 : i32
    %mul3A_13 = arith.muli %add3A, %mul3A_12 : i32
    "tpu.region"() ({
      %run_scoped3A = tpu.sem_alloc : memref<!tpu.dma_semaphore, #tpu.memory_space<semaphore_mem>>
      %dma_start3A = tpu.memref_slice %arg5[%mul3A_13] : memref<221184xf32, #tpu.memory_space<hbm>> -> memref<6912xf32, #tpu.memory_space<hbm>>
      %dma_start3A_113 = tpu.memref_slice %arg5[%mul3A_13] : memref<221184xf32, #tpu.memory_space<hbm>> -> memref<6912xf32, #tpu.memory_space<hbm>>
      tpu.enqueue_dma source(%arg16 : memref<6912xf32, #tpu.memory_space<vmem>>) target(%dma_start3A_113 : memref<6912xf32, #tpu.memory_space<hbm>>) target_semaphore(%run_scoped3A : memref<!tpu.dma_semaphore, #tpu.memory_space<semaphore_mem>>)
      %dma_wait3A = tpu.memref_slice %arg5[%mul3A_13] : memref<221184xf32, #tpu.memory_space<hbm>> -> memref<6912xf32, #tpu.memory_space<hbm>>
      %dma_wait3A_114 = tpu.memref_slice %arg5[%mul3A_13] : memref<221184xf32, #tpu.memory_space<hbm>> -> memref<6912xf32, #tpu.memory_space<hbm>>
      tpu.wait_dma2 semaphore(%run_scoped3A : memref<!tpu.dma_semaphore, #tpu.memory_space<semaphore_mem>>) src(%arg16 : memref<6912xf32, #tpu.memory_space<vmem>>) dst(%dma_wait3A_114 : memref<6912xf32, #tpu.memory_space<hbm>>)
      tpu.yield
    }) : () -> ()
    %add3A_14 = arith.constant 1.000000e+00 : f32
    %add3A_15 = vector.broadcast %add3A_14 : f32 to vector<16xf32>
    %add3A_16 = arith.addf %broadcast_in_dim3A_5, %add3A_15 : vector<16xf32>
    %swap3A = arith.constant 0 : index
    %swap3A_17 = tpu.vector_load %arg16[%swap3A] {strides = array<i32>} : memref<6912xf32, #tpu.memory_space<vmem>>, vector<16xf32>,
    tpu.vector_store %arg16[%swap3A], %add3A_16 {strides = array<i32>} : memref<6912xf32, #tpu.memory_space<vmem>>, vector<16xf32>,
    %add3A_18 = arith.constant 1.000000e+00 : f32
    %add3A_19 = vector.broadcast %add3A_18 : f32 to vector<16xf32>
    %add3A_20 = arith.addf %broadcast_in_dim3A_5, %add3A_19 : vector<16xf32>
    %swap3A_21 = arith.constant 16 : index
    %swap3A_22 = tpu.vector_load %arg16[%swap3A_21] {strides = array<i32>} : memref<6912xf32, #tpu.memory_space<vmem>>, vector<16xf32>,
    tpu.vector_store %arg16[%swap3A_21], %add3A_20 {strides = array<i32>} : memref<6912xf32, #tpu.memory_space<vmem>>, vector<16xf32>,
    %add3A_23 = arith.constant 1.000000e+00 : f32
    %add3A_24 = vector.broadcast %add3A_23 : f32 to vector<16xf32>
    %add3A_25 = arith.addf %broadcast_in_dim3A_5, %add3A_24 : vector<16xf32>
    %swap3A_26 = arith.constant 32 : index
    %swap3A_27 = tpu.vector_load %arg16[%swap3A_26] {strides = array<i32>} : memref<6912xf32, #tpu.memory_space<vmem>>, vector<16xf32>,
    tpu.vector_store %arg16[%swap3A_26], %add3A_25 {strides = array<i32>} : memref<6912xf32, #tpu.memory_space<vmem>>, vector<16xf32>,
    %add3A_28 = arith.constant 1.000000e+00 : f32
    %add3A_29 = vector.broadcast %add3A_28 : f32 to vector<16xf32>
    %add3A_30 = arith.addf %broadcast_in_dim3A_5, %add3A_29 : vector<16xf32>
    %swap3A_31 = arith.constant 48 : index
    %swap3A_32 = tpu.vector_load %arg16[%swap3A_31] {strides = array<i32>} : memref<6912xf32, #tpu.memory_space<vmem>>, vector<16xf32>,
    tpu.vector_store %arg16[%swap3A_31], %add3A_30 {strides = array<i32>} : memref<6912xf32, #tpu.memory_space<vmem>>, vector<16xf32>,
    %add3A_33 = arith.constant 1.000000e+00 : f32
    %add3A_34 = vector.broadcast %add3A_33 : f32 to vector<16xf32>
    %add3A_35 = arith.addf %broadcast_in_dim3A_5, %add3A_34 : vector<16xf32>
    %swap3A_36 = arith.constant 64 : index
    %swap3A_37 = tpu.vector_load %arg16[%swap3A_36] {strides = array<i32>} : memref<6912xf32, #tpu.memory_space<vmem>>, vector<16xf32>,
    tpu.vector_store %arg16[%swap3A_36], %add3A_35 {strides = array<i32>} : memref<6912xf32, #tpu.memory_space<vmem>>, vector<16xf32>,
    %add3A_38 = arith.constant 1.000000e+00 : f32
    %add3A_39 = vector.broadcast %add3A_38 : f32 to vector<16xf32>
    %add3A_40 = arith.addf %broadcast_in_dim3A_5, %add3A_39 : vector<16xf32>
    %swap3A_41 = arith.constant 80 : index
    %swap3A_42 = tpu.vector_load %arg16[%swap3A_41] {strides = array<i32>} : memref<6912xf32, #tpu.memory_space<vmem>>, vector<16xf32>,
    tpu.vector_store %arg16[%swap3A_41], %add3A_40 {strides = array<i32>} : memref<6912xf32, #tpu.memory_space<vmem>>, vector<16xf32>,
    %add3A_43 = arith.constant 1.000000e+00 : f32
    %add3A_44 = vector.broadcast %add3A_43 : f32 to vector<16xf32>
    %add3A_45 = arith.addf %broadcast_in_dim3A_5, %add3A_44 : vector<16xf32>
    %swap3A_46 = arith.constant 96 : index
    %swap3A_47 = tpu.vector_load %arg16[%swap3A_46] {strides = array<i32>} : memref<6912xf32, #tpu.memory_space<vmem>>, vector<16xf32>,
    tpu.vector_store %arg16[%swap3A_46], %add3A_45 {strides = array<i32>} : memref<6912xf32, #tpu.memory_space<vmem>>, vector<16xf32>,
    %add3A_48 = arith.constant 1.000000e+00 : f32
    %add3A_49 = vector.broadcast %add3A_48 : f32 to vector<16xf32>
    %add3A_50 = arith.addf %broadcast_in_dim3A_5, %add3A_49 : vector<16xf32>
    %swap3A_51 = arith.constant 112 : index
    %swap3A_52 = tpu.vector_load %arg16[%swap3A_51] {strides = array<i32>} : memref<6912xf32, #tpu.memory_space<vmem>>, vector<16xf32>,
    tpu.vector_store %arg16[%swap3A_51], %add3A_50 {strides = array<i32>} : memref<6912xf32, #tpu.memory_space<vmem>>, vector<16xf32>,
    "tpu.region"() ({
      %run_scoped3A = tpu.sem_alloc : memref<!tpu.dma_semaphore, #tpu.memory_space<semaphore_mem>>
      tpu.enqueue_dma source(%arg3 : memref<18048xi32, #tpu.memory_space<hbm>>) target(%arg6 : memref<18048xi32, #tpu.memory_space<vmem>>) target_semaphore(%run_scoped3A : memref<!tpu.dma_semaphore, #tpu.memory_space<semaphore_mem>>)
      tpu.wait_dma2 semaphore(%run_scoped3A : memref<!tpu.dma_semaphore, #tpu.memory_space<semaphore_mem>>) src(%arg3 : memref<18048xi32, #tpu.memory_space<hbm>>) dst(%arg6 : memref<18048xi32, #tpu.memory_space<vmem>>)
      tpu.yield
    }) : () -> ()
    %scan3A_53 = arith.constant 0 : i32
    %scan3A_54 = arith.constant 0 : i32
    %scan3A_55 = arith.constant 282 : i32
    %scan3A_56 = arith.addi %scan3A_54, %scan3A_55 : i32
    %scan3A_57 = arith.constant 1 : i32
    %scan3A_58 = scf.for %scan3A_113 = %scan3A_54 to %scan3A_56 step %scan3A_57 iter_args(%scan3A_114 = %scan3A_53) -> (i32)  : i32 {
      %mul3A_115 = arith.constant 16 : i32
      %mul3A_116 = arith.muli %scan3A_113, %mul3A_115 : i32
      %add3A_117 = vector.broadcast %mul3A_116 : i32 to vector<16xi32>
      %add3A_118 = arith.addi %add3A_117, %iota3A : vector<16xi32>
      %mul3A_119 = arith.constant 4 : i32
      %mul3A_120 = vector.broadcast %mul3A_119 : i32 to vector<16xi32>
      %mul3A_121 = arith.muli %add3A_118, %mul3A_120 : vector<16xi32>
      %add3A_122 = arith.constant 1 : i32
      %add3A_123 = vector.broadcast %add3A_122 : i32 to vector<16xi32>
      %add3A_124 = arith.addi %mul3A_121, %add3A_123 : vector<16xi32>
      %gather3A = tpu.vector_load_idx %arg6[%add3A_124] : memref<18048xi32, #tpu.memory_space<vmem>>[vector<16xi32>], vector<16xi32>,
      %add3A_125 = arith.constant 2 : i32
      %add3A_126 = vector.broadcast %add3A_125 : i32 to vector<16xi32>
      %add3A_127 = arith.addi %mul3A_121, %add3A_126 : vector<16xi32>
      %gather3A_128 = tpu.vector_load_idx %arg6[%add3A_127] : memref<18048xi32, #tpu.memory_space<vmem>>[vector<16xi32>], vector<16xi32>,
      %add3A_129 = arith.constant 3 : i32
      %add3A_130 = vector.broadcast %add3A_129 : i32 to vector<16xi32>
      %add3A_131 = arith.addi %mul3A_121, %add3A_130 : vector<16xi32>
      %gather3A_132 = tpu.vector_load_idx %arg6[%add3A_131] : memref<18048xi32, #tpu.memory_space<vmem>>[vector<16xi32>], vector<16xi32>,
      %mul3A_133 = arith.constant 432 : i32
      %mul3A_134 = vector.broadcast %mul3A_133 : i32 to vector<16xi32>
      %mul3A_135 = arith.muli %gather3A_128, %mul3A_134 : vector<16xi32>
      %add3A_136 = arith.addi %gather3A, %mul3A_135 : vector<16xi32>
      %add3A_137 = arith.addi %add3A_136, %gather3A_132 : vector<16xi32>
      %ge3A = vector.broadcast %mul3A_2 : i32 to vector<16xi32>
      %ge3A_138 = arith.cmpi sge, %add3A_137, %ge3A : vector<16xi32>
      %add3A_139 = arith.constant 6696 : i32
      %add3A_140 = arith.addi %mul3A_2, %add3A_139 : i32
      %lt3A = vector.broadcast %add3A_140 : i32 to vector<16xi32>
      %lt3A_141 = arith.cmpi slt, %add3A_137, %lt3A : vector<16xi32>
      %and3A_142 = arith.andi %ge3A_138, %lt3A_141 : vector<16xi1>
      %sub3A_143 = vector.broadcast %mul3A_2 : i32 to vector<16xi32>
      %sub3A_144 = arith.subi %add3A_137, %sub3A_143 : vector<16xi32>
      %mul3A_145 = arith.constant 8192 : i32
      %mul3A_146 = vector.broadcast %mul3A_145 : i32 to vector<16xi32>
      %mul3A_147 = arith.muli %sub3A_144, %mul3A_146 : vector<16xi32>
      %add3A_148 = vector.broadcast %mul3A_116 : i32 to vector<16xi32>
      %add3A_149 = arith.addi %add3A_148, %iota3A : vector<16xi32>
      %add3A_150 = arith.addi %mul3A_147, %add3A_149 : vector<16xi32>
      %convert_element_type3A_151 = arith.extui %and3A_142 : vector<16xi1> to vector<16xi32>
      %broadcast_in_dim3A_152 = arith.constant true
      %broadcast_in_dim3A_153 = vector.broadcast %broadcast_in_dim3A_152 : i1 to vector<16xi1>
      %masked_cumsum3A = tpu.scan <sum>, %convert_element_type3A_151 masked %broadcast_in_dim3A_153 : vector<16xi32>, vector<16xi1> -> vector<16xi32>
      %add3A_154 = vector.broadcast %scan3A_114 : i32 to vector<16xi32>
      %add3A_155 = arith.addi %add3A_154, %masked_cumsum3A : vector<16xi32>
      %sub3A_156 = arith.constant 1 : i32
      %sub3A_157 = vector.broadcast %sub3A_156 : i32 to vector<16xi32>
      %sub3A_158 = arith.subi %add3A_155, %sub3A_157 : vector<16xi32>
      %jit3A_159 = arith.constant 0 : i32
      %broadcast_in_dim3A_160 = vector.broadcast %jit3A_159 : i32 to vector<16xi32>
      %select_n3A_161 = arith.select %and3A_142, %sub3A_158, %broadcast_in_dim3A_160 : vector<16xi1>, vector<16xi32>
      tpu.vector_store_idx %arg7[%select_n3A_161], %add3A_150 masked %and3A_142 : memref<4544xi32, #tpu.memory_space<vmem>>[vector<16xi32>], vector<16xi32>, vector<16xi1>
      %reduce_sum3A = arith.constant true
      %reduce_sum3A_162 = vector.broadcast %reduce_sum3A : i1 to vector<16xi1>
      %reduce_sum3A_163 = tpu.scan <sum>, %convert_element_type3A_151 masked %reduce_sum3A_162 : vector<16xi32>, vector<16xi1> -> vector<16xi32>
      %reduce_sum3A_164 = vector.extract %reduce_sum3A_163[15] : i32 from vector<16xi32>
      %add3A_165 = arith.addi %scan3A_114, %reduce_sum3A_164 : i32
      scf.yield %add3A_165 : i32
    }
    %scan3A_59 = arith.constant 282 : i32
    %add3A_60 = vector.broadcast %scan3A_58 : i32 to vector<16xi32>
    %add3A_61 = arith.addi %add3A_60, %iota3A : vector<16xi32>
    %broadcast_in_dim3A_62 = arith.constant 67108864 : i32
    %broadcast_in_dim3A_63 = vector.broadcast %broadcast_in_dim3A_62 : i32 to vector<16xi32>
    tpu.vector_store_idx %arg7[%add3A_61], %broadcast_in_dim3A_63 : memref<4544xi32, #tpu.memory_space<vmem>>[vector<16xi32>], vector<16xi32>,
    %add3A_64 = arith.constant 16 : i32
    %add3A_65 = arith.addi %scan3A_58, %add3A_64 : i32
    %sub3A = arith.constant 1 : i32
    %sub3A_66 = arith.subi %add3A_65, %sub3A : i32
    %jit3A = arith.constant 16 : i32
    %div3A = arith.divsi %sub3A_66, %jit3A : i32
    %sign3A = arith.constant 0 : i32
    %sign3A_67 = arith.cmpi sgt, %sub3A_66, %sign3A : i32
    %sign3A_68 = arith.extui %sign3A_67 : i1 to i32
    %sign3A_69 = arith.constant 0 : i32
    %sign3A_70 = arith.cmpi slt, %sub3A_66, %sign3A_69 : i32
    %sign3A_71 = arith.extui %sign3A_70 : i1 to i32
    %sign3A_72 = arith.subi %sign3A_68, %sign3A_71 : i32
    %sign3A_73 = arith.constant 0 : i32
    %sign3A_74 = arith.cmpi sgt, %jit3A, %sign3A_73 : i32
    %sign3A_75 = arith.extui %sign3A_74 : i1 to i32
    %sign3A_76 = arith.constant 0 : i32
    %sign3A_77 = arith.cmpi slt, %jit3A, %sign3A_76 : i32
    %sign3A_78 = arith.extui %sign3A_77 : i1 to i32
    %sign3A_79 = arith.subi %sign3A_75, %sign3A_78 : i32
    %ne3A = arith.cmpi ne, %sign3A_72, %sign3A_79 : i32
    %rem3A = arith.remsi %sub3A_66, %jit3A : i32
    %ne3A_80 = arith.constant 0 : i32
    %ne3A_81 = arith.cmpi ne, %rem3A, %ne3A_80 : i32
    %and3A = arith.andi %ne3A, %ne3A_81 : i1
    %sub3A_82 = arith.constant 1 : i32
    %sub3A_83 = arith.subi %div3A, %sub3A_82 : i32
    %select_n3A = arith.select %and3A, %sub3A_83, %div3A : i32
    %broadcast_in_dim3A_84 = arith.constant 67108864 : i32
    %broadcast_in_dim3A_85 = vector.broadcast %broadcast_in_dim3A_84 : i32 to vector<16xi32>
    %swap3A_86 = arith.constant 16 : index
    %swap3A_87 = tpu.vector_load %arg17[%swap3A_86] {strides = array<i32>} : memref<32xi32, #tpu.memory_space<vmem>>, vector<16xi32>,
    tpu.vector_store %arg17[%swap3A_86], %broadcast_in_dim3A_85 {strides = array<i32>} : memref<32xi32, #tpu.memory_space<vmem>>, vector<16xi32>,
    %while3A = arith.constant 0 : i32
    %while3A_88 = arith.constant 0 : i32
    %while3A_89 = arith.subi %select_n3A, %while3A : i32
    %while3A_90 = arith.addi %while3A, %while3A_89 : i32
    %while3A_91 = arith.constant 1 : i32
    %while3A_92 = arith.divsi %while3A_89, %while3A_91 : i32
    %while3A_93 = arith.muli %while3A_92, %while3A_91 : i32
    %while3A_94 = arith.addi %while3A, %while3A_93 : i32
    %while3A_95 = arith.constant 1 : i32
    %while3A_96 = scf.for %while3A_113 = %while3A to %while3A_94 step %while3A_95 iter_args(%while3A_114 = %while3A_88) -> (i32)  : i32 {
      %mul3A_115 = arith.constant 16 : i32
      %mul3A_116 = arith.muli %while3A_113, %mul3A_115 : i32
      %get3A = arith.index_cast %mul3A_116 : i32 to index
      %get3A_117 = tpu.vector_load %arg7[%get3A] {strides = array<i32>} : memref<4544xi32, #tpu.memory_space<vmem>>, vector<16xi32>,
      %masked_sort3A = arith.constant dense<true> : vector<16xi1>
      %masked_sort3A_118 = arith.constant -2147483648 : i32
      %masked_sort3A_119 = vector.broadcast %masked_sort3A_118 : i32 to vector<16xi32>
      %masked_sort3A_120 = arith.xori %get3A_117, %masked_sort3A_119 : vector<16xi32>
      %masked_sort3A_121, %masked_sort3A_122, %masked_sort3A_123 = tpu.sort %masked_sort3A_120, %get3A_117 masked %masked_sort3A : (vector<16xi32>, vector<16xi32>, vector<16xi1>) -> (vector<16xi1>, vector<16xi32>, vector<16xi32>)
      %masked_sort3A_124 = arith.xori %masked_sort3A_122, %masked_sort3A_119 : vector<16xi32>
      %swap3A_125 = arith.constant 0 : index
      %swap3A_126 = tpu.vector_load %arg17[%swap3A_125] {strides = array<i32>} : memref<32xi32, #tpu.memory_space<vmem>>, vector<16xi32>,
      tpu.vector_store %arg17[%swap3A_125], %masked_sort3A_124 {strides = array<i32>} : memref<32xi32, #tpu.memory_space<vmem>>, vector<16xi32>,
      %get3A_127 = arith.constant 1 : index
      %get3A_128 = tpu.vector_load %arg17[%get3A_127] {strides = array<i32>} : memref<32xi32, #tpu.memory_space<vmem>>, vector<16xi32>,
      %shift_right_arithmetic3A = arith.constant 13 : i32
      %shift_right_arithmetic3A_129 = vector.broadcast %shift_right_arithmetic3A : i32 to vector<16xi32>
      %shift_right_arithmetic3A_130 = arith.shrsi %masked_sort3A_124, %shift_right_arithmetic3A_129 : vector<16xi32>
      %shift_right_arithmetic3A_131 = arith.constant 13 : i32
      %shift_right_arithmetic3A_132 = vector.broadcast %shift_right_arithmetic3A_131 : i32 to vector<16xi32>
      %shift_right_arithmetic3A_133 = arith.shrsi %get3A_128, %shift_right_arithmetic3A_132 : vector<16xi32>
      %ne3A_134 = arith.cmpi ne, %shift_right_arithmetic3A_130, %shift_right_arithmetic3A_133 : vector<16xi32>
      %lt3A = arith.constant 67108864 : i32
      %lt3A_135 = vector.broadcast %lt3A : i32 to vector<16xi32>
      %lt3A_136 = arith.cmpi slt, %masked_sort3A_124, %lt3A_135 : vector<16xi32>
      %and3A_137 = arith.andi %ne3A_134, %lt3A_136 : vector<16xi1>
      %shift_right_arithmetic3A_138 = arith.constant 13 : i32
      %shift_right_arithmetic3A_139 = vector.broadcast %shift_right_arithmetic3A_138 : i32 to vector<16xi32>
      %shift_right_arithmetic3A_140 = arith.shrsi %masked_sort3A_124, %shift_right_arithmetic3A_139 : vector<16xi32>
      %min3A = arith.constant 6695 : i32
      %min3A_141 = vector.broadcast %min3A : i32 to vector<16xi32>
      %min3A_142 = arith.minsi %shift_right_arithmetic3A_140, %min3A_141 : vector<16xi32>
      %and3A_143 = arith.constant 8191 : i32
      %and3A_144 = vector.broadcast %and3A_143 : i32 to vector<16xi32>
      %and3A_145 = arith.andi %masked_sort3A_124, %and3A_144 : vector<16xi32>
      %mul3A_146 = arith.constant 16 : i32
      %mul3A_147 = arith.muli %while3A_113, %mul3A_146 : i32
      %add3A_148 = vector.broadcast %mul3A_147 : i32 to vector<16xi32>
      %add3A_149 = arith.addi %add3A_148, %iota3A : vector<16xi32>
      tpu.vector_store_idx %arg8[%add3A_149], %min3A_142 : memref<4544xi32, #tpu.memory_space<vmem>>[vector<16xi32>], vector<16xi32>,
      tpu.vector_store_idx %arg9[%add3A_149], %and3A_145 : memref<4544xi32, #tpu.memory_space<vmem>>[vector<16xi32>], vector<16xi32>,
      %convert_element_type3A_150 = arith.extui %and3A_137 : vector<16xi1> to vector<16xi32>
      tpu.vector_store_idx %arg10[%add3A_149], %convert_element_type3A_150 : memref<4544xi32, #tpu.memory_space<vmem>>[vector<16xi32>], vector<16xi32>,
      tpu.vector_store_idx %arg11[%min3A_142], %and3A_145 masked %and3A_137 : memref<6696xi32, #tpu.memory_space<vmem>>[vector<16xi32>], vector<16xi32>, vector<16xi1>
      %while3A_151 = arith.constant 0 : i32
      scf.yield %while3A_151 : i32
    }
    %while3A_97 = arith.constant 1 : i32
    %while3A_98 = scf.for %while3A_113 = %while3A_94 to %while3A_90 step %while3A_97 iter_args(%while3A_114 = %while3A_96) -> (i32)  : i32 {
      %mul3A_115 = arith.constant 16 : i32
      %mul3A_116 = arith.muli %while3A_113, %mul3A_115 : i32
      %get3A = arith.index_cast %mul3A_116 : i32 to index
      %get3A_117 = tpu.vector_load %arg7[%get3A] {strides = array<i32>} : memref<4544xi32, #tpu.memory_space<vmem>>, vector<16xi32>,
      %masked_sort3A = arith.constant dense<true> : vector<16xi1>
      %masked_sort3A_118 = arith.constant -2147483648 : i32
      %masked_sort3A_119 = vector.broadcast %masked_sort3A_118 : i32 to vector<16xi32>
      %masked_sort3A_120 = arith.xori %get3A_117, %masked_sort3A_119 : vector<16xi32>
      %masked_sort3A_121, %masked_sort3A_122, %masked_sort3A_123 = tpu.sort %masked_sort3A_120, %get3A_117 masked %masked_sort3A : (vector<16xi32>, vector<16xi32>, vector<16xi1>) -> (vector<16xi1>, vector<16xi32>, vector<16xi32>)
      %masked_sort3A_124 = arith.xori %masked_sort3A_122, %masked_sort3A_119 : vector<16xi32>
      %swap3A_125 = arith.constant 0 : index
      %swap3A_126 = tpu.vector_load %arg17[%swap3A_125] {strides = array<i32>} : memref<32xi32, #tpu.memory_space<vmem>>, vector<16xi32>,
      tpu.vector_store %arg17[%swap3A_125], %masked_sort3A_124 {strides = array<i32>} : memref<32xi32, #tpu.memory_space<vmem>>, vector<16xi32>,
      %get3A_127 = arith.constant 1 : index
      %get3A_128 = tpu.vector_load %arg17[%get3A_127] {strides = array<i32>} : memref<32xi32, #tpu.memory_space<vmem>>, vector<16xi32>,
      %shift_right_arithmetic3A = arith.constant 13 : i32
      %shift_right_arithmetic3A_129 = vector.broadcast %shift_right_arithmetic3A : i32 to vector<16xi32>
      %shift_right_arithmetic3A_130 = arith.shrsi %masked_sort3A_124, %shift_right_arithmetic3A_129 : vector<16xi32>
      %shift_right_arithmetic3A_131 = arith.constant 13 : i32
      %shift_right_arithmetic3A_132 = vector.broadcast %shift_right_arithmetic3A_131 : i32 to vector<16xi32>
      %shift_right_arithmetic3A_133 = arith.shrsi %get3A_128, %shift_right_arithmetic3A_132 : vector<16xi32>
      %ne3A_134 = arith.cmpi ne, %shift_right_arithmetic3A_130, %shift_right_arithmetic3A_133 : vector<16xi32>
      %lt3A = arith.constant 67108864 : i32
      %lt3A_135 = vector.broadcast %lt3A : i32 to vector<16xi32>
      %lt3A_136 = arith.cmpi slt, %masked_sort3A_124, %lt3A_135 : vector<16xi32>
      %and3A_137 = arith.andi %ne3A_134, %lt3A_136 : vector<16xi1>
      %shift_right_arithmetic3A_138 = arith.constant 13 : i32
      %shift_right_arithmetic3A_139 = vector.broadcast %shift_right_arithmetic3A_138 : i32 to vector<16xi32>
      %shift_right_arithmetic3A_140 = arith.shrsi %masked_sort3A_124, %shift_right_arithmetic3A_139 : vector<16xi32>
      %min3A = arith.constant 6695 : i32
      %min3A_141 = vector.broadcast %min3A : i32 to vector<16xi32>
      %min3A_142 = arith.minsi %shift_right_arithmetic3A_140, %min3A_141 : vector<16xi32>
      %and3A_143 = arith.constant 8191 : i32
      %and3A_144 = vector.broadcast %and3A_143 : i32 to vector<16xi32>
      %and3A_145 = arith.andi %masked_sort3A_124, %and3A_144 : vector<16xi32>
      %mul3A_146 = arith.constant 16 : i32
      %mul3A_147 = arith.muli %while3A_113, %mul3A_146 : i32
      %add3A_148 = vector.broadcast %mul3A_147 : i32 to vector<16xi32>
      %add3A_149 = arith.addi %add3A_148, %iota3A : vector<16xi32>
      tpu.vector_store_idx %arg8[%add3A_149], %min3A_142 : memref<4544xi32, #tpu.memory_space<vmem>>[vector<16xi32>], vector<16xi32>,
      tpu.vector_store_idx %arg9[%add3A_149], %and3A_145 : memref<4544xi32, #tpu.memory_space<vmem>>[vector<16xi32>], vector<16xi32>,
      %convert_element_type3A_150 = arith.extui %and3A_137 : vector<16xi1> to vector<16xi32>
      tpu.vector_store_idx %arg10[%add3A_149], %convert_element_type3A_150 : memref<4544xi32, #tpu.memory_space<vmem>>[vector<16xi32>], vector<16xi32>,
      tpu.vector_store_idx %arg11[%min3A_142], %and3A_145 masked %and3A_137 : memref<6696xi32, #tpu.memory_space<vmem>>[vector<16xi32>], vector<16xi32>, vector<16xi1>
      %while3A_151 = arith.constant 0 : i32
      scf.yield %while3A_151 : i32
    }
    %while3A_99 = arith.constant 0 : i32
    %while3A_100 = arith.constant 0 : i32
    %while3A_101 = arith.subi %select_n3A, %while3A_99 : i32
    %while3A_102 = arith.addi %while3A_99, %while3A_101 : i32
    %while3A_103 = arith.constant 1 : i32
    %while3A_104 = arith.divsi %while3A_101, %while3A_103 : i32
    %while3A_105 = arith.muli %while3A_104, %while3A_103 : i32
    %while3A_106 = arith.addi %while3A_99, %while3A_105 : i32
    %while3A_107 = arith.constant 1 : i32
    %while3A_108 = scf.for %while3A_113 = %while3A_99 to %while3A_106 step %while3A_107 iter_args(%while3A_114 = %while3A_100) -> (i32)  : i32 {
      %mul3A_115 = arith.constant 16 : i32
      %mul3A_116 = arith.muli %while3A_113, %mul3A_115 : i32
      %add3A_117 = vector.broadcast %mul3A_116 : i32 to vector<16xi32>
      %add3A_118 = arith.addi %add3A_117, %iota3A : vector<16xi32>
      %gather3A = tpu.vector_load_idx %arg8[%add3A_118] : memref<4544xi32, #tpu.memory_space<vmem>>[vector<16xi32>], vector<16xi32>,
      %gather3A_119 = tpu.vector_load_idx %arg9[%add3A_118] : memref<4544xi32, #tpu.memory_space<vmem>>[vector<16xi32>], vector<16xi32>,
      %gather3A_120 = tpu.vector_load_idx %arg10[%add3A_118] : memref<4544xi32, #tpu.memory_space<vmem>>[vector<16xi32>], vector<16xi32>,
      %ne3A_121 = arith.constant 0 : i32
      %ne3A_122 = vector.broadcast %ne3A_121 : i32 to vector<16xi32>
      %ne3A_123 = arith.cmpi ne, %gather3A_120, %ne3A_122 : vector<16xi32>
      %gather3A_124 = tpu.vector_load_idx %arg11[%gather3A] : memref<6696xi32, #tpu.memory_space<vmem>>[vector<16xi32>], vector<16xi32>,
      %eq3A = arith.cmpi eq, %gather3A_124, %gather3A_119 : vector<16xi32>
      %and3A_125 = arith.andi %ne3A_123, %eq3A : vector<16xi1>
      %add3A_126 = vector.broadcast %mul3A_2 : i32 to vector<16xi32>
      %add3A_127 = arith.addi %gather3A, %add3A_126 : vector<16xi32>
      %convert_element_type3A_128 = arith.sitofp %add3A_127 : vector<16xi32> to vector<16xf32>
      %add3A_129 = arith.constant 5.000000e-01 : f32
      %add3A_130 = vector.broadcast %add3A_129 : f32 to vector<16xf32>
      %add3A_131 = arith.addf %convert_element_type3A_128, %add3A_130 : vector<16xf32>
      %mul3A_132 = arith.constant 0.00231481483 : f32
      %mul3A_133 = vector.broadcast %mul3A_132 : f32 to vector<16xf32>
      %mul3A_134 = arith.mulf %add3A_131, %mul3A_133 : vector<16xf32>
      %convert_element_type3A_135 = arith.fptosi %mul3A_134 : vector<16xf32> to vector<16xi32>
      %mul3A_136 = arith.constant 432 : i32
      %mul3A_137 = vector.broadcast %mul3A_136 : i32 to vector<16xi32>
      %mul3A_138 = arith.muli %convert_element_type3A_135, %mul3A_137 : vector<16xi32>
      %sub3A_139 = arith.subi %add3A_127, %mul3A_138 : vector<16xi32>
      %mul3A_140 = arith.constant 512 : i32
      %mul3A_141 = vector.broadcast %mul3A_140 : i32 to vector<16xi32>
      %mul3A_142 = arith.muli %sub3A_139, %mul3A_141 : vector<16xi32>
      %add3A_143 = arith.addi %mul3A_142, %convert_element_type3A_135 : vector<16xi32>
      %convert_element_type3A_144 = arith.extui %and3A_125 : vector<16xi1> to vector<16xi32>
      %broadcast_in_dim3A_145 = arith.constant true
      %broadcast_in_dim3A_146 = vector.broadcast %broadcast_in_dim3A_145 : i1 to vector<16xi1>
      %masked_cumsum3A = tpu.scan <sum>, %convert_element_type3A_144 masked %broadcast_in_dim3A_146 : vector<16xi32>, vector<16xi1> -> vector<16xi32>
      %add3A_147 = vector.broadcast %while3A_114 : i32 to vector<16xi32>
      %add3A_148 = arith.addi %add3A_147, %masked_cumsum3A : vector<16xi32>
      %sub3A_149 = arith.constant 1 : i32
      %sub3A_150 = vector.broadcast %sub3A_149 : i32 to vector<16xi32>
      %sub3A_151 = arith.subi %add3A_148, %sub3A_150 : vector<16xi32>
      %jit3A_152 = arith.constant 0 : i32
      %broadcast_in_dim3A_153 = vector.broadcast %jit3A_152 : i32 to vector<16xi32>
      %select_n3A_154 = arith.select %and3A_125, %sub3A_151, %broadcast_in_dim3A_153 : vector<16xi1>, vector<16xi32>
      tpu.vector_store_idx %arg12[%select_n3A_154], %add3A_143 masked %and3A_125 : memref<4672xi32, #tpu.memory_space<vmem>>[vector<16xi32>], vector<16xi32>, vector<16xi1>
      tpu.vector_store_idx %arg13[%select_n3A_154], %gather3A_119 masked %and3A_125 : memref<4672xi32, #tpu.memory_space<vmem>>[vector<16xi32>], vector<16xi32>, vector<16xi1>
      %reduce_sum3A = arith.constant true
      %reduce_sum3A_155 = vector.broadcast %reduce_sum3A : i1 to vector<16xi1>
      %reduce_sum3A_156 = tpu.scan <sum>, %convert_element_type3A_144 masked %reduce_sum3A_155 : vector<16xi32>, vector<16xi1> -> vector<16xi32>
      %reduce_sum3A_157 = vector.extract %reduce_sum3A_156[15] : i32 from vector<16xi32>
      %add3A_158 = arith.addi %while3A_114, %reduce_sum3A_157 : i32
      scf.yield %add3A_158 : i32
    }
    %while3A_109 = arith.constant 1 : i32
    %while3A_110 = scf.for %while3A_113 = %while3A_106 to %while3A_102 step %while3A_109 iter_args(%while3A_114 = %while3A_108) -> (i32)  : i32 {
      %mul3A_115 = arith.constant 16 : i32
      %mul3A_116 = arith.muli %while3A_113, %mul3A_115 : i32
      %add3A_117 = vector.broadcast %mul3A_116 : i32 to vector<16xi32>
      %add3A_118 = arith.addi %add3A_117, %iota3A : vector<16xi32>
      %gather3A = tpu.vector_load_idx %arg8[%add3A_118] : memref<4544xi32, #tpu.memory_space<vmem>>[vector<16xi32>], vector<16xi32>,
      %gather3A_119 = tpu.vector_load_idx %arg9[%add3A_118] : memref<4544xi32, #tpu.memory_space<vmem>>[vector<16xi32>], vector<16xi32>,
      %gather3A_120 = tpu.vector_load_idx %arg10[%add3A_118] : memref<4544xi32, #tpu.memory_space<vmem>>[vector<16xi32>], vector<16xi32>,
      %ne3A_121 = arith.constant 0 : i32
      %ne3A_122 = vector.broadcast %ne3A_121 : i32 to vector<16xi32>
      %ne3A_123 = arith.cmpi ne, %gather3A_120, %ne3A_122 : vector<16xi32>
      %gather3A_124 = tpu.vector_load_idx %arg11[%gather3A] : memref<6696xi32, #tpu.memory_space<vmem>>[vector<16xi32>], vector<16xi32>,
      %eq3A = arith.cmpi eq, %gather3A_124, %gather3A_119 : vector<16xi32>
      %and3A_125 = arith.andi %ne3A_123, %eq3A : vector<16xi1>
      %add3A_126 = vector.broadcast %mul3A_2 : i32 to vector<16xi32>
      %add3A_127 = arith.addi %gather3A, %add3A_126 : vector<16xi32>
      %convert_element_type3A_128 = arith.sitofp %add3A_127 : vector<16xi32> to vector<16xf32>
      %add3A_129 = arith.constant 5.000000e-01 : f32
      %add3A_130 = vector.broadcast %add3A_129 : f32 to vector<16xf32>
      %add3A_131 = arith.addf %convert_element_type3A_128, %add3A_130 : vector<16xf32>
      %mul3A_132 = arith.constant 0.00231481483 : f32
      %mul3A_133 = vector.broadcast %mul3A_132 : f32 to vector<16xf32>
      %mul3A_134 = arith.mulf %add3A_131, %mul3A_133 : vector<16xf32>
      %convert_element_type3A_135 = arith.fptosi %mul3A_134 : vector<16xf32> to vector<16xi32>
      %mul3A_136 = arith.constant 432 : i32
      %mul3A_137 = vector.broadcast %mul3A_136 : i32 to vector<16xi32>
      %mul3A_138 = arith.muli %convert_element_type3A_135, %mul3A_137 : vector<16xi32>
      %sub3A_139 = arith.subi %add3A_127, %mul3A_138 : vector<16xi32>
      %mul3A_140 = arith.constant 512 : i32
      %mul3A_141 = vector.broadcast %mul3A_140 : i32 to vector<16xi32>
      %mul3A_142 = arith.muli %sub3A_139, %mul3A_141 : vector<16xi32>
      %add3A_143 = arith.addi %mul3A_142, %convert_element_type3A_135 : vector<16xi32>
      %convert_element_type3A_144 = arith.extui %and3A_125 : vector<16xi1> to vector<16xi32>
      %broadcast_in_dim3A_145 = arith.constant true
      %broadcast_in_dim3A_146 = vector.broadcast %broadcast_in_dim3A_145 : i1 to vector<16xi1>
      %masked_cumsum3A = tpu.scan <sum>, %convert_element_type3A_144 masked %broadcast_in_dim3A_146 : vector<16xi32>, vector<16xi1> -> vector<16xi32>
      %add3A_147 = vector.broadcast %while3A_114 : i32 to vector<16xi32>
      %add3A_148 = arith.addi %add3A_147, %masked_cumsum3A : vector<16xi32>
      %sub3A_149 = arith.constant 1 : i32
      %sub3A_150 = vector.broadcast %sub3A_149 : i32 to vector<16xi32>
      %sub3A_151 = arith.subi %add3A_148, %sub3A_150 : vector<16xi32>
      %jit3A_152 = arith.constant 0 : i32
      %broadcast_in_dim3A_153 = vector.broadcast %jit3A_152 : i32 to vector<16xi32>
      %select_n3A_154 = arith.select %and3A_125, %sub3A_151, %broadcast_in_dim3A_153 : vector<16xi1>, vector<16xi32>
      tpu.vector_store_idx %arg12[%select_n3A_154], %add3A_143 masked %and3A_125 : memref<4672xi32, #tpu.memory_space<vmem>>[vector<16xi32>], vector<16xi32>, vector<16xi1>
      tpu.vector_store_idx %arg13[%select_n3A_154], %gather3A_119 masked %and3A_125 : memref<4672xi32, #tpu.memory_space<vmem>>[vector<16xi32>], vector<16xi32>, vector<16xi1>
      %reduce_sum3A = arith.constant true
      %reduce_sum3A_155 = vector.broadcast %reduce_sum3A : i1 to vector<16xi1>
      %reduce_sum3A_156 = tpu.scan <sum>, %convert_element_type3A_144 masked %reduce_sum3A_155 : vector<16xi32>, vector<16xi1> -> vector<16xi32>
      %reduce_sum3A_157 = vector.extract %reduce_sum3A_156[15] : i32 from vector<16xi32>
      %add3A_158 = arith.addi %while3A_114, %reduce_sum3A_157 : i32
      scf.yield %add3A_158 : i32
    }
    %gt3A = arith.constant 0 : i32
    %gt3A_111 = arith.cmpi sgt, %while3A_110, %gt3A : i32
    %convert_element_type3A = arith.extui %gt3A_111 : i1 to i32
    %cond3A = arith.constant 0 : i32
    %cond3A_112 = arith.cmpi ne, %convert_element_type3A, %cond3A : i32
    scf.if %cond3A_112 {
      %gather3A = tpu.vector_load_idx %arg12[%broadcast_in_dim3A_3] : memref<4672xi32, #tpu.memory_space<vmem>>[vector<16xi32>], vector<16xi32>,
      %gather3A_113 = tpu.vector_load_idx %arg13[%broadcast_in_dim3A_3] : memref<4672xi32, #tpu.memory_space<vmem>>[vector<16xi32>], vector<16xi32>,
      %add3A_114 = arith.constant 0 : i32
      %add3A_115 = arith.addi %while3A_110, %add3A_114 : i32
      %add3A_116 = vector.broadcast %add3A_115 : i32 to vector<16xi32>
      %add3A_117 = arith.addi %add3A_116, %iota3A : vector<16xi32>
      tpu.vector_store_idx %arg12[%add3A_117], %gather3A : memref<4672xi32, #tpu.memory_space<vmem>>[vector<16xi32>], vector<16xi32>,
      %add3A_118 = arith.constant 0 : i32
      %add3A_119 = arith.addi %while3A_110, %add3A_118 : i32
      %add3A_120 = vector.broadcast %add3A_119 : i32 to vector<16xi32>
      %add3A_121 = arith.addi %add3A_120, %iota3A : vector<16xi32>
      tpu.vector_store_idx %arg13[%add3A_121], %gather3A_113 : memref<4672xi32, #tpu.memory_space<vmem>>[vector<16xi32>], vector<16xi32>,
      %add3A_122 = arith.constant 16 : i32
      %add3A_123 = arith.addi %while3A_110, %add3A_122 : i32
      %add3A_124 = vector.broadcast %add3A_123 : i32 to vector<16xi32>
      %add3A_125 = arith.addi %add3A_124, %iota3A : vector<16xi32>
      tpu.vector_store_idx %arg12[%add3A_125], %gather3A : memref<4672xi32, #tpu.memory_space<vmem>>[vector<16xi32>], vector<16xi32>,
      %add3A_126 = arith.constant 16 : i32
      %add3A_127 = arith.addi %while3A_110, %add3A_126 : i32
      %add3A_128 = vector.broadcast %add3A_127 : i32 to vector<16xi32>
      %add3A_129 = arith.addi %add3A_128, %iota3A : vector<16xi32>
      tpu.vector_store_idx %arg13[%add3A_129], %gather3A_113 : memref<4672xi32, #tpu.memory_space<vmem>>[vector<16xi32>], vector<16xi32>,
      %add3A_130 = arith.constant 32 : i32
      %add3A_131 = arith.addi %while3A_110, %add3A_130 : i32
      %add3A_132 = vector.broadcast %add3A_131 : i32 to vector<16xi32>
      %add3A_133 = arith.addi %add3A_132, %iota3A : vector<16xi32>
      tpu.vector_store_idx %arg12[%add3A_133], %gather3A : memref<4672xi32, #tpu.memory_space<vmem>>[vector<16xi32>], vector<16xi32>,
      %add3A_134 = arith.constant 32 : i32
      %add3A_135 = arith.addi %while3A_110, %add3A_134 : i32
      %add3A_136 = vector.broadcast %add3A_135 : i32 to vector<16xi32>
      %add3A_137 = arith.addi %add3A_136, %iota3A : vector<16xi32>
      tpu.vector_store_idx %arg13[%add3A_137], %gather3A_113 : memref<4672xi32, #tpu.memory_space<vmem>>[vector<16xi32>], vector<16xi32>,
      %add3A_138 = arith.constant 48 : i32
      %add3A_139 = arith.addi %while3A_110, %add3A_138 : i32
      %add3A_140 = vector.broadcast %add3A_139 : i32 to vector<16xi32>
      %add3A_141 = arith.addi %add3A_140, %iota3A : vector<16xi32>
      tpu.vector_store_idx %arg12[%add3A_141], %gather3A : memref<4672xi32, #tpu.memory_space<vmem>>[vector<16xi32>], vector<16xi32>,
      %add3A_142 = arith.constant 48 : i32
      %add3A_143 = arith.addi %while3A_110, %add3A_142 : i32
      %add3A_144 = vector.broadcast %add3A_143 : i32 to vector<16xi32>
      %add3A_145 = arith.addi %add3A_144, %iota3A : vector<16xi32>
      tpu.vector_store_idx %arg13[%add3A_145], %gather3A_113 : memref<4672xi32, #tpu.memory_space<vmem>>[vector<16xi32>], vector<16xi32>,
      %add3A_146 = arith.constant 64 : i32
      %add3A_147 = arith.addi %while3A_110, %add3A_146 : i32
      %add3A_148 = vector.broadcast %add3A_147 : i32 to vector<16xi32>
      %add3A_149 = arith.addi %add3A_148, %iota3A : vector<16xi32>
      tpu.vector_store_idx %arg12[%add3A_149], %gather3A : memref<4672xi32, #tpu.memory_space<vmem>>[vector<16xi32>], vector<16xi32>,
      %add3A_150 = arith.constant 64 : i32
      %add3A_151 = arith.addi %while3A_110, %add3A_150 : i32
      %add3A_152 = vector.broadcast %add3A_151 : i32 to vector<16xi32>
      %add3A_153 = arith.addi %add3A_152, %iota3A : vector<16xi32>
      tpu.vector_store_idx %arg13[%add3A_153], %gather3A_113 : memref<4672xi32, #tpu.memory_space<vmem>>[vector<16xi32>], vector<16xi32>,
      %add3A_154 = arith.constant 80 : i32
      %add3A_155 = arith.addi %while3A_110, %add3A_154 : i32
      %add3A_156 = vector.broadcast %add3A_155 : i32 to vector<16xi32>
      %add3A_157 = arith.addi %add3A_156, %iota3A : vector<16xi32>
      tpu.vector_store_idx %arg12[%add3A_157], %gather3A : memref<4672xi32, #tpu.memory_space<vmem>>[vector<16xi32>], vector<16xi32>,
      %add3A_158 = arith.constant 80 : i32
      %add3A_159 = arith.addi %while3A_110, %add3A_158 : i32
      %add3A_160 = vector.broadcast %add3A_159 : i32 to vector<16xi32>
      %add3A_161 = arith.addi %add3A_160, %iota3A : vector<16xi32>
      tpu.vector_store_idx %arg13[%add3A_161], %gather3A_113 : memref<4672xi32, #tpu.memory_space<vmem>>[vector<16xi32>], vector<16xi32>,
      %add3A_162 = arith.constant 96 : i32
      %add3A_163 = arith.addi %while3A_110, %add3A_162 : i32
      %add3A_164 = vector.broadcast %add3A_163 : i32 to vector<16xi32>
      %add3A_165 = arith.addi %add3A_164, %iota3A : vector<16xi32>
      tpu.vector_store_idx %arg12[%add3A_165], %gather3A : memref<4672xi32, #tpu.memory_space<vmem>>[vector<16xi32>], vector<16xi32>,
      %add3A_166 = arith.constant 96 : i32
      %add3A_167 = arith.addi %while3A_110, %add3A_166 : i32
      %add3A_168 = vector.broadcast %add3A_167 : i32 to vector<16xi32>
      %add3A_169 = arith.addi %add3A_168, %iota3A : vector<16xi32>
      tpu.vector_store_idx %arg13[%add3A_169], %gather3A_113 : memref<4672xi32, #tpu.memory_space<vmem>>[vector<16xi32>], vector<16xi32>,
      %add3A_170 = arith.constant 112 : i32
      %add3A_171 = arith.addi %while3A_110, %add3A_170 : i32
      %add3A_172 = vector.broadcast %add3A_171 : i32 to vector<16xi32>
      %add3A_173 = arith.addi %add3A_172, %iota3A : vector<16xi32>
      tpu.vector_store_idx %arg12[%add3A_173], %gather3A : memref<4672xi32, #tpu.memory_space<vmem>>[vector<16xi32>], vector<16xi32>,
      %add3A_174 = arith.constant 112 : i32
      %add3A_175 = arith.addi %while3A_110, %add3A_174 : i32
      %add3A_176 = vector.broadcast %add3A_175 : i32 to vector<16xi32>
      %add3A_177 = arith.addi %add3A_176, %iota3A : vector<16xi32>
      tpu.vector_store_idx %arg13[%add3A_177], %gather3A_113 : memref<4672xi32, #tpu.memory_space<vmem>>[vector<16xi32>], vector<16xi32>,
      %add3A_178 = arith.constant 16 : i32
      %add3A_179 = arith.addi %while3A_110, %add3A_178 : i32
      %sub3A_180 = arith.constant 1 : i32
      %sub3A_181 = arith.subi %add3A_179, %sub3A_180 : i32
      %jit3A_182 = arith.constant 16 : i32
      %div3A_183 = arith.divsi %sub3A_181, %jit3A_182 : i32
      %sign3A_184 = arith.constant 0 : i32
      %sign3A_185 = arith.cmpi sgt, %sub3A_181, %sign3A_184 : i32
      %sign3A_186 = arith.extui %sign3A_185 : i1 to i32
      %sign3A_187 = arith.constant 0 : i32
      %sign3A_188 = arith.cmpi slt, %sub3A_181, %sign3A_187 : i32
      %sign3A_189 = arith.extui %sign3A_188 : i1 to i32
      %sign3A_190 = arith.subi %sign3A_186, %sign3A_189 : i32
      %sign3A_191 = arith.constant 0 : i32
      %sign3A_192 = arith.cmpi sgt, %jit3A_182, %sign3A_191 : i32
      %sign3A_193 = arith.extui %sign3A_192 : i1 to i32
      %sign3A_194 = arith.constant 0 : i32
      %sign3A_195 = arith.cmpi slt, %jit3A_182, %sign3A_194 : i32
      %sign3A_196 = arith.extui %sign3A_195 : i1 to i32
      %sign3A_197 = arith.subi %sign3A_193, %sign3A_196 : i32
      %ne3A_198 = arith.cmpi ne, %sign3A_190, %sign3A_197 : i32
      %rem3A_199 = arith.remsi %sub3A_181, %jit3A_182 : i32
      %ne3A_200 = arith.constant 0 : i32
      %ne3A_201 = arith.cmpi ne, %rem3A_199, %ne3A_200 : i32
      %and3A_202 = arith.andi %ne3A_198, %ne3A_201 : i1
      %sub3A_203 = arith.constant 1 : i32
      %sub3A_204 = arith.subi %div3A_183, %sub3A_203 : i32
      %select_n3A_205 = arith.select %and3A_202, %sub3A_204, %div3A_183 : i32
      %mul3A_206 = arith.constant 16 : i32
      %mul3A_207 = arith.muli %select_n3A_205, %mul3A_206 : i32
      %add3A_208 = arith.constant 256 : i32
      %add3A_209 = arith.addi %mul3A_207, %add3A_208 : i32
      %sub3A_210 = arith.constant 1 : i32
      %sub3A_211 = arith.subi %add3A_209, %sub3A_210 : i32
      %jit3A_212 = arith.constant 256 : i32
      %div3A_213 = arith.divsi %sub3A_211, %jit3A_212 : i32
      %sign3A_214 = arith.constant 0 : i32
      %sign3A_215 = arith.cmpi sgt, %sub3A_211, %sign3A_214 : i32
      %sign3A_216 = arith.extui %sign3A_215 : i1 to i32
      %sign3A_217 = arith.constant 0 : i32
      %sign3A_218 = arith.cmpi slt, %sub3A_211, %sign3A_217 : i32
      %sign3A_219 = arith.extui %sign3A_218 : i1 to i32
      %sign3A_220 = arith.subi %sign3A_216, %sign3A_219 : i32
      %sign3A_221 = arith.constant 0 : i32
      %sign3A_222 = arith.cmpi sgt, %jit3A_212, %sign3A_221 : i32
      %sign3A_223 = arith.extui %sign3A_222 : i1 to i32
      %sign3A_224 = arith.constant 0 : i32
      %sign3A_225 = arith.cmpi slt, %jit3A_212, %sign3A_224 : i32
      %sign3A_226 = arith.extui %sign3A_225 : i1 to i32
      %sign3A_227 = arith.subi %sign3A_223, %sign3A_226 : i32
      %ne3A_228 = arith.cmpi ne, %sign3A_220, %sign3A_227 : i32
      %rem3A_229 = arith.remsi %sub3A_211, %jit3A_212 : i32
      %ne3A_230 = arith.constant 0 : i32
      %ne3A_231 = arith.cmpi ne, %rem3A_229, %ne3A_230 : i32
      %and3A_232 = arith.andi %ne3A_228, %ne3A_231 : i1
      %sub3A_233 = arith.constant 1 : i32
      %sub3A_234 = arith.subi %div3A_213, %sub3A_233 : i32
      %select_n3A_235 = arith.select %and3A_232, %sub3A_234, %div3A_213 : i32
      %while3A_236 = arith.constant 0 : i32
      %while3A_237 = arith.constant 0 : i32
      %while3A_238 = arith.subi %select_n3A_235, %while3A_236 : i32
      %while3A_239 = arith.addi %while3A_236, %while3A_238 : i32
      %while3A_240 = arith.constant 1 : i32
      %while3A_241 = arith.divsi %while3A_238, %while3A_240 : i32
      %while3A_242 = arith.muli %while3A_241, %while3A_240 : i32
      %while3A_243 = arith.addi %while3A_236, %while3A_242 : i32
      %while3A_244 = arith.constant 1 : i32
      %while3A_245 = scf.for %while3A_248 = %while3A_236 to %while3A_243 step %while3A_244 iter_args(%while3A_249 = %while3A_237) -> (i32)  : i32 {
        %mul3A_250 = arith.constant 256 : i32
        %mul3A_251 = arith.muli %while3A_248, %mul3A_250 : i32
        %sub3A_252 = arith.subi %mul3A_207, %mul3A_251 : i32
        %min3A = arith.constant 256 : i32
        %min3A_253 = arith.minsi %sub3A_252, %min3A : i32
        %add3A_254 = arith.constant 127 : i32
        %add3A_255 = arith.addi %min3A_253, %add3A_254 : i32
        %jit3A_256 = arith.constant 128 : i32
        %div3A_257 = arith.divsi %add3A_255, %jit3A_256 : i32
        %sign3A_258 = arith.constant 0 : i32
        %sign3A_259 = arith.cmpi sgt, %add3A_255, %sign3A_258 : i32
        %sign3A_260 = arith.extui %sign3A_259 : i1 to i32
        %sign3A_261 = arith.constant 0 : i32
        %sign3A_262 = arith.cmpi slt, %add3A_255, %sign3A_261 : i32
        %sign3A_263 = arith.extui %sign3A_262 : i1 to i32
        %sign3A_264 = arith.subi %sign3A_260, %sign3A_263 : i32
        %sign3A_265 = arith.constant 0 : i32
        %sign3A_266 = arith.cmpi sgt, %jit3A_256, %sign3A_265 : i32
        %sign3A_267 = arith.extui %sign3A_266 : i1 to i32
        %sign3A_268 = arith.constant 0 : i32
        %sign3A_269 = arith.cmpi slt, %jit3A_256, %sign3A_268 : i32
        %sign3A_270 = arith.extui %sign3A_269 : i1 to i32
        %sign3A_271 = arith.subi %sign3A_267, %sign3A_270 : i32
        %ne3A_272 = arith.cmpi ne, %sign3A_264, %sign3A_271 : i32
        %rem3A_273 = arith.remsi %add3A_255, %jit3A_256 : i32
        %ne3A_274 = arith.constant 0 : i32
        %ne3A_275 = arith.cmpi ne, %rem3A_273, %ne3A_274 : i32
        %and3A_276 = arith.andi %ne3A_272, %ne3A_275 : i1
        %sub3A_277 = arith.constant 1 : i32
        %sub3A_278 = arith.subi %div3A_257, %sub3A_277 : i32
        %select_n3A_279 = arith.select %and3A_276, %sub3A_278, %div3A_257 : i32
        %mul3A_280 = arith.constant 8 : i32
        %mul3A_281 = arith.muli %select_n3A_279, %mul3A_280 : i32
        %while3A_282 = arith.constant 0 : i32
        %while3A_283 = arith.constant 0 : i32
        %while3A_284 = arith.subi %mul3A_281, %while3A_282 : i32
        %while3A_285 = arith.addi %while3A_282, %while3A_284 : i32
        %while3A_286 = arith.constant 1 : i32
        %while3A_287 = arith.divsi %while3A_284, %while3A_286 : i32
        %while3A_288 = arith.muli %while3A_287, %while3A_286 : i32
        %while3A_289 = arith.addi %while3A_282, %while3A_288 : i32
        %while3A_290 = arith.constant 1 : i32
        %while3A_291 = scf.for %while3A_343 = %while3A_282 to %while3A_289 step %while3A_290 iter_args(%while3A_344 = %while3A_283) -> (i32)  : i32 {
          %mul3A_345 = arith.constant 16 : i32
          %mul3A_346 = arith.muli %while3A_343, %mul3A_345 : i32
          %add3A_347 = arith.addi %mul3A_251, %mul3A_346 : i32
          %get3A = arith.index_cast %add3A_347 : i32 to index
          %get3A_348 = tpu.vector_load %arg13[%get3A] {strides = array<i32>} : memref<4672xi32, #tpu.memory_space<vmem>>, vector<16xi32>,
          %shift_right_arithmetic3A = arith.constant 1 : i32
          %shift_right_arithmetic3A_349 = vector.broadcast %shift_right_arithmetic3A : i32 to vector<16xi32>
          %shift_right_arithmetic3A_350 = arith.shrsi %get3A_348, %shift_right_arithmetic3A_349 : vector<16xi32>
          %mul3A_351 = arith.constant 16 : i32
          %mul3A_352 = arith.muli %while3A_343, %mul3A_351 : i32
          %dma_start3A = arith.constant 0 : i32
          %dma_start3A_353 = tpu.memref_slice %arg14[%mul3A_352, %dma_start3A] : memref<256x128xf32, #tpu.memory_space<vmem>> -> memref<16x128xf32, #tpu.memory_space<vmem>>
          %dma_start3A_354 = arith.constant 0 : i32
          %dma_start3A_355 = arith.constant 0 : i32
          %dma_start3A_356 = tpu.memref_slice %arg2[%dma_start3A_354, %dma_start3A_355] : memref<2256x128xf32, #tpu.memory_space<hbm>> -> memref<2256x128xf32, #tpu.memory_space<hbm>>
          tpu.enqueue_indirect_dma source(%dma_start3A_356 : memref<2256x128xf32, #tpu.memory_space<hbm>>) target(%dma_start3A_353 : memref<16x128xf32, #tpu.memory_space<vmem>>) offsets(%shift_right_arithmetic3A_350 : vector<16xi32>) semaphore(%arg18 : memref<!tpu.dma_semaphore, #tpu.memory_space<semaphore_mem>>)
          %while3A_357 = arith.constant 0 : i32
          scf.yield %while3A_357 : i32
        }
        %while3A_292 = arith.constant 1 : i32
        %while3A_293 = scf.for %while3A_343 = %while3A_289 to %while3A_285 step %while3A_292 iter_args(%while3A_344 = %while3A_291) -> (i32)  : i32 {
          %mul3A_345 = arith.constant 16 : i32
          %mul3A_346 = arith.muli %while3A_343, %mul3A_345 : i32
          %add3A_347 = arith.addi %mul3A_251, %mul3A_346 : i32
          %get3A = arith.index_cast %add3A_347 : i32 to index
          %get3A_348 = tpu.vector_load %arg13[%get3A] {strides = array<i32>} : memref<4672xi32, #tpu.memory_space<vmem>>, vector<16xi32>,
          %shift_right_arithmetic3A = arith.constant 1 : i32
          %shift_right_arithmetic3A_349 = vector.broadcast %shift_right_arithmetic3A : i32 to vector<16xi32>
          %shift_right_arithmetic3A_350 = arith.shrsi %get3A_348, %shift_right_arithmetic3A_349 : vector<16xi32>
          %mul3A_351 = arith.constant 16 : i32
          %mul3A_352 = arith.muli %while3A_343, %mul3A_351 : i32
          %dma_start3A = arith.constant 0 : i32
          %dma_start3A_353 = tpu.memref_slice %arg14[%mul3A_352, %dma_start3A] : memref<256x128xf32, #tpu.memory_space<vmem>> -> memref<16x128xf32, #tpu.memory_space<vmem>>
          %dma_start3A_354 = arith.constant 0 : i32
          %dma_start3A_355 = arith.constant 0 : i32
          %dma_start3A_356 = tpu.memref_slice %arg2[%dma_start3A_354, %dma_start3A_355] : memref<2256x128xf32, #tpu.memory_space<hbm>> -> memref<2256x128xf32, #tpu.memory_space<hbm>>
          tpu.enqueue_indirect_dma source(%dma_start3A_356 : memref<2256x128xf32, #tpu.memory_space<hbm>>) target(%dma_start3A_353 : memref<16x128xf32, #tpu.memory_space<vmem>>) offsets(%shift_right_arithmetic3A_350 : vector<16xi32>) semaphore(%arg18 : memref<!tpu.dma_semaphore, #tpu.memory_space<semaphore_mem>>)
          %while3A_357 = arith.constant 0 : i32
          scf.yield %while3A_357 : i32
        }
        %while3A_294 = arith.constant 0 : i32
        %while3A_295 = arith.constant 0 : i32
        %while3A_296 = arith.subi %mul3A_281, %while3A_294 : i32
        %while3A_297 = arith.addi %while3A_294, %while3A_296 : i32
        %while3A_298 = arith.constant 1 : i32
        %while3A_299 = arith.divsi %while3A_296, %while3A_298 : i32
        %while3A_300 = arith.muli %while3A_299, %while3A_298 : i32
        %while3A_301 = arith.addi %while3A_294, %while3A_300 : i32
        %while3A_302 = arith.constant 1 : i32
        %while3A_303 = scf.for %while3A_343 = %while3A_294 to %while3A_301 step %while3A_302 iter_args(%while3A_344 = %while3A_295) -> (i32)  : i32 {
          %mul3A_345 = arith.constant 16 : i32
          %mul3A_346 = arith.muli %while3A_343, %mul3A_345 : i32
          %dma_wait3A = arith.constant 0 : i32
          %dma_wait3A_347 = tpu.memref_slice %arg14[%mul3A_346, %dma_wait3A] : memref<256x128xf32, #tpu.memory_space<vmem>> -> memref<16x128xf32, #tpu.memory_space<vmem>>
          %dma_wait3A_348 = arith.constant 0 : i32
          %dma_wait3A_349 = arith.constant 0 : i32
          %dma_wait3A_350 = tpu.memref_slice %arg2[%dma_wait3A_348, %dma_wait3A_349] : memref<2256x128xf32, #tpu.memory_space<hbm>> -> memref<16x128xf32, #tpu.memory_space<hbm>>
          %dma_wait3A_351 = arith.constant 0 : i32
          %dma_wait3A_352 = tpu.memref_slice %arg14[%mul3A_346, %dma_wait3A_351] : memref<256x128xf32, #tpu.memory_space<vmem>> -> memref<16x128xf32, #tpu.memory_space<vmem>>
          %dma_wait3A_353 = arith.constant 0 : i32
          %dma_wait3A_354 = arith.constant 0 : i32
          %dma_wait3A_355 = tpu.memref_slice %arg2[%dma_wait3A_353, %dma_wait3A_354] : memref<2256x128xf32, #tpu.memory_space<hbm>> -> memref<16x128xf32, #tpu.memory_space<hbm>>
          tpu.wait_dma2 semaphore(%arg18 : memref<!tpu.dma_semaphore, #tpu.memory_space<semaphore_mem>>) src(%dma_wait3A_355 : memref<16x128xf32, #tpu.memory_space<hbm>>) dst(%dma_wait3A_352 : memref<16x128xf32, #tpu.memory_space<vmem>>)
          %while3A_356 = arith.constant 0 : i32
          scf.yield %while3A_356 : i32
        }
        %while3A_304 = arith.constant 1 : i32
        %while3A_305 = scf.for %while3A_343 = %while3A_301 to %while3A_297 step %while3A_304 iter_args(%while3A_344 = %while3A_303) -> (i32)  : i32 {
          %mul3A_345 = arith.constant 16 : i32
          %mul3A_346 = arith.muli %while3A_343, %mul3A_345 : i32
          %dma_wait3A = arith.constant 0 : i32
          %dma_wait3A_347 = tpu.memref_slice %arg14[%mul3A_346, %dma_wait3A] : memref<256x128xf32, #tpu.memory_space<vmem>> -> memref<16x128xf32, #tpu.memory_space<vmem>>
          %dma_wait3A_348 = arith.constant 0 : i32
          %dma_wait3A_349 = arith.constant 0 : i32
          %dma_wait3A_350 = tpu.memref_slice %arg2[%dma_wait3A_348, %dma_wait3A_349] : memref<2256x128xf32, #tpu.memory_space<hbm>> -> memref<16x128xf32, #tpu.memory_space<hbm>>
          %dma_wait3A_351 = arith.constant 0 : i32
          %dma_wait3A_352 = tpu.memref_slice %arg14[%mul3A_346, %dma_wait3A_351] : memref<256x128xf32, #tpu.memory_space<vmem>> -> memref<16x128xf32, #tpu.memory_space<vmem>>
          %dma_wait3A_353 = arith.constant 0 : i32
          %dma_wait3A_354 = arith.constant 0 : i32
          %dma_wait3A_355 = tpu.memref_slice %arg2[%dma_wait3A_353, %dma_wait3A_354] : memref<2256x128xf32, #tpu.memory_space<hbm>> -> memref<16x128xf32, #tpu.memory_space<hbm>>
          tpu.wait_dma2 semaphore(%arg18 : memref<!tpu.dma_semaphore, #tpu.memory_space<semaphore_mem>>) src(%dma_wait3A_355 : memref<16x128xf32, #tpu.memory_space<hbm>>) dst(%dma_wait3A_352 : memref<16x128xf32, #tpu.memory_space<vmem>>)
          %while3A_356 = arith.constant 0 : i32
          scf.yield %while3A_356 : i32
        }
        %while3A_306 = arith.constant 0 : i32
        %while3A_307 = arith.constant 0 : i32
        %while3A_308 = arith.subi %mul3A_281, %while3A_306 : i32
        %while3A_309 = arith.addi %while3A_306, %while3A_308 : i32
        %while3A_310 = arith.constant 1 : i32
        %while3A_311 = arith.divsi %while3A_308, %while3A_310 : i32
        %while3A_312 = arith.muli %while3A_311, %while3A_310 : i32
        %while3A_313 = arith.addi %while3A_306, %while3A_312 : i32
        %while3A_314 = arith.constant 1 : i32
        %while3A_315 = scf.for %while3A_343 = %while3A_306 to %while3A_313 step %while3A_314 iter_args(%while3A_344 = %while3A_307) -> (i32)  : i32 {
          %mul3A_345 = arith.constant 16 : i32
          %mul3A_346 = arith.muli %while3A_343, %mul3A_345 : i32
          %add3A_347 = vector.broadcast %mul3A_346 : i32 to vector<16xi32>
          %add3A_348 = arith.addi %add3A_347, %iota3A : vector<16xi32>
          %mul3A_349 = arith.constant 16 : i32
          %mul3A_350 = arith.muli %while3A_343, %mul3A_349 : i32
          %add3A_351 = arith.addi %mul3A_251, %mul3A_350 : i32
          %get3A = arith.index_cast %add3A_351 : i32 to index
          %get3A_352 = tpu.vector_load %arg13[%get3A] {strides = array<i32>} : memref<4672xi32, #tpu.memory_space<vmem>>, vector<16xi32>,
          %and3A_353 = arith.constant 1 : i32
          %and3A_354 = vector.broadcast %and3A_353 : i32 to vector<16xi32>
          %and3A_355 = arith.andi %get3A_352, %and3A_354 : vector<16xi32>
          %mul3A_356 = arith.constant 64 : i32
          %mul3A_357 = vector.broadcast %mul3A_356 : i32 to vector<16xi32>
          %mul3A_358 = arith.muli %and3A_355, %mul3A_357 : vector<16xi32>
          %add3A_359 = arith.constant 0 : i32
          %add3A_360 = vector.broadcast %add3A_359 : i32 to vector<16xi32>
          %add3A_361 = arith.addi %mul3A_358, %add3A_360 : vector<16xi32>
          %gather3A_362 = tpu.vector_load_idx %arg14[%add3A_348, %add3A_361] : memref<256x128xf32, #tpu.memory_space<vmem>>[vector<16xi32>, vector<16xi32>], vector<16xf32>,
          %broadcast_in_dim3A_363 = arith.constant 0 : i32
          %broadcast_in_dim3A_364 = vector.broadcast %broadcast_in_dim3A_363 : i32 to vector<16xi32>
          tpu.vector_store_idx %arg15[%add3A_348, %broadcast_in_dim3A_364], %gather3A_362 : memref<256x128xf32, #tpu.memory_space<vmem>>[vector<16xi32>, vector<16xi32>], vector<16xf32>,
          %add3A_365 = arith.constant 1 : i32
          %add3A_366 = vector.broadcast %add3A_365 : i32 to vector<16xi32>
          %add3A_367 = arith.addi %mul3A_358, %add3A_366 : vector<16xi32>
          %gather3A_368 = tpu.vector_load_idx %arg14[%add3A_348, %add3A_367] : memref<256x128xf32, #tpu.memory_space<vmem>>[vector<16xi32>, vector<16xi32>], vector<16xf32>,
          %broadcast_in_dim3A_369 = arith.constant 1 : i32
          %broadcast_in_dim3A_370 = vector.broadcast %broadcast_in_dim3A_369 : i32 to vector<16xi32>
          tpu.vector_store_idx %arg15[%add3A_348, %broadcast_in_dim3A_370], %gather3A_368 : memref<256x128xf32, #tpu.memory_space<vmem>>[vector<16xi32>, vector<16xi32>], vector<16xf32>,
          %add3A_371 = arith.constant 2 : i32
          %add3A_372 = vector.broadcast %add3A_371 : i32 to vector<16xi32>
          %add3A_373 = arith.addi %mul3A_358, %add3A_372 : vector<16xi32>
          %gather3A_374 = tpu.vector_load_idx %arg14[%add3A_348, %add3A_373] : memref<256x128xf32, #tpu.memory_space<vmem>>[vector<16xi32>, vector<16xi32>], vector<16xf32>,
          %broadcast_in_dim3A_375 = arith.constant 2 : i32
          %broadcast_in_dim3A_376 = vector.broadcast %broadcast_in_dim3A_375 : i32 to vector<16xi32>
          tpu.vector_store_idx %arg15[%add3A_348, %broadcast_in_dim3A_376], %gather3A_374 : memref<256x128xf32, #tpu.memory_space<vmem>>[vector<16xi32>, vector<16xi32>], vector<16xf32>,
          %add3A_377 = arith.constant 3 : i32
          %add3A_378 = vector.broadcast %add3A_377 : i32 to vector<16xi32>
          %add3A_379 = arith.addi %mul3A_358, %add3A_378 : vector<16xi32>
          %gather3A_380 = tpu.vector_load_idx %arg14[%add3A_348, %add3A_379] : memref<256x128xf32, #tpu.memory_space<vmem>>[vector<16xi32>, vector<16xi32>], vector<16xf32>,
          %broadcast_in_dim3A_381 = arith.constant 3 : i32
          %broadcast_in_dim3A_382 = vector.broadcast %broadcast_in_dim3A_381 : i32 to vector<16xi32>
          tpu.vector_store_idx %arg15[%add3A_348, %broadcast_in_dim3A_382], %gather3A_380 : memref<256x128xf32, #tpu.memory_space<vmem>>[vector<16xi32>, vector<16xi32>], vector<16xf32>,
          %add3A_383 = arith.constant 4 : i32
          %add3A_384 = vector.broadcast %add3A_383 : i32 to vector<16xi32>
          %add3A_385 = arith.addi %mul3A_358, %add3A_384 : vector<16xi32>
          %gather3A_386 = tpu.vector_load_idx %arg14[%add3A_348, %add3A_385] : memref<256x128xf32, #tpu.memory_space<vmem>>[vector<16xi32>, vector<16xi32>], vector<16xf32>,
          %broadcast_in_dim3A_387 = arith.constant 4 : i32
          %broadcast_in_dim3A_388 = vector.broadcast %broadcast_in_dim3A_387 : i32 to vector<16xi32>
          tpu.vector_store_idx %arg15[%add3A_348, %broadcast_in_dim3A_388], %gather3A_386 : memref<256x128xf32, #tpu.memory_space<vmem>>[vector<16xi32>, vector<16xi32>], vector<16xf32>,
          %add3A_389 = arith.constant 5 : i32
          %add3A_390 = vector.broadcast %add3A_389 : i32 to vector<16xi32>
          %add3A_391 = arith.addi %mul3A_358, %add3A_390 : vector<16xi32>
          %gather3A_392 = tpu.vector_load_idx %arg14[%add3A_348, %add3A_391] : memref<256x128xf32, #tpu.memory_space<vmem>>[vector<16xi32>, vector<16xi32>], vector<16xf32>,
          %broadcast_in_dim3A_393 = arith.constant 5 : i32
          %broadcast_in_dim3A_394 = vector.broadcast %broadcast_in_dim3A_393 : i32 to vector<16xi32>
          tpu.vector_store_idx %arg15[%add3A_348, %broadcast_in_dim3A_394], %gather3A_392 : memref<256x128xf32, #tpu.memory_space<vmem>>[vector<16xi32>, vector<16xi32>], vector<16xf32>,
          %add3A_395 = arith.constant 6 : i32
          %add3A_396 = vector.broadcast %add3A_395 : i32 to vector<16xi32>
          %add3A_397 = arith.addi %mul3A_358, %add3A_396 : vector<16xi32>
          %gather3A_398 = tpu.vector_load_idx %arg14[%add3A_348, %add3A_397] : memref<256x128xf32, #tpu.memory_space<vmem>>[vector<16xi32>, vector<16xi32>], vector<16xf32>,
          %broadcast_in_dim3A_399 = arith.constant 6 : i32
          %broadcast_in_dim3A_400 = vector.broadcast %broadcast_in_dim3A_399 : i32 to vector<16xi32>
          tpu.vector_store_idx %arg15[%add3A_348, %broadcast_in_dim3A_400], %gather3A_398 : memref<256x128xf32, #tpu.memory_space<vmem>>[vector<16xi32>, vector<16xi32>], vector<16xf32>,
          %add3A_401 = arith.constant 7 : i32
          %add3A_402 = vector.broadcast %add3A_401 : i32 to vector<16xi32>
          %add3A_403 = arith.addi %mul3A_358, %add3A_402 : vector<16xi32>
          %gather3A_404 = tpu.vector_load_idx %arg14[%add3A_348, %add3A_403] : memref<256x128xf32, #tpu.memory_space<vmem>>[vector<16xi32>, vector<16xi32>], vector<16xf32>,
          %broadcast_in_dim3A_405 = arith.constant 7 : i32
          %broadcast_in_dim3A_406 = vector.broadcast %broadcast_in_dim3A_405 : i32 to vector<16xi32>
          tpu.vector_store_idx %arg15[%add3A_348, %broadcast_in_dim3A_406], %gather3A_404 : memref<256x128xf32, #tpu.memory_space<vmem>>[vector<16xi32>, vector<16xi32>], vector<16xf32>,
          %add3A_407 = arith.constant 8 : i32
          %add3A_408 = vector.broadcast %add3A_407 : i32 to vector<16xi32>
          %add3A_409 = arith.addi %mul3A_358, %add3A_408 : vector<16xi32>
          %gather3A_410 = tpu.vector_load_idx %arg14[%add3A_348, %add3A_409] : memref<256x128xf32, #tpu.memory_space<vmem>>[vector<16xi32>, vector<16xi32>], vector<16xf32>,
          %broadcast_in_dim3A_411 = arith.constant 8 : i32
          %broadcast_in_dim3A_412 = vector.broadcast %broadcast_in_dim3A_411 : i32 to vector<16xi32>
          tpu.vector_store_idx %arg15[%add3A_348, %broadcast_in_dim3A_412], %gather3A_410 : memref<256x128xf32, #tpu.memory_space<vmem>>[vector<16xi32>, vector<16xi32>], vector<16xf32>,
          %add3A_413 = arith.constant 9 : i32
          %add3A_414 = vector.broadcast %add3A_413 : i32 to vector<16xi32>
          %add3A_415 = arith.addi %mul3A_358, %add3A_414 : vector<16xi32>
          %gather3A_416 = tpu.vector_load_idx %arg14[%add3A_348, %add3A_415] : memref<256x128xf32, #tpu.memory_space<vmem>>[vector<16xi32>, vector<16xi32>], vector<16xf32>,
          %broadcast_in_dim3A_417 = arith.constant 9 : i32
          %broadcast_in_dim3A_418 = vector.broadcast %broadcast_in_dim3A_417 : i32 to vector<16xi32>
          tpu.vector_store_idx %arg15[%add3A_348, %broadcast_in_dim3A_418], %gather3A_416 : memref<256x128xf32, #tpu.memory_space<vmem>>[vector<16xi32>, vector<16xi32>], vector<16xf32>,
          %add3A_419 = arith.constant 10 : i32
          %add3A_420 = vector.broadcast %add3A_419 : i32 to vector<16xi32>
          %add3A_421 = arith.addi %mul3A_358, %add3A_420 : vector<16xi32>
          %gather3A_422 = tpu.vector_load_idx %arg14[%add3A_348, %add3A_421] : memref<256x128xf32, #tpu.memory_space<vmem>>[vector<16xi32>, vector<16xi32>], vector<16xf32>,
          %broadcast_in_dim3A_423 = arith.constant 10 : i32
          %broadcast_in_dim3A_424 = vector.broadcast %broadcast_in_dim3A_423 : i32 to vector<16xi32>
          tpu.vector_store_idx %arg15[%add3A_348, %broadcast_in_dim3A_424], %gather3A_422 : memref<256x128xf32, #tpu.memory_space<vmem>>[vector<16xi32>, vector<16xi32>], vector<16xf32>,
          %add3A_425 = arith.constant 11 : i32
          %add3A_426 = vector.broadcast %add3A_425 : i32 to vector<16xi32>
          %add3A_427 = arith.addi %mul3A_358, %add3A_426 : vector<16xi32>
          %gather3A_428 = tpu.vector_load_idx %arg14[%add3A_348, %add3A_427] : memref<256x128xf32, #tpu.memory_space<vmem>>[vector<16xi32>, vector<16xi32>], vector<16xf32>,
          %broadcast_in_dim3A_429 = arith.constant 11 : i32
          %broadcast_in_dim3A_430 = vector.broadcast %broadcast_in_dim3A_429 : i32 to vector<16xi32>
          tpu.vector_store_idx %arg15[%add3A_348, %broadcast_in_dim3A_430], %gather3A_428 : memref<256x128xf32, #tpu.memory_space<vmem>>[vector<16xi32>, vector<16xi32>], vector<16xf32>,
          %add3A_431 = arith.constant 12 : i32
          %add3A_432 = vector.broadcast %add3A_431 : i32 to vector<16xi32>
          %add3A_433 = arith.addi %mul3A_358, %add3A_432 : vector<16xi32>
          %gather3A_434 = tpu.vector_load_idx %arg14[%add3A_348, %add3A_433] : memref<256x128xf32, #tpu.memory_space<vmem>>[vector<16xi32>, vector<16xi32>], vector<16xf32>,
          %broadcast_in_dim3A_435 = arith.constant 12 : i32
          %broadcast_in_dim3A_436 = vector.broadcast %broadcast_in_dim3A_435 : i32 to vector<16xi32>
          tpu.vector_store_idx %arg15[%add3A_348, %broadcast_in_dim3A_436], %gather3A_434 : memref<256x128xf32, #tpu.memory_space<vmem>>[vector<16xi32>, vector<16xi32>], vector<16xf32>,
          %add3A_437 = arith.constant 13 : i32
          %add3A_438 = vector.broadcast %add3A_437 : i32 to vector<16xi32>
          %add3A_439 = arith.addi %mul3A_358, %add3A_438 : vector<16xi32>
          %gather3A_440 = tpu.vector_load_idx %arg14[%add3A_348, %add3A_439] : memref<256x128xf32, #tpu.memory_space<vmem>>[vector<16xi32>, vector<16xi32>], vector<16xf32>,
          %broadcast_in_dim3A_441 = arith.constant 13 : i32
          %broadcast_in_dim3A_442 = vector.broadcast %broadcast_in_dim3A_441 : i32 to vector<16xi32>
          tpu.vector_store_idx %arg15[%add3A_348, %broadcast_in_dim3A_442], %gather3A_440 : memref<256x128xf32, #tpu.memory_space<vmem>>[vector<16xi32>, vector<16xi32>], vector<16xf32>,
          %add3A_443 = arith.constant 14 : i32
          %add3A_444 = vector.broadcast %add3A_443 : i32 to vector<16xi32>
          %add3A_445 = arith.addi %mul3A_358, %add3A_444 : vector<16xi32>
          %gather3A_446 = tpu.vector_load_idx %arg14[%add3A_348, %add3A_445] : memref<256x128xf32, #tpu.memory_space<vmem>>[vector<16xi32>, vector<16xi32>], vector<16xf32>,
          %broadcast_in_dim3A_447 = arith.constant 14 : i32
          %broadcast_in_dim3A_448 = vector.broadcast %broadcast_in_dim3A_447 : i32 to vector<16xi32>
          tpu.vector_store_idx %arg15[%add3A_348, %broadcast_in_dim3A_448], %gather3A_446 : memref<256x128xf32, #tpu.memory_space<vmem>>[vector<16xi32>, vector<16xi32>], vector<16xf32>,
          %add3A_449 = arith.constant 15 : i32
          %add3A_450 = vector.broadcast %add3A_449 : i32 to vector<16xi32>
          %add3A_451 = arith.addi %mul3A_358, %add3A_450 : vector<16xi32>
          %gather3A_452 = tpu.vector_load_idx %arg14[%add3A_348, %add3A_451] : memref<256x128xf32, #tpu.memory_space<vmem>>[vector<16xi32>, vector<16xi32>], vector<16xf32>,
          %broadcast_in_dim3A_453 = arith.constant 15 : i32
          %broadcast_in_dim3A_454 = vector.broadcast %broadcast_in_dim3A_453 : i32 to vector<16xi32>
          tpu.vector_store_idx %arg15[%add3A_348, %broadcast_in_dim3A_454], %gather3A_452 : memref<256x128xf32, #tpu.memory_space<vmem>>[vector<16xi32>, vector<16xi32>], vector<16xf32>,
          %add3A_455 = arith.constant 16 : i32
          %add3A_456 = vector.broadcast %add3A_455 : i32 to vector<16xi32>
          %add3A_457 = arith.addi %mul3A_358, %add3A_456 : vector<16xi32>
          %gather3A_458 = tpu.vector_load_idx %arg14[%add3A_348, %add3A_457] : memref<256x128xf32, #tpu.memory_space<vmem>>[vector<16xi32>, vector<16xi32>], vector<16xf32>,
          %broadcast_in_dim3A_459 = arith.constant 16 : i32
          %broadcast_in_dim3A_460 = vector.broadcast %broadcast_in_dim3A_459 : i32 to vector<16xi32>
          tpu.vector_store_idx %arg15[%add3A_348, %broadcast_in_dim3A_460], %gather3A_458 : memref<256x128xf32, #tpu.memory_space<vmem>>[vector<16xi32>, vector<16xi32>], vector<16xf32>,
          %add3A_461 = arith.constant 17 : i32
          %add3A_462 = vector.broadcast %add3A_461 : i32 to vector<16xi32>
          %add3A_463 = arith.addi %mul3A_358, %add3A_462 : vector<16xi32>
          %gather3A_464 = tpu.vector_load_idx %arg14[%add3A_348, %add3A_463] : memref<256x128xf32, #tpu.memory_space<vmem>>[vector<16xi32>, vector<16xi32>], vector<16xf32>,
          %broadcast_in_dim3A_465 = arith.constant 17 : i32
          %broadcast_in_dim3A_466 = vector.broadcast %broadcast_in_dim3A_465 : i32 to vector<16xi32>
          tpu.vector_store_idx %arg15[%add3A_348, %broadcast_in_dim3A_466], %gather3A_464 : memref<256x128xf32, #tpu.memory_space<vmem>>[vector<16xi32>, vector<16xi32>], vector<16xf32>,
          %add3A_467 = arith.constant 18 : i32
          %add3A_468 = vector.broadcast %add3A_467 : i32 to vector<16xi32>
          %add3A_469 = arith.addi %mul3A_358, %add3A_468 : vector<16xi32>
          %gather3A_470 = tpu.vector_load_idx %arg14[%add3A_348, %add3A_469] : memref<256x128xf32, #tpu.memory_space<vmem>>[vector<16xi32>, vector<16xi32>], vector<16xf32>,
          %broadcast_in_dim3A_471 = arith.constant 18 : i32
          %broadcast_in_dim3A_472 = vector.broadcast %broadcast_in_dim3A_471 : i32 to vector<16xi32>
          tpu.vector_store_idx %arg15[%add3A_348, %broadcast_in_dim3A_472], %gather3A_470 : memref<256x128xf32, #tpu.memory_space<vmem>>[vector<16xi32>, vector<16xi32>], vector<16xf32>,
          %add3A_473 = arith.constant 19 : i32
          %add3A_474 = vector.broadcast %add3A_473 : i32 to vector<16xi32>
          %add3A_475 = arith.addi %mul3A_358, %add3A_474 : vector<16xi32>
          %gather3A_476 = tpu.vector_load_idx %arg14[%add3A_348, %add3A_475] : memref<256x128xf32, #tpu.memory_space<vmem>>[vector<16xi32>, vector<16xi32>], vector<16xf32>,
          %broadcast_in_dim3A_477 = arith.constant 19 : i32
          %broadcast_in_dim3A_478 = vector.broadcast %broadcast_in_dim3A_477 : i32 to vector<16xi32>
          tpu.vector_store_idx %arg15[%add3A_348, %broadcast_in_dim3A_478], %gather3A_476 : memref<256x128xf32, #tpu.memory_space<vmem>>[vector<16xi32>, vector<16xi32>], vector<16xf32>,
          %add3A_479 = arith.constant 20 : i32
          %add3A_480 = vector.broadcast %add3A_479 : i32 to vector<16xi32>
          %add3A_481 = arith.addi %mul3A_358, %add3A_480 : vector<16xi32>
          %gather3A_482 = tpu.vector_load_idx %arg14[%add3A_348, %add3A_481] : memref<256x128xf32, #tpu.memory_space<vmem>>[vector<16xi32>, vector<16xi32>], vector<16xf32>,
          %broadcast_in_dim3A_483 = arith.constant 20 : i32
          %broadcast_in_dim3A_484 = vector.broadcast %broadcast_in_dim3A_483 : i32 to vector<16xi32>
          tpu.vector_store_idx %arg15[%add3A_348, %broadcast_in_dim3A_484], %gather3A_482 : memref<256x128xf32, #tpu.memory_space<vmem>>[vector<16xi32>, vector<16xi32>], vector<16xf32>,
          %add3A_485 = arith.constant 21 : i32
          %add3A_486 = vector.broadcast %add3A_485 : i32 to vector<16xi32>
          %add3A_487 = arith.addi %mul3A_358, %add3A_486 : vector<16xi32>
          %gather3A_488 = tpu.vector_load_idx %arg14[%add3A_348, %add3A_487] : memref<256x128xf32, #tpu.memory_space<vmem>>[vector<16xi32>, vector<16xi32>], vector<16xf32>,
          %broadcast_in_dim3A_489 = arith.constant 21 : i32
          %broadcast_in_dim3A_490 = vector.broadcast %broadcast_in_dim3A_489 : i32 to vector<16xi32>
          tpu.vector_store_idx %arg15[%add3A_348, %broadcast_in_dim3A_490], %gather3A_488 : memref<256x128xf32, #tpu.memory_space<vmem>>[vector<16xi32>, vector<16xi32>], vector<16xf32>,
          %add3A_491 = arith.constant 22 : i32
          %add3A_492 = vector.broadcast %add3A_491 : i32 to vector<16xi32>
          %add3A_493 = arith.addi %mul3A_358, %add3A_492 : vector<16xi32>
          %gather3A_494 = tpu.vector_load_idx %arg14[%add3A_348, %add3A_493] : memref<256x128xf32, #tpu.memory_space<vmem>>[vector<16xi32>, vector<16xi32>], vector<16xf32>,
          %broadcast_in_dim3A_495 = arith.constant 22 : i32
          %broadcast_in_dim3A_496 = vector.broadcast %broadcast_in_dim3A_495 : i32 to vector<16xi32>
          tpu.vector_store_idx %arg15[%add3A_348, %broadcast_in_dim3A_496], %gather3A_494 : memref<256x128xf32, #tpu.memory_space<vmem>>[vector<16xi32>, vector<16xi32>], vector<16xf32>,
          %add3A_497 = arith.constant 23 : i32
          %add3A_498 = vector.broadcast %add3A_497 : i32 to vector<16xi32>
          %add3A_499 = arith.addi %mul3A_358, %add3A_498 : vector<16xi32>
          %gather3A_500 = tpu.vector_load_idx %arg14[%add3A_348, %add3A_499] : memref<256x128xf32, #tpu.memory_space<vmem>>[vector<16xi32>, vector<16xi32>], vector<16xf32>,
          %broadcast_in_dim3A_501 = arith.constant 23 : i32
          %broadcast_in_dim3A_502 = vector.broadcast %broadcast_in_dim3A_501 : i32 to vector<16xi32>
          tpu.vector_store_idx %arg15[%add3A_348, %broadcast_in_dim3A_502], %gather3A_500 : memref<256x128xf32, #tpu.memory_space<vmem>>[vector<16xi32>, vector<16xi32>], vector<16xf32>,
          %add3A_503 = arith.constant 24 : i32
          %add3A_504 = vector.broadcast %add3A_503 : i32 to vector<16xi32>
          %add3A_505 = arith.addi %mul3A_358, %add3A_504 : vector<16xi32>
          %gather3A_506 = tpu.vector_load_idx %arg14[%add3A_348, %add3A_505] : memref<256x128xf32, #tpu.memory_space<vmem>>[vector<16xi32>, vector<16xi32>], vector<16xf32>,
          %broadcast_in_dim3A_507 = arith.constant 24 : i32
          %broadcast_in_dim3A_508 = vector.broadcast %broadcast_in_dim3A_507 : i32 to vector<16xi32>
          tpu.vector_store_idx %arg15[%add3A_348, %broadcast_in_dim3A_508], %gather3A_506 : memref<256x128xf32, #tpu.memory_space<vmem>>[vector<16xi32>, vector<16xi32>], vector<16xf32>,
          %add3A_509 = arith.constant 25 : i32
          %add3A_510 = vector.broadcast %add3A_509 : i32 to vector<16xi32>
          %add3A_511 = arith.addi %mul3A_358, %add3A_510 : vector<16xi32>
          %gather3A_512 = tpu.vector_load_idx %arg14[%add3A_348, %add3A_511] : memref<256x128xf32, #tpu.memory_space<vmem>>[vector<16xi32>, vector<16xi32>], vector<16xf32>,
          %broadcast_in_dim3A_513 = arith.constant 25 : i32
          %broadcast_in_dim3A_514 = vector.broadcast %broadcast_in_dim3A_513 : i32 to vector<16xi32>
          tpu.vector_store_idx %arg15[%add3A_348, %broadcast_in_dim3A_514], %gather3A_512 : memref<256x128xf32, #tpu.memory_space<vmem>>[vector<16xi32>, vector<16xi32>], vector<16xf32>,
          %add3A_515 = arith.constant 26 : i32
          %add3A_516 = vector.broadcast %add3A_515 : i32 to vector<16xi32>
          %add3A_517 = arith.addi %mul3A_358, %add3A_516 : vector<16xi32>
          %gather3A_518 = tpu.vector_load_idx %arg14[%add3A_348, %add3A_517] : memref<256x128xf32, #tpu.memory_space<vmem>>[vector<16xi32>, vector<16xi32>], vector<16xf32>,
          %broadcast_in_dim3A_519 = arith.constant 26 : i32
          %broadcast_in_dim3A_520 = vector.broadcast %broadcast_in_dim3A_519 : i32 to vector<16xi32>
          tpu.vector_store_idx %arg15[%add3A_348, %broadcast_in_dim3A_520], %gather3A_518 : memref<256x128xf32, #tpu.memory_space<vmem>>[vector<16xi32>, vector<16xi32>], vector<16xf32>,
          %add3A_521 = arith.constant 27 : i32
          %add3A_522 = vector.broadcast %add3A_521 : i32 to vector<16xi32>
          %add3A_523 = arith.addi %mul3A_358, %add3A_522 : vector<16xi32>
          %gather3A_524 = tpu.vector_load_idx %arg14[%add3A_348, %add3A_523] : memref<256x128xf32, #tpu.memory_space<vmem>>[vector<16xi32>, vector<16xi32>], vector<16xf32>,
          %broadcast_in_dim3A_525 = arith.constant 27 : i32
          %broadcast_in_dim3A_526 = vector.broadcast %broadcast_in_dim3A_525 : i32 to vector<16xi32>
          tpu.vector_store_idx %arg15[%add3A_348, %broadcast_in_dim3A_526], %gather3A_524 : memref<256x128xf32, #tpu.memory_space<vmem>>[vector<16xi32>, vector<16xi32>], vector<16xf32>,
          %add3A_527 = arith.constant 28 : i32
          %add3A_528 = vector.broadcast %add3A_527 : i32 to vector<16xi32>
          %add3A_529 = arith.addi %mul3A_358, %add3A_528 : vector<16xi32>
          %gather3A_530 = tpu.vector_load_idx %arg14[%add3A_348, %add3A_529] : memref<256x128xf32, #tpu.memory_space<vmem>>[vector<16xi32>, vector<16xi32>], vector<16xf32>,
          %broadcast_in_dim3A_531 = arith.constant 28 : i32
          %broadcast_in_dim3A_532 = vector.broadcast %broadcast_in_dim3A_531 : i32 to vector<16xi32>
          tpu.vector_store_idx %arg15[%add3A_348, %broadcast_in_dim3A_532], %gather3A_530 : memref<256x128xf32, #tpu.memory_space<vmem>>[vector<16xi32>, vector<16xi32>], vector<16xf32>,
          %add3A_533 = arith.constant 29 : i32
          %add3A_534 = vector.broadcast %add3A_533 : i32 to vector<16xi32>
          %add3A_535 = arith.addi %mul3A_358, %add3A_534 : vector<16xi32>
          %gather3A_536 = tpu.vector_load_idx %arg14[%add3A_348, %add3A_535] : memref<256x128xf32, #tpu.memory_space<vmem>>[vector<16xi32>, vector<16xi32>], vector<16xf32>,
          %broadcast_in_dim3A_537 = arith.constant 29 : i32
          %broadcast_in_dim3A_538 = vector.broadcast %broadcast_in_dim3A_537 : i32 to vector<16xi32>
          tpu.vector_store_idx %arg15[%add3A_348, %broadcast_in_dim3A_538], %gather3A_536 : memref<256x128xf32, #tpu.memory_space<vmem>>[vector<16xi32>, vector<16xi32>], vector<16xf32>,
          %add3A_539 = arith.constant 30 : i32
          %add3A_540 = vector.broadcast %add3A_539 : i32 to vector<16xi32>
          %add3A_541 = arith.addi %mul3A_358, %add3A_540 : vector<16xi32>
          %gather3A_542 = tpu.vector_load_idx %arg14[%add3A_348, %add3A_541] : memref<256x128xf32, #tpu.memory_space<vmem>>[vector<16xi32>, vector<16xi32>], vector<16xf32>,
          %broadcast_in_dim3A_543 = arith.constant 30 : i32
          %broadcast_in_dim3A_544 = vector.broadcast %broadcast_in_dim3A_543 : i32 to vector<16xi32>
          tpu.vector_store_idx %arg15[%add3A_348, %broadcast_in_dim3A_544], %gather3A_542 : memref<256x128xf32, #tpu.memory_space<vmem>>[vector<16xi32>, vector<16xi32>], vector<16xf32>,
          %add3A_545 = arith.constant 31 : i32
          %add3A_546 = vector.broadcast %add3A_545 : i32 to vector<16xi32>
          %add3A_547 = arith.addi %mul3A_358, %add3A_546 : vector<16xi32>
          %gather3A_548 = tpu.vector_load_idx %arg14[%add3A_348, %add3A_547] : memref<256x128xf32, #tpu.memory_space<vmem>>[vector<16xi32>, vector<16xi32>], vector<16xf32>,
          %broadcast_in_dim3A_549 = arith.constant 31 : i32
          %broadcast_in_dim3A_550 = vector.broadcast %broadcast_in_dim3A_549 : i32 to vector<16xi32>
          tpu.vector_store_idx %arg15[%add3A_348, %broadcast_in_dim3A_550], %gather3A_548 : memref<256x128xf32, #tpu.memory_space<vmem>>[vector<16xi32>, vector<16xi32>], vector<16xf32>,
          %add3A_551 = arith.constant 32 : i32
          %add3A_552 = vector.broadcast %add3A_551 : i32 to vector<16xi32>
          %add3A_553 = arith.addi %mul3A_358, %add3A_552 : vector<16xi32>
          %gather3A_554 = tpu.vector_load_idx %arg14[%add3A_348, %add3A_553] : memref<256x128xf32, #tpu.memory_space<vmem>>[vector<16xi32>, vector<16xi32>], vector<16xf32>,
          %broadcast_in_dim3A_555 = arith.constant 32 : i32
          %broadcast_in_dim3A_556 = vector.broadcast %broadcast_in_dim3A_555 : i32 to vector<16xi32>
          tpu.vector_store_idx %arg15[%add3A_348, %broadcast_in_dim3A_556], %gather3A_554 : memref<256x128xf32, #tpu.memory_space<vmem>>[vector<16xi32>, vector<16xi32>], vector<16xf32>,
          %add3A_557 = arith.constant 33 : i32
          %add3A_558 = vector.broadcast %add3A_557 : i32 to vector<16xi32>
          %add3A_559 = arith.addi %mul3A_358, %add3A_558 : vector<16xi32>
          %gather3A_560 = tpu.vector_load_idx %arg14[%add3A_348, %add3A_559] : memref<256x128xf32, #tpu.memory_space<vmem>>[vector<16xi32>, vector<16xi32>], vector<16xf32>,
          %broadcast_in_dim3A_561 = arith.constant 33 : i32
          %broadcast_in_dim3A_562 = vector.broadcast %broadcast_in_dim3A_561 : i32 to vector<16xi32>
          tpu.vector_store_idx %arg15[%add3A_348, %broadcast_in_dim3A_562], %gather3A_560 : memref<256x128xf32, #tpu.memory_space<vmem>>[vector<16xi32>, vector<16xi32>], vector<16xf32>,
          %add3A_563 = arith.constant 34 : i32
          %add3A_564 = vector.broadcast %add3A_563 : i32 to vector<16xi32>
          %add3A_565 = arith.addi %mul3A_358, %add3A_564 : vector<16xi32>
          %gather3A_566 = tpu.vector_load_idx %arg14[%add3A_348, %add3A_565] : memref<256x128xf32, #tpu.memory_space<vmem>>[vector<16xi32>, vector<16xi32>], vector<16xf32>,
          %broadcast_in_dim3A_567 = arith.constant 34 : i32
          %broadcast_in_dim3A_568 = vector.broadcast %broadcast_in_dim3A_567 : i32 to vector<16xi32>
          tpu.vector_store_idx %arg15[%add3A_348, %broadcast_in_dim3A_568], %gather3A_566 : memref<256x128xf32, #tpu.memory_space<vmem>>[vector<16xi32>, vector<16xi32>], vector<16xf32>,
          %add3A_569 = arith.constant 35 : i32
          %add3A_570 = vector.broadcast %add3A_569 : i32 to vector<16xi32>
          %add3A_571 = arith.addi %mul3A_358, %add3A_570 : vector<16xi32>
          %gather3A_572 = tpu.vector_load_idx %arg14[%add3A_348, %add3A_571] : memref<256x128xf32, #tpu.memory_space<vmem>>[vector<16xi32>, vector<16xi32>], vector<16xf32>,
          %broadcast_in_dim3A_573 = arith.constant 35 : i32
          %broadcast_in_dim3A_574 = vector.broadcast %broadcast_in_dim3A_573 : i32 to vector<16xi32>
          tpu.vector_store_idx %arg15[%add3A_348, %broadcast_in_dim3A_574], %gather3A_572 : memref<256x128xf32, #tpu.memory_space<vmem>>[vector<16xi32>, vector<16xi32>], vector<16xf32>,
          %add3A_575 = arith.constant 36 : i32
          %add3A_576 = vector.broadcast %add3A_575 : i32 to vector<16xi32>
          %add3A_577 = arith.addi %mul3A_358, %add3A_576 : vector<16xi32>
          %gather3A_578 = tpu.vector_load_idx %arg14[%add3A_348, %add3A_577] : memref<256x128xf32, #tpu.memory_space<vmem>>[vector<16xi32>, vector<16xi32>], vector<16xf32>,
          %broadcast_in_dim3A_579 = arith.constant 36 : i32
          %broadcast_in_dim3A_580 = vector.broadcast %broadcast_in_dim3A_579 : i32 to vector<16xi32>
          tpu.vector_store_idx %arg15[%add3A_348, %broadcast_in_dim3A_580], %gather3A_578 : memref<256x128xf32, #tpu.memory_space<vmem>>[vector<16xi32>, vector<16xi32>], vector<16xf32>,
          %add3A_581 = arith.constant 37 : i32
          %add3A_582 = vector.broadcast %add3A_581 : i32 to vector<16xi32>
          %add3A_583 = arith.addi %mul3A_358, %add3A_582 : vector<16xi32>
          %gather3A_584 = tpu.vector_load_idx %arg14[%add3A_348, %add3A_583] : memref<256x128xf32, #tpu.memory_space<vmem>>[vector<16xi32>, vector<16xi32>], vector<16xf32>,
          %broadcast_in_dim3A_585 = arith.constant 37 : i32
          %broadcast_in_dim3A_586 = vector.broadcast %broadcast_in_dim3A_585 : i32 to vector<16xi32>
          tpu.vector_store_idx %arg15[%add3A_348, %broadcast_in_dim3A_586], %gather3A_584 : memref<256x128xf32, #tpu.memory_space<vmem>>[vector<16xi32>, vector<16xi32>], vector<16xf32>,
          %add3A_587 = arith.constant 38 : i32
          %add3A_588 = vector.broadcast %add3A_587 : i32 to vector<16xi32>
          %add3A_589 = arith.addi %mul3A_358, %add3A_588 : vector<16xi32>
          %gather3A_590 = tpu.vector_load_idx %arg14[%add3A_348, %add3A_589] : memref<256x128xf32, #tpu.memory_space<vmem>>[vector<16xi32>, vector<16xi32>], vector<16xf32>,
          %broadcast_in_dim3A_591 = arith.constant 38 : i32
          %broadcast_in_dim3A_592 = vector.broadcast %broadcast_in_dim3A_591 : i32 to vector<16xi32>
          tpu.vector_store_idx %arg15[%add3A_348, %broadcast_in_dim3A_592], %gather3A_590 : memref<256x128xf32, #tpu.memory_space<vmem>>[vector<16xi32>, vector<16xi32>], vector<16xf32>,
          %add3A_593 = arith.constant 39 : i32
          %add3A_594 = vector.broadcast %add3A_593 : i32 to vector<16xi32>
          %add3A_595 = arith.addi %mul3A_358, %add3A_594 : vector<16xi32>
          %gather3A_596 = tpu.vector_load_idx %arg14[%add3A_348, %add3A_595] : memref<256x128xf32, #tpu.memory_space<vmem>>[vector<16xi32>, vector<16xi32>], vector<16xf32>,
          %broadcast_in_dim3A_597 = arith.constant 39 : i32
          %broadcast_in_dim3A_598 = vector.broadcast %broadcast_in_dim3A_597 : i32 to vector<16xi32>
          tpu.vector_store_idx %arg15[%add3A_348, %broadcast_in_dim3A_598], %gather3A_596 : memref<256x128xf32, #tpu.memory_space<vmem>>[vector<16xi32>, vector<16xi32>], vector<16xf32>,
          %add3A_599 = arith.constant 40 : i32
          %add3A_600 = vector.broadcast %add3A_599 : i32 to vector<16xi32>
          %add3A_601 = arith.addi %mul3A_358, %add3A_600 : vector<16xi32>
          %gather3A_602 = tpu.vector_load_idx %arg14[%add3A_348, %add3A_601] : memref<256x128xf32, #tpu.memory_space<vmem>>[vector<16xi32>, vector<16xi32>], vector<16xf32>,
          %broadcast_in_dim3A_603 = arith.constant 40 : i32
          %broadcast_in_dim3A_604 = vector.broadcast %broadcast_in_dim3A_603 : i32 to vector<16xi32>
          tpu.vector_store_idx %arg15[%add3A_348, %broadcast_in_dim3A_604], %gather3A_602 : memref<256x128xf32, #tpu.memory_space<vmem>>[vector<16xi32>, vector<16xi32>], vector<16xf32>,
          %add3A_605 = arith.constant 41 : i32
          %add3A_606 = vector.broadcast %add3A_605 : i32 to vector<16xi32>
          %add3A_607 = arith.addi %mul3A_358, %add3A_606 : vector<16xi32>
          %gather3A_608 = tpu.vector_load_idx %arg14[%add3A_348, %add3A_607] : memref<256x128xf32, #tpu.memory_space<vmem>>[vector<16xi32>, vector<16xi32>], vector<16xf32>,
          %broadcast_in_dim3A_609 = arith.constant 41 : i32
          %broadcast_in_dim3A_610 = vector.broadcast %broadcast_in_dim3A_609 : i32 to vector<16xi32>
          tpu.vector_store_idx %arg15[%add3A_348, %broadcast_in_dim3A_610], %gather3A_608 : memref<256x128xf32, #tpu.memory_space<vmem>>[vector<16xi32>, vector<16xi32>], vector<16xf32>,
          %add3A_611 = arith.constant 42 : i32
          %add3A_612 = vector.broadcast %add3A_611 : i32 to vector<16xi32>
          %add3A_613 = arith.addi %mul3A_358, %add3A_612 : vector<16xi32>
          %gather3A_614 = tpu.vector_load_idx %arg14[%add3A_348, %add3A_613] : memref<256x128xf32, #tpu.memory_space<vmem>>[vector<16xi32>, vector<16xi32>], vector<16xf32>,
          %broadcast_in_dim3A_615 = arith.constant 42 : i32
          %broadcast_in_dim3A_616 = vector.broadcast %broadcast_in_dim3A_615 : i32 to vector<16xi32>
          tpu.vector_store_idx %arg15[%add3A_348, %broadcast_in_dim3A_616], %gather3A_614 : memref<256x128xf32, #tpu.memory_space<vmem>>[vector<16xi32>, vector<16xi32>], vector<16xf32>,
          %add3A_617 = arith.constant 43 : i32
          %add3A_618 = vector.broadcast %add3A_617 : i32 to vector<16xi32>
          %add3A_619 = arith.addi %mul3A_358, %add3A_618 : vector<16xi32>
          %gather3A_620 = tpu.vector_load_idx %arg14[%add3A_348, %add3A_619] : memref<256x128xf32, #tpu.memory_space<vmem>>[vector<16xi32>, vector<16xi32>], vector<16xf32>,
          %broadcast_in_dim3A_621 = arith.constant 43 : i32
          %broadcast_in_dim3A_622 = vector.broadcast %broadcast_in_dim3A_621 : i32 to vector<16xi32>
          tpu.vector_store_idx %arg15[%add3A_348, %broadcast_in_dim3A_622], %gather3A_620 : memref<256x128xf32, #tpu.memory_space<vmem>>[vector<16xi32>, vector<16xi32>], vector<16xf32>,
          %add3A_623 = arith.constant 44 : i32
          %add3A_624 = vector.broadcast %add3A_623 : i32 to vector<16xi32>
          %add3A_625 = arith.addi %mul3A_358, %add3A_624 : vector<16xi32>
          %gather3A_626 = tpu.vector_load_idx %arg14[%add3A_348, %add3A_625] : memref<256x128xf32, #tpu.memory_space<vmem>>[vector<16xi32>, vector<16xi32>], vector<16xf32>,
          %broadcast_in_dim3A_627 = arith.constant 44 : i32
          %broadcast_in_dim3A_628 = vector.broadcast %broadcast_in_dim3A_627 : i32 to vector<16xi32>
          tpu.vector_store_idx %arg15[%add3A_348, %broadcast_in_dim3A_628], %gather3A_626 : memref<256x128xf32, #tpu.memory_space<vmem>>[vector<16xi32>, vector<16xi32>], vector<16xf32>,
          %add3A_629 = arith.constant 45 : i32
          %add3A_630 = vector.broadcast %add3A_629 : i32 to vector<16xi32>
          %add3A_631 = arith.addi %mul3A_358, %add3A_630 : vector<16xi32>
          %gather3A_632 = tpu.vector_load_idx %arg14[%add3A_348, %add3A_631] : memref<256x128xf32, #tpu.memory_space<vmem>>[vector<16xi32>, vector<16xi32>], vector<16xf32>,
          %broadcast_in_dim3A_633 = arith.constant 45 : i32
          %broadcast_in_dim3A_634 = vector.broadcast %broadcast_in_dim3A_633 : i32 to vector<16xi32>
          tpu.vector_store_idx %arg15[%add3A_348, %broadcast_in_dim3A_634], %gather3A_632 : memref<256x128xf32, #tpu.memory_space<vmem>>[vector<16xi32>, vector<16xi32>], vector<16xf32>,
          %add3A_635 = arith.constant 46 : i32
          %add3A_636 = vector.broadcast %add3A_635 : i32 to vector<16xi32>
          %add3A_637 = arith.addi %mul3A_358, %add3A_636 : vector<16xi32>
          %gather3A_638 = tpu.vector_load_idx %arg14[%add3A_348, %add3A_637] : memref<256x128xf32, #tpu.memory_space<vmem>>[vector<16xi32>, vector<16xi32>], vector<16xf32>,
          %broadcast_in_dim3A_639 = arith.constant 46 : i32
          %broadcast_in_dim3A_640 = vector.broadcast %broadcast_in_dim3A_639 : i32 to vector<16xi32>
          tpu.vector_store_idx %arg15[%add3A_348, %broadcast_in_dim3A_640], %gather3A_638 : memref<256x128xf32, #tpu.memory_space<vmem>>[vector<16xi32>, vector<16xi32>], vector<16xf32>,
          %add3A_641 = arith.constant 47 : i32
          %add3A_642 = vector.broadcast %add3A_641 : i32 to vector<16xi32>
          %add3A_643 = arith.addi %mul3A_358, %add3A_642 : vector<16xi32>
          %gather3A_644 = tpu.vector_load_idx %arg14[%add3A_348, %add3A_643] : memref<256x128xf32, #tpu.memory_space<vmem>>[vector<16xi32>, vector<16xi32>], vector<16xf32>,
          %broadcast_in_dim3A_645 = arith.constant 47 : i32
          %broadcast_in_dim3A_646 = vector.broadcast %broadcast_in_dim3A_645 : i32 to vector<16xi32>
          tpu.vector_store_idx %arg15[%add3A_348, %broadcast_in_dim3A_646], %gather3A_644 : memref<256x128xf32, #tpu.memory_space<vmem>>[vector<16xi32>, vector<16xi32>], vector<16xf32>,
          %add3A_647 = arith.constant 48 : i32
          %add3A_648 = vector.broadcast %add3A_647 : i32 to vector<16xi32>
          %add3A_649 = arith.addi %mul3A_358, %add3A_648 : vector<16xi32>
          %gather3A_650 = tpu.vector_load_idx %arg14[%add3A_348, %add3A_649] : memref<256x128xf32, #tpu.memory_space<vmem>>[vector<16xi32>, vector<16xi32>], vector<16xf32>,
          %broadcast_in_dim3A_651 = arith.constant 48 : i32
          %broadcast_in_dim3A_652 = vector.broadcast %broadcast_in_dim3A_651 : i32 to vector<16xi32>
          tpu.vector_store_idx %arg15[%add3A_348, %broadcast_in_dim3A_652], %gather3A_650 : memref<256x128xf32, #tpu.memory_space<vmem>>[vector<16xi32>, vector<16xi32>], vector<16xf32>,
          %add3A_653 = arith.constant 49 : i32
          %add3A_654 = vector.broadcast %add3A_653 : i32 to vector<16xi32>
          %add3A_655 = arith.addi %mul3A_358, %add3A_654 : vector<16xi32>
          %gather3A_656 = tpu.vector_load_idx %arg14[%add3A_348, %add3A_655] : memref<256x128xf32, #tpu.memory_space<vmem>>[vector<16xi32>, vector<16xi32>], vector<16xf32>,
          %broadcast_in_dim3A_657 = arith.constant 49 : i32
          %broadcast_in_dim3A_658 = vector.broadcast %broadcast_in_dim3A_657 : i32 to vector<16xi32>
          tpu.vector_store_idx %arg15[%add3A_348, %broadcast_in_dim3A_658], %gather3A_656 : memref<256x128xf32, #tpu.memory_space<vmem>>[vector<16xi32>, vector<16xi32>], vector<16xf32>,
          %add3A_659 = arith.constant 50 : i32
          %add3A_660 = vector.broadcast %add3A_659 : i32 to vector<16xi32>
          %add3A_661 = arith.addi %mul3A_358, %add3A_660 : vector<16xi32>
          %gather3A_662 = tpu.vector_load_idx %arg14[%add3A_348, %add3A_661] : memref<256x128xf32, #tpu.memory_space<vmem>>[vector<16xi32>, vector<16xi32>], vector<16xf32>,
          %broadcast_in_dim3A_663 = arith.constant 50 : i32
          %broadcast_in_dim3A_664 = vector.broadcast %broadcast_in_dim3A_663 : i32 to vector<16xi32>
          tpu.vector_store_idx %arg15[%add3A_348, %broadcast_in_dim3A_664], %gather3A_662 : memref<256x128xf32, #tpu.memory_space<vmem>>[vector<16xi32>, vector<16xi32>], vector<16xf32>,
          %add3A_665 = arith.constant 51 : i32
          %add3A_666 = vector.broadcast %add3A_665 : i32 to vector<16xi32>
          %add3A_667 = arith.addi %mul3A_358, %add3A_666 : vector<16xi32>
          %gather3A_668 = tpu.vector_load_idx %arg14[%add3A_348, %add3A_667] : memref<256x128xf32, #tpu.memory_space<vmem>>[vector<16xi32>, vector<16xi32>], vector<16xf32>,
          %broadcast_in_dim3A_669 = arith.constant 51 : i32
          %broadcast_in_dim3A_670 = vector.broadcast %broadcast_in_dim3A_669 : i32 to vector<16xi32>
          tpu.vector_store_idx %arg15[%add3A_348, %broadcast_in_dim3A_670], %gather3A_668 : memref<256x128xf32, #tpu.memory_space<vmem>>[vector<16xi32>, vector<16xi32>], vector<16xf32>,
          %add3A_671 = arith.constant 52 : i32
          %add3A_672 = vector.broadcast %add3A_671 : i32 to vector<16xi32>
          %add3A_673 = arith.addi %mul3A_358, %add3A_672 : vector<16xi32>
          %gather3A_674 = tpu.vector_load_idx %arg14[%add3A_348, %add3A_673] : memref<256x128xf32, #tpu.memory_space<vmem>>[vector<16xi32>, vector<16xi32>], vector<16xf32>,
          %broadcast_in_dim3A_675 = arith.constant 52 : i32
          %broadcast_in_dim3A_676 = vector.broadcast %broadcast_in_dim3A_675 : i32 to vector<16xi32>
          tpu.vector_store_idx %arg15[%add3A_348, %broadcast_in_dim3A_676], %gather3A_674 : memref<256x128xf32, #tpu.memory_space<vmem>>[vector<16xi32>, vector<16xi32>], vector<16xf32>,
          %add3A_677 = arith.constant 53 : i32
          %add3A_678 = vector.broadcast %add3A_677 : i32 to vector<16xi32>
          %add3A_679 = arith.addi %mul3A_358, %add3A_678 : vector<16xi32>
          %gather3A_680 = tpu.vector_load_idx %arg14[%add3A_348, %add3A_679] : memref<256x128xf32, #tpu.memory_space<vmem>>[vector<16xi32>, vector<16xi32>], vector<16xf32>,
          %broadcast_in_dim3A_681 = arith.constant 53 : i32
          %broadcast_in_dim3A_682 = vector.broadcast %broadcast_in_dim3A_681 : i32 to vector<16xi32>
          tpu.vector_store_idx %arg15[%add3A_348, %broadcast_in_dim3A_682], %gather3A_680 : memref<256x128xf32, #tpu.memory_space<vmem>>[vector<16xi32>, vector<16xi32>], vector<16xf32>,
          %add3A_683 = arith.constant 54 : i32
          %add3A_684 = vector.broadcast %add3A_683 : i32 to vector<16xi32>
          %add3A_685 = arith.addi %mul3A_358, %add3A_684 : vector<16xi32>
          %gather3A_686 = tpu.vector_load_idx %arg14[%add3A_348, %add3A_685] : memref<256x128xf32, #tpu.memory_space<vmem>>[vector<16xi32>, vector<16xi32>], vector<16xf32>,
          %broadcast_in_dim3A_687 = arith.constant 54 : i32
          %broadcast_in_dim3A_688 = vector.broadcast %broadcast_in_dim3A_687 : i32 to vector<16xi32>
          tpu.vector_store_idx %arg15[%add3A_348, %broadcast_in_dim3A_688], %gather3A_686 : memref<256x128xf32, #tpu.memory_space<vmem>>[vector<16xi32>, vector<16xi32>], vector<16xf32>,
          %add3A_689 = arith.constant 55 : i32
          %add3A_690 = vector.broadcast %add3A_689 : i32 to vector<16xi32>
          %add3A_691 = arith.addi %mul3A_358, %add3A_690 : vector<16xi32>
          %gather3A_692 = tpu.vector_load_idx %arg14[%add3A_348, %add3A_691] : memref<256x128xf32, #tpu.memory_space<vmem>>[vector<16xi32>, vector<16xi32>], vector<16xf32>,
          %broadcast_in_dim3A_693 = arith.constant 55 : i32
          %broadcast_in_dim3A_694 = vector.broadcast %broadcast_in_dim3A_693 : i32 to vector<16xi32>
          tpu.vector_store_idx %arg15[%add3A_348, %broadcast_in_dim3A_694], %gather3A_692 : memref<256x128xf32, #tpu.memory_space<vmem>>[vector<16xi32>, vector<16xi32>], vector<16xf32>,
          %add3A_695 = arith.constant 56 : i32
          %add3A_696 = vector.broadcast %add3A_695 : i32 to vector<16xi32>
          %add3A_697 = arith.addi %mul3A_358, %add3A_696 : vector<16xi32>
          %gather3A_698 = tpu.vector_load_idx %arg14[%add3A_348, %add3A_697] : memref<256x128xf32, #tpu.memory_space<vmem>>[vector<16xi32>, vector<16xi32>], vector<16xf32>,
          %broadcast_in_dim3A_699 = arith.constant 56 : i32
          %broadcast_in_dim3A_700 = vector.broadcast %broadcast_in_dim3A_699 : i32 to vector<16xi32>
          tpu.vector_store_idx %arg15[%add3A_348, %broadcast_in_dim3A_700], %gather3A_698 : memref<256x128xf32, #tpu.memory_space<vmem>>[vector<16xi32>, vector<16xi32>], vector<16xf32>,
          %add3A_701 = arith.constant 57 : i32
          %add3A_702 = vector.broadcast %add3A_701 : i32 to vector<16xi32>
          %add3A_703 = arith.addi %mul3A_358, %add3A_702 : vector<16xi32>
          %gather3A_704 = tpu.vector_load_idx %arg14[%add3A_348, %add3A_703] : memref<256x128xf32, #tpu.memory_space<vmem>>[vector<16xi32>, vector<16xi32>], vector<16xf32>,
          %broadcast_in_dim3A_705 = arith.constant 57 : i32
          %broadcast_in_dim3A_706 = vector.broadcast %broadcast_in_dim3A_705 : i32 to vector<16xi32>
          tpu.vector_store_idx %arg15[%add3A_348, %broadcast_in_dim3A_706], %gather3A_704 : memref<256x128xf32, #tpu.memory_space<vmem>>[vector<16xi32>, vector<16xi32>], vector<16xf32>,
          %add3A_707 = arith.constant 58 : i32
          %add3A_708 = vector.broadcast %add3A_707 : i32 to vector<16xi32>
          %add3A_709 = arith.addi %mul3A_358, %add3A_708 : vector<16xi32>
          %gather3A_710 = tpu.vector_load_idx %arg14[%add3A_348, %add3A_709] : memref<256x128xf32, #tpu.memory_space<vmem>>[vector<16xi32>, vector<16xi32>], vector<16xf32>,
          %broadcast_in_dim3A_711 = arith.constant 58 : i32
          %broadcast_in_dim3A_712 = vector.broadcast %broadcast_in_dim3A_711 : i32 to vector<16xi32>
          tpu.vector_store_idx %arg15[%add3A_348, %broadcast_in_dim3A_712], %gather3A_710 : memref<256x128xf32, #tpu.memory_space<vmem>>[vector<16xi32>, vector<16xi32>], vector<16xf32>,
          %add3A_713 = arith.constant 59 : i32
          %add3A_714 = vector.broadcast %add3A_713 : i32 to vector<16xi32>
          %add3A_715 = arith.addi %mul3A_358, %add3A_714 : vector<16xi32>
          %gather3A_716 = tpu.vector_load_idx %arg14[%add3A_348, %add3A_715] : memref<256x128xf32, #tpu.memory_space<vmem>>[vector<16xi32>, vector<16xi32>], vector<16xf32>,
          %broadcast_in_dim3A_717 = arith.constant 59 : i32
          %broadcast_in_dim3A_718 = vector.broadcast %broadcast_in_dim3A_717 : i32 to vector<16xi32>
          tpu.vector_store_idx %arg15[%add3A_348, %broadcast_in_dim3A_718], %gather3A_716 : memref<256x128xf32, #tpu.memory_space<vmem>>[vector<16xi32>, vector<16xi32>], vector<16xf32>,
          %add3A_719 = arith.constant 60 : i32
          %add3A_720 = vector.broadcast %add3A_719 : i32 to vector<16xi32>
          %add3A_721 = arith.addi %mul3A_358, %add3A_720 : vector<16xi32>
          %gather3A_722 = tpu.vector_load_idx %arg14[%add3A_348, %add3A_721] : memref<256x128xf32, #tpu.memory_space<vmem>>[vector<16xi32>, vector<16xi32>], vector<16xf32>,
          %broadcast_in_dim3A_723 = arith.constant 60 : i32
          %broadcast_in_dim3A_724 = vector.broadcast %broadcast_in_dim3A_723 : i32 to vector<16xi32>
          tpu.vector_store_idx %arg15[%add3A_348, %broadcast_in_dim3A_724], %gather3A_722 : memref<256x128xf32, #tpu.memory_space<vmem>>[vector<16xi32>, vector<16xi32>], vector<16xf32>,
          %add3A_725 = arith.constant 61 : i32
          %add3A_726 = vector.broadcast %add3A_725 : i32 to vector<16xi32>
          %add3A_727 = arith.addi %mul3A_358, %add3A_726 : vector<16xi32>
          %gather3A_728 = tpu.vector_load_idx %arg14[%add3A_348, %add3A_727] : memref<256x128xf32, #tpu.memory_space<vmem>>[vector<16xi32>, vector<16xi32>], vector<16xf32>,
          %broadcast_in_dim3A_729 = arith.constant 61 : i32
          %broadcast_in_dim3A_730 = vector.broadcast %broadcast_in_dim3A_729 : i32 to vector<16xi32>
          tpu.vector_store_idx %arg15[%add3A_348, %broadcast_in_dim3A_730], %gather3A_728 : memref<256x128xf32, #tpu.memory_space<vmem>>[vector<16xi32>, vector<16xi32>], vector<16xf32>,
          %add3A_731 = arith.constant 62 : i32
          %add3A_732 = vector.broadcast %add3A_731 : i32 to vector<16xi32>
          %add3A_733 = arith.addi %mul3A_358, %add3A_732 : vector<16xi32>
          %gather3A_734 = tpu.vector_load_idx %arg14[%add3A_348, %add3A_733] : memref<256x128xf32, #tpu.memory_space<vmem>>[vector<16xi32>, vector<16xi32>], vector<16xf32>,
          %broadcast_in_dim3A_735 = arith.constant 62 : i32
          %broadcast_in_dim3A_736 = vector.broadcast %broadcast_in_dim3A_735 : i32 to vector<16xi32>
          tpu.vector_store_idx %arg15[%add3A_348, %broadcast_in_dim3A_736], %gather3A_734 : memref<256x128xf32, #tpu.memory_space<vmem>>[vector<16xi32>, vector<16xi32>], vector<16xf32>,
          %add3A_737 = arith.constant 63 : i32
          %add3A_738 = vector.broadcast %add3A_737 : i32 to vector<16xi32>
          %add3A_739 = arith.addi %mul3A_358, %add3A_738 : vector<16xi32>
          %gather3A_740 = tpu.vector_load_idx %arg14[%add3A_348, %add3A_739] : memref<256x128xf32, #tpu.memory_space<vmem>>[vector<16xi32>, vector<16xi32>], vector<16xf32>,
          %broadcast_in_dim3A_741 = arith.constant 63 : i32
          %broadcast_in_dim3A_742 = vector.broadcast %broadcast_in_dim3A_741 : i32 to vector<16xi32>
          tpu.vector_store_idx %arg15[%add3A_348, %broadcast_in_dim3A_742], %gather3A_740 : memref<256x128xf32, #tpu.memory_space<vmem>>[vector<16xi32>, vector<16xi32>], vector<16xf32>,
          %while3A_743 = arith.constant 0 : i32
          scf.yield %while3A_743 : i32
        }
        %while3A_316 = arith.constant 1 : i32
        %while3A_317 = scf.for %while3A_343 = %while3A_313 to %while3A_309 step %while3A_316 iter_args(%while3A_344 = %while3A_315) -> (i32)  : i32 {
          %mul3A_345 = arith.constant 16 : i32
          %mul3A_346 = arith.muli %while3A_343, %mul3A_345 : i32
          %add3A_347 = vector.broadcast %mul3A_346 : i32 to vector<16xi32>
          %add3A_348 = arith.addi %add3A_347, %iota3A : vector<16xi32>
          %mul3A_349 = arith.constant 16 : i32
          %mul3A_350 = arith.muli %while3A_343, %mul3A_349 : i32
          %add3A_351 = arith.addi %mul3A_251, %mul3A_350 : i32
          %get3A = arith.index_cast %add3A_351 : i32 to index
          %get3A_352 = tpu.vector_load %arg13[%get3A] {strides = array<i32>} : memref<4672xi32, #tpu.memory_space<vmem>>, vector<16xi32>,
          %and3A_353 = arith.constant 1 : i32
          %and3A_354 = vector.broadcast %and3A_353 : i32 to vector<16xi32>
          %and3A_355 = arith.andi %get3A_352, %and3A_354 : vector<16xi32>
          %mul3A_356 = arith.constant 64 : i32
          %mul3A_357 = vector.broadcast %mul3A_356 : i32 to vector<16xi32>
          %mul3A_358 = arith.muli %and3A_355, %mul3A_357 : vector<16xi32>
          %add3A_359 = arith.constant 0 : i32
          %add3A_360 = vector.broadcast %add3A_359 : i32 to vector<16xi32>
          %add3A_361 = arith.addi %mul3A_358, %add3A_360 : vector<16xi32>
          %gather3A_362 = tpu.vector_load_idx %arg14[%add3A_348, %add3A_361] : memref<256x128xf32, #tpu.memory_space<vmem>>[vector<16xi32>, vector<16xi32>], vector<16xf32>,
          %broadcast_in_dim3A_363 = arith.constant 0 : i32
          %broadcast_in_dim3A_364 = vector.broadcast %broadcast_in_dim3A_363 : i32 to vector<16xi32>
          tpu.vector_store_idx %arg15[%add3A_348, %broadcast_in_dim3A_364], %gather3A_362 : memref<256x128xf32, #tpu.memory_space<vmem>>[vector<16xi32>, vector<16xi32>], vector<16xf32>,
          %add3A_365 = arith.constant 1 : i32
          %add3A_366 = vector.broadcast %add3A_365 : i32 to vector<16xi32>
          %add3A_367 = arith.addi %mul3A_358, %add3A_366 : vector<16xi32>
          %gather3A_368 = tpu.vector_load_idx %arg14[%add3A_348, %add3A_367] : memref<256x128xf32, #tpu.memory_space<vmem>>[vector<16xi32>, vector<16xi32>], vector<16xf32>,
          %broadcast_in_dim3A_369 = arith.constant 1 : i32
          %broadcast_in_dim3A_370 = vector.broadcast %broadcast_in_dim3A_369 : i32 to vector<16xi32>
          tpu.vector_store_idx %arg15[%add3A_348, %broadcast_in_dim3A_370], %gather3A_368 : memref<256x128xf32, #tpu.memory_space<vmem>>[vector<16xi32>, vector<16xi32>], vector<16xf32>,
          %add3A_371 = arith.constant 2 : i32
          %add3A_372 = vector.broadcast %add3A_371 : i32 to vector<16xi32>
          %add3A_373 = arith.addi %mul3A_358, %add3A_372 : vector<16xi32>
          %gather3A_374 = tpu.vector_load_idx %arg14[%add3A_348, %add3A_373] : memref<256x128xf32, #tpu.memory_space<vmem>>[vector<16xi32>, vector<16xi32>], vector<16xf32>,
          %broadcast_in_dim3A_375 = arith.constant 2 : i32
          %broadcast_in_dim3A_376 = vector.broadcast %broadcast_in_dim3A_375 : i32 to vector<16xi32>
          tpu.vector_store_idx %arg15[%add3A_348, %broadcast_in_dim3A_376], %gather3A_374 : memref<256x128xf32, #tpu.memory_space<vmem>>[vector<16xi32>, vector<16xi32>], vector<16xf32>,
          %add3A_377 = arith.constant 3 : i32
          %add3A_378 = vector.broadcast %add3A_377 : i32 to vector<16xi32>
          %add3A_379 = arith.addi %mul3A_358, %add3A_378 : vector<16xi32>
          %gather3A_380 = tpu.vector_load_idx %arg14[%add3A_348, %add3A_379] : memref<256x128xf32, #tpu.memory_space<vmem>>[vector<16xi32>, vector<16xi32>], vector<16xf32>,
          %broadcast_in_dim3A_381 = arith.constant 3 : i32
          %broadcast_in_dim3A_382 = vector.broadcast %broadcast_in_dim3A_381 : i32 to vector<16xi32>
          tpu.vector_store_idx %arg15[%add3A_348, %broadcast_in_dim3A_382], %gather3A_380 : memref<256x128xf32, #tpu.memory_space<vmem>>[vector<16xi32>, vector<16xi32>], vector<16xf32>,
          %add3A_383 = arith.constant 4 : i32
          %add3A_384 = vector.broadcast %add3A_383 : i32 to vector<16xi32>
          %add3A_385 = arith.addi %mul3A_358, %add3A_384 : vector<16xi32>
          %gather3A_386 = tpu.vector_load_idx %arg14[%add3A_348, %add3A_385] : memref<256x128xf32, #tpu.memory_space<vmem>>[vector<16xi32>, vector<16xi32>], vector<16xf32>,
          %broadcast_in_dim3A_387 = arith.constant 4 : i32
          %broadcast_in_dim3A_388 = vector.broadcast %broadcast_in_dim3A_387 : i32 to vector<16xi32>
          tpu.vector_store_idx %arg15[%add3A_348, %broadcast_in_dim3A_388], %gather3A_386 : memref<256x128xf32, #tpu.memory_space<vmem>>[vector<16xi32>, vector<16xi32>], vector<16xf32>,
          %add3A_389 = arith.constant 5 : i32
          %add3A_390 = vector.broadcast %add3A_389 : i32 to vector<16xi32>
          %add3A_391 = arith.addi %mul3A_358, %add3A_390 : vector<16xi32>
          %gather3A_392 = tpu.vector_load_idx %arg14[%add3A_348, %add3A_391] : memref<256x128xf32, #tpu.memory_space<vmem>>[vector<16xi32>, vector<16xi32>], vector<16xf32>,
          %broadcast_in_dim3A_393 = arith.constant 5 : i32
          %broadcast_in_dim3A_394 = vector.broadcast %broadcast_in_dim3A_393 : i32 to vector<16xi32>
          tpu.vector_store_idx %arg15[%add3A_348, %broadcast_in_dim3A_394], %gather3A_392 : memref<256x128xf32, #tpu.memory_space<vmem>>[vector<16xi32>, vector<16xi32>], vector<16xf32>,
          %add3A_395 = arith.constant 6 : i32
          %add3A_396 = vector.broadcast %add3A_395 : i32 to vector<16xi32>
          %add3A_397 = arith.addi %mul3A_358, %add3A_396 : vector<16xi32>
          %gather3A_398 = tpu.vector_load_idx %arg14[%add3A_348, %add3A_397] : memref<256x128xf32, #tpu.memory_space<vmem>>[vector<16xi32>, vector<16xi32>], vector<16xf32>,
          %broadcast_in_dim3A_399 = arith.constant 6 : i32
          %broadcast_in_dim3A_400 = vector.broadcast %broadcast_in_dim3A_399 : i32 to vector<16xi32>
          tpu.vector_store_idx %arg15[%add3A_348, %broadcast_in_dim3A_400], %gather3A_398 : memref<256x128xf32, #tpu.memory_space<vmem>>[vector<16xi32>, vector<16xi32>], vector<16xf32>,
          %add3A_401 = arith.constant 7 : i32
          %add3A_402 = vector.broadcast %add3A_401 : i32 to vector<16xi32>
          %add3A_403 = arith.addi %mul3A_358, %add3A_402 : vector<16xi32>
          %gather3A_404 = tpu.vector_load_idx %arg14[%add3A_348, %add3A_403] : memref<256x128xf32, #tpu.memory_space<vmem>>[vector<16xi32>, vector<16xi32>], vector<16xf32>,
          %broadcast_in_dim3A_405 = arith.constant 7 : i32
          %broadcast_in_dim3A_406 = vector.broadcast %broadcast_in_dim3A_405 : i32 to vector<16xi32>
          tpu.vector_store_idx %arg15[%add3A_348, %broadcast_in_dim3A_406], %gather3A_404 : memref<256x128xf32, #tpu.memory_space<vmem>>[vector<16xi32>, vector<16xi32>], vector<16xf32>,
          %add3A_407 = arith.constant 8 : i32
          %add3A_408 = vector.broadcast %add3A_407 : i32 to vector<16xi32>
          %add3A_409 = arith.addi %mul3A_358, %add3A_408 : vector<16xi32>
          %gather3A_410 = tpu.vector_load_idx %arg14[%add3A_348, %add3A_409] : memref<256x128xf32, #tpu.memory_space<vmem>>[vector<16xi32>, vector<16xi32>], vector<16xf32>,
          %broadcast_in_dim3A_411 = arith.constant 8 : i32
          %broadcast_in_dim3A_412 = vector.broadcast %broadcast_in_dim3A_411 : i32 to vector<16xi32>
          tpu.vector_store_idx %arg15[%add3A_348, %broadcast_in_dim3A_412], %gather3A_410 : memref<256x128xf32, #tpu.memory_space<vmem>>[vector<16xi32>, vector<16xi32>], vector<16xf32>,
          %add3A_413 = arith.constant 9 : i32
          %add3A_414 = vector.broadcast %add3A_413 : i32 to vector<16xi32>
          %add3A_415 = arith.addi %mul3A_358, %add3A_414 : vector<16xi32>
          %gather3A_416 = tpu.vector_load_idx %arg14[%add3A_348, %add3A_415] : memref<256x128xf32, #tpu.memory_space<vmem>>[vector<16xi32>, vector<16xi32>], vector<16xf32>,
          %broadcast_in_dim3A_417 = arith.constant 9 : i32
          %broadcast_in_dim3A_418 = vector.broadcast %broadcast_in_dim3A_417 : i32 to vector<16xi32>
          tpu.vector_store_idx %arg15[%add3A_348, %broadcast_in_dim3A_418], %gather3A_416 : memref<256x128xf32, #tpu.memory_space<vmem>>[vector<16xi32>, vector<16xi32>], vector<16xf32>,
          %add3A_419 = arith.constant 10 : i32
          %add3A_420 = vector.broadcast %add3A_419 : i32 to vector<16xi32>
          %add3A_421 = arith.addi %mul3A_358, %add3A_420 : vector<16xi32>
          %gather3A_422 = tpu.vector_load_idx %arg14[%add3A_348, %add3A_421] : memref<256x128xf32, #tpu.memory_space<vmem>>[vector<16xi32>, vector<16xi32>], vector<16xf32>,
          %broadcast_in_dim3A_423 = arith.constant 10 : i32
          %broadcast_in_dim3A_424 = vector.broadcast %broadcast_in_dim3A_423 : i32 to vector<16xi32>
          tpu.vector_store_idx %arg15[%add3A_348, %broadcast_in_dim3A_424], %gather3A_422 : memref<256x128xf32, #tpu.memory_space<vmem>>[vector<16xi32>, vector<16xi32>], vector<16xf32>,
          %add3A_425 = arith.constant 11 : i32
          %add3A_426 = vector.broadcast %add3A_425 : i32 to vector<16xi32>
          %add3A_427 = arith.addi %mul3A_358, %add3A_426 : vector<16xi32>
          %gather3A_428 = tpu.vector_load_idx %arg14[%add3A_348, %add3A_427] : memref<256x128xf32, #tpu.memory_space<vmem>>[vector<16xi32>, vector<16xi32>], vector<16xf32>,
          %broadcast_in_dim3A_429 = arith.constant 11 : i32
          %broadcast_in_dim3A_430 = vector.broadcast %broadcast_in_dim3A_429 : i32 to vector<16xi32>
          tpu.vector_store_idx %arg15[%add3A_348, %broadcast_in_dim3A_430], %gather3A_428 : memref<256x128xf32, #tpu.memory_space<vmem>>[vector<16xi32>, vector<16xi32>], vector<16xf32>,
          %add3A_431 = arith.constant 12 : i32
          %add3A_432 = vector.broadcast %add3A_431 : i32 to vector<16xi32>
          %add3A_433 = arith.addi %mul3A_358, %add3A_432 : vector<16xi32>
          %gather3A_434 = tpu.vector_load_idx %arg14[%add3A_348, %add3A_433] : memref<256x128xf32, #tpu.memory_space<vmem>>[vector<16xi32>, vector<16xi32>], vector<16xf32>,
          %broadcast_in_dim3A_435 = arith.constant 12 : i32
          %broadcast_in_dim3A_436 = vector.broadcast %broadcast_in_dim3A_435 : i32 to vector<16xi32>
          tpu.vector_store_idx %arg15[%add3A_348, %broadcast_in_dim3A_436], %gather3A_434 : memref<256x128xf32, #tpu.memory_space<vmem>>[vector<16xi32>, vector<16xi32>], vector<16xf32>,
          %add3A_437 = arith.constant 13 : i32
          %add3A_438 = vector.broadcast %add3A_437 : i32 to vector<16xi32>
          %add3A_439 = arith.addi %mul3A_358, %add3A_438 : vector<16xi32>
          %gather3A_440 = tpu.vector_load_idx %arg14[%add3A_348, %add3A_439] : memref<256x128xf32, #tpu.memory_space<vmem>>[vector<16xi32>, vector<16xi32>], vector<16xf32>,
          %broadcast_in_dim3A_441 = arith.constant 13 : i32
          %broadcast_in_dim3A_442 = vector.broadcast %broadcast_in_dim3A_441 : i32 to vector<16xi32>
          tpu.vector_store_idx %arg15[%add3A_348, %broadcast_in_dim3A_442], %gather3A_440 : memref<256x128xf32, #tpu.memory_space<vmem>>[vector<16xi32>, vector<16xi32>], vector<16xf32>,
          %add3A_443 = arith.constant 14 : i32
          %add3A_444 = vector.broadcast %add3A_443 : i32 to vector<16xi32>
          %add3A_445 = arith.addi %mul3A_358, %add3A_444 : vector<16xi32>
          %gather3A_446 = tpu.vector_load_idx %arg14[%add3A_348, %add3A_445] : memref<256x128xf32, #tpu.memory_space<vmem>>[vector<16xi32>, vector<16xi32>], vector<16xf32>,
          %broadcast_in_dim3A_447 = arith.constant 14 : i32
          %broadcast_in_dim3A_448 = vector.broadcast %broadcast_in_dim3A_447 : i32 to vector<16xi32>
          tpu.vector_store_idx %arg15[%add3A_348, %broadcast_in_dim3A_448], %gather3A_446 : memref<256x128xf32, #tpu.memory_space<vmem>>[vector<16xi32>, vector<16xi32>], vector<16xf32>,
          %add3A_449 = arith.constant 15 : i32
          %add3A_450 = vector.broadcast %add3A_449 : i32 to vector<16xi32>
          %add3A_451 = arith.addi %mul3A_358, %add3A_450 : vector<16xi32>
          %gather3A_452 = tpu.vector_load_idx %arg14[%add3A_348, %add3A_451] : memref<256x128xf32, #tpu.memory_space<vmem>>[vector<16xi32>, vector<16xi32>], vector<16xf32>,
          %broadcast_in_dim3A_453 = arith.constant 15 : i32
          %broadcast_in_dim3A_454 = vector.broadcast %broadcast_in_dim3A_453 : i32 to vector<16xi32>
          tpu.vector_store_idx %arg15[%add3A_348, %broadcast_in_dim3A_454], %gather3A_452 : memref<256x128xf32, #tpu.memory_space<vmem>>[vector<16xi32>, vector<16xi32>], vector<16xf32>,
          %add3A_455 = arith.constant 16 : i32
          %add3A_456 = vector.broadcast %add3A_455 : i32 to vector<16xi32>
          %add3A_457 = arith.addi %mul3A_358, %add3A_456 : vector<16xi32>
          %gather3A_458 = tpu.vector_load_idx %arg14[%add3A_348, %add3A_457] : memref<256x128xf32, #tpu.memory_space<vmem>>[vector<16xi32>, vector<16xi32>], vector<16xf32>,
          %broadcast_in_dim3A_459 = arith.constant 16 : i32
          %broadcast_in_dim3A_460 = vector.broadcast %broadcast_in_dim3A_459 : i32 to vector<16xi32>
          tpu.vector_store_idx %arg15[%add3A_348, %broadcast_in_dim3A_460], %gather3A_458 : memref<256x128xf32, #tpu.memory_space<vmem>>[vector<16xi32>, vector<16xi32>], vector<16xf32>,
          %add3A_461 = arith.constant 17 : i32
          %add3A_462 = vector.broadcast %add3A_461 : i32 to vector<16xi32>
          %add3A_463 = arith.addi %mul3A_358, %add3A_462 : vector<16xi32>
          %gather3A_464 = tpu.vector_load_idx %arg14[%add3A_348, %add3A_463] : memref<256x128xf32, #tpu.memory_space<vmem>>[vector<16xi32>, vector<16xi32>], vector<16xf32>,
          %broadcast_in_dim3A_465 = arith.constant 17 : i32
          %broadcast_in_dim3A_466 = vector.broadcast %broadcast_in_dim3A_465 : i32 to vector<16xi32>
          tpu.vector_store_idx %arg15[%add3A_348, %broadcast_in_dim3A_466], %gather3A_464 : memref<256x128xf32, #tpu.memory_space<vmem>>[vector<16xi32>, vector<16xi32>], vector<16xf32>,
          %add3A_467 = arith.constant 18 : i32
          %add3A_468 = vector.broadcast %add3A_467 : i32 to vector<16xi32>
          %add3A_469 = arith.addi %mul3A_358, %add3A_468 : vector<16xi32>
          %gather3A_470 = tpu.vector_load_idx %arg14[%add3A_348, %add3A_469] : memref<256x128xf32, #tpu.memory_space<vmem>>[vector<16xi32>, vector<16xi32>], vector<16xf32>,
          %broadcast_in_dim3A_471 = arith.constant 18 : i32
          %broadcast_in_dim3A_472 = vector.broadcast %broadcast_in_dim3A_471 : i32 to vector<16xi32>
          tpu.vector_store_idx %arg15[%add3A_348, %broadcast_in_dim3A_472], %gather3A_470 : memref<256x128xf32, #tpu.memory_space<vmem>>[vector<16xi32>, vector<16xi32>], vector<16xf32>,
          %add3A_473 = arith.constant 19 : i32
          %add3A_474 = vector.broadcast %add3A_473 : i32 to vector<16xi32>
          %add3A_475 = arith.addi %mul3A_358, %add3A_474 : vector<16xi32>
          %gather3A_476 = tpu.vector_load_idx %arg14[%add3A_348, %add3A_475] : memref<256x128xf32, #tpu.memory_space<vmem>>[vector<16xi32>, vector<16xi32>], vector<16xf32>,
          %broadcast_in_dim3A_477 = arith.constant 19 : i32
          %broadcast_in_dim3A_478 = vector.broadcast %broadcast_in_dim3A_477 : i32 to vector<16xi32>
          tpu.vector_store_idx %arg15[%add3A_348, %broadcast_in_dim3A_478], %gather3A_476 : memref<256x128xf32, #tpu.memory_space<vmem>>[vector<16xi32>, vector<16xi32>], vector<16xf32>,
          %add3A_479 = arith.constant 20 : i32
          %add3A_480 = vector.broadcast %add3A_479 : i32 to vector<16xi32>
          %add3A_481 = arith.addi %mul3A_358, %add3A_480 : vector<16xi32>
          %gather3A_482 = tpu.vector_load_idx %arg14[%add3A_348, %add3A_481] : memref<256x128xf32, #tpu.memory_space<vmem>>[vector<16xi32>, vector<16xi32>], vector<16xf32>,
          %broadcast_in_dim3A_483 = arith.constant 20 : i32
          %broadcast_in_dim3A_484 = vector.broadcast %broadcast_in_dim3A_483 : i32 to vector<16xi32>
          tpu.vector_store_idx %arg15[%add3A_348, %broadcast_in_dim3A_484], %gather3A_482 : memref<256x128xf32, #tpu.memory_space<vmem>>[vector<16xi32>, vector<16xi32>], vector<16xf32>,
          %add3A_485 = arith.constant 21 : i32
          %add3A_486 = vector.broadcast %add3A_485 : i32 to vector<16xi32>
          %add3A_487 = arith.addi %mul3A_358, %add3A_486 : vector<16xi32>
          %gather3A_488 = tpu.vector_load_idx %arg14[%add3A_348, %add3A_487] : memref<256x128xf32, #tpu.memory_space<vmem>>[vector<16xi32>, vector<16xi32>], vector<16xf32>,
          %broadcast_in_dim3A_489 = arith.constant 21 : i32
          %broadcast_in_dim3A_490 = vector.broadcast %broadcast_in_dim3A_489 : i32 to vector<16xi32>
          tpu.vector_store_idx %arg15[%add3A_348, %broadcast_in_dim3A_490], %gather3A_488 : memref<256x128xf32, #tpu.memory_space<vmem>>[vector<16xi32>, vector<16xi32>], vector<16xf32>,
          %add3A_491 = arith.constant 22 : i32
          %add3A_492 = vector.broadcast %add3A_491 : i32 to vector<16xi32>
          %add3A_493 = arith.addi %mul3A_358, %add3A_492 : vector<16xi32>
          %gather3A_494 = tpu.vector_load_idx %arg14[%add3A_348, %add3A_493] : memref<256x128xf32, #tpu.memory_space<vmem>>[vector<16xi32>, vector<16xi32>], vector<16xf32>,
          %broadcast_in_dim3A_495 = arith.constant 22 : i32
          %broadcast_in_dim3A_496 = vector.broadcast %broadcast_in_dim3A_495 : i32 to vector<16xi32>
          tpu.vector_store_idx %arg15[%add3A_348, %broadcast_in_dim3A_496], %gather3A_494 : memref<256x128xf32, #tpu.memory_space<vmem>>[vector<16xi32>, vector<16xi32>], vector<16xf32>,
          %add3A_497 = arith.constant 23 : i32
          %add3A_498 = vector.broadcast %add3A_497 : i32 to vector<16xi32>
          %add3A_499 = arith.addi %mul3A_358, %add3A_498 : vector<16xi32>
          %gather3A_500 = tpu.vector_load_idx %arg14[%add3A_348, %add3A_499] : memref<256x128xf32, #tpu.memory_space<vmem>>[vector<16xi32>, vector<16xi32>], vector<16xf32>,
          %broadcast_in_dim3A_501 = arith.constant 23 : i32
          %broadcast_in_dim3A_502 = vector.broadcast %broadcast_in_dim3A_501 : i32 to vector<16xi32>
          tpu.vector_store_idx %arg15[%add3A_348, %broadcast_in_dim3A_502], %gather3A_500 : memref<256x128xf32, #tpu.memory_space<vmem>>[vector<16xi32>, vector<16xi32>], vector<16xf32>,
          %add3A_503 = arith.constant 24 : i32
          %add3A_504 = vector.broadcast %add3A_503 : i32 to vector<16xi32>
          %add3A_505 = arith.addi %mul3A_358, %add3A_504 : vector<16xi32>
          %gather3A_506 = tpu.vector_load_idx %arg14[%add3A_348, %add3A_505] : memref<256x128xf32, #tpu.memory_space<vmem>>[vector<16xi32>, vector<16xi32>], vector<16xf32>,
          %broadcast_in_dim3A_507 = arith.constant 24 : i32
          %broadcast_in_dim3A_508 = vector.broadcast %broadcast_in_dim3A_507 : i32 to vector<16xi32>
          tpu.vector_store_idx %arg15[%add3A_348, %broadcast_in_dim3A_508], %gather3A_506 : memref<256x128xf32, #tpu.memory_space<vmem>>[vector<16xi32>, vector<16xi32>], vector<16xf32>,
          %add3A_509 = arith.constant 25 : i32
          %add3A_510 = vector.broadcast %add3A_509 : i32 to vector<16xi32>
          %add3A_511 = arith.addi %mul3A_358, %add3A_510 : vector<16xi32>
          %gather3A_512 = tpu.vector_load_idx %arg14[%add3A_348, %add3A_511] : memref<256x128xf32, #tpu.memory_space<vmem>>[vector<16xi32>, vector<16xi32>], vector<16xf32>,
          %broadcast_in_dim3A_513 = arith.constant 25 : i32
          %broadcast_in_dim3A_514 = vector.broadcast %broadcast_in_dim3A_513 : i32 to vector<16xi32>
          tpu.vector_store_idx %arg15[%add3A_348, %broadcast_in_dim3A_514], %gather3A_512 : memref<256x128xf32, #tpu.memory_space<vmem>>[vector<16xi32>, vector<16xi32>], vector<16xf32>,
          %add3A_515 = arith.constant 26 : i32
          %add3A_516 = vector.broadcast %add3A_515 : i32 to vector<16xi32>
          %add3A_517 = arith.addi %mul3A_358, %add3A_516 : vector<16xi32>
          %gather3A_518 = tpu.vector_load_idx %arg14[%add3A_348, %add3A_517] : memref<256x128xf32, #tpu.memory_space<vmem>>[vector<16xi32>, vector<16xi32>], vector<16xf32>,
          %broadcast_in_dim3A_519 = arith.constant 26 : i32
          %broadcast_in_dim3A_520 = vector.broadcast %broadcast_in_dim3A_519 : i32 to vector<16xi32>
          tpu.vector_store_idx %arg15[%add3A_348, %broadcast_in_dim3A_520], %gather3A_518 : memref<256x128xf32, #tpu.memory_space<vmem>>[vector<16xi32>, vector<16xi32>], vector<16xf32>,
          %add3A_521 = arith.constant 27 : i32
          %add3A_522 = vector.broadcast %add3A_521 : i32 to vector<16xi32>
          %add3A_523 = arith.addi %mul3A_358, %add3A_522 : vector<16xi32>
          %gather3A_524 = tpu.vector_load_idx %arg14[%add3A_348, %add3A_523] : memref<256x128xf32, #tpu.memory_space<vmem>>[vector<16xi32>, vector<16xi32>], vector<16xf32>,
          %broadcast_in_dim3A_525 = arith.constant 27 : i32
          %broadcast_in_dim3A_526 = vector.broadcast %broadcast_in_dim3A_525 : i32 to vector<16xi32>
          tpu.vector_store_idx %arg15[%add3A_348, %broadcast_in_dim3A_526], %gather3A_524 : memref<256x128xf32, #tpu.memory_space<vmem>>[vector<16xi32>, vector<16xi32>], vector<16xf32>,
          %add3A_527 = arith.constant 28 : i32
          %add3A_528 = vector.broadcast %add3A_527 : i32 to vector<16xi32>
          %add3A_529 = arith.addi %mul3A_358, %add3A_528 : vector<16xi32>
          %gather3A_530 = tpu.vector_load_idx %arg14[%add3A_348, %add3A_529] : memref<256x128xf32, #tpu.memory_space<vmem>>[vector<16xi32>, vector<16xi32>], vector<16xf32>,
          %broadcast_in_dim3A_531 = arith.constant 28 : i32
          %broadcast_in_dim3A_532 = vector.broadcast %broadcast_in_dim3A_531 : i32 to vector<16xi32>
          tpu.vector_store_idx %arg15[%add3A_348, %broadcast_in_dim3A_532], %gather3A_530 : memref<256x128xf32, #tpu.memory_space<vmem>>[vector<16xi32>, vector<16xi32>], vector<16xf32>,
          %add3A_533 = arith.constant 29 : i32
          %add3A_534 = vector.broadcast %add3A_533 : i32 to vector<16xi32>
          %add3A_535 = arith.addi %mul3A_358, %add3A_534 : vector<16xi32>
          %gather3A_536 = tpu.vector_load_idx %arg14[%add3A_348, %add3A_535] : memref<256x128xf32, #tpu.memory_space<vmem>>[vector<16xi32>, vector<16xi32>], vector<16xf32>,
          %broadcast_in_dim3A_537 = arith.constant 29 : i32
          %broadcast_in_dim3A_538 = vector.broadcast %broadcast_in_dim3A_537 : i32 to vector<16xi32>
          tpu.vector_store_idx %arg15[%add3A_348, %broadcast_in_dim3A_538], %gather3A_536 : memref<256x128xf32, #tpu.memory_space<vmem>>[vector<16xi32>, vector<16xi32>], vector<16xf32>,
          %add3A_539 = arith.constant 30 : i32
          %add3A_540 = vector.broadcast %add3A_539 : i32 to vector<16xi32>
          %add3A_541 = arith.addi %mul3A_358, %add3A_540 : vector<16xi32>
          %gather3A_542 = tpu.vector_load_idx %arg14[%add3A_348, %add3A_541] : memref<256x128xf32, #tpu.memory_space<vmem>>[vector<16xi32>, vector<16xi32>], vector<16xf32>,
          %broadcast_in_dim3A_543 = arith.constant 30 : i32
          %broadcast_in_dim3A_544 = vector.broadcast %broadcast_in_dim3A_543 : i32 to vector<16xi32>
          tpu.vector_store_idx %arg15[%add3A_348, %broadcast_in_dim3A_544], %gather3A_542 : memref<256x128xf32, #tpu.memory_space<vmem>>[vector<16xi32>, vector<16xi32>], vector<16xf32>,
          %add3A_545 = arith.constant 31 : i32
          %add3A_546 = vector.broadcast %add3A_545 : i32 to vector<16xi32>
          %add3A_547 = arith.addi %mul3A_358, %add3A_546 : vector<16xi32>
          %gather3A_548 = tpu.vector_load_idx %arg14[%add3A_348, %add3A_547] : memref<256x128xf32, #tpu.memory_space<vmem>>[vector<16xi32>, vector<16xi32>], vector<16xf32>,
          %broadcast_in_dim3A_549 = arith.constant 31 : i32
          %broadcast_in_dim3A_550 = vector.broadcast %broadcast_in_dim3A_549 : i32 to vector<16xi32>
          tpu.vector_store_idx %arg15[%add3A_348, %broadcast_in_dim3A_550], %gather3A_548 : memref<256x128xf32, #tpu.memory_space<vmem>>[vector<16xi32>, vector<16xi32>], vector<16xf32>,
          %add3A_551 = arith.constant 32 : i32
          %add3A_552 = vector.broadcast %add3A_551 : i32 to vector<16xi32>
          %add3A_553 = arith.addi %mul3A_358, %add3A_552 : vector<16xi32>
          %gather3A_554 = tpu.vector_load_idx %arg14[%add3A_348, %add3A_553] : memref<256x128xf32, #tpu.memory_space<vmem>>[vector<16xi32>, vector<16xi32>], vector<16xf32>,
          %broadcast_in_dim3A_555 = arith.constant 32 : i32
          %broadcast_in_dim3A_556 = vector.broadcast %broadcast_in_dim3A_555 : i32 to vector<16xi32>
          tpu.vector_store_idx %arg15[%add3A_348, %broadcast_in_dim3A_556], %gather3A_554 : memref<256x128xf32, #tpu.memory_space<vmem>>[vector<16xi32>, vector<16xi32>], vector<16xf32>,
          %add3A_557 = arith.constant 33 : i32
          %add3A_558 = vector.broadcast %add3A_557 : i32 to vector<16xi32>
          %add3A_559 = arith.addi %mul3A_358, %add3A_558 : vector<16xi32>
          %gather3A_560 = tpu.vector_load_idx %arg14[%add3A_348, %add3A_559] : memref<256x128xf32, #tpu.memory_space<vmem>>[vector<16xi32>, vector<16xi32>], vector<16xf32>,
          %broadcast_in_dim3A_561 = arith.constant 33 : i32
          %broadcast_in_dim3A_562 = vector.broadcast %broadcast_in_dim3A_561 : i32 to vector<16xi32>
          tpu.vector_store_idx %arg15[%add3A_348, %broadcast_in_dim3A_562], %gather3A_560 : memref<256x128xf32, #tpu.memory_space<vmem>>[vector<16xi32>, vector<16xi32>], vector<16xf32>,
          %add3A_563 = arith.constant 34 : i32
          %add3A_564 = vector.broadcast %add3A_563 : i32 to vector<16xi32>
          %add3A_565 = arith.addi %mul3A_358, %add3A_564 : vector<16xi32>
          %gather3A_566 = tpu.vector_load_idx %arg14[%add3A_348, %add3A_565] : memref<256x128xf32, #tpu.memory_space<vmem>>[vector<16xi32>, vector<16xi32>], vector<16xf32>,
          %broadcast_in_dim3A_567 = arith.constant 34 : i32
          %broadcast_in_dim3A_568 = vector.broadcast %broadcast_in_dim3A_567 : i32 to vector<16xi32>
          tpu.vector_store_idx %arg15[%add3A_348, %broadcast_in_dim3A_568], %gather3A_566 : memref<256x128xf32, #tpu.memory_space<vmem>>[vector<16xi32>, vector<16xi32>], vector<16xf32>,
          %add3A_569 = arith.constant 35 : i32
          %add3A_570 = vector.broadcast %add3A_569 : i32 to vector<16xi32>
          %add3A_571 = arith.addi %mul3A_358, %add3A_570 : vector<16xi32>
          %gather3A_572 = tpu.vector_load_idx %arg14[%add3A_348, %add3A_571] : memref<256x128xf32, #tpu.memory_space<vmem>>[vector<16xi32>, vector<16xi32>], vector<16xf32>,
          %broadcast_in_dim3A_573 = arith.constant 35 : i32
          %broadcast_in_dim3A_574 = vector.broadcast %broadcast_in_dim3A_573 : i32 to vector<16xi32>
          tpu.vector_store_idx %arg15[%add3A_348, %broadcast_in_dim3A_574], %gather3A_572 : memref<256x128xf32, #tpu.memory_space<vmem>>[vector<16xi32>, vector<16xi32>], vector<16xf32>,
          %add3A_575 = arith.constant 36 : i32
          %add3A_576 = vector.broadcast %add3A_575 : i32 to vector<16xi32>
          %add3A_577 = arith.addi %mul3A_358, %add3A_576 : vector<16xi32>
          %gather3A_578 = tpu.vector_load_idx %arg14[%add3A_348, %add3A_577] : memref<256x128xf32, #tpu.memory_space<vmem>>[vector<16xi32>, vector<16xi32>], vector<16xf32>,
          %broadcast_in_dim3A_579 = arith.constant 36 : i32
          %broadcast_in_dim3A_580 = vector.broadcast %broadcast_in_dim3A_579 : i32 to vector<16xi32>
          tpu.vector_store_idx %arg15[%add3A_348, %broadcast_in_dim3A_580], %gather3A_578 : memref<256x128xf32, #tpu.memory_space<vmem>>[vector<16xi32>, vector<16xi32>], vector<16xf32>,
          %add3A_581 = arith.constant 37 : i32
          %add3A_582 = vector.broadcast %add3A_581 : i32 to vector<16xi32>
          %add3A_583 = arith.addi %mul3A_358, %add3A_582 : vector<16xi32>
          %gather3A_584 = tpu.vector_load_idx %arg14[%add3A_348, %add3A_583] : memref<256x128xf32, #tpu.memory_space<vmem>>[vector<16xi32>, vector<16xi32>], vector<16xf32>,
          %broadcast_in_dim3A_585 = arith.constant 37 : i32
          %broadcast_in_dim3A_586 = vector.broadcast %broadcast_in_dim3A_585 : i32 to vector<16xi32>
          tpu.vector_store_idx %arg15[%add3A_348, %broadcast_in_dim3A_586], %gather3A_584 : memref<256x128xf32, #tpu.memory_space<vmem>>[vector<16xi32>, vector<16xi32>], vector<16xf32>,
          %add3A_587 = arith.constant 38 : i32
          %add3A_588 = vector.broadcast %add3A_587 : i32 to vector<16xi32>
          %add3A_589 = arith.addi %mul3A_358, %add3A_588 : vector<16xi32>
          %gather3A_590 = tpu.vector_load_idx %arg14[%add3A_348, %add3A_589] : memref<256x128xf32, #tpu.memory_space<vmem>>[vector<16xi32>, vector<16xi32>], vector<16xf32>,
          %broadcast_in_dim3A_591 = arith.constant 38 : i32
          %broadcast_in_dim3A_592 = vector.broadcast %broadcast_in_dim3A_591 : i32 to vector<16xi32>
          tpu.vector_store_idx %arg15[%add3A_348, %broadcast_in_dim3A_592], %gather3A_590 : memref<256x128xf32, #tpu.memory_space<vmem>>[vector<16xi32>, vector<16xi32>], vector<16xf32>,
          %add3A_593 = arith.constant 39 : i32
          %add3A_594 = vector.broadcast %add3A_593 : i32 to vector<16xi32>
          %add3A_595 = arith.addi %mul3A_358, %add3A_594 : vector<16xi32>
          %gather3A_596 = tpu.vector_load_idx %arg14[%add3A_348, %add3A_595] : memref<256x128xf32, #tpu.memory_space<vmem>>[vector<16xi32>, vector<16xi32>], vector<16xf32>,
          %broadcast_in_dim3A_597 = arith.constant 39 : i32
          %broadcast_in_dim3A_598 = vector.broadcast %broadcast_in_dim3A_597 : i32 to vector<16xi32>
          tpu.vector_store_idx %arg15[%add3A_348, %broadcast_in_dim3A_598], %gather3A_596 : memref<256x128xf32, #tpu.memory_space<vmem>>[vector<16xi32>, vector<16xi32>], vector<16xf32>,
          %add3A_599 = arith.constant 40 : i32
          %add3A_600 = vector.broadcast %add3A_599 : i32 to vector<16xi32>
          %add3A_601 = arith.addi %mul3A_358, %add3A_600 : vector<16xi32>
          %gather3A_602 = tpu.vector_load_idx %arg14[%add3A_348, %add3A_601] : memref<256x128xf32, #tpu.memory_space<vmem>>[vector<16xi32>, vector<16xi32>], vector<16xf32>,
          %broadcast_in_dim3A_603 = arith.constant 40 : i32
          %broadcast_in_dim3A_604 = vector.broadcast %broadcast_in_dim3A_603 : i32 to vector<16xi32>
          tpu.vector_store_idx %arg15[%add3A_348, %broadcast_in_dim3A_604], %gather3A_602 : memref<256x128xf32, #tpu.memory_space<vmem>>[vector<16xi32>, vector<16xi32>], vector<16xf32>,
          %add3A_605 = arith.constant 41 : i32
          %add3A_606 = vector.broadcast %add3A_605 : i32 to vector<16xi32>
          %add3A_607 = arith.addi %mul3A_358, %add3A_606 : vector<16xi32>
          %gather3A_608 = tpu.vector_load_idx %arg14[%add3A_348, %add3A_607] : memref<256x128xf32, #tpu.memory_space<vmem>>[vector<16xi32>, vector<16xi32>], vector<16xf32>,
          %broadcast_in_dim3A_609 = arith.constant 41 : i32
          %broadcast_in_dim3A_610 = vector.broadcast %broadcast_in_dim3A_609 : i32 to vector<16xi32>
          tpu.vector_store_idx %arg15[%add3A_348, %broadcast_in_dim3A_610], %gather3A_608 : memref<256x128xf32, #tpu.memory_space<vmem>>[vector<16xi32>, vector<16xi32>], vector<16xf32>,
          %add3A_611 = arith.constant 42 : i32
          %add3A_612 = vector.broadcast %add3A_611 : i32 to vector<16xi32>
          %add3A_613 = arith.addi %mul3A_358, %add3A_612 : vector<16xi32>
          %gather3A_614 = tpu.vector_load_idx %arg14[%add3A_348, %add3A_613] : memref<256x128xf32, #tpu.memory_space<vmem>>[vector<16xi32>, vector<16xi32>], vector<16xf32>,
          %broadcast_in_dim3A_615 = arith.constant 42 : i32
          %broadcast_in_dim3A_616 = vector.broadcast %broadcast_in_dim3A_615 : i32 to vector<16xi32>
          tpu.vector_store_idx %arg15[%add3A_348, %broadcast_in_dim3A_616], %gather3A_614 : memref<256x128xf32, #tpu.memory_space<vmem>>[vector<16xi32>, vector<16xi32>], vector<16xf32>,
          %add3A_617 = arith.constant 43 : i32
          %add3A_618 = vector.broadcast %add3A_617 : i32 to vector<16xi32>
          %add3A_619 = arith.addi %mul3A_358, %add3A_618 : vector<16xi32>
          %gather3A_620 = tpu.vector_load_idx %arg14[%add3A_348, %add3A_619] : memref<256x128xf32, #tpu.memory_space<vmem>>[vector<16xi32>, vector<16xi32>], vector<16xf32>,
          %broadcast_in_dim3A_621 = arith.constant 43 : i32
          %broadcast_in_dim3A_622 = vector.broadcast %broadcast_in_dim3A_621 : i32 to vector<16xi32>
          tpu.vector_store_idx %arg15[%add3A_348, %broadcast_in_dim3A_622], %gather3A_620 : memref<256x128xf32, #tpu.memory_space<vmem>>[vector<16xi32>, vector<16xi32>], vector<16xf32>,
          %add3A_623 = arith.constant 44 : i32
          %add3A_624 = vector.broadcast %add3A_623 : i32 to vector<16xi32>
          %add3A_625 = arith.addi %mul3A_358, %add3A_624 : vector<16xi32>
          %gather3A_626 = tpu.vector_load_idx %arg14[%add3A_348, %add3A_625] : memref<256x128xf32, #tpu.memory_space<vmem>>[vector<16xi32>, vector<16xi32>], vector<16xf32>,
          %broadcast_in_dim3A_627 = arith.constant 44 : i32
          %broadcast_in_dim3A_628 = vector.broadcast %broadcast_in_dim3A_627 : i32 to vector<16xi32>
          tpu.vector_store_idx %arg15[%add3A_348, %broadcast_in_dim3A_628], %gather3A_626 : memref<256x128xf32, #tpu.memory_space<vmem>>[vector<16xi32>, vector<16xi32>], vector<16xf32>,
          %add3A_629 = arith.constant 45 : i32
          %add3A_630 = vector.broadcast %add3A_629 : i32 to vector<16xi32>
          %add3A_631 = arith.addi %mul3A_358, %add3A_630 : vector<16xi32>
          %gather3A_632 = tpu.vector_load_idx %arg14[%add3A_348, %add3A_631] : memref<256x128xf32, #tpu.memory_space<vmem>>[vector<16xi32>, vector<16xi32>], vector<16xf32>,
          %broadcast_in_dim3A_633 = arith.constant 45 : i32
          %broadcast_in_dim3A_634 = vector.broadcast %broadcast_in_dim3A_633 : i32 to vector<16xi32>
          tpu.vector_store_idx %arg15[%add3A_348, %broadcast_in_dim3A_634], %gather3A_632 : memref<256x128xf32, #tpu.memory_space<vmem>>[vector<16xi32>, vector<16xi32>], vector<16xf32>,
          %add3A_635 = arith.constant 46 : i32
          %add3A_636 = vector.broadcast %add3A_635 : i32 to vector<16xi32>
          %add3A_637 = arith.addi %mul3A_358, %add3A_636 : vector<16xi32>
          %gather3A_638 = tpu.vector_load_idx %arg14[%add3A_348, %add3A_637] : memref<256x128xf32, #tpu.memory_space<vmem>>[vector<16xi32>, vector<16xi32>], vector<16xf32>,
          %broadcast_in_dim3A_639 = arith.constant 46 : i32
          %broadcast_in_dim3A_640 = vector.broadcast %broadcast_in_dim3A_639 : i32 to vector<16xi32>
          tpu.vector_store_idx %arg15[%add3A_348, %broadcast_in_dim3A_640], %gather3A_638 : memref<256x128xf32, #tpu.memory_space<vmem>>[vector<16xi32>, vector<16xi32>], vector<16xf32>,
          %add3A_641 = arith.constant 47 : i32
          %add3A_642 = vector.broadcast %add3A_641 : i32 to vector<16xi32>
          %add3A_643 = arith.addi %mul3A_358, %add3A_642 : vector<16xi32>
          %gather3A_644 = tpu.vector_load_idx %arg14[%add3A_348, %add3A_643] : memref<256x128xf32, #tpu.memory_space<vmem>>[vector<16xi32>, vector<16xi32>], vector<16xf32>,
          %broadcast_in_dim3A_645 = arith.constant 47 : i32
          %broadcast_in_dim3A_646 = vector.broadcast %broadcast_in_dim3A_645 : i32 to vector<16xi32>
          tpu.vector_store_idx %arg15[%add3A_348, %broadcast_in_dim3A_646], %gather3A_644 : memref<256x128xf32, #tpu.memory_space<vmem>>[vector<16xi32>, vector<16xi32>], vector<16xf32>,
          %add3A_647 = arith.constant 48 : i32
          %add3A_648 = vector.broadcast %add3A_647 : i32 to vector<16xi32>
          %add3A_649 = arith.addi %mul3A_358, %add3A_648 : vector<16xi32>
          %gather3A_650 = tpu.vector_load_idx %arg14[%add3A_348, %add3A_649] : memref<256x128xf32, #tpu.memory_space<vmem>>[vector<16xi32>, vector<16xi32>], vector<16xf32>,
          %broadcast_in_dim3A_651 = arith.constant 48 : i32
          %broadcast_in_dim3A_652 = vector.broadcast %broadcast_in_dim3A_651 : i32 to vector<16xi32>
          tpu.vector_store_idx %arg15[%add3A_348, %broadcast_in_dim3A_652], %gather3A_650 : memref<256x128xf32, #tpu.memory_space<vmem>>[vector<16xi32>, vector<16xi32>], vector<16xf32>,
          %add3A_653 = arith.constant 49 : i32
          %add3A_654 = vector.broadcast %add3A_653 : i32 to vector<16xi32>
          %add3A_655 = arith.addi %mul3A_358, %add3A_654 : vector<16xi32>
          %gather3A_656 = tpu.vector_load_idx %arg14[%add3A_348, %add3A_655] : memref<256x128xf32, #tpu.memory_space<vmem>>[vector<16xi32>, vector<16xi32>], vector<16xf32>,
          %broadcast_in_dim3A_657 = arith.constant 49 : i32
          %broadcast_in_dim3A_658 = vector.broadcast %broadcast_in_dim3A_657 : i32 to vector<16xi32>
          tpu.vector_store_idx %arg15[%add3A_348, %broadcast_in_dim3A_658], %gather3A_656 : memref<256x128xf32, #tpu.memory_space<vmem>>[vector<16xi32>, vector<16xi32>], vector<16xf32>,
          %add3A_659 = arith.constant 50 : i32
          %add3A_660 = vector.broadcast %add3A_659 : i32 to vector<16xi32>
          %add3A_661 = arith.addi %mul3A_358, %add3A_660 : vector<16xi32>
          %gather3A_662 = tpu.vector_load_idx %arg14[%add3A_348, %add3A_661] : memref<256x128xf32, #tpu.memory_space<vmem>>[vector<16xi32>, vector<16xi32>], vector<16xf32>,
          %broadcast_in_dim3A_663 = arith.constant 50 : i32
          %broadcast_in_dim3A_664 = vector.broadcast %broadcast_in_dim3A_663 : i32 to vector<16xi32>
          tpu.vector_store_idx %arg15[%add3A_348, %broadcast_in_dim3A_664], %gather3A_662 : memref<256x128xf32, #tpu.memory_space<vmem>>[vector<16xi32>, vector<16xi32>], vector<16xf32>,
          %add3A_665 = arith.constant 51 : i32
          %add3A_666 = vector.broadcast %add3A_665 : i32 to vector<16xi32>
          %add3A_667 = arith.addi %mul3A_358, %add3A_666 : vector<16xi32>
          %gather3A_668 = tpu.vector_load_idx %arg14[%add3A_348, %add3A_667] : memref<256x128xf32, #tpu.memory_space<vmem>>[vector<16xi32>, vector<16xi32>], vector<16xf32>,
          %broadcast_in_dim3A_669 = arith.constant 51 : i32
          %broadcast_in_dim3A_670 = vector.broadcast %broadcast_in_dim3A_669 : i32 to vector<16xi32>
          tpu.vector_store_idx %arg15[%add3A_348, %broadcast_in_dim3A_670], %gather3A_668 : memref<256x128xf32, #tpu.memory_space<vmem>>[vector<16xi32>, vector<16xi32>], vector<16xf32>,
          %add3A_671 = arith.constant 52 : i32
          %add3A_672 = vector.broadcast %add3A_671 : i32 to vector<16xi32>
          %add3A_673 = arith.addi %mul3A_358, %add3A_672 : vector<16xi32>
          %gather3A_674 = tpu.vector_load_idx %arg14[%add3A_348, %add3A_673] : memref<256x128xf32, #tpu.memory_space<vmem>>[vector<16xi32>, vector<16xi32>], vector<16xf32>,
          %broadcast_in_dim3A_675 = arith.constant 52 : i32
          %broadcast_in_dim3A_676 = vector.broadcast %broadcast_in_dim3A_675 : i32 to vector<16xi32>
          tpu.vector_store_idx %arg15[%add3A_348, %broadcast_in_dim3A_676], %gather3A_674 : memref<256x128xf32, #tpu.memory_space<vmem>>[vector<16xi32>, vector<16xi32>], vector<16xf32>,
          %add3A_677 = arith.constant 53 : i32
          %add3A_678 = vector.broadcast %add3A_677 : i32 to vector<16xi32>
          %add3A_679 = arith.addi %mul3A_358, %add3A_678 : vector<16xi32>
          %gather3A_680 = tpu.vector_load_idx %arg14[%add3A_348, %add3A_679] : memref<256x128xf32, #tpu.memory_space<vmem>>[vector<16xi32>, vector<16xi32>], vector<16xf32>,
          %broadcast_in_dim3A_681 = arith.constant 53 : i32
          %broadcast_in_dim3A_682 = vector.broadcast %broadcast_in_dim3A_681 : i32 to vector<16xi32>
          tpu.vector_store_idx %arg15[%add3A_348, %broadcast_in_dim3A_682], %gather3A_680 : memref<256x128xf32, #tpu.memory_space<vmem>>[vector<16xi32>, vector<16xi32>], vector<16xf32>,
          %add3A_683 = arith.constant 54 : i32
          %add3A_684 = vector.broadcast %add3A_683 : i32 to vector<16xi32>
          %add3A_685 = arith.addi %mul3A_358, %add3A_684 : vector<16xi32>
          %gather3A_686 = tpu.vector_load_idx %arg14[%add3A_348, %add3A_685] : memref<256x128xf32, #tpu.memory_space<vmem>>[vector<16xi32>, vector<16xi32>], vector<16xf32>,
          %broadcast_in_dim3A_687 = arith.constant 54 : i32
          %broadcast_in_dim3A_688 = vector.broadcast %broadcast_in_dim3A_687 : i32 to vector<16xi32>
          tpu.vector_store_idx %arg15[%add3A_348, %broadcast_in_dim3A_688], %gather3A_686 : memref<256x128xf32, #tpu.memory_space<vmem>>[vector<16xi32>, vector<16xi32>], vector<16xf32>,
          %add3A_689 = arith.constant 55 : i32
          %add3A_690 = vector.broadcast %add3A_689 : i32 to vector<16xi32>
          %add3A_691 = arith.addi %mul3A_358, %add3A_690 : vector<16xi32>
          %gather3A_692 = tpu.vector_load_idx %arg14[%add3A_348, %add3A_691] : memref<256x128xf32, #tpu.memory_space<vmem>>[vector<16xi32>, vector<16xi32>], vector<16xf32>,
          %broadcast_in_dim3A_693 = arith.constant 55 : i32
          %broadcast_in_dim3A_694 = vector.broadcast %broadcast_in_dim3A_693 : i32 to vector<16xi32>
          tpu.vector_store_idx %arg15[%add3A_348, %broadcast_in_dim3A_694], %gather3A_692 : memref<256x128xf32, #tpu.memory_space<vmem>>[vector<16xi32>, vector<16xi32>], vector<16xf32>,
          %add3A_695 = arith.constant 56 : i32
          %add3A_696 = vector.broadcast %add3A_695 : i32 to vector<16xi32>
          %add3A_697 = arith.addi %mul3A_358, %add3A_696 : vector<16xi32>
          %gather3A_698 = tpu.vector_load_idx %arg14[%add3A_348, %add3A_697] : memref<256x128xf32, #tpu.memory_space<vmem>>[vector<16xi32>, vector<16xi32>], vector<16xf32>,
          %broadcast_in_dim3A_699 = arith.constant 56 : i32
          %broadcast_in_dim3A_700 = vector.broadcast %broadcast_in_dim3A_699 : i32 to vector<16xi32>
          tpu.vector_store_idx %arg15[%add3A_348, %broadcast_in_dim3A_700], %gather3A_698 : memref<256x128xf32, #tpu.memory_space<vmem>>[vector<16xi32>, vector<16xi32>], vector<16xf32>,
          %add3A_701 = arith.constant 57 : i32
          %add3A_702 = vector.broadcast %add3A_701 : i32 to vector<16xi32>
          %add3A_703 = arith.addi %mul3A_358, %add3A_702 : vector<16xi32>
          %gather3A_704 = tpu.vector_load_idx %arg14[%add3A_348, %add3A_703] : memref<256x128xf32, #tpu.memory_space<vmem>>[vector<16xi32>, vector<16xi32>], vector<16xf32>,
          %broadcast_in_dim3A_705 = arith.constant 57 : i32
          %broadcast_in_dim3A_706 = vector.broadcast %broadcast_in_dim3A_705 : i32 to vector<16xi32>
          tpu.vector_store_idx %arg15[%add3A_348, %broadcast_in_dim3A_706], %gather3A_704 : memref<256x128xf32, #tpu.memory_space<vmem>>[vector<16xi32>, vector<16xi32>], vector<16xf32>,
          %add3A_707 = arith.constant 58 : i32
          %add3A_708 = vector.broadcast %add3A_707 : i32 to vector<16xi32>
          %add3A_709 = arith.addi %mul3A_358, %add3A_708 : vector<16xi32>
          %gather3A_710 = tpu.vector_load_idx %arg14[%add3A_348, %add3A_709] : memref<256x128xf32, #tpu.memory_space<vmem>>[vector<16xi32>, vector<16xi32>], vector<16xf32>,
          %broadcast_in_dim3A_711 = arith.constant 58 : i32
          %broadcast_in_dim3A_712 = vector.broadcast %broadcast_in_dim3A_711 : i32 to vector<16xi32>
          tpu.vector_store_idx %arg15[%add3A_348, %broadcast_in_dim3A_712], %gather3A_710 : memref<256x128xf32, #tpu.memory_space<vmem>>[vector<16xi32>, vector<16xi32>], vector<16xf32>,
          %add3A_713 = arith.constant 59 : i32
          %add3A_714 = vector.broadcast %add3A_713 : i32 to vector<16xi32>
          %add3A_715 = arith.addi %mul3A_358, %add3A_714 : vector<16xi32>
          %gather3A_716 = tpu.vector_load_idx %arg14[%add3A_348, %add3A_715] : memref<256x128xf32, #tpu.memory_space<vmem>>[vector<16xi32>, vector<16xi32>], vector<16xf32>,
          %broadcast_in_dim3A_717 = arith.constant 59 : i32
          %broadcast_in_dim3A_718 = vector.broadcast %broadcast_in_dim3A_717 : i32 to vector<16xi32>
          tpu.vector_store_idx %arg15[%add3A_348, %broadcast_in_dim3A_718], %gather3A_716 : memref<256x128xf32, #tpu.memory_space<vmem>>[vector<16xi32>, vector<16xi32>], vector<16xf32>,
          %add3A_719 = arith.constant 60 : i32
          %add3A_720 = vector.broadcast %add3A_719 : i32 to vector<16xi32>
          %add3A_721 = arith.addi %mul3A_358, %add3A_720 : vector<16xi32>
          %gather3A_722 = tpu.vector_load_idx %arg14[%add3A_348, %add3A_721] : memref<256x128xf32, #tpu.memory_space<vmem>>[vector<16xi32>, vector<16xi32>], vector<16xf32>,
          %broadcast_in_dim3A_723 = arith.constant 60 : i32
          %broadcast_in_dim3A_724 = vector.broadcast %broadcast_in_dim3A_723 : i32 to vector<16xi32>
          tpu.vector_store_idx %arg15[%add3A_348, %broadcast_in_dim3A_724], %gather3A_722 : memref<256x128xf32, #tpu.memory_space<vmem>>[vector<16xi32>, vector<16xi32>], vector<16xf32>,
          %add3A_725 = arith.constant 61 : i32
          %add3A_726 = vector.broadcast %add3A_725 : i32 to vector<16xi32>
          %add3A_727 = arith.addi %mul3A_358, %add3A_726 : vector<16xi32>
          %gather3A_728 = tpu.vector_load_idx %arg14[%add3A_348, %add3A_727] : memref<256x128xf32, #tpu.memory_space<vmem>>[vector<16xi32>, vector<16xi32>], vector<16xf32>,
          %broadcast_in_dim3A_729 = arith.constant 61 : i32
          %broadcast_in_dim3A_730 = vector.broadcast %broadcast_in_dim3A_729 : i32 to vector<16xi32>
          tpu.vector_store_idx %arg15[%add3A_348, %broadcast_in_dim3A_730], %gather3A_728 : memref<256x128xf32, #tpu.memory_space<vmem>>[vector<16xi32>, vector<16xi32>], vector<16xf32>,
          %add3A_731 = arith.constant 62 : i32
          %add3A_732 = vector.broadcast %add3A_731 : i32 to vector<16xi32>
          %add3A_733 = arith.addi %mul3A_358, %add3A_732 : vector<16xi32>
          %gather3A_734 = tpu.vector_load_idx %arg14[%add3A_348, %add3A_733] : memref<256x128xf32, #tpu.memory_space<vmem>>[vector<16xi32>, vector<16xi32>], vector<16xf32>,
          %broadcast_in_dim3A_735 = arith.constant 62 : i32
          %broadcast_in_dim3A_736 = vector.broadcast %broadcast_in_dim3A_735 : i32 to vector<16xi32>
          tpu.vector_store_idx %arg15[%add3A_348, %broadcast_in_dim3A_736], %gather3A_734 : memref<256x128xf32, #tpu.memory_space<vmem>>[vector<16xi32>, vector<16xi32>], vector<16xf32>,
          %add3A_737 = arith.constant 63 : i32
          %add3A_738 = vector.broadcast %add3A_737 : i32 to vector<16xi32>
          %add3A_739 = arith.addi %mul3A_358, %add3A_738 : vector<16xi32>
          %gather3A_740 = tpu.vector_load_idx %arg14[%add3A_348, %add3A_739] : memref<256x128xf32, #tpu.memory_space<vmem>>[vector<16xi32>, vector<16xi32>], vector<16xf32>,
          %broadcast_in_dim3A_741 = arith.constant 63 : i32
          %broadcast_in_dim3A_742 = vector.broadcast %broadcast_in_dim3A_741 : i32 to vector<16xi32>
          tpu.vector_store_idx %arg15[%add3A_348, %broadcast_in_dim3A_742], %gather3A_740 : memref<256x128xf32, #tpu.memory_space<vmem>>[vector<16xi32>, vector<16xi32>], vector<16xf32>,
          %while3A_743 = arith.constant 0 : i32
          scf.yield %while3A_743 : i32
        }
        %while3A_318 = arith.constant 0 : i32
        %while3A_319 = arith.constant 0 : i32
        %while3A_320 = arith.subi %select_n3A_279, %while3A_318 : i32
        %while3A_321 = arith.addi %while3A_318, %while3A_320 : i32
        %while3A_322 = arith.constant 1 : i32
        %while3A_323 = arith.divsi %while3A_320, %while3A_322 : i32
        %while3A_324 = arith.muli %while3A_323, %while3A_322 : i32
        %while3A_325 = arith.addi %while3A_318, %while3A_324 : i32
        %while3A_326 = arith.constant 1 : i32
        %while3A_327 = scf.for %while3A_343 = %while3A_318 to %while3A_325 step %while3A_326 iter_args(%while3A_344 = %while3A_319) -> (i32)  : i32 {
          %mul3A_345 = arith.constant 128 : i32
          %mul3A_346 = arith.muli %while3A_343, %mul3A_345 : i32
          %mul3A_347 = arith.constant 128 : i32
          %mul3A_348 = arith.muli %while3A_343, %mul3A_347 : i32
          %add3A_349 = arith.addi %mul3A_251, %mul3A_348 : i32
          %dma_start3A = arith.constant 0 : i32
          %dma_start3A_350 = tpu.memref_slice %arg15[%mul3A_346, %dma_start3A] : memref<256x128xf32, #tpu.memory_space<vmem>> -> memref<128x128xf32, #tpu.memory_space<vmem>>
          %dma_start3A_351 = tpu.memref_slice %arg12[%add3A_349] : memref<4672xi32, #tpu.memory_space<vmem>> -> memref<128xi32, #tpu.memory_space<vmem>>
          %dma_start3A_352 = arith.constant 0 : i32
          %dma_start3A_353 = arith.constant 0 : i32
          %dma_start3A_354 = tpu.memref_slice %arg4[%dma_start3A_352, %dma_start3A_353] : memref<221184x128xf32, #tpu.memory_space<hbm>> -> memref<221184x128xf32, #tpu.memory_space<hbm>>
          tpu.enqueue_indirect_dma source(%dma_start3A_350 : memref<128x128xf32, #tpu.memory_space<vmem>>) target(%dma_start3A_354 : memref<221184x128xf32, #tpu.memory_space<hbm>>) offsets(%dma_start3A_351 : memref<128xi32, #tpu.memory_space<vmem>>) semaphore(%arg19 : memref<!tpu.dma_semaphore, #tpu.memory_space<semaphore_mem>>)
          %mul3A_355 = arith.constant 128 : i32
          %mul3A_356 = arith.muli %while3A_343, %mul3A_355 : i32
          %add3A_357 = arith.addi %mul3A_251, %mul3A_356 : i32
          %dma_start3A_358 = arith.constant 0 : i32
          %dma_start3A_359 = tpu.memref_slice %arg16[%dma_start3A_358] : memref<6912xf32, #tpu.memory_space<vmem>> -> memref<128xf32, #tpu.memory_space<vmem>>
          %dma_start3A_360 = tpu.memref_slice %arg12[%add3A_357] : memref<4672xi32, #tpu.memory_space<vmem>> -> memref<128xi32, #tpu.memory_space<vmem>>
          %dma_start3A_361 = arith.constant 0 : i32
          %dma_start3A_362 = tpu.memref_slice %arg5[%dma_start3A_361] : memref<221184xf32, #tpu.memory_space<hbm>> -> memref<221184xf32, #tpu.memory_space<hbm>>
          tpu.enqueue_indirect_dma source(%dma_start3A_359 : memref<128xf32, #tpu.memory_space<vmem>>) target(%dma_start3A_362 : memref<221184xf32, #tpu.memory_space<hbm>>) offsets(%dma_start3A_360 : memref<128xi32, #tpu.memory_space<vmem>>) semaphore(%arg19 : memref<!tpu.dma_semaphore, #tpu.memory_space<semaphore_mem>>)
          %while3A_363 = arith.constant 0 : i32
          scf.yield %while3A_363 : i32
        }
        %while3A_328 = arith.constant 1 : i32
        %while3A_329 = scf.for %while3A_343 = %while3A_325 to %while3A_321 step %while3A_328 iter_args(%while3A_344 = %while3A_327) -> (i32)  : i32 {
          %mul3A_345 = arith.constant 128 : i32
          %mul3A_346 = arith.muli %while3A_343, %mul3A_345 : i32
          %mul3A_347 = arith.constant 128 : i32
          %mul3A_348 = arith.muli %while3A_343, %mul3A_347 : i32
          %add3A_349 = arith.addi %mul3A_251, %mul3A_348 : i32
          %dma_start3A = arith.constant 0 : i32
          %dma_start3A_350 = tpu.memref_slice %arg15[%mul3A_346, %dma_start3A] : memref<256x128xf32, #tpu.memory_space<vmem>> -> memref<128x128xf32, #tpu.memory_space<vmem>>
          %dma_start3A_351 = tpu.memref_slice %arg12[%add3A_349] : memref<4672xi32, #tpu.memory_space<vmem>> -> memref<128xi32, #tpu.memory_space<vmem>>
          %dma_start3A_352 = arith.constant 0 : i32
          %dma_start3A_353 = arith.constant 0 : i32
          %dma_start3A_354 = tpu.memref_slice %arg4[%dma_start3A_352, %dma_start3A_353] : memref<221184x128xf32, #tpu.memory_space<hbm>> -> memref<221184x128xf32, #tpu.memory_space<hbm>>
          tpu.enqueue_indirect_dma source(%dma_start3A_350 : memref<128x128xf32, #tpu.memory_space<vmem>>) target(%dma_start3A_354 : memref<221184x128xf32, #tpu.memory_space<hbm>>) offsets(%dma_start3A_351 : memref<128xi32, #tpu.memory_space<vmem>>) semaphore(%arg19 : memref<!tpu.dma_semaphore, #tpu.memory_space<semaphore_mem>>)
          %mul3A_355 = arith.constant 128 : i32
          %mul3A_356 = arith.muli %while3A_343, %mul3A_355 : i32
          %add3A_357 = arith.addi %mul3A_251, %mul3A_356 : i32
          %dma_start3A_358 = arith.constant 0 : i32
          %dma_start3A_359 = tpu.memref_slice %arg16[%dma_start3A_358] : memref<6912xf32, #tpu.memory_space<vmem>> -> memref<128xf32, #tpu.memory_space<vmem>>
          %dma_start3A_360 = tpu.memref_slice %arg12[%add3A_357] : memref<4672xi32, #tpu.memory_space<vmem>> -> memref<128xi32, #tpu.memory_space<vmem>>
          %dma_start3A_361 = arith.constant 0 : i32
          %dma_start3A_362 = tpu.memref_slice %arg5[%dma_start3A_361] : memref<221184xf32, #tpu.memory_space<hbm>> -> memref<221184xf32, #tpu.memory_space<hbm>>
          tpu.enqueue_indirect_dma source(%dma_start3A_359 : memref<128xf32, #tpu.memory_space<vmem>>) target(%dma_start3A_362 : memref<221184xf32, #tpu.memory_space<hbm>>) offsets(%dma_start3A_360 : memref<128xi32, #tpu.memory_space<vmem>>) semaphore(%arg19 : memref<!tpu.dma_semaphore, #tpu.memory_space<semaphore_mem>>)
          %while3A_363 = arith.constant 0 : i32
          scf.yield %while3A_363 : i32
        }
        %while3A_330 = arith.constant 0 : i32
        %while3A_331 = arith.constant 0 : i32
        %while3A_332 = arith.subi %select_n3A_279, %while3A_330 : i32
        %while3A_333 = arith.addi %while3A_330, %while3A_332 : i32
        %while3A_334 = arith.constant 1 : i32
        %while3A_335 = arith.divsi %while3A_332, %while3A_334 : i32
        %while3A_336 = arith.muli %while3A_335, %while3A_334 : i32
        %while3A_337 = arith.addi %while3A_330, %while3A_336 : i32
        %while3A_338 = arith.constant 1 : i32
        %while3A_339 = scf.for %while3A_343 = %while3A_330 to %while3A_337 step %while3A_338 iter_args(%while3A_344 = %while3A_331) -> (i32)  : i32 {
          %mul3A_345 = arith.constant 128 : i32
          %mul3A_346 = arith.muli %while3A_343, %mul3A_345 : i32
          %mul3A_347 = arith.constant 128 : i32
          %mul3A_348 = arith.muli %while3A_343, %mul3A_347 : i32
          %add3A_349 = arith.addi %mul3A_251, %mul3A_348 : i32
          %dma_wait3A = arith.constant 0 : i32
          %dma_wait3A_350 = tpu.memref_slice %arg15[%mul3A_346, %dma_wait3A] : memref<256x128xf32, #tpu.memory_space<vmem>> -> memref<128x128xf32, #tpu.memory_space<vmem>>
          %dma_wait3A_351 = tpu.memref_slice %arg12[%add3A_349] : memref<4672xi32, #tpu.memory_space<vmem>> -> memref<128xi32, #tpu.memory_space<vmem>>
          %dma_wait3A_352 = arith.constant 0 : i32
          %dma_wait3A_353 = arith.constant 0 : i32
          %dma_wait3A_354 = tpu.memref_slice %arg4[%dma_wait3A_352, %dma_wait3A_353] : memref<221184x128xf32, #tpu.memory_space<hbm>> -> memref<221184x128xf32, #tpu.memory_space<hbm>>
          tpu.wait_indirect_dma semaphore(%arg19 : memref<!tpu.dma_semaphore, #tpu.memory_space<semaphore_mem>>) src(%dma_wait3A_350 : memref<128x128xf32, #tpu.memory_space<vmem>>) dst(%dma_wait3A_354 : memref<221184x128xf32, #tpu.memory_space<hbm>>)
          %mul3A_355 = arith.constant 128 : i32
          %mul3A_356 = arith.muli %while3A_343, %mul3A_355 : i32
          %add3A_357 = arith.addi %mul3A_251, %mul3A_356 : i32
          %dma_wait3A_358 = arith.constant 0 : i32
          %dma_wait3A_359 = tpu.memref_slice %arg16[%dma_wait3A_358] : memref<6912xf32, #tpu.memory_space<vmem>> -> memref<128xf32, #tpu.memory_space<vmem>>
          %dma_wait3A_360 = tpu.memref_slice %arg12[%add3A_357] : memref<4672xi32, #tpu.memory_space<vmem>> -> memref<128xi32, #tpu.memory_space<vmem>>
          %dma_wait3A_361 = arith.constant 0 : i32
          %dma_wait3A_362 = tpu.memref_slice %arg5[%dma_wait3A_361] : memref<221184xf32, #tpu.memory_space<hbm>> -> memref<221184xf32, #tpu.memory_space<hbm>>
          tpu.wait_indirect_dma semaphore(%arg19 : memref<!tpu.dma_semaphore, #tpu.memory_space<semaphore_mem>>) src(%dma_wait3A_359 : memref<128xf32, #tpu.memory_space<vmem>>) dst(%dma_wait3A_362 : memref<221184xf32, #tpu.memory_space<hbm>>)
          %while3A_363 = arith.constant 0 : i32
          scf.yield %while3A_363 : i32
        }
        %while3A_340 = arith.constant 1 : i32
        %while3A_341 = scf.for %while3A_343 = %while3A_337 to %while3A_333 step %while3A_340 iter_args(%while3A_344 = %while3A_339) -> (i32)  : i32 {
          %mul3A_345 = arith.constant 128 : i32
          %mul3A_346 = arith.muli %while3A_343, %mul3A_345 : i32
          %mul3A_347 = arith.constant 128 : i32
          %mul3A_348 = arith.muli %while3A_343, %mul3A_347 : i32
          %add3A_349 = arith.addi %mul3A_251, %mul3A_348 : i32
          %dma_wait3A = arith.constant 0 : i32
          %dma_wait3A_350 = tpu.memref_slice %arg15[%mul3A_346, %dma_wait3A] : memref<256x128xf32, #tpu.memory_space<vmem>> -> memref<128x128xf32, #tpu.memory_space<vmem>>
          %dma_wait3A_351 = tpu.memref_slice %arg12[%add3A_349] : memref<4672xi32, #tpu.memory_space<vmem>> -> memref<128xi32, #tpu.memory_space<vmem>>
          %dma_wait3A_352 = arith.constant 0 : i32
          %dma_wait3A_353 = arith.constant 0 : i32
          %dma_wait3A_354 = tpu.memref_slice %arg4[%dma_wait3A_352, %dma_wait3A_353] : memref<221184x128xf32, #tpu.memory_space<hbm>> -> memref<221184x128xf32, #tpu.memory_space<hbm>>
          tpu.wait_indirect_dma semaphore(%arg19 : memref<!tpu.dma_semaphore, #tpu.memory_space<semaphore_mem>>) src(%dma_wait3A_350 : memref<128x128xf32, #tpu.memory_space<vmem>>) dst(%dma_wait3A_354 : memref<221184x128xf32, #tpu.memory_space<hbm>>)
          %mul3A_355 = arith.constant 128 : i32
          %mul3A_356 = arith.muli %while3A_343, %mul3A_355 : i32
          %add3A_357 = arith.addi %mul3A_251, %mul3A_356 : i32
          %dma_wait3A_358 = arith.constant 0 : i32
          %dma_wait3A_359 = tpu.memref_slice %arg16[%dma_wait3A_358] : memref<6912xf32, #tpu.memory_space<vmem>> -> memref<128xf32, #tpu.memory_space<vmem>>
          %dma_wait3A_360 = tpu.memref_slice %arg12[%add3A_357] : memref<4672xi32, #tpu.memory_space<vmem>> -> memref<128xi32, #tpu.memory_space<vmem>>
          %dma_wait3A_361 = arith.constant 0 : i32
          %dma_wait3A_362 = tpu.memref_slice %arg5[%dma_wait3A_361] : memref<221184xf32, #tpu.memory_space<hbm>> -> memref<221184xf32, #tpu.memory_space<hbm>>
          tpu.wait_indirect_dma semaphore(%arg19 : memref<!tpu.dma_semaphore, #tpu.memory_space<semaphore_mem>>) src(%dma_wait3A_359 : memref<128xf32, #tpu.memory_space<vmem>>) dst(%dma_wait3A_362 : memref<221184xf32, #tpu.memory_space<hbm>>)
          %while3A_363 = arith.constant 0 : i32
          scf.yield %while3A_363 : i32
        }
        %while3A_342 = arith.constant 0 : i32
        scf.yield %while3A_342 : i32
      }
      %while3A_246 = arith.constant 1 : i32
      %while3A_247 = scf.for %while3A_248 = %while3A_243 to %while3A_239 step %while3A_246 iter_args(%while3A_249 = %while3A_245) -> (i32)  : i32 {
        %mul3A_250 = arith.constant 256 : i32
        %mul3A_251 = arith.muli %while3A_248, %mul3A_250 : i32
        %sub3A_252 = arith.subi %mul3A_207, %mul3A_251 : i32
        %min3A = arith.constant 256 : i32
        %min3A_253 = arith.minsi %sub3A_252, %min3A : i32
        %add3A_254 = arith.constant 127 : i32
        %add3A_255 = arith.addi %min3A_253, %add3A_254 : i32
        %jit3A_256 = arith.constant 128 : i32
        %div3A_257 = arith.divsi %add3A_255, %jit3A_256 : i32
        %sign3A_258 = arith.constant 0 : i32
        %sign3A_259 = arith.cmpi sgt, %add3A_255, %sign3A_258 : i32
        %sign3A_260 = arith.extui %sign3A_259 : i1 to i32
        %sign3A_261 = arith.constant 0 : i32
        %sign3A_262 = arith.cmpi slt, %add3A_255, %sign3A_261 : i32
        %sign3A_263 = arith.extui %sign3A_262 : i1 to i32
        %sign3A_264 = arith.subi %sign3A_260, %sign3A_263 : i32
        %sign3A_265 = arith.constant 0 : i32
        %sign3A_266 = arith.cmpi sgt, %jit3A_256, %sign3A_265 : i32
        %sign3A_267 = arith.extui %sign3A_266 : i1 to i32
        %sign3A_268 = arith.constant 0 : i32
        %sign3A_269 = arith.cmpi slt, %jit3A_256, %sign3A_268 : i32
        %sign3A_270 = arith.extui %sign3A_269 : i1 to i32
        %sign3A_271 = arith.subi %sign3A_267, %sign3A_270 : i32
        %ne3A_272 = arith.cmpi ne, %sign3A_264, %sign3A_271 : i32
        %rem3A_273 = arith.remsi %add3A_255, %jit3A_256 : i32
        %ne3A_274 = arith.constant 0 : i32
        %ne3A_275 = arith.cmpi ne, %rem3A_273, %ne3A_274 : i32
        %and3A_276 = arith.andi %ne3A_272, %ne3A_275 : i1
        %sub3A_277 = arith.constant 1 : i32
        %sub3A_278 = arith.subi %div3A_257, %sub3A_277 : i32
        %select_n3A_279 = arith.select %and3A_276, %sub3A_278, %div3A_257 : i32
        %mul3A_280 = arith.constant 8 : i32
        %mul3A_281 = arith.muli %select_n3A_279, %mul3A_280 : i32
        %while3A_282 = arith.constant 0 : i32
        %while3A_283 = arith.constant 0 : i32
        %while3A_284 = arith.subi %mul3A_281, %while3A_282 : i32
        %while3A_285 = arith.addi %while3A_282, %while3A_284 : i32
        %while3A_286 = arith.constant 1 : i32
        %while3A_287 = arith.divsi %while3A_284, %while3A_286 : i32
        %while3A_288 = arith.muli %while3A_287, %while3A_286 : i32
        %while3A_289 = arith.addi %while3A_282, %while3A_288 : i32
        %while3A_290 = arith.constant 1 : i32
        %while3A_291 = scf.for %while3A_343 = %while3A_282 to %while3A_289 step %while3A_290 iter_args(%while3A_344 = %while3A_283) -> (i32)  : i32 {
          %mul3A_345 = arith.constant 16 : i32
          %mul3A_346 = arith.muli %while3A_343, %mul3A_345 : i32
          %add3A_347 = arith.addi %mul3A_251, %mul3A_346 : i32
          %get3A = arith.index_cast %add3A_347 : i32 to index
          %get3A_348 = tpu.vector_load %arg13[%get3A] {strides = array<i32>} : memref<4672xi32, #tpu.memory_space<vmem>>, vector<16xi32>,
          %shift_right_arithmetic3A = arith.constant 1 : i32
          %shift_right_arithmetic3A_349 = vector.broadcast %shift_right_arithmetic3A : i32 to vector<16xi32>
          %shift_right_arithmetic3A_350 = arith.shrsi %get3A_348, %shift_right_arithmetic3A_349 : vector<16xi32>
          %mul3A_351 = arith.constant 16 : i32
          %mul3A_352 = arith.muli %while3A_343, %mul3A_351 : i32
          %dma_start3A = arith.constant 0 : i32
          %dma_start3A_353 = tpu.memref_slice %arg14[%mul3A_352, %dma_start3A] : memref<256x128xf32, #tpu.memory_space<vmem>> -> memref<16x128xf32, #tpu.memory_space<vmem>>
          %dma_start3A_354 = arith.constant 0 : i32
          %dma_start3A_355 = arith.constant 0 : i32
          %dma_start3A_356 = tpu.memref_slice %arg2[%dma_start3A_354, %dma_start3A_355] : memref<2256x128xf32, #tpu.memory_space<hbm>> -> memref<2256x128xf32, #tpu.memory_space<hbm>>
          tpu.enqueue_indirect_dma source(%dma_start3A_356 : memref<2256x128xf32, #tpu.memory_space<hbm>>) target(%dma_start3A_353 : memref<16x128xf32, #tpu.memory_space<vmem>>) offsets(%shift_right_arithmetic3A_350 : vector<16xi32>) semaphore(%arg18 : memref<!tpu.dma_semaphore, #tpu.memory_space<semaphore_mem>>)
          %while3A_357 = arith.constant 0 : i32
          scf.yield %while3A_357 : i32
        }
        %while3A_292 = arith.constant 1 : i32
        %while3A_293 = scf.for %while3A_343 = %while3A_289 to %while3A_285 step %while3A_292 iter_args(%while3A_344 = %while3A_291) -> (i32)  : i32 {
          %mul3A_345 = arith.constant 16 : i32
          %mul3A_346 = arith.muli %while3A_343, %mul3A_345 : i32
          %add3A_347 = arith.addi %mul3A_251, %mul3A_346 : i32
          %get3A = arith.index_cast %add3A_347 : i32 to index
          %get3A_348 = tpu.vector_load %arg13[%get3A] {strides = array<i32>} : memref<4672xi32, #tpu.memory_space<vmem>>, vector<16xi32>,
          %shift_right_arithmetic3A = arith.constant 1 : i32
          %shift_right_arithmetic3A_349 = vector.broadcast %shift_right_arithmetic3A : i32 to vector<16xi32>
          %shift_right_arithmetic3A_350 = arith.shrsi %get3A_348, %shift_right_arithmetic3A_349 : vector<16xi32>
          %mul3A_351 = arith.constant 16 : i32
          %mul3A_352 = arith.muli %while3A_343, %mul3A_351 : i32
          %dma_start3A = arith.constant 0 : i32
          %dma_start3A_353 = tpu.memref_slice %arg14[%mul3A_352, %dma_start3A] : memref<256x128xf32, #tpu.memory_space<vmem>> -> memref<16x128xf32, #tpu.memory_space<vmem>>
          %dma_start3A_354 = arith.constant 0 : i32
          %dma_start3A_355 = arith.constant 0 : i32
          %dma_start3A_356 = tpu.memref_slice %arg2[%dma_start3A_354, %dma_start3A_355] : memref<2256x128xf32, #tpu.memory_space<hbm>> -> memref<2256x128xf32, #tpu.memory_space<hbm>>
          tpu.enqueue_indirect_dma source(%dma_start3A_356 : memref<2256x128xf32, #tpu.memory_space<hbm>>) target(%dma_start3A_353 : memref<16x128xf32, #tpu.memory_space<vmem>>) offsets(%shift_right_arithmetic3A_350 : vector<16xi32>) semaphore(%arg18 : memref<!tpu.dma_semaphore, #tpu.memory_space<semaphore_mem>>)
          %while3A_357 = arith.constant 0 : i32
          scf.yield %while3A_357 : i32
        }
        %while3A_294 = arith.constant 0 : i32
        %while3A_295 = arith.constant 0 : i32
        %while3A_296 = arith.subi %mul3A_281, %while3A_294 : i32
        %while3A_297 = arith.addi %while3A_294, %while3A_296 : i32
        %while3A_298 = arith.constant 1 : i32
        %while3A_299 = arith.divsi %while3A_296, %while3A_298 : i32
        %while3A_300 = arith.muli %while3A_299, %while3A_298 : i32
        %while3A_301 = arith.addi %while3A_294, %while3A_300 : i32
        %while3A_302 = arith.constant 1 : i32
        %while3A_303 = scf.for %while3A_343 = %while3A_294 to %while3A_301 step %while3A_302 iter_args(%while3A_344 = %while3A_295) -> (i32)  : i32 {
          %mul3A_345 = arith.constant 16 : i32
          %mul3A_346 = arith.muli %while3A_343, %mul3A_345 : i32
          %dma_wait3A = arith.constant 0 : i32
          %dma_wait3A_347 = tpu.memref_slice %arg14[%mul3A_346, %dma_wait3A] : memref<256x128xf32, #tpu.memory_space<vmem>> -> memref<16x128xf32, #tpu.memory_space<vmem>>
          %dma_wait3A_348 = arith.constant 0 : i32
          %dma_wait3A_349 = arith.constant 0 : i32
          %dma_wait3A_350 = tpu.memref_slice %arg2[%dma_wait3A_348, %dma_wait3A_349] : memref<2256x128xf32, #tpu.memory_space<hbm>> -> memref<16x128xf32, #tpu.memory_space<hbm>>
          %dma_wait3A_351 = arith.constant 0 : i32
          %dma_wait3A_352 = tpu.memref_slice %arg14[%mul3A_346, %dma_wait3A_351] : memref<256x128xf32, #tpu.memory_space<vmem>> -> memref<16x128xf32, #tpu.memory_space<vmem>>
          %dma_wait3A_353 = arith.constant 0 : i32
          %dma_wait3A_354 = arith.constant 0 : i32
          %dma_wait3A_355 = tpu.memref_slice %arg2[%dma_wait3A_353, %dma_wait3A_354] : memref<2256x128xf32, #tpu.memory_space<hbm>> -> memref<16x128xf32, #tpu.memory_space<hbm>>
          tpu.wait_dma2 semaphore(%arg18 : memref<!tpu.dma_semaphore, #tpu.memory_space<semaphore_mem>>) src(%dma_wait3A_355 : memref<16x128xf32, #tpu.memory_space<hbm>>) dst(%dma_wait3A_352 : memref<16x128xf32, #tpu.memory_space<vmem>>)
          %while3A_356 = arith.constant 0 : i32
          scf.yield %while3A_356 : i32
        }
        %while3A_304 = arith.constant 1 : i32
        %while3A_305 = scf.for %while3A_343 = %while3A_301 to %while3A_297 step %while3A_304 iter_args(%while3A_344 = %while3A_303) -> (i32)  : i32 {
          %mul3A_345 = arith.constant 16 : i32
          %mul3A_346 = arith.muli %while3A_343, %mul3A_345 : i32
          %dma_wait3A = arith.constant 0 : i32
          %dma_wait3A_347 = tpu.memref_slice %arg14[%mul3A_346, %dma_wait3A] : memref<256x128xf32, #tpu.memory_space<vmem>> -> memref<16x128xf32, #tpu.memory_space<vmem>>
          %dma_wait3A_348 = arith.constant 0 : i32
          %dma_wait3A_349 = arith.constant 0 : i32
          %dma_wait3A_350 = tpu.memref_slice %arg2[%dma_wait3A_348, %dma_wait3A_349] : memref<2256x128xf32, #tpu.memory_space<hbm>> -> memref<16x128xf32, #tpu.memory_space<hbm>>
          %dma_wait3A_351 = arith.constant 0 : i32
          %dma_wait3A_352 = tpu.memref_slice %arg14[%mul3A_346, %dma_wait3A_351] : memref<256x128xf32, #tpu.memory_space<vmem>> -> memref<16x128xf32, #tpu.memory_space<vmem>>
          %dma_wait3A_353 = arith.constant 0 : i32
          %dma_wait3A_354 = arith.constant 0 : i32
          %dma_wait3A_355 = tpu.memref_slice %arg2[%dma_wait3A_353, %dma_wait3A_354] : memref<2256x128xf32, #tpu.memory_space<hbm>> -> memref<16x128xf32, #tpu.memory_space<hbm>>
          tpu.wait_dma2 semaphore(%arg18 : memref<!tpu.dma_semaphore, #tpu.memory_space<semaphore_mem>>) src(%dma_wait3A_355 : memref<16x128xf32, #tpu.memory_space<hbm>>) dst(%dma_wait3A_352 : memref<16x128xf32, #tpu.memory_space<vmem>>)
          %while3A_356 = arith.constant 0 : i32
          scf.yield %while3A_356 : i32
        }
        %while3A_306 = arith.constant 0 : i32
        %while3A_307 = arith.constant 0 : i32
        %while3A_308 = arith.subi %mul3A_281, %while3A_306 : i32
        %while3A_309 = arith.addi %while3A_306, %while3A_308 : i32
        %while3A_310 = arith.constant 1 : i32
        %while3A_311 = arith.divsi %while3A_308, %while3A_310 : i32
        %while3A_312 = arith.muli %while3A_311, %while3A_310 : i32
        %while3A_313 = arith.addi %while3A_306, %while3A_312 : i32
        %while3A_314 = arith.constant 1 : i32
        %while3A_315 = scf.for %while3A_343 = %while3A_306 to %while3A_313 step %while3A_314 iter_args(%while3A_344 = %while3A_307) -> (i32)  : i32 {
          %mul3A_345 = arith.constant 16 : i32
          %mul3A_346 = arith.muli %while3A_343, %mul3A_345 : i32
          %add3A_347 = vector.broadcast %mul3A_346 : i32 to vector<16xi32>
          %add3A_348 = arith.addi %add3A_347, %iota3A : vector<16xi32>
          %mul3A_349 = arith.constant 16 : i32
          %mul3A_350 = arith.muli %while3A_343, %mul3A_349 : i32
          %add3A_351 = arith.addi %mul3A_251, %mul3A_350 : i32
          %get3A = arith.index_cast %add3A_351 : i32 to index
          %get3A_352 = tpu.vector_load %arg13[%get3A] {strides = array<i32>} : memref<4672xi32, #tpu.memory_space<vmem>>, vector<16xi32>,
          %and3A_353 = arith.constant 1 : i32
          %and3A_354 = vector.broadcast %and3A_353 : i32 to vector<16xi32>
          %and3A_355 = arith.andi %get3A_352, %and3A_354 : vector<16xi32>
          %mul3A_356 = arith.constant 64 : i32
          %mul3A_357 = vector.broadcast %mul3A_356 : i32 to vector<16xi32>
          %mul3A_358 = arith.muli %and3A_355, %mul3A_357 : vector<16xi32>
          %add3A_359 = arith.constant 0 : i32
          %add3A_360 = vector.broadcast %add3A_359 : i32 to vector<16xi32>
          %add3A_361 = arith.addi %mul3A_358, %add3A_360 : vector<16xi32>
          %gather3A_362 = tpu.vector_load_idx %arg14[%add3A_348, %add3A_361] : memref<256x128xf32, #tpu.memory_space<vmem>>[vector<16xi32>, vector<16xi32>], vector<16xf32>,
          %broadcast_in_dim3A_363 = arith.constant 0 : i32
          %broadcast_in_dim3A_364 = vector.broadcast %broadcast_in_dim3A_363 : i32 to vector<16xi32>
          tpu.vector_store_idx %arg15[%add3A_348, %broadcast_in_dim3A_364], %gather3A_362 : memref<256x128xf32, #tpu.memory_space<vmem>>[vector<16xi32>, vector<16xi32>], vector<16xf32>,
          %add3A_365 = arith.constant 1 : i32
          %add3A_366 = vector.broadcast %add3A_365 : i32 to vector<16xi32>
          %add3A_367 = arith.addi %mul3A_358, %add3A_366 : vector<16xi32>
          %gather3A_368 = tpu.vector_load_idx %arg14[%add3A_348, %add3A_367] : memref<256x128xf32, #tpu.memory_space<vmem>>[vector<16xi32>, vector<16xi32>], vector<16xf32>,
          %broadcast_in_dim3A_369 = arith.constant 1 : i32
          %broadcast_in_dim3A_370 = vector.broadcast %broadcast_in_dim3A_369 : i32 to vector<16xi32>
          tpu.vector_store_idx %arg15[%add3A_348, %broadcast_in_dim3A_370], %gather3A_368 : memref<256x128xf32, #tpu.memory_space<vmem>>[vector<16xi32>, vector<16xi32>], vector<16xf32>,
          %add3A_371 = arith.constant 2 : i32
          %add3A_372 = vector.broadcast %add3A_371 : i32 to vector<16xi32>
          %add3A_373 = arith.addi %mul3A_358, %add3A_372 : vector<16xi32>
          %gather3A_374 = tpu.vector_load_idx %arg14[%add3A_348, %add3A_373] : memref<256x128xf32, #tpu.memory_space<vmem>>[vector<16xi32>, vector<16xi32>], vector<16xf32>,
          %broadcast_in_dim3A_375 = arith.constant 2 : i32
          %broadcast_in_dim3A_376 = vector.broadcast %broadcast_in_dim3A_375 : i32 to vector<16xi32>
          tpu.vector_store_idx %arg15[%add3A_348, %broadcast_in_dim3A_376], %gather3A_374 : memref<256x128xf32, #tpu.memory_space<vmem>>[vector<16xi32>, vector<16xi32>], vector<16xf32>,
          %add3A_377 = arith.constant 3 : i32
          %add3A_378 = vector.broadcast %add3A_377 : i32 to vector<16xi32>
          %add3A_379 = arith.addi %mul3A_358, %add3A_378 : vector<16xi32>
          %gather3A_380 = tpu.vector_load_idx %arg14[%add3A_348, %add3A_379] : memref<256x128xf32, #tpu.memory_space<vmem>>[vector<16xi32>, vector<16xi32>], vector<16xf32>,
          %broadcast_in_dim3A_381 = arith.constant 3 : i32
          %broadcast_in_dim3A_382 = vector.broadcast %broadcast_in_dim3A_381 : i32 to vector<16xi32>
          tpu.vector_store_idx %arg15[%add3A_348, %broadcast_in_dim3A_382], %gather3A_380 : memref<256x128xf32, #tpu.memory_space<vmem>>[vector<16xi32>, vector<16xi32>], vector<16xf32>,
          %add3A_383 = arith.constant 4 : i32
          %add3A_384 = vector.broadcast %add3A_383 : i32 to vector<16xi32>
          %add3A_385 = arith.addi %mul3A_358, %add3A_384 : vector<16xi32>
          %gather3A_386 = tpu.vector_load_idx %arg14[%add3A_348, %add3A_385] : memref<256x128xf32, #tpu.memory_space<vmem>>[vector<16xi32>, vector<16xi32>], vector<16xf32>,
          %broadcast_in_dim3A_387 = arith.constant 4 : i32
          %broadcast_in_dim3A_388 = vector.broadcast %broadcast_in_dim3A_387 : i32 to vector<16xi32>
          tpu.vector_store_idx %arg15[%add3A_348, %broadcast_in_dim3A_388], %gather3A_386 : memref<256x128xf32, #tpu.memory_space<vmem>>[vector<16xi32>, vector<16xi32>], vector<16xf32>,
          %add3A_389 = arith.constant 5 : i32
          %add3A_390 = vector.broadcast %add3A_389 : i32 to vector<16xi32>
          %add3A_391 = arith.addi %mul3A_358, %add3A_390 : vector<16xi32>
          %gather3A_392 = tpu.vector_load_idx %arg14[%add3A_348, %add3A_391] : memref<256x128xf32, #tpu.memory_space<vmem>>[vector<16xi32>, vector<16xi32>], vector<16xf32>,
          %broadcast_in_dim3A_393 = arith.constant 5 : i32
          %broadcast_in_dim3A_394 = vector.broadcast %broadcast_in_dim3A_393 : i32 to vector<16xi32>
          tpu.vector_store_idx %arg15[%add3A_348, %broadcast_in_dim3A_394], %gather3A_392 : memref<256x128xf32, #tpu.memory_space<vmem>>[vector<16xi32>, vector<16xi32>], vector<16xf32>,
          %add3A_395 = arith.constant 6 : i32
          %add3A_396 = vector.broadcast %add3A_395 : i32 to vector<16xi32>
          %add3A_397 = arith.addi %mul3A_358, %add3A_396 : vector<16xi32>
          %gather3A_398 = tpu.vector_load_idx %arg14[%add3A_348, %add3A_397] : memref<256x128xf32, #tpu.memory_space<vmem>>[vector<16xi32>, vector<16xi32>], vector<16xf32>,
          %broadcast_in_dim3A_399 = arith.constant 6 : i32
          %broadcast_in_dim3A_400 = vector.broadcast %broadcast_in_dim3A_399 : i32 to vector<16xi32>
          tpu.vector_store_idx %arg15[%add3A_348, %broadcast_in_dim3A_400], %gather3A_398 : memref<256x128xf32, #tpu.memory_space<vmem>>[vector<16xi32>, vector<16xi32>], vector<16xf32>,
          %add3A_401 = arith.constant 7 : i32
          %add3A_402 = vector.broadcast %add3A_401 : i32 to vector<16xi32>
          %add3A_403 = arith.addi %mul3A_358, %add3A_402 : vector<16xi32>
          %gather3A_404 = tpu.vector_load_idx %arg14[%add3A_348, %add3A_403] : memref<256x128xf32, #tpu.memory_space<vmem>>[vector<16xi32>, vector<16xi32>], vector<16xf32>,
          %broadcast_in_dim3A_405 = arith.constant 7 : i32
          %broadcast_in_dim3A_406 = vector.broadcast %broadcast_in_dim3A_405 : i32 to vector<16xi32>
          tpu.vector_store_idx %arg15[%add3A_348, %broadcast_in_dim3A_406], %gather3A_404 : memref<256x128xf32, #tpu.memory_space<vmem>>[vector<16xi32>, vector<16xi32>], vector<16xf32>,
          %add3A_407 = arith.constant 8 : i32
          %add3A_408 = vector.broadcast %add3A_407 : i32 to vector<16xi32>
          %add3A_409 = arith.addi %mul3A_358, %add3A_408 : vector<16xi32>
          %gather3A_410 = tpu.vector_load_idx %arg14[%add3A_348, %add3A_409] : memref<256x128xf32, #tpu.memory_space<vmem>>[vector<16xi32>, vector<16xi32>], vector<16xf32>,
          %broadcast_in_dim3A_411 = arith.constant 8 : i32
          %broadcast_in_dim3A_412 = vector.broadcast %broadcast_in_dim3A_411 : i32 to vector<16xi32>
          tpu.vector_store_idx %arg15[%add3A_348, %broadcast_in_dim3A_412], %gather3A_410 : memref<256x128xf32, #tpu.memory_space<vmem>>[vector<16xi32>, vector<16xi32>], vector<16xf32>,
          %add3A_413 = arith.constant 9 : i32
          %add3A_414 = vector.broadcast %add3A_413 : i32 to vector<16xi32>
          %add3A_415 = arith.addi %mul3A_358, %add3A_414 : vector<16xi32>
          %gather3A_416 = tpu.vector_load_idx %arg14[%add3A_348, %add3A_415] : memref<256x128xf32, #tpu.memory_space<vmem>>[vector<16xi32>, vector<16xi32>], vector<16xf32>,
          %broadcast_in_dim3A_417 = arith.constant 9 : i32
          %broadcast_in_dim3A_418 = vector.broadcast %broadcast_in_dim3A_417 : i32 to vector<16xi32>
          tpu.vector_store_idx %arg15[%add3A_348, %broadcast_in_dim3A_418], %gather3A_416 : memref<256x128xf32, #tpu.memory_space<vmem>>[vector<16xi32>, vector<16xi32>], vector<16xf32>,
          %add3A_419 = arith.constant 10 : i32
          %add3A_420 = vector.broadcast %add3A_419 : i32 to vector<16xi32>
          %add3A_421 = arith.addi %mul3A_358, %add3A_420 : vector<16xi32>
          %gather3A_422 = tpu.vector_load_idx %arg14[%add3A_348, %add3A_421] : memref<256x128xf32, #tpu.memory_space<vmem>>[vector<16xi32>, vector<16xi32>], vector<16xf32>,
          %broadcast_in_dim3A_423 = arith.constant 10 : i32
          %broadcast_in_dim3A_424 = vector.broadcast %broadcast_in_dim3A_423 : i32 to vector<16xi32>
          tpu.vector_store_idx %arg15[%add3A_348, %broadcast_in_dim3A_424], %gather3A_422 : memref<256x128xf32, #tpu.memory_space<vmem>>[vector<16xi32>, vector<16xi32>], vector<16xf32>,
          %add3A_425 = arith.constant 11 : i32
          %add3A_426 = vector.broadcast %add3A_425 : i32 to vector<16xi32>
          %add3A_427 = arith.addi %mul3A_358, %add3A_426 : vector<16xi32>
          %gather3A_428 = tpu.vector_load_idx %arg14[%add3A_348, %add3A_427] : memref<256x128xf32, #tpu.memory_space<vmem>>[vector<16xi32>, vector<16xi32>], vector<16xf32>,
          %broadcast_in_dim3A_429 = arith.constant 11 : i32
          %broadcast_in_dim3A_430 = vector.broadcast %broadcast_in_dim3A_429 : i32 to vector<16xi32>
          tpu.vector_store_idx %arg15[%add3A_348, %broadcast_in_dim3A_430], %gather3A_428 : memref<256x128xf32, #tpu.memory_space<vmem>>[vector<16xi32>, vector<16xi32>], vector<16xf32>,
          %add3A_431 = arith.constant 12 : i32
          %add3A_432 = vector.broadcast %add3A_431 : i32 to vector<16xi32>
          %add3A_433 = arith.addi %mul3A_358, %add3A_432 : vector<16xi32>
          %gather3A_434 = tpu.vector_load_idx %arg14[%add3A_348, %add3A_433] : memref<256x128xf32, #tpu.memory_space<vmem>>[vector<16xi32>, vector<16xi32>], vector<16xf32>,
          %broadcast_in_dim3A_435 = arith.constant 12 : i32
          %broadcast_in_dim3A_436 = vector.broadcast %broadcast_in_dim3A_435 : i32 to vector<16xi32>
          tpu.vector_store_idx %arg15[%add3A_348, %broadcast_in_dim3A_436], %gather3A_434 : memref<256x128xf32, #tpu.memory_space<vmem>>[vector<16xi32>, vector<16xi32>], vector<16xf32>,
          %add3A_437 = arith.constant 13 : i32
          %add3A_438 = vector.broadcast %add3A_437 : i32 to vector<16xi32>
          %add3A_439 = arith.addi %mul3A_358, %add3A_438 : vector<16xi32>
          %gather3A_440 = tpu.vector_load_idx %arg14[%add3A_348, %add3A_439] : memref<256x128xf32, #tpu.memory_space<vmem>>[vector<16xi32>, vector<16xi32>], vector<16xf32>,
          %broadcast_in_dim3A_441 = arith.constant 13 : i32
          %broadcast_in_dim3A_442 = vector.broadcast %broadcast_in_dim3A_441 : i32 to vector<16xi32>
          tpu.vector_store_idx %arg15[%add3A_348, %broadcast_in_dim3A_442], %gather3A_440 : memref<256x128xf32, #tpu.memory_space<vmem>>[vector<16xi32>, vector<16xi32>], vector<16xf32>,
          %add3A_443 = arith.constant 14 : i32
          %add3A_444 = vector.broadcast %add3A_443 : i32 to vector<16xi32>
          %add3A_445 = arith.addi %mul3A_358, %add3A_444 : vector<16xi32>
          %gather3A_446 = tpu.vector_load_idx %arg14[%add3A_348, %add3A_445] : memref<256x128xf32, #tpu.memory_space<vmem>>[vector<16xi32>, vector<16xi32>], vector<16xf32>,
          %broadcast_in_dim3A_447 = arith.constant 14 : i32
          %broadcast_in_dim3A_448 = vector.broadcast %broadcast_in_dim3A_447 : i32 to vector<16xi32>
          tpu.vector_store_idx %arg15[%add3A_348, %broadcast_in_dim3A_448], %gather3A_446 : memref<256x128xf32, #tpu.memory_space<vmem>>[vector<16xi32>, vector<16xi32>], vector<16xf32>,
          %add3A_449 = arith.constant 15 : i32
          %add3A_450 = vector.broadcast %add3A_449 : i32 to vector<16xi32>
          %add3A_451 = arith.addi %mul3A_358, %add3A_450 : vector<16xi32>
          %gather3A_452 = tpu.vector_load_idx %arg14[%add3A_348, %add3A_451] : memref<256x128xf32, #tpu.memory_space<vmem>>[vector<16xi32>, vector<16xi32>], vector<16xf32>,
          %broadcast_in_dim3A_453 = arith.constant 15 : i32
          %broadcast_in_dim3A_454 = vector.broadcast %broadcast_in_dim3A_453 : i32 to vector<16xi32>
          tpu.vector_store_idx %arg15[%add3A_348, %broadcast_in_dim3A_454], %gather3A_452 : memref<256x128xf32, #tpu.memory_space<vmem>>[vector<16xi32>, vector<16xi32>], vector<16xf32>,
          %add3A_455 = arith.constant 16 : i32
          %add3A_456 = vector.broadcast %add3A_455 : i32 to vector<16xi32>
          %add3A_457 = arith.addi %mul3A_358, %add3A_456 : vector<16xi32>
          %gather3A_458 = tpu.vector_load_idx %arg14[%add3A_348, %add3A_457] : memref<256x128xf32, #tpu.memory_space<vmem>>[vector<16xi32>, vector<16xi32>], vector<16xf32>,
          %broadcast_in_dim3A_459 = arith.constant 16 : i32
          %broadcast_in_dim3A_460 = vector.broadcast %broadcast_in_dim3A_459 : i32 to vector<16xi32>
          tpu.vector_store_idx %arg15[%add3A_348, %broadcast_in_dim3A_460], %gather3A_458 : memref<256x128xf32, #tpu.memory_space<vmem>>[vector<16xi32>, vector<16xi32>], vector<16xf32>,
          %add3A_461 = arith.constant 17 : i32
          %add3A_462 = vector.broadcast %add3A_461 : i32 to vector<16xi32>
          %add3A_463 = arith.addi %mul3A_358, %add3A_462 : vector<16xi32>
          %gather3A_464 = tpu.vector_load_idx %arg14[%add3A_348, %add3A_463] : memref<256x128xf32, #tpu.memory_space<vmem>>[vector<16xi32>, vector<16xi32>], vector<16xf32>,
          %broadcast_in_dim3A_465 = arith.constant 17 : i32
          %broadcast_in_dim3A_466 = vector.broadcast %broadcast_in_dim3A_465 : i32 to vector<16xi32>
          tpu.vector_store_idx %arg15[%add3A_348, %broadcast_in_dim3A_466], %gather3A_464 : memref<256x128xf32, #tpu.memory_space<vmem>>[vector<16xi32>, vector<16xi32>], vector<16xf32>,
          %add3A_467 = arith.constant 18 : i32
          %add3A_468 = vector.broadcast %add3A_467 : i32 to vector<16xi32>
          %add3A_469 = arith.addi %mul3A_358, %add3A_468 : vector<16xi32>
          %gather3A_470 = tpu.vector_load_idx %arg14[%add3A_348, %add3A_469] : memref<256x128xf32, #tpu.memory_space<vmem>>[vector<16xi32>, vector<16xi32>], vector<16xf32>,
          %broadcast_in_dim3A_471 = arith.constant 18 : i32
          %broadcast_in_dim3A_472 = vector.broadcast %broadcast_in_dim3A_471 : i32 to vector<16xi32>
          tpu.vector_store_idx %arg15[%add3A_348, %broadcast_in_dim3A_472], %gather3A_470 : memref<256x128xf32, #tpu.memory_space<vmem>>[vector<16xi32>, vector<16xi32>], vector<16xf32>,
          %add3A_473 = arith.constant 19 : i32
          %add3A_474 = vector.broadcast %add3A_473 : i32 to vector<16xi32>
          %add3A_475 = arith.addi %mul3A_358, %add3A_474 : vector<16xi32>
          %gather3A_476 = tpu.vector_load_idx %arg14[%add3A_348, %add3A_475] : memref<256x128xf32, #tpu.memory_space<vmem>>[vector<16xi32>, vector<16xi32>], vector<16xf32>,
          %broadcast_in_dim3A_477 = arith.constant 19 : i32
          %broadcast_in_dim3A_478 = vector.broadcast %broadcast_in_dim3A_477 : i32 to vector<16xi32>
          tpu.vector_store_idx %arg15[%add3A_348, %broadcast_in_dim3A_478], %gather3A_476 : memref<256x128xf32, #tpu.memory_space<vmem>>[vector<16xi32>, vector<16xi32>], vector<16xf32>,
          %add3A_479 = arith.constant 20 : i32
          %add3A_480 = vector.broadcast %add3A_479 : i32 to vector<16xi32>
          %add3A_481 = arith.addi %mul3A_358, %add3A_480 : vector<16xi32>
          %gather3A_482 = tpu.vector_load_idx %arg14[%add3A_348, %add3A_481] : memref<256x128xf32, #tpu.memory_space<vmem>>[vector<16xi32>, vector<16xi32>], vector<16xf32>,
          %broadcast_in_dim3A_483 = arith.constant 20 : i32
          %broadcast_in_dim3A_484 = vector.broadcast %broadcast_in_dim3A_483 : i32 to vector<16xi32>
          tpu.vector_store_idx %arg15[%add3A_348, %broadcast_in_dim3A_484], %gather3A_482 : memref<256x128xf32, #tpu.memory_space<vmem>>[vector<16xi32>, vector<16xi32>], vector<16xf32>,
          %add3A_485 = arith.constant 21 : i32
          %add3A_486 = vector.broadcast %add3A_485 : i32 to vector<16xi32>
          %add3A_487 = arith.addi %mul3A_358, %add3A_486 : vector<16xi32>
          %gather3A_488 = tpu.vector_load_idx %arg14[%add3A_348, %add3A_487] : memref<256x128xf32, #tpu.memory_space<vmem>>[vector<16xi32>, vector<16xi32>], vector<16xf32>,
          %broadcast_in_dim3A_489 = arith.constant 21 : i32
          %broadcast_in_dim3A_490 = vector.broadcast %broadcast_in_dim3A_489 : i32 to vector<16xi32>
          tpu.vector_store_idx %arg15[%add3A_348, %broadcast_in_dim3A_490], %gather3A_488 : memref<256x128xf32, #tpu.memory_space<vmem>>[vector<16xi32>, vector<16xi32>], vector<16xf32>,
          %add3A_491 = arith.constant 22 : i32
          %add3A_492 = vector.broadcast %add3A_491 : i32 to vector<16xi32>
          %add3A_493 = arith.addi %mul3A_358, %add3A_492 : vector<16xi32>
          %gather3A_494 = tpu.vector_load_idx %arg14[%add3A_348, %add3A_493] : memref<256x128xf32, #tpu.memory_space<vmem>>[vector<16xi32>, vector<16xi32>], vector<16xf32>,
          %broadcast_in_dim3A_495 = arith.constant 22 : i32
          %broadcast_in_dim3A_496 = vector.broadcast %broadcast_in_dim3A_495 : i32 to vector<16xi32>
          tpu.vector_store_idx %arg15[%add3A_348, %broadcast_in_dim3A_496], %gather3A_494 : memref<256x128xf32, #tpu.memory_space<vmem>>[vector<16xi32>, vector<16xi32>], vector<16xf32>,
          %add3A_497 = arith.constant 23 : i32
          %add3A_498 = vector.broadcast %add3A_497 : i32 to vector<16xi32>
          %add3A_499 = arith.addi %mul3A_358, %add3A_498 : vector<16xi32>
          %gather3A_500 = tpu.vector_load_idx %arg14[%add3A_348, %add3A_499] : memref<256x128xf32, #tpu.memory_space<vmem>>[vector<16xi32>, vector<16xi32>], vector<16xf32>,
          %broadcast_in_dim3A_501 = arith.constant 23 : i32
          %broadcast_in_dim3A_502 = vector.broadcast %broadcast_in_dim3A_501 : i32 to vector<16xi32>
          tpu.vector_store_idx %arg15[%add3A_348, %broadcast_in_dim3A_502], %gather3A_500 : memref<256x128xf32, #tpu.memory_space<vmem>>[vector<16xi32>, vector<16xi32>], vector<16xf32>,
          %add3A_503 = arith.constant 24 : i32
          %add3A_504 = vector.broadcast %add3A_503 : i32 to vector<16xi32>
          %add3A_505 = arith.addi %mul3A_358, %add3A_504 : vector<16xi32>
          %gather3A_506 = tpu.vector_load_idx %arg14[%add3A_348, %add3A_505] : memref<256x128xf32, #tpu.memory_space<vmem>>[vector<16xi32>, vector<16xi32>], vector<16xf32>,
          %broadcast_in_dim3A_507 = arith.constant 24 : i32
          %broadcast_in_dim3A_508 = vector.broadcast %broadcast_in_dim3A_507 : i32 to vector<16xi32>
          tpu.vector_store_idx %arg15[%add3A_348, %broadcast_in_dim3A_508], %gather3A_506 : memref<256x128xf32, #tpu.memory_space<vmem>>[vector<16xi32>, vector<16xi32>], vector<16xf32>,
          %add3A_509 = arith.constant 25 : i32
          %add3A_510 = vector.broadcast %add3A_509 : i32 to vector<16xi32>
          %add3A_511 = arith.addi %mul3A_358, %add3A_510 : vector<16xi32>
          %gather3A_512 = tpu.vector_load_idx %arg14[%add3A_348, %add3A_511] : memref<256x128xf32, #tpu.memory_space<vmem>>[vector<16xi32>, vector<16xi32>], vector<16xf32>,
          %broadcast_in_dim3A_513 = arith.constant 25 : i32
          %broadcast_in_dim3A_514 = vector.broadcast %broadcast_in_dim3A_513 : i32 to vector<16xi32>
          tpu.vector_store_idx %arg15[%add3A_348, %broadcast_in_dim3A_514], %gather3A_512 : memref<256x128xf32, #tpu.memory_space<vmem>>[vector<16xi32>, vector<16xi32>], vector<16xf32>,
          %add3A_515 = arith.constant 26 : i32
          %add3A_516 = vector.broadcast %add3A_515 : i32 to vector<16xi32>
          %add3A_517 = arith.addi %mul3A_358, %add3A_516 : vector<16xi32>
          %gather3A_518 = tpu.vector_load_idx %arg14[%add3A_348, %add3A_517] : memref<256x128xf32, #tpu.memory_space<vmem>>[vector<16xi32>, vector<16xi32>], vector<16xf32>,
          %broadcast_in_dim3A_519 = arith.constant 26 : i32
          %broadcast_in_dim3A_520 = vector.broadcast %broadcast_in_dim3A_519 : i32 to vector<16xi32>
          tpu.vector_store_idx %arg15[%add3A_348, %broadcast_in_dim3A_520], %gather3A_518 : memref<256x128xf32, #tpu.memory_space<vmem>>[vector<16xi32>, vector<16xi32>], vector<16xf32>,
          %add3A_521 = arith.constant 27 : i32
          %add3A_522 = vector.broadcast %add3A_521 : i32 to vector<16xi32>
          %add3A_523 = arith.addi %mul3A_358, %add3A_522 : vector<16xi32>
          %gather3A_524 = tpu.vector_load_idx %arg14[%add3A_348, %add3A_523] : memref<256x128xf32, #tpu.memory_space<vmem>>[vector<16xi32>, vector<16xi32>], vector<16xf32>,
          %broadcast_in_dim3A_525 = arith.constant 27 : i32
          %broadcast_in_dim3A_526 = vector.broadcast %broadcast_in_dim3A_525 : i32 to vector<16xi32>
          tpu.vector_store_idx %arg15[%add3A_348, %broadcast_in_dim3A_526], %gather3A_524 : memref<256x128xf32, #tpu.memory_space<vmem>>[vector<16xi32>, vector<16xi32>], vector<16xf32>,
          %add3A_527 = arith.constant 28 : i32
          %add3A_528 = vector.broadcast %add3A_527 : i32 to vector<16xi32>
          %add3A_529 = arith.addi %mul3A_358, %add3A_528 : vector<16xi32>
          %gather3A_530 = tpu.vector_load_idx %arg14[%add3A_348, %add3A_529] : memref<256x128xf32, #tpu.memory_space<vmem>>[vector<16xi32>, vector<16xi32>], vector<16xf32>,
          %broadcast_in_dim3A_531 = arith.constant 28 : i32
          %broadcast_in_dim3A_532 = vector.broadcast %broadcast_in_dim3A_531 : i32 to vector<16xi32>
          tpu.vector_store_idx %arg15[%add3A_348, %broadcast_in_dim3A_532], %gather3A_530 : memref<256x128xf32, #tpu.memory_space<vmem>>[vector<16xi32>, vector<16xi32>], vector<16xf32>,
          %add3A_533 = arith.constant 29 : i32
          %add3A_534 = vector.broadcast %add3A_533 : i32 to vector<16xi32>
          %add3A_535 = arith.addi %mul3A_358, %add3A_534 : vector<16xi32>
          %gather3A_536 = tpu.vector_load_idx %arg14[%add3A_348, %add3A_535] : memref<256x128xf32, #tpu.memory_space<vmem>>[vector<16xi32>, vector<16xi32>], vector<16xf32>,
          %broadcast_in_dim3A_537 = arith.constant 29 : i32
          %broadcast_in_dim3A_538 = vector.broadcast %broadcast_in_dim3A_537 : i32 to vector<16xi32>
          tpu.vector_store_idx %arg15[%add3A_348, %broadcast_in_dim3A_538], %gather3A_536 : memref<256x128xf32, #tpu.memory_space<vmem>>[vector<16xi32>, vector<16xi32>], vector<16xf32>,
          %add3A_539 = arith.constant 30 : i32
          %add3A_540 = vector.broadcast %add3A_539 : i32 to vector<16xi32>
          %add3A_541 = arith.addi %mul3A_358, %add3A_540 : vector<16xi32>
          %gather3A_542 = tpu.vector_load_idx %arg14[%add3A_348, %add3A_541] : memref<256x128xf32, #tpu.memory_space<vmem>>[vector<16xi32>, vector<16xi32>], vector<16xf32>,
          %broadcast_in_dim3A_543 = arith.constant 30 : i32
          %broadcast_in_dim3A_544 = vector.broadcast %broadcast_in_dim3A_543 : i32 to vector<16xi32>
          tpu.vector_store_idx %arg15[%add3A_348, %broadcast_in_dim3A_544], %gather3A_542 : memref<256x128xf32, #tpu.memory_space<vmem>>[vector<16xi32>, vector<16xi32>], vector<16xf32>,
          %add3A_545 = arith.constant 31 : i32
          %add3A_546 = vector.broadcast %add3A_545 : i32 to vector<16xi32>
          %add3A_547 = arith.addi %mul3A_358, %add3A_546 : vector<16xi32>
          %gather3A_548 = tpu.vector_load_idx %arg14[%add3A_348, %add3A_547] : memref<256x128xf32, #tpu.memory_space<vmem>>[vector<16xi32>, vector<16xi32>], vector<16xf32>,
          %broadcast_in_dim3A_549 = arith.constant 31 : i32
          %broadcast_in_dim3A_550 = vector.broadcast %broadcast_in_dim3A_549 : i32 to vector<16xi32>
          tpu.vector_store_idx %arg15[%add3A_348, %broadcast_in_dim3A_550], %gather3A_548 : memref<256x128xf32, #tpu.memory_space<vmem>>[vector<16xi32>, vector<16xi32>], vector<16xf32>,
          %add3A_551 = arith.constant 32 : i32
          %add3A_552 = vector.broadcast %add3A_551 : i32 to vector<16xi32>
          %add3A_553 = arith.addi %mul3A_358, %add3A_552 : vector<16xi32>
          %gather3A_554 = tpu.vector_load_idx %arg14[%add3A_348, %add3A_553] : memref<256x128xf32, #tpu.memory_space<vmem>>[vector<16xi32>, vector<16xi32>], vector<16xf32>,
          %broadcast_in_dim3A_555 = arith.constant 32 : i32
          %broadcast_in_dim3A_556 = vector.broadcast %broadcast_in_dim3A_555 : i32 to vector<16xi32>
          tpu.vector_store_idx %arg15[%add3A_348, %broadcast_in_dim3A_556], %gather3A_554 : memref<256x128xf32, #tpu.memory_space<vmem>>[vector<16xi32>, vector<16xi32>], vector<16xf32>,
          %add3A_557 = arith.constant 33 : i32
          %add3A_558 = vector.broadcast %add3A_557 : i32 to vector<16xi32>
          %add3A_559 = arith.addi %mul3A_358, %add3A_558 : vector<16xi32>
          %gather3A_560 = tpu.vector_load_idx %arg14[%add3A_348, %add3A_559] : memref<256x128xf32, #tpu.memory_space<vmem>>[vector<16xi32>, vector<16xi32>], vector<16xf32>,
          %broadcast_in_dim3A_561 = arith.constant 33 : i32
          %broadcast_in_dim3A_562 = vector.broadcast %broadcast_in_dim3A_561 : i32 to vector<16xi32>
          tpu.vector_store_idx %arg15[%add3A_348, %broadcast_in_dim3A_562], %gather3A_560 : memref<256x128xf32, #tpu.memory_space<vmem>>[vector<16xi32>, vector<16xi32>], vector<16xf32>,
          %add3A_563 = arith.constant 34 : i32
          %add3A_564 = vector.broadcast %add3A_563 : i32 to vector<16xi32>
          %add3A_565 = arith.addi %mul3A_358, %add3A_564 : vector<16xi32>
          %gather3A_566 = tpu.vector_load_idx %arg14[%add3A_348, %add3A_565] : memref<256x128xf32, #tpu.memory_space<vmem>>[vector<16xi32>, vector<16xi32>], vector<16xf32>,
          %broadcast_in_dim3A_567 = arith.constant 34 : i32
          %broadcast_in_dim3A_568 = vector.broadcast %broadcast_in_dim3A_567 : i32 to vector<16xi32>
          tpu.vector_store_idx %arg15[%add3A_348, %broadcast_in_dim3A_568], %gather3A_566 : memref<256x128xf32, #tpu.memory_space<vmem>>[vector<16xi32>, vector<16xi32>], vector<16xf32>,
          %add3A_569 = arith.constant 35 : i32
          %add3A_570 = vector.broadcast %add3A_569 : i32 to vector<16xi32>
          %add3A_571 = arith.addi %mul3A_358, %add3A_570 : vector<16xi32>
          %gather3A_572 = tpu.vector_load_idx %arg14[%add3A_348, %add3A_571] : memref<256x128xf32, #tpu.memory_space<vmem>>[vector<16xi32>, vector<16xi32>], vector<16xf32>,
          %broadcast_in_dim3A_573 = arith.constant 35 : i32
          %broadcast_in_dim3A_574 = vector.broadcast %broadcast_in_dim3A_573 : i32 to vector<16xi32>
          tpu.vector_store_idx %arg15[%add3A_348, %broadcast_in_dim3A_574], %gather3A_572 : memref<256x128xf32, #tpu.memory_space<vmem>>[vector<16xi32>, vector<16xi32>], vector<16xf32>,
          %add3A_575 = arith.constant 36 : i32
          %add3A_576 = vector.broadcast %add3A_575 : i32 to vector<16xi32>
          %add3A_577 = arith.addi %mul3A_358, %add3A_576 : vector<16xi32>
          %gather3A_578 = tpu.vector_load_idx %arg14[%add3A_348, %add3A_577] : memref<256x128xf32, #tpu.memory_space<vmem>>[vector<16xi32>, vector<16xi32>], vector<16xf32>,
          %broadcast_in_dim3A_579 = arith.constant 36 : i32
          %broadcast_in_dim3A_580 = vector.broadcast %broadcast_in_dim3A_579 : i32 to vector<16xi32>
          tpu.vector_store_idx %arg15[%add3A_348, %broadcast_in_dim3A_580], %gather3A_578 : memref<256x128xf32, #tpu.memory_space<vmem>>[vector<16xi32>, vector<16xi32>], vector<16xf32>,
          %add3A_581 = arith.constant 37 : i32
          %add3A_582 = vector.broadcast %add3A_581 : i32 to vector<16xi32>
          %add3A_583 = arith.addi %mul3A_358, %add3A_582 : vector<16xi32>
          %gather3A_584 = tpu.vector_load_idx %arg14[%add3A_348, %add3A_583] : memref<256x128xf32, #tpu.memory_space<vmem>>[vector<16xi32>, vector<16xi32>], vector<16xf32>,
          %broadcast_in_dim3A_585 = arith.constant 37 : i32
          %broadcast_in_dim3A_586 = vector.broadcast %broadcast_in_dim3A_585 : i32 to vector<16xi32>
          tpu.vector_store_idx %arg15[%add3A_348, %broadcast_in_dim3A_586], %gather3A_584 : memref<256x128xf32, #tpu.memory_space<vmem>>[vector<16xi32>, vector<16xi32>], vector<16xf32>,
          %add3A_587 = arith.constant 38 : i32
          %add3A_588 = vector.broadcast %add3A_587 : i32 to vector<16xi32>
          %add3A_589 = arith.addi %mul3A_358, %add3A_588 : vector<16xi32>
          %gather3A_590 = tpu.vector_load_idx %arg14[%add3A_348, %add3A_589] : memref<256x128xf32, #tpu.memory_space<vmem>>[vector<16xi32>, vector<16xi32>], vector<16xf32>,
          %broadcast_in_dim3A_591 = arith.constant 38 : i32
          %broadcast_in_dim3A_592 = vector.broadcast %broadcast_in_dim3A_591 : i32 to vector<16xi32>
          tpu.vector_store_idx %arg15[%add3A_348, %broadcast_in_dim3A_592], %gather3A_590 : memref<256x128xf32, #tpu.memory_space<vmem>>[vector<16xi32>, vector<16xi32>], vector<16xf32>,
          %add3A_593 = arith.constant 39 : i32
          %add3A_594 = vector.broadcast %add3A_593 : i32 to vector<16xi32>
          %add3A_595 = arith.addi %mul3A_358, %add3A_594 : vector<16xi32>
          %gather3A_596 = tpu.vector_load_idx %arg14[%add3A_348, %add3A_595] : memref<256x128xf32, #tpu.memory_space<vmem>>[vector<16xi32>, vector<16xi32>], vector<16xf32>,
          %broadcast_in_dim3A_597 = arith.constant 39 : i32
          %broadcast_in_dim3A_598 = vector.broadcast %broadcast_in_dim3A_597 : i32 to vector<16xi32>
          tpu.vector_store_idx %arg15[%add3A_348, %broadcast_in_dim3A_598], %gather3A_596 : memref<256x128xf32, #tpu.memory_space<vmem>>[vector<16xi32>, vector<16xi32>], vector<16xf32>,
          %add3A_599 = arith.constant 40 : i32
          %add3A_600 = vector.broadcast %add3A_599 : i32 to vector<16xi32>
          %add3A_601 = arith.addi %mul3A_358, %add3A_600 : vector<16xi32>
          %gather3A_602 = tpu.vector_load_idx %arg14[%add3A_348, %add3A_601] : memref<256x128xf32, #tpu.memory_space<vmem>>[vector<16xi32>, vector<16xi32>], vector<16xf32>,
          %broadcast_in_dim3A_603 = arith.constant 40 : i32
          %broadcast_in_dim3A_604 = vector.broadcast %broadcast_in_dim3A_603 : i32 to vector<16xi32>
          tpu.vector_store_idx %arg15[%add3A_348, %broadcast_in_dim3A_604], %gather3A_602 : memref<256x128xf32, #tpu.memory_space<vmem>>[vector<16xi32>, vector<16xi32>], vector<16xf32>,
          %add3A_605 = arith.constant 41 : i32
          %add3A_606 = vector.broadcast %add3A_605 : i32 to vector<16xi32>
          %add3A_607 = arith.addi %mul3A_358, %add3A_606 : vector<16xi32>
          %gather3A_608 = tpu.vector_load_idx %arg14[%add3A_348, %add3A_607] : memref<256x128xf32, #tpu.memory_space<vmem>>[vector<16xi32>, vector<16xi32>], vector<16xf32>,
          %broadcast_in_dim3A_609 = arith.constant 41 : i32
          %broadcast_in_dim3A_610 = vector.broadcast %broadcast_in_dim3A_609 : i32 to vector<16xi32>
          tpu.vector_store_idx %arg15[%add3A_348, %broadcast_in_dim3A_610], %gather3A_608 : memref<256x128xf32, #tpu.memory_space<vmem>>[vector<16xi32>, vector<16xi32>], vector<16xf32>,
          %add3A_611 = arith.constant 42 : i32
          %add3A_612 = vector.broadcast %add3A_611 : i32 to vector<16xi32>
          %add3A_613 = arith.addi %mul3A_358, %add3A_612 : vector<16xi32>
          %gather3A_614 = tpu.vector_load_idx %arg14[%add3A_348, %add3A_613] : memref<256x128xf32, #tpu.memory_space<vmem>>[vector<16xi32>, vector<16xi32>], vector<16xf32>,
          %broadcast_in_dim3A_615 = arith.constant 42 : i32
          %broadcast_in_dim3A_616 = vector.broadcast %broadcast_in_dim3A_615 : i32 to vector<16xi32>
          tpu.vector_store_idx %arg15[%add3A_348, %broadcast_in_dim3A_616], %gather3A_614 : memref<256x128xf32, #tpu.memory_space<vmem>>[vector<16xi32>, vector<16xi32>], vector<16xf32>,
          %add3A_617 = arith.constant 43 : i32
          %add3A_618 = vector.broadcast %add3A_617 : i32 to vector<16xi32>
          %add3A_619 = arith.addi %mul3A_358, %add3A_618 : vector<16xi32>
          %gather3A_620 = tpu.vector_load_idx %arg14[%add3A_348, %add3A_619] : memref<256x128xf32, #tpu.memory_space<vmem>>[vector<16xi32>, vector<16xi32>], vector<16xf32>,
          %broadcast_in_dim3A_621 = arith.constant 43 : i32
          %broadcast_in_dim3A_622 = vector.broadcast %broadcast_in_dim3A_621 : i32 to vector<16xi32>
          tpu.vector_store_idx %arg15[%add3A_348, %broadcast_in_dim3A_622], %gather3A_620 : memref<256x128xf32, #tpu.memory_space<vmem>>[vector<16xi32>, vector<16xi32>], vector<16xf32>,
          %add3A_623 = arith.constant 44 : i32
          %add3A_624 = vector.broadcast %add3A_623 : i32 to vector<16xi32>
          %add3A_625 = arith.addi %mul3A_358, %add3A_624 : vector<16xi32>
          %gather3A_626 = tpu.vector_load_idx %arg14[%add3A_348, %add3A_625] : memref<256x128xf32, #tpu.memory_space<vmem>>[vector<16xi32>, vector<16xi32>], vector<16xf32>,
          %broadcast_in_dim3A_627 = arith.constant 44 : i32
          %broadcast_in_dim3A_628 = vector.broadcast %broadcast_in_dim3A_627 : i32 to vector<16xi32>
          tpu.vector_store_idx %arg15[%add3A_348, %broadcast_in_dim3A_628], %gather3A_626 : memref<256x128xf32, #tpu.memory_space<vmem>>[vector<16xi32>, vector<16xi32>], vector<16xf32>,
          %add3A_629 = arith.constant 45 : i32
          %add3A_630 = vector.broadcast %add3A_629 : i32 to vector<16xi32>
          %add3A_631 = arith.addi %mul3A_358, %add3A_630 : vector<16xi32>
          %gather3A_632 = tpu.vector_load_idx %arg14[%add3A_348, %add3A_631] : memref<256x128xf32, #tpu.memory_space<vmem>>[vector<16xi32>, vector<16xi32>], vector<16xf32>,
          %broadcast_in_dim3A_633 = arith.constant 45 : i32
          %broadcast_in_dim3A_634 = vector.broadcast %broadcast_in_dim3A_633 : i32 to vector<16xi32>
          tpu.vector_store_idx %arg15[%add3A_348, %broadcast_in_dim3A_634], %gather3A_632 : memref<256x128xf32, #tpu.memory_space<vmem>>[vector<16xi32>, vector<16xi32>], vector<16xf32>,
          %add3A_635 = arith.constant 46 : i32
          %add3A_636 = vector.broadcast %add3A_635 : i32 to vector<16xi32>
          %add3A_637 = arith.addi %mul3A_358, %add3A_636 : vector<16xi32>
          %gather3A_638 = tpu.vector_load_idx %arg14[%add3A_348, %add3A_637] : memref<256x128xf32, #tpu.memory_space<vmem>>[vector<16xi32>, vector<16xi32>], vector<16xf32>,
          %broadcast_in_dim3A_639 = arith.constant 46 : i32
          %broadcast_in_dim3A_640 = vector.broadcast %broadcast_in_dim3A_639 : i32 to vector<16xi32>
          tpu.vector_store_idx %arg15[%add3A_348, %broadcast_in_dim3A_640], %gather3A_638 : memref<256x128xf32, #tpu.memory_space<vmem>>[vector<16xi32>, vector<16xi32>], vector<16xf32>,
          %add3A_641 = arith.constant 47 : i32
          %add3A_642 = vector.broadcast %add3A_641 : i32 to vector<16xi32>
          %add3A_643 = arith.addi %mul3A_358, %add3A_642 : vector<16xi32>
          %gather3A_644 = tpu.vector_load_idx %arg14[%add3A_348, %add3A_643] : memref<256x128xf32, #tpu.memory_space<vmem>>[vector<16xi32>, vector<16xi32>], vector<16xf32>,
          %broadcast_in_dim3A_645 = arith.constant 47 : i32
          %broadcast_in_dim3A_646 = vector.broadcast %broadcast_in_dim3A_645 : i32 to vector<16xi32>
          tpu.vector_store_idx %arg15[%add3A_348, %broadcast_in_dim3A_646], %gather3A_644 : memref<256x128xf32, #tpu.memory_space<vmem>>[vector<16xi32>, vector<16xi32>], vector<16xf32>,
          %add3A_647 = arith.constant 48 : i32
          %add3A_648 = vector.broadcast %add3A_647 : i32 to vector<16xi32>
          %add3A_649 = arith.addi %mul3A_358, %add3A_648 : vector<16xi32>
          %gather3A_650 = tpu.vector_load_idx %arg14[%add3A_348, %add3A_649] : memref<256x128xf32, #tpu.memory_space<vmem>>[vector<16xi32>, vector<16xi32>], vector<16xf32>,
          %broadcast_in_dim3A_651 = arith.constant 48 : i32
          %broadcast_in_dim3A_652 = vector.broadcast %broadcast_in_dim3A_651 : i32 to vector<16xi32>
          tpu.vector_store_idx %arg15[%add3A_348, %broadcast_in_dim3A_652], %gather3A_650 : memref<256x128xf32, #tpu.memory_space<vmem>>[vector<16xi32>, vector<16xi32>], vector<16xf32>,
          %add3A_653 = arith.constant 49 : i32
          %add3A_654 = vector.broadcast %add3A_653 : i32 to vector<16xi32>
          %add3A_655 = arith.addi %mul3A_358, %add3A_654 : vector<16xi32>
          %gather3A_656 = tpu.vector_load_idx %arg14[%add3A_348, %add3A_655] : memref<256x128xf32, #tpu.memory_space<vmem>>[vector<16xi32>, vector<16xi32>], vector<16xf32>,
          %broadcast_in_dim3A_657 = arith.constant 49 : i32
          %broadcast_in_dim3A_658 = vector.broadcast %broadcast_in_dim3A_657 : i32 to vector<16xi32>
          tpu.vector_store_idx %arg15[%add3A_348, %broadcast_in_dim3A_658], %gather3A_656 : memref<256x128xf32, #tpu.memory_space<vmem>>[vector<16xi32>, vector<16xi32>], vector<16xf32>,
          %add3A_659 = arith.constant 50 : i32
          %add3A_660 = vector.broadcast %add3A_659 : i32 to vector<16xi32>
          %add3A_661 = arith.addi %mul3A_358, %add3A_660 : vector<16xi32>
          %gather3A_662 = tpu.vector_load_idx %arg14[%add3A_348, %add3A_661] : memref<256x128xf32, #tpu.memory_space<vmem>>[vector<16xi32>, vector<16xi32>], vector<16xf32>,
          %broadcast_in_dim3A_663 = arith.constant 50 : i32
          %broadcast_in_dim3A_664 = vector.broadcast %broadcast_in_dim3A_663 : i32 to vector<16xi32>
          tpu.vector_store_idx %arg15[%add3A_348, %broadcast_in_dim3A_664], %gather3A_662 : memref<256x128xf32, #tpu.memory_space<vmem>>[vector<16xi32>, vector<16xi32>], vector<16xf32>,
          %add3A_665 = arith.constant 51 : i32
          %add3A_666 = vector.broadcast %add3A_665 : i32 to vector<16xi32>
          %add3A_667 = arith.addi %mul3A_358, %add3A_666 : vector<16xi32>
          %gather3A_668 = tpu.vector_load_idx %arg14[%add3A_348, %add3A_667] : memref<256x128xf32, #tpu.memory_space<vmem>>[vector<16xi32>, vector<16xi32>], vector<16xf32>,
          %broadcast_in_dim3A_669 = arith.constant 51 : i32
          %broadcast_in_dim3A_670 = vector.broadcast %broadcast_in_dim3A_669 : i32 to vector<16xi32>
          tpu.vector_store_idx %arg15[%add3A_348, %broadcast_in_dim3A_670], %gather3A_668 : memref<256x128xf32, #tpu.memory_space<vmem>>[vector<16xi32>, vector<16xi32>], vector<16xf32>,
          %add3A_671 = arith.constant 52 : i32
          %add3A_672 = vector.broadcast %add3A_671 : i32 to vector<16xi32>
          %add3A_673 = arith.addi %mul3A_358, %add3A_672 : vector<16xi32>
          %gather3A_674 = tpu.vector_load_idx %arg14[%add3A_348, %add3A_673] : memref<256x128xf32, #tpu.memory_space<vmem>>[vector<16xi32>, vector<16xi32>], vector<16xf32>,
          %broadcast_in_dim3A_675 = arith.constant 52 : i32
          %broadcast_in_dim3A_676 = vector.broadcast %broadcast_in_dim3A_675 : i32 to vector<16xi32>
          tpu.vector_store_idx %arg15[%add3A_348, %broadcast_in_dim3A_676], %gather3A_674 : memref<256x128xf32, #tpu.memory_space<vmem>>[vector<16xi32>, vector<16xi32>], vector<16xf32>,
          %add3A_677 = arith.constant 53 : i32
          %add3A_678 = vector.broadcast %add3A_677 : i32 to vector<16xi32>
          %add3A_679 = arith.addi %mul3A_358, %add3A_678 : vector<16xi32>
          %gather3A_680 = tpu.vector_load_idx %arg14[%add3A_348, %add3A_679] : memref<256x128xf32, #tpu.memory_space<vmem>>[vector<16xi32>, vector<16xi32>], vector<16xf32>,
          %broadcast_in_dim3A_681 = arith.constant 53 : i32
          %broadcast_in_dim3A_682 = vector.broadcast %broadcast_in_dim3A_681 : i32 to vector<16xi32>
          tpu.vector_store_idx %arg15[%add3A_348, %broadcast_in_dim3A_682], %gather3A_680 : memref<256x128xf32, #tpu.memory_space<vmem>>[vector<16xi32>, vector<16xi32>], vector<16xf32>,
          %add3A_683 = arith.constant 54 : i32
          %add3A_684 = vector.broadcast %add3A_683 : i32 to vector<16xi32>
          %add3A_685 = arith.addi %mul3A_358, %add3A_684 : vector<16xi32>
          %gather3A_686 = tpu.vector_load_idx %arg14[%add3A_348, %add3A_685] : memref<256x128xf32, #tpu.memory_space<vmem>>[vector<16xi32>, vector<16xi32>], vector<16xf32>,
          %broadcast_in_dim3A_687 = arith.constant 54 : i32
          %broadcast_in_dim3A_688 = vector.broadcast %broadcast_in_dim3A_687 : i32 to vector<16xi32>
          tpu.vector_store_idx %arg15[%add3A_348, %broadcast_in_dim3A_688], %gather3A_686 : memref<256x128xf32, #tpu.memory_space<vmem>>[vector<16xi32>, vector<16xi32>], vector<16xf32>,
          %add3A_689 = arith.constant 55 : i32
          %add3A_690 = vector.broadcast %add3A_689 : i32 to vector<16xi32>
          %add3A_691 = arith.addi %mul3A_358, %add3A_690 : vector<16xi32>
          %gather3A_692 = tpu.vector_load_idx %arg14[%add3A_348, %add3A_691] : memref<256x128xf32, #tpu.memory_space<vmem>>[vector<16xi32>, vector<16xi32>], vector<16xf32>,
          %broadcast_in_dim3A_693 = arith.constant 55 : i32
          %broadcast_in_dim3A_694 = vector.broadcast %broadcast_in_dim3A_693 : i32 to vector<16xi32>
          tpu.vector_store_idx %arg15[%add3A_348, %broadcast_in_dim3A_694], %gather3A_692 : memref<256x128xf32, #tpu.memory_space<vmem>>[vector<16xi32>, vector<16xi32>], vector<16xf32>,
          %add3A_695 = arith.constant 56 : i32
          %add3A_696 = vector.broadcast %add3A_695 : i32 to vector<16xi32>
          %add3A_697 = arith.addi %mul3A_358, %add3A_696 : vector<16xi32>
          %gather3A_698 = tpu.vector_load_idx %arg14[%add3A_348, %add3A_697] : memref<256x128xf32, #tpu.memory_space<vmem>>[vector<16xi32>, vector<16xi32>], vector<16xf32>,
          %broadcast_in_dim3A_699 = arith.constant 56 : i32
          %broadcast_in_dim3A_700 = vector.broadcast %broadcast_in_dim3A_699 : i32 to vector<16xi32>
          tpu.vector_store_idx %arg15[%add3A_348, %broadcast_in_dim3A_700], %gather3A_698 : memref<256x128xf32, #tpu.memory_space<vmem>>[vector<16xi32>, vector<16xi32>], vector<16xf32>,
          %add3A_701 = arith.constant 57 : i32
          %add3A_702 = vector.broadcast %add3A_701 : i32 to vector<16xi32>
          %add3A_703 = arith.addi %mul3A_358, %add3A_702 : vector<16xi32>
          %gather3A_704 = tpu.vector_load_idx %arg14[%add3A_348, %add3A_703] : memref<256x128xf32, #tpu.memory_space<vmem>>[vector<16xi32>, vector<16xi32>], vector<16xf32>,
          %broadcast_in_dim3A_705 = arith.constant 57 : i32
          %broadcast_in_dim3A_706 = vector.broadcast %broadcast_in_dim3A_705 : i32 to vector<16xi32>
          tpu.vector_store_idx %arg15[%add3A_348, %broadcast_in_dim3A_706], %gather3A_704 : memref<256x128xf32, #tpu.memory_space<vmem>>[vector<16xi32>, vector<16xi32>], vector<16xf32>,
          %add3A_707 = arith.constant 58 : i32
          %add3A_708 = vector.broadcast %add3A_707 : i32 to vector<16xi32>
          %add3A_709 = arith.addi %mul3A_358, %add3A_708 : vector<16xi32>
          %gather3A_710 = tpu.vector_load_idx %arg14[%add3A_348, %add3A_709] : memref<256x128xf32, #tpu.memory_space<vmem>>[vector<16xi32>, vector<16xi32>], vector<16xf32>,
          %broadcast_in_dim3A_711 = arith.constant 58 : i32
          %broadcast_in_dim3A_712 = vector.broadcast %broadcast_in_dim3A_711 : i32 to vector<16xi32>
          tpu.vector_store_idx %arg15[%add3A_348, %broadcast_in_dim3A_712], %gather3A_710 : memref<256x128xf32, #tpu.memory_space<vmem>>[vector<16xi32>, vector<16xi32>], vector<16xf32>,
          %add3A_713 = arith.constant 59 : i32
          %add3A_714 = vector.broadcast %add3A_713 : i32 to vector<16xi32>
          %add3A_715 = arith.addi %mul3A_358, %add3A_714 : vector<16xi32>
          %gather3A_716 = tpu.vector_load_idx %arg14[%add3A_348, %add3A_715] : memref<256x128xf32, #tpu.memory_space<vmem>>[vector<16xi32>, vector<16xi32>], vector<16xf32>,
          %broadcast_in_dim3A_717 = arith.constant 59 : i32
          %broadcast_in_dim3A_718 = vector.broadcast %broadcast_in_dim3A_717 : i32 to vector<16xi32>
          tpu.vector_store_idx %arg15[%add3A_348, %broadcast_in_dim3A_718], %gather3A_716 : memref<256x128xf32, #tpu.memory_space<vmem>>[vector<16xi32>, vector<16xi32>], vector<16xf32>,
          %add3A_719 = arith.constant 60 : i32
          %add3A_720 = vector.broadcast %add3A_719 : i32 to vector<16xi32>
          %add3A_721 = arith.addi %mul3A_358, %add3A_720 : vector<16xi32>
          %gather3A_722 = tpu.vector_load_idx %arg14[%add3A_348, %add3A_721] : memref<256x128xf32, #tpu.memory_space<vmem>>[vector<16xi32>, vector<16xi32>], vector<16xf32>,
          %broadcast_in_dim3A_723 = arith.constant 60 : i32
          %broadcast_in_dim3A_724 = vector.broadcast %broadcast_in_dim3A_723 : i32 to vector<16xi32>
          tpu.vector_store_idx %arg15[%add3A_348, %broadcast_in_dim3A_724], %gather3A_722 : memref<256x128xf32, #tpu.memory_space<vmem>>[vector<16xi32>, vector<16xi32>], vector<16xf32>,
          %add3A_725 = arith.constant 61 : i32
          %add3A_726 = vector.broadcast %add3A_725 : i32 to vector<16xi32>
          %add3A_727 = arith.addi %mul3A_358, %add3A_726 : vector<16xi32>
          %gather3A_728 = tpu.vector_load_idx %arg14[%add3A_348, %add3A_727] : memref<256x128xf32, #tpu.memory_space<vmem>>[vector<16xi32>, vector<16xi32>], vector<16xf32>,
          %broadcast_in_dim3A_729 = arith.constant 61 : i32
          %broadcast_in_dim3A_730 = vector.broadcast %broadcast_in_dim3A_729 : i32 to vector<16xi32>
          tpu.vector_store_idx %arg15[%add3A_348, %broadcast_in_dim3A_730], %gather3A_728 : memref<256x128xf32, #tpu.memory_space<vmem>>[vector<16xi32>, vector<16xi32>], vector<16xf32>,
          %add3A_731 = arith.constant 62 : i32
          %add3A_732 = vector.broadcast %add3A_731 : i32 to vector<16xi32>
          %add3A_733 = arith.addi %mul3A_358, %add3A_732 : vector<16xi32>
          %gather3A_734 = tpu.vector_load_idx %arg14[%add3A_348, %add3A_733] : memref<256x128xf32, #tpu.memory_space<vmem>>[vector<16xi32>, vector<16xi32>], vector<16xf32>,
          %broadcast_in_dim3A_735 = arith.constant 62 : i32
          %broadcast_in_dim3A_736 = vector.broadcast %broadcast_in_dim3A_735 : i32 to vector<16xi32>
          tpu.vector_store_idx %arg15[%add3A_348, %broadcast_in_dim3A_736], %gather3A_734 : memref<256x128xf32, #tpu.memory_space<vmem>>[vector<16xi32>, vector<16xi32>], vector<16xf32>,
          %add3A_737 = arith.constant 63 : i32
          %add3A_738 = vector.broadcast %add3A_737 : i32 to vector<16xi32>
          %add3A_739 = arith.addi %mul3A_358, %add3A_738 : vector<16xi32>
          %gather3A_740 = tpu.vector_load_idx %arg14[%add3A_348, %add3A_739] : memref<256x128xf32, #tpu.memory_space<vmem>>[vector<16xi32>, vector<16xi32>], vector<16xf32>,
          %broadcast_in_dim3A_741 = arith.constant 63 : i32
          %broadcast_in_dim3A_742 = vector.broadcast %broadcast_in_dim3A_741 : i32 to vector<16xi32>
          tpu.vector_store_idx %arg15[%add3A_348, %broadcast_in_dim3A_742], %gather3A_740 : memref<256x128xf32, #tpu.memory_space<vmem>>[vector<16xi32>, vector<16xi32>], vector<16xf32>,
          %while3A_743 = arith.constant 0 : i32
          scf.yield %while3A_743 : i32
        }
        %while3A_316 = arith.constant 1 : i32
        %while3A_317 = scf.for %while3A_343 = %while3A_313 to %while3A_309 step %while3A_316 iter_args(%while3A_344 = %while3A_315) -> (i32)  : i32 {
          %mul3A_345 = arith.constant 16 : i32
          %mul3A_346 = arith.muli %while3A_343, %mul3A_345 : i32
          %add3A_347 = vector.broadcast %mul3A_346 : i32 to vector<16xi32>
          %add3A_348 = arith.addi %add3A_347, %iota3A : vector<16xi32>
          %mul3A_349 = arith.constant 16 : i32
          %mul3A_350 = arith.muli %while3A_343, %mul3A_349 : i32
          %add3A_351 = arith.addi %mul3A_251, %mul3A_350 : i32
          %get3A = arith.index_cast %add3A_351 : i32 to index
          %get3A_352 = tpu.vector_load %arg13[%get3A] {strides = array<i32>} : memref<4672xi32, #tpu.memory_space<vmem>>, vector<16xi32>,
          %and3A_353 = arith.constant 1 : i32
          %and3A_354 = vector.broadcast %and3A_353 : i32 to vector<16xi32>
          %and3A_355 = arith.andi %get3A_352, %and3A_354 : vector<16xi32>
          %mul3A_356 = arith.constant 64 : i32
          %mul3A_357 = vector.broadcast %mul3A_356 : i32 to vector<16xi32>
          %mul3A_358 = arith.muli %and3A_355, %mul3A_357 : vector<16xi32>
          %add3A_359 = arith.constant 0 : i32
          %add3A_360 = vector.broadcast %add3A_359 : i32 to vector<16xi32>
          %add3A_361 = arith.addi %mul3A_358, %add3A_360 : vector<16xi32>
          %gather3A_362 = tpu.vector_load_idx %arg14[%add3A_348, %add3A_361] : memref<256x128xf32, #tpu.memory_space<vmem>>[vector<16xi32>, vector<16xi32>], vector<16xf32>,
          %broadcast_in_dim3A_363 = arith.constant 0 : i32
          %broadcast_in_dim3A_364 = vector.broadcast %broadcast_in_dim3A_363 : i32 to vector<16xi32>
          tpu.vector_store_idx %arg15[%add3A_348, %broadcast_in_dim3A_364], %gather3A_362 : memref<256x128xf32, #tpu.memory_space<vmem>>[vector<16xi32>, vector<16xi32>], vector<16xf32>,
          %add3A_365 = arith.constant 1 : i32
          %add3A_366 = vector.broadcast %add3A_365 : i32 to vector<16xi32>
          %add3A_367 = arith.addi %mul3A_358, %add3A_366 : vector<16xi32>
          %gather3A_368 = tpu.vector_load_idx %arg14[%add3A_348, %add3A_367] : memref<256x128xf32, #tpu.memory_space<vmem>>[vector<16xi32>, vector<16xi32>], vector<16xf32>,
          %broadcast_in_dim3A_369 = arith.constant 1 : i32
          %broadcast_in_dim3A_370 = vector.broadcast %broadcast_in_dim3A_369 : i32 to vector<16xi32>
          tpu.vector_store_idx %arg15[%add3A_348, %broadcast_in_dim3A_370], %gather3A_368 : memref<256x128xf32, #tpu.memory_space<vmem>>[vector<16xi32>, vector<16xi32>], vector<16xf32>,
          %add3A_371 = arith.constant 2 : i32
          %add3A_372 = vector.broadcast %add3A_371 : i32 to vector<16xi32>
          %add3A_373 = arith.addi %mul3A_358, %add3A_372 : vector<16xi32>
          %gather3A_374 = tpu.vector_load_idx %arg14[%add3A_348, %add3A_373] : memref<256x128xf32, #tpu.memory_space<vmem>>[vector<16xi32>, vector<16xi32>], vector<16xf32>,
          %broadcast_in_dim3A_375 = arith.constant 2 : i32
          %broadcast_in_dim3A_376 = vector.broadcast %broadcast_in_dim3A_375 : i32 to vector<16xi32>
          tpu.vector_store_idx %arg15[%add3A_348, %broadcast_in_dim3A_376], %gather3A_374 : memref<256x128xf32, #tpu.memory_space<vmem>>[vector<16xi32>, vector<16xi32>], vector<16xf32>,
          %add3A_377 = arith.constant 3 : i32
          %add3A_378 = vector.broadcast %add3A_377 : i32 to vector<16xi32>
          %add3A_379 = arith.addi %mul3A_358, %add3A_378 : vector<16xi32>
          %gather3A_380 = tpu.vector_load_idx %arg14[%add3A_348, %add3A_379] : memref<256x128xf32, #tpu.memory_space<vmem>>[vector<16xi32>, vector<16xi32>], vector<16xf32>,
          %broadcast_in_dim3A_381 = arith.constant 3 : i32
          %broadcast_in_dim3A_382 = vector.broadcast %broadcast_in_dim3A_381 : i32 to vector<16xi32>
          tpu.vector_store_idx %arg15[%add3A_348, %broadcast_in_dim3A_382], %gather3A_380 : memref<256x128xf32, #tpu.memory_space<vmem>>[vector<16xi32>, vector<16xi32>], vector<16xf32>,
          %add3A_383 = arith.constant 4 : i32
          %add3A_384 = vector.broadcast %add3A_383 : i32 to vector<16xi32>
          %add3A_385 = arith.addi %mul3A_358, %add3A_384 : vector<16xi32>
          %gather3A_386 = tpu.vector_load_idx %arg14[%add3A_348, %add3A_385] : memref<256x128xf32, #tpu.memory_space<vmem>>[vector<16xi32>, vector<16xi32>], vector<16xf32>,
          %broadcast_in_dim3A_387 = arith.constant 4 : i32
          %broadcast_in_dim3A_388 = vector.broadcast %broadcast_in_dim3A_387 : i32 to vector<16xi32>
          tpu.vector_store_idx %arg15[%add3A_348, %broadcast_in_dim3A_388], %gather3A_386 : memref<256x128xf32, #tpu.memory_space<vmem>>[vector<16xi32>, vector<16xi32>], vector<16xf32>,
          %add3A_389 = arith.constant 5 : i32
          %add3A_390 = vector.broadcast %add3A_389 : i32 to vector<16xi32>
          %add3A_391 = arith.addi %mul3A_358, %add3A_390 : vector<16xi32>
          %gather3A_392 = tpu.vector_load_idx %arg14[%add3A_348, %add3A_391] : memref<256x128xf32, #tpu.memory_space<vmem>>[vector<16xi32>, vector<16xi32>], vector<16xf32>,
          %broadcast_in_dim3A_393 = arith.constant 5 : i32
          %broadcast_in_dim3A_394 = vector.broadcast %broadcast_in_dim3A_393 : i32 to vector<16xi32>
          tpu.vector_store_idx %arg15[%add3A_348, %broadcast_in_dim3A_394], %gather3A_392 : memref<256x128xf32, #tpu.memory_space<vmem>>[vector<16xi32>, vector<16xi32>], vector<16xf32>,
          %add3A_395 = arith.constant 6 : i32
          %add3A_396 = vector.broadcast %add3A_395 : i32 to vector<16xi32>
          %add3A_397 = arith.addi %mul3A_358, %add3A_396 : vector<16xi32>
          %gather3A_398 = tpu.vector_load_idx %arg14[%add3A_348, %add3A_397] : memref<256x128xf32, #tpu.memory_space<vmem>>[vector<16xi32>, vector<16xi32>], vector<16xf32>,
          %broadcast_in_dim3A_399 = arith.constant 6 : i32
          %broadcast_in_dim3A_400 = vector.broadcast %broadcast_in_dim3A_399 : i32 to vector<16xi32>
          tpu.vector_store_idx %arg15[%add3A_348, %broadcast_in_dim3A_400], %gather3A_398 : memref<256x128xf32, #tpu.memory_space<vmem>>[vector<16xi32>, vector<16xi32>], vector<16xf32>,
          %add3A_401 = arith.constant 7 : i32
          %add3A_402 = vector.broadcast %add3A_401 : i32 to vector<16xi32>
          %add3A_403 = arith.addi %mul3A_358, %add3A_402 : vector<16xi32>
          %gather3A_404 = tpu.vector_load_idx %arg14[%add3A_348, %add3A_403] : memref<256x128xf32, #tpu.memory_space<vmem>>[vector<16xi32>, vector<16xi32>], vector<16xf32>,
          %broadcast_in_dim3A_405 = arith.constant 7 : i32
          %broadcast_in_dim3A_406 = vector.broadcast %broadcast_in_dim3A_405 : i32 to vector<16xi32>
          tpu.vector_store_idx %arg15[%add3A_348, %broadcast_in_dim3A_406], %gather3A_404 : memref<256x128xf32, #tpu.memory_space<vmem>>[vector<16xi32>, vector<16xi32>], vector<16xf32>,
          %add3A_407 = arith.constant 8 : i32
          %add3A_408 = vector.broadcast %add3A_407 : i32 to vector<16xi32>
          %add3A_409 = arith.addi %mul3A_358, %add3A_408 : vector<16xi32>
          %gather3A_410 = tpu.vector_load_idx %arg14[%add3A_348, %add3A_409] : memref<256x128xf32, #tpu.memory_space<vmem>>[vector<16xi32>, vector<16xi32>], vector<16xf32>,
          %broadcast_in_dim3A_411 = arith.constant 8 : i32
          %broadcast_in_dim3A_412 = vector.broadcast %broadcast_in_dim3A_411 : i32 to vector<16xi32>
          tpu.vector_store_idx %arg15[%add3A_348, %broadcast_in_dim3A_412], %gather3A_410 : memref<256x128xf32, #tpu.memory_space<vmem>>[vector<16xi32>, vector<16xi32>], vector<16xf32>,
          %add3A_413 = arith.constant 9 : i32
          %add3A_414 = vector.broadcast %add3A_413 : i32 to vector<16xi32>
          %add3A_415 = arith.addi %mul3A_358, %add3A_414 : vector<16xi32>
          %gather3A_416 = tpu.vector_load_idx %arg14[%add3A_348, %add3A_415] : memref<256x128xf32, #tpu.memory_space<vmem>>[vector<16xi32>, vector<16xi32>], vector<16xf32>,
          %broadcast_in_dim3A_417 = arith.constant 9 : i32
          %broadcast_in_dim3A_418 = vector.broadcast %broadcast_in_dim3A_417 : i32 to vector<16xi32>
          tpu.vector_store_idx %arg15[%add3A_348, %broadcast_in_dim3A_418], %gather3A_416 : memref<256x128xf32, #tpu.memory_space<vmem>>[vector<16xi32>, vector<16xi32>], vector<16xf32>,
          %add3A_419 = arith.constant 10 : i32
          %add3A_420 = vector.broadcast %add3A_419 : i32 to vector<16xi32>
          %add3A_421 = arith.addi %mul3A_358, %add3A_420 : vector<16xi32>
          %gather3A_422 = tpu.vector_load_idx %arg14[%add3A_348, %add3A_421] : memref<256x128xf32, #tpu.memory_space<vmem>>[vector<16xi32>, vector<16xi32>], vector<16xf32>,
          %broadcast_in_dim3A_423 = arith.constant 10 : i32
          %broadcast_in_dim3A_424 = vector.broadcast %broadcast_in_dim3A_423 : i32 to vector<16xi32>
          tpu.vector_store_idx %arg15[%add3A_348, %broadcast_in_dim3A_424], %gather3A_422 : memref<256x128xf32, #tpu.memory_space<vmem>>[vector<16xi32>, vector<16xi32>], vector<16xf32>,
          %add3A_425 = arith.constant 11 : i32
          %add3A_426 = vector.broadcast %add3A_425 : i32 to vector<16xi32>
          %add3A_427 = arith.addi %mul3A_358, %add3A_426 : vector<16xi32>
          %gather3A_428 = tpu.vector_load_idx %arg14[%add3A_348, %add3A_427] : memref<256x128xf32, #tpu.memory_space<vmem>>[vector<16xi32>, vector<16xi32>], vector<16xf32>,
          %broadcast_in_dim3A_429 = arith.constant 11 : i32
          %broadcast_in_dim3A_430 = vector.broadcast %broadcast_in_dim3A_429 : i32 to vector<16xi32>
          tpu.vector_store_idx %arg15[%add3A_348, %broadcast_in_dim3A_430], %gather3A_428 : memref<256x128xf32, #tpu.memory_space<vmem>>[vector<16xi32>, vector<16xi32>], vector<16xf32>,
          %add3A_431 = arith.constant 12 : i32
          %add3A_432 = vector.broadcast %add3A_431 : i32 to vector<16xi32>
          %add3A_433 = arith.addi %mul3A_358, %add3A_432 : vector<16xi32>
          %gather3A_434 = tpu.vector_load_idx %arg14[%add3A_348, %add3A_433] : memref<256x128xf32, #tpu.memory_space<vmem>>[vector<16xi32>, vector<16xi32>], vector<16xf32>,
          %broadcast_in_dim3A_435 = arith.constant 12 : i32
          %broadcast_in_dim3A_436 = vector.broadcast %broadcast_in_dim3A_435 : i32 to vector<16xi32>
          tpu.vector_store_idx %arg15[%add3A_348, %broadcast_in_dim3A_436], %gather3A_434 : memref<256x128xf32, #tpu.memory_space<vmem>>[vector<16xi32>, vector<16xi32>], vector<16xf32>,
          %add3A_437 = arith.constant 13 : i32
          %add3A_438 = vector.broadcast %add3A_437 : i32 to vector<16xi32>
          %add3A_439 = arith.addi %mul3A_358, %add3A_438 : vector<16xi32>
          %gather3A_440 = tpu.vector_load_idx %arg14[%add3A_348, %add3A_439] : memref<256x128xf32, #tpu.memory_space<vmem>>[vector<16xi32>, vector<16xi32>], vector<16xf32>,
          %broadcast_in_dim3A_441 = arith.constant 13 : i32
          %broadcast_in_dim3A_442 = vector.broadcast %broadcast_in_dim3A_441 : i32 to vector<16xi32>
          tpu.vector_store_idx %arg15[%add3A_348, %broadcast_in_dim3A_442], %gather3A_440 : memref<256x128xf32, #tpu.memory_space<vmem>>[vector<16xi32>, vector<16xi32>], vector<16xf32>,
          %add3A_443 = arith.constant 14 : i32
          %add3A_444 = vector.broadcast %add3A_443 : i32 to vector<16xi32>
          %add3A_445 = arith.addi %mul3A_358, %add3A_444 : vector<16xi32>
          %gather3A_446 = tpu.vector_load_idx %arg14[%add3A_348, %add3A_445] : memref<256x128xf32, #tpu.memory_space<vmem>>[vector<16xi32>, vector<16xi32>], vector<16xf32>,
          %broadcast_in_dim3A_447 = arith.constant 14 : i32
          %broadcast_in_dim3A_448 = vector.broadcast %broadcast_in_dim3A_447 : i32 to vector<16xi32>
          tpu.vector_store_idx %arg15[%add3A_348, %broadcast_in_dim3A_448], %gather3A_446 : memref<256x128xf32, #tpu.memory_space<vmem>>[vector<16xi32>, vector<16xi32>], vector<16xf32>,
          %add3A_449 = arith.constant 15 : i32
          %add3A_450 = vector.broadcast %add3A_449 : i32 to vector<16xi32>
          %add3A_451 = arith.addi %mul3A_358, %add3A_450 : vector<16xi32>
          %gather3A_452 = tpu.vector_load_idx %arg14[%add3A_348, %add3A_451] : memref<256x128xf32, #tpu.memory_space<vmem>>[vector<16xi32>, vector<16xi32>], vector<16xf32>,
          %broadcast_in_dim3A_453 = arith.constant 15 : i32
          %broadcast_in_dim3A_454 = vector.broadcast %broadcast_in_dim3A_453 : i32 to vector<16xi32>
          tpu.vector_store_idx %arg15[%add3A_348, %broadcast_in_dim3A_454], %gather3A_452 : memref<256x128xf32, #tpu.memory_space<vmem>>[vector<16xi32>, vector<16xi32>], vector<16xf32>,
          %add3A_455 = arith.constant 16 : i32
          %add3A_456 = vector.broadcast %add3A_455 : i32 to vector<16xi32>
          %add3A_457 = arith.addi %mul3A_358, %add3A_456 : vector<16xi32>
          %gather3A_458 = tpu.vector_load_idx %arg14[%add3A_348, %add3A_457] : memref<256x128xf32, #tpu.memory_space<vmem>>[vector<16xi32>, vector<16xi32>], vector<16xf32>,
          %broadcast_in_dim3A_459 = arith.constant 16 : i32
          %broadcast_in_dim3A_460 = vector.broadcast %broadcast_in_dim3A_459 : i32 to vector<16xi32>
          tpu.vector_store_idx %arg15[%add3A_348, %broadcast_in_dim3A_460], %gather3A_458 : memref<256x128xf32, #tpu.memory_space<vmem>>[vector<16xi32>, vector<16xi32>], vector<16xf32>,
          %add3A_461 = arith.constant 17 : i32
          %add3A_462 = vector.broadcast %add3A_461 : i32 to vector<16xi32>
          %add3A_463 = arith.addi %mul3A_358, %add3A_462 : vector<16xi32>
          %gather3A_464 = tpu.vector_load_idx %arg14[%add3A_348, %add3A_463] : memref<256x128xf32, #tpu.memory_space<vmem>>[vector<16xi32>, vector<16xi32>], vector<16xf32>,
          %broadcast_in_dim3A_465 = arith.constant 17 : i32
          %broadcast_in_dim3A_466 = vector.broadcast %broadcast_in_dim3A_465 : i32 to vector<16xi32>
          tpu.vector_store_idx %arg15[%add3A_348, %broadcast_in_dim3A_466], %gather3A_464 : memref<256x128xf32, #tpu.memory_space<vmem>>[vector<16xi32>, vector<16xi32>], vector<16xf32>,
          %add3A_467 = arith.constant 18 : i32
          %add3A_468 = vector.broadcast %add3A_467 : i32 to vector<16xi32>
          %add3A_469 = arith.addi %mul3A_358, %add3A_468 : vector<16xi32>
          %gather3A_470 = tpu.vector_load_idx %arg14[%add3A_348, %add3A_469] : memref<256x128xf32, #tpu.memory_space<vmem>>[vector<16xi32>, vector<16xi32>], vector<16xf32>,
          %broadcast_in_dim3A_471 = arith.constant 18 : i32
          %broadcast_in_dim3A_472 = vector.broadcast %broadcast_in_dim3A_471 : i32 to vector<16xi32>
          tpu.vector_store_idx %arg15[%add3A_348, %broadcast_in_dim3A_472], %gather3A_470 : memref<256x128xf32, #tpu.memory_space<vmem>>[vector<16xi32>, vector<16xi32>], vector<16xf32>,
          %add3A_473 = arith.constant 19 : i32
          %add3A_474 = vector.broadcast %add3A_473 : i32 to vector<16xi32>
          %add3A_475 = arith.addi %mul3A_358, %add3A_474 : vector<16xi32>
          %gather3A_476 = tpu.vector_load_idx %arg14[%add3A_348, %add3A_475] : memref<256x128xf32, #tpu.memory_space<vmem>>[vector<16xi32>, vector<16xi32>], vector<16xf32>,
          %broadcast_in_dim3A_477 = arith.constant 19 : i32
          %broadcast_in_dim3A_478 = vector.broadcast %broadcast_in_dim3A_477 : i32 to vector<16xi32>
          tpu.vector_store_idx %arg15[%add3A_348, %broadcast_in_dim3A_478], %gather3A_476 : memref<256x128xf32, #tpu.memory_space<vmem>>[vector<16xi32>, vector<16xi32>], vector<16xf32>,
          %add3A_479 = arith.constant 20 : i32
          %add3A_480 = vector.broadcast %add3A_479 : i32 to vector<16xi32>
          %add3A_481 = arith.addi %mul3A_358, %add3A_480 : vector<16xi32>
          %gather3A_482 = tpu.vector_load_idx %arg14[%add3A_348, %add3A_481] : memref<256x128xf32, #tpu.memory_space<vmem>>[vector<16xi32>, vector<16xi32>], vector<16xf32>,
          %broadcast_in_dim3A_483 = arith.constant 20 : i32
          %broadcast_in_dim3A_484 = vector.broadcast %broadcast_in_dim3A_483 : i32 to vector<16xi32>
          tpu.vector_store_idx %arg15[%add3A_348, %broadcast_in_dim3A_484], %gather3A_482 : memref<256x128xf32, #tpu.memory_space<vmem>>[vector<16xi32>, vector<16xi32>], vector<16xf32>,
          %add3A_485 = arith.constant 21 : i32
          %add3A_486 = vector.broadcast %add3A_485 : i32 to vector<16xi32>
          %add3A_487 = arith.addi %mul3A_358, %add3A_486 : vector<16xi32>
          %gather3A_488 = tpu.vector_load_idx %arg14[%add3A_348, %add3A_487] : memref<256x128xf32, #tpu.memory_space<vmem>>[vector<16xi32>, vector<16xi32>], vector<16xf32>,
          %broadcast_in_dim3A_489 = arith.constant 21 : i32
          %broadcast_in_dim3A_490 = vector.broadcast %broadcast_in_dim3A_489 : i32 to vector<16xi32>
          tpu.vector_store_idx %arg15[%add3A_348, %broadcast_in_dim3A_490], %gather3A_488 : memref<256x128xf32, #tpu.memory_space<vmem>>[vector<16xi32>, vector<16xi32>], vector<16xf32>,
          %add3A_491 = arith.constant 22 : i32
          %add3A_492 = vector.broadcast %add3A_491 : i32 to vector<16xi32>
          %add3A_493 = arith.addi %mul3A_358, %add3A_492 : vector<16xi32>
          %gather3A_494 = tpu.vector_load_idx %arg14[%add3A_348, %add3A_493] : memref<256x128xf32, #tpu.memory_space<vmem>>[vector<16xi32>, vector<16xi32>], vector<16xf32>,
          %broadcast_in_dim3A_495 = arith.constant 22 : i32
          %broadcast_in_dim3A_496 = vector.broadcast %broadcast_in_dim3A_495 : i32 to vector<16xi32>
          tpu.vector_store_idx %arg15[%add3A_348, %broadcast_in_dim3A_496], %gather3A_494 : memref<256x128xf32, #tpu.memory_space<vmem>>[vector<16xi32>, vector<16xi32>], vector<16xf32>,
          %add3A_497 = arith.constant 23 : i32
          %add3A_498 = vector.broadcast %add3A_497 : i32 to vector<16xi32>
          %add3A_499 = arith.addi %mul3A_358, %add3A_498 : vector<16xi32>
          %gather3A_500 = tpu.vector_load_idx %arg14[%add3A_348, %add3A_499] : memref<256x128xf32, #tpu.memory_space<vmem>>[vector<16xi32>, vector<16xi32>], vector<16xf32>,
          %broadcast_in_dim3A_501 = arith.constant 23 : i32
          %broadcast_in_dim3A_502 = vector.broadcast %broadcast_in_dim3A_501 : i32 to vector<16xi32>
          tpu.vector_store_idx %arg15[%add3A_348, %broadcast_in_dim3A_502], %gather3A_500 : memref<256x128xf32, #tpu.memory_space<vmem>>[vector<16xi32>, vector<16xi32>], vector<16xf32>,
          %add3A_503 = arith.constant 24 : i32
          %add3A_504 = vector.broadcast %add3A_503 : i32 to vector<16xi32>
          %add3A_505 = arith.addi %mul3A_358, %add3A_504 : vector<16xi32>
          %gather3A_506 = tpu.vector_load_idx %arg14[%add3A_348, %add3A_505] : memref<256x128xf32, #tpu.memory_space<vmem>>[vector<16xi32>, vector<16xi32>], vector<16xf32>,
          %broadcast_in_dim3A_507 = arith.constant 24 : i32
          %broadcast_in_dim3A_508 = vector.broadcast %broadcast_in_dim3A_507 : i32 to vector<16xi32>
          tpu.vector_store_idx %arg15[%add3A_348, %broadcast_in_dim3A_508], %gather3A_506 : memref<256x128xf32, #tpu.memory_space<vmem>>[vector<16xi32>, vector<16xi32>], vector<16xf32>,
          %add3A_509 = arith.constant 25 : i32
          %add3A_510 = vector.broadcast %add3A_509 : i32 to vector<16xi32>
          %add3A_511 = arith.addi %mul3A_358, %add3A_510 : vector<16xi32>
          %gather3A_512 = tpu.vector_load_idx %arg14[%add3A_348, %add3A_511] : memref<256x128xf32, #tpu.memory_space<vmem>>[vector<16xi32>, vector<16xi32>], vector<16xf32>,
          %broadcast_in_dim3A_513 = arith.constant 25 : i32
          %broadcast_in_dim3A_514 = vector.broadcast %broadcast_in_dim3A_513 : i32 to vector<16xi32>
          tpu.vector_store_idx %arg15[%add3A_348, %broadcast_in_dim3A_514], %gather3A_512 : memref<256x128xf32, #tpu.memory_space<vmem>>[vector<16xi32>, vector<16xi32>], vector<16xf32>,
          %add3A_515 = arith.constant 26 : i32
          %add3A_516 = vector.broadcast %add3A_515 : i32 to vector<16xi32>
          %add3A_517 = arith.addi %mul3A_358, %add3A_516 : vector<16xi32>
          %gather3A_518 = tpu.vector_load_idx %arg14[%add3A_348, %add3A_517] : memref<256x128xf32, #tpu.memory_space<vmem>>[vector<16xi32>, vector<16xi32>], vector<16xf32>,
          %broadcast_in_dim3A_519 = arith.constant 26 : i32
          %broadcast_in_dim3A_520 = vector.broadcast %broadcast_in_dim3A_519 : i32 to vector<16xi32>
          tpu.vector_store_idx %arg15[%add3A_348, %broadcast_in_dim3A_520], %gather3A_518 : memref<256x128xf32, #tpu.memory_space<vmem>>[vector<16xi32>, vector<16xi32>], vector<16xf32>,
          %add3A_521 = arith.constant 27 : i32
          %add3A_522 = vector.broadcast %add3A_521 : i32 to vector<16xi32>
          %add3A_523 = arith.addi %mul3A_358, %add3A_522 : vector<16xi32>
          %gather3A_524 = tpu.vector_load_idx %arg14[%add3A_348, %add3A_523] : memref<256x128xf32, #tpu.memory_space<vmem>>[vector<16xi32>, vector<16xi32>], vector<16xf32>,
          %broadcast_in_dim3A_525 = arith.constant 27 : i32
          %broadcast_in_dim3A_526 = vector.broadcast %broadcast_in_dim3A_525 : i32 to vector<16xi32>
          tpu.vector_store_idx %arg15[%add3A_348, %broadcast_in_dim3A_526], %gather3A_524 : memref<256x128xf32, #tpu.memory_space<vmem>>[vector<16xi32>, vector<16xi32>], vector<16xf32>,
          %add3A_527 = arith.constant 28 : i32
          %add3A_528 = vector.broadcast %add3A_527 : i32 to vector<16xi32>
          %add3A_529 = arith.addi %mul3A_358, %add3A_528 : vector<16xi32>
          %gather3A_530 = tpu.vector_load_idx %arg14[%add3A_348, %add3A_529] : memref<256x128xf32, #tpu.memory_space<vmem>>[vector<16xi32>, vector<16xi32>], vector<16xf32>,
          %broadcast_in_dim3A_531 = arith.constant 28 : i32
          %broadcast_in_dim3A_532 = vector.broadcast %broadcast_in_dim3A_531 : i32 to vector<16xi32>
          tpu.vector_store_idx %arg15[%add3A_348, %broadcast_in_dim3A_532], %gather3A_530 : memref<256x128xf32, #tpu.memory_space<vmem>>[vector<16xi32>, vector<16xi32>], vector<16xf32>,
          %add3A_533 = arith.constant 29 : i32
          %add3A_534 = vector.broadcast %add3A_533 : i32 to vector<16xi32>
          %add3A_535 = arith.addi %mul3A_358, %add3A_534 : vector<16xi32>
          %gather3A_536 = tpu.vector_load_idx %arg14[%add3A_348, %add3A_535] : memref<256x128xf32, #tpu.memory_space<vmem>>[vector<16xi32>, vector<16xi32>], vector<16xf32>,
          %broadcast_in_dim3A_537 = arith.constant 29 : i32
          %broadcast_in_dim3A_538 = vector.broadcast %broadcast_in_dim3A_537 : i32 to vector<16xi32>
          tpu.vector_store_idx %arg15[%add3A_348, %broadcast_in_dim3A_538], %gather3A_536 : memref<256x128xf32, #tpu.memory_space<vmem>>[vector<16xi32>, vector<16xi32>], vector<16xf32>,
          %add3A_539 = arith.constant 30 : i32
          %add3A_540 = vector.broadcast %add3A_539 : i32 to vector<16xi32>
          %add3A_541 = arith.addi %mul3A_358, %add3A_540 : vector<16xi32>
          %gather3A_542 = tpu.vector_load_idx %arg14[%add3A_348, %add3A_541] : memref<256x128xf32, #tpu.memory_space<vmem>>[vector<16xi32>, vector<16xi32>], vector<16xf32>,
          %broadcast_in_dim3A_543 = arith.constant 30 : i32
          %broadcast_in_dim3A_544 = vector.broadcast %broadcast_in_dim3A_543 : i32 to vector<16xi32>
          tpu.vector_store_idx %arg15[%add3A_348, %broadcast_in_dim3A_544], %gather3A_542 : memref<256x128xf32, #tpu.memory_space<vmem>>[vector<16xi32>, vector<16xi32>], vector<16xf32>,
          %add3A_545 = arith.constant 31 : i32
          %add3A_546 = vector.broadcast %add3A_545 : i32 to vector<16xi32>
          %add3A_547 = arith.addi %mul3A_358, %add3A_546 : vector<16xi32>
          %gather3A_548 = tpu.vector_load_idx %arg14[%add3A_348, %add3A_547] : memref<256x128xf32, #tpu.memory_space<vmem>>[vector<16xi32>, vector<16xi32>], vector<16xf32>,
          %broadcast_in_dim3A_549 = arith.constant 31 : i32
          %broadcast_in_dim3A_550 = vector.broadcast %broadcast_in_dim3A_549 : i32 to vector<16xi32>
          tpu.vector_store_idx %arg15[%add3A_348, %broadcast_in_dim3A_550], %gather3A_548 : memref<256x128xf32, #tpu.memory_space<vmem>>[vector<16xi32>, vector<16xi32>], vector<16xf32>,
          %add3A_551 = arith.constant 32 : i32
          %add3A_552 = vector.broadcast %add3A_551 : i32 to vector<16xi32>
          %add3A_553 = arith.addi %mul3A_358, %add3A_552 : vector<16xi32>
          %gather3A_554 = tpu.vector_load_idx %arg14[%add3A_348, %add3A_553] : memref<256x128xf32, #tpu.memory_space<vmem>>[vector<16xi32>, vector<16xi32>], vector<16xf32>,
          %broadcast_in_dim3A_555 = arith.constant 32 : i32
          %broadcast_in_dim3A_556 = vector.broadcast %broadcast_in_dim3A_555 : i32 to vector<16xi32>
          tpu.vector_store_idx %arg15[%add3A_348, %broadcast_in_dim3A_556], %gather3A_554 : memref<256x128xf32, #tpu.memory_space<vmem>>[vector<16xi32>, vector<16xi32>], vector<16xf32>,
          %add3A_557 = arith.constant 33 : i32
          %add3A_558 = vector.broadcast %add3A_557 : i32 to vector<16xi32>
          %add3A_559 = arith.addi %mul3A_358, %add3A_558 : vector<16xi32>
          %gather3A_560 = tpu.vector_load_idx %arg14[%add3A_348, %add3A_559] : memref<256x128xf32, #tpu.memory_space<vmem>>[vector<16xi32>, vector<16xi32>], vector<16xf32>,
          %broadcast_in_dim3A_561 = arith.constant 33 : i32
          %broadcast_in_dim3A_562 = vector.broadcast %broadcast_in_dim3A_561 : i32 to vector<16xi32>
          tpu.vector_store_idx %arg15[%add3A_348, %broadcast_in_dim3A_562], %gather3A_560 : memref<256x128xf32, #tpu.memory_space<vmem>>[vector<16xi32>, vector<16xi32>], vector<16xf32>,
          %add3A_563 = arith.constant 34 : i32
          %add3A_564 = vector.broadcast %add3A_563 : i32 to vector<16xi32>
          %add3A_565 = arith.addi %mul3A_358, %add3A_564 : vector<16xi32>
          %gather3A_566 = tpu.vector_load_idx %arg14[%add3A_348, %add3A_565] : memref<256x128xf32, #tpu.memory_space<vmem>>[vector<16xi32>, vector<16xi32>], vector<16xf32>,
          %broadcast_in_dim3A_567 = arith.constant 34 : i32
          %broadcast_in_dim3A_568 = vector.broadcast %broadcast_in_dim3A_567 : i32 to vector<16xi32>
          tpu.vector_store_idx %arg15[%add3A_348, %broadcast_in_dim3A_568], %gather3A_566 : memref<256x128xf32, #tpu.memory_space<vmem>>[vector<16xi32>, vector<16xi32>], vector<16xf32>,
          %add3A_569 = arith.constant 35 : i32
          %add3A_570 = vector.broadcast %add3A_569 : i32 to vector<16xi32>
          %add3A_571 = arith.addi %mul3A_358, %add3A_570 : vector<16xi32>
          %gather3A_572 = tpu.vector_load_idx %arg14[%add3A_348, %add3A_571] : memref<256x128xf32, #tpu.memory_space<vmem>>[vector<16xi32>, vector<16xi32>], vector<16xf32>,
          %broadcast_in_dim3A_573 = arith.constant 35 : i32
          %broadcast_in_dim3A_574 = vector.broadcast %broadcast_in_dim3A_573 : i32 to vector<16xi32>
          tpu.vector_store_idx %arg15[%add3A_348, %broadcast_in_dim3A_574], %gather3A_572 : memref<256x128xf32, #tpu.memory_space<vmem>>[vector<16xi32>, vector<16xi32>], vector<16xf32>,
          %add3A_575 = arith.constant 36 : i32
          %add3A_576 = vector.broadcast %add3A_575 : i32 to vector<16xi32>
          %add3A_577 = arith.addi %mul3A_358, %add3A_576 : vector<16xi32>
          %gather3A_578 = tpu.vector_load_idx %arg14[%add3A_348, %add3A_577] : memref<256x128xf32, #tpu.memory_space<vmem>>[vector<16xi32>, vector<16xi32>], vector<16xf32>,
          %broadcast_in_dim3A_579 = arith.constant 36 : i32
          %broadcast_in_dim3A_580 = vector.broadcast %broadcast_in_dim3A_579 : i32 to vector<16xi32>
          tpu.vector_store_idx %arg15[%add3A_348, %broadcast_in_dim3A_580], %gather3A_578 : memref<256x128xf32, #tpu.memory_space<vmem>>[vector<16xi32>, vector<16xi32>], vector<16xf32>,
          %add3A_581 = arith.constant 37 : i32
          %add3A_582 = vector.broadcast %add3A_581 : i32 to vector<16xi32>
          %add3A_583 = arith.addi %mul3A_358, %add3A_582 : vector<16xi32>
          %gather3A_584 = tpu.vector_load_idx %arg14[%add3A_348, %add3A_583] : memref<256x128xf32, #tpu.memory_space<vmem>>[vector<16xi32>, vector<16xi32>], vector<16xf32>,
          %broadcast_in_dim3A_585 = arith.constant 37 : i32
          %broadcast_in_dim3A_586 = vector.broadcast %broadcast_in_dim3A_585 : i32 to vector<16xi32>
          tpu.vector_store_idx %arg15[%add3A_348, %broadcast_in_dim3A_586], %gather3A_584 : memref<256x128xf32, #tpu.memory_space<vmem>>[vector<16xi32>, vector<16xi32>], vector<16xf32>,
          %add3A_587 = arith.constant 38 : i32
          %add3A_588 = vector.broadcast %add3A_587 : i32 to vector<16xi32>
          %add3A_589 = arith.addi %mul3A_358, %add3A_588 : vector<16xi32>
          %gather3A_590 = tpu.vector_load_idx %arg14[%add3A_348, %add3A_589] : memref<256x128xf32, #tpu.memory_space<vmem>>[vector<16xi32>, vector<16xi32>], vector<16xf32>,
          %broadcast_in_dim3A_591 = arith.constant 38 : i32
          %broadcast_in_dim3A_592 = vector.broadcast %broadcast_in_dim3A_591 : i32 to vector<16xi32>
          tpu.vector_store_idx %arg15[%add3A_348, %broadcast_in_dim3A_592], %gather3A_590 : memref<256x128xf32, #tpu.memory_space<vmem>>[vector<16xi32>, vector<16xi32>], vector<16xf32>,
          %add3A_593 = arith.constant 39 : i32
          %add3A_594 = vector.broadcast %add3A_593 : i32 to vector<16xi32>
          %add3A_595 = arith.addi %mul3A_358, %add3A_594 : vector<16xi32>
          %gather3A_596 = tpu.vector_load_idx %arg14[%add3A_348, %add3A_595] : memref<256x128xf32, #tpu.memory_space<vmem>>[vector<16xi32>, vector<16xi32>], vector<16xf32>,
          %broadcast_in_dim3A_597 = arith.constant 39 : i32
          %broadcast_in_dim3A_598 = vector.broadcast %broadcast_in_dim3A_597 : i32 to vector<16xi32>
          tpu.vector_store_idx %arg15[%add3A_348, %broadcast_in_dim3A_598], %gather3A_596 : memref<256x128xf32, #tpu.memory_space<vmem>>[vector<16xi32>, vector<16xi32>], vector<16xf32>,
          %add3A_599 = arith.constant 40 : i32
          %add3A_600 = vector.broadcast %add3A_599 : i32 to vector<16xi32>
          %add3A_601 = arith.addi %mul3A_358, %add3A_600 : vector<16xi32>
          %gather3A_602 = tpu.vector_load_idx %arg14[%add3A_348, %add3A_601] : memref<256x128xf32, #tpu.memory_space<vmem>>[vector<16xi32>, vector<16xi32>], vector<16xf32>,
          %broadcast_in_dim3A_603 = arith.constant 40 : i32
          %broadcast_in_dim3A_604 = vector.broadcast %broadcast_in_dim3A_603 : i32 to vector<16xi32>
          tpu.vector_store_idx %arg15[%add3A_348, %broadcast_in_dim3A_604], %gather3A_602 : memref<256x128xf32, #tpu.memory_space<vmem>>[vector<16xi32>, vector<16xi32>], vector<16xf32>,
          %add3A_605 = arith.constant 41 : i32
          %add3A_606 = vector.broadcast %add3A_605 : i32 to vector<16xi32>
          %add3A_607 = arith.addi %mul3A_358, %add3A_606 : vector<16xi32>
          %gather3A_608 = tpu.vector_load_idx %arg14[%add3A_348, %add3A_607] : memref<256x128xf32, #tpu.memory_space<vmem>>[vector<16xi32>, vector<16xi32>], vector<16xf32>,
          %broadcast_in_dim3A_609 = arith.constant 41 : i32
          %broadcast_in_dim3A_610 = vector.broadcast %broadcast_in_dim3A_609 : i32 to vector<16xi32>
          tpu.vector_store_idx %arg15[%add3A_348, %broadcast_in_dim3A_610], %gather3A_608 : memref<256x128xf32, #tpu.memory_space<vmem>>[vector<16xi32>, vector<16xi32>], vector<16xf32>,
          %add3A_611 = arith.constant 42 : i32
          %add3A_612 = vector.broadcast %add3A_611 : i32 to vector<16xi32>
          %add3A_613 = arith.addi %mul3A_358, %add3A_612 : vector<16xi32>
          %gather3A_614 = tpu.vector_load_idx %arg14[%add3A_348, %add3A_613] : memref<256x128xf32, #tpu.memory_space<vmem>>[vector<16xi32>, vector<16xi32>], vector<16xf32>,
          %broadcast_in_dim3A_615 = arith.constant 42 : i32
          %broadcast_in_dim3A_616 = vector.broadcast %broadcast_in_dim3A_615 : i32 to vector<16xi32>
          tpu.vector_store_idx %arg15[%add3A_348, %broadcast_in_dim3A_616], %gather3A_614 : memref<256x128xf32, #tpu.memory_space<vmem>>[vector<16xi32>, vector<16xi32>], vector<16xf32>,
          %add3A_617 = arith.constant 43 : i32
          %add3A_618 = vector.broadcast %add3A_617 : i32 to vector<16xi32>
          %add3A_619 = arith.addi %mul3A_358, %add3A_618 : vector<16xi32>
          %gather3A_620 = tpu.vector_load_idx %arg14[%add3A_348, %add3A_619] : memref<256x128xf32, #tpu.memory_space<vmem>>[vector<16xi32>, vector<16xi32>], vector<16xf32>,
          %broadcast_in_dim3A_621 = arith.constant 43 : i32
          %broadcast_in_dim3A_622 = vector.broadcast %broadcast_in_dim3A_621 : i32 to vector<16xi32>
          tpu.vector_store_idx %arg15[%add3A_348, %broadcast_in_dim3A_622], %gather3A_620 : memref<256x128xf32, #tpu.memory_space<vmem>>[vector<16xi32>, vector<16xi32>], vector<16xf32>,
          %add3A_623 = arith.constant 44 : i32
          %add3A_624 = vector.broadcast %add3A_623 : i32 to vector<16xi32>
          %add3A_625 = arith.addi %mul3A_358, %add3A_624 : vector<16xi32>
          %gather3A_626 = tpu.vector_load_idx %arg14[%add3A_348, %add3A_625] : memref<256x128xf32, #tpu.memory_space<vmem>>[vector<16xi32>, vector<16xi32>], vector<16xf32>,
          %broadcast_in_dim3A_627 = arith.constant 44 : i32
          %broadcast_in_dim3A_628 = vector.broadcast %broadcast_in_dim3A_627 : i32 to vector<16xi32>
          tpu.vector_store_idx %arg15[%add3A_348, %broadcast_in_dim3A_628], %gather3A_626 : memref<256x128xf32, #tpu.memory_space<vmem>>[vector<16xi32>, vector<16xi32>], vector<16xf32>,
          %add3A_629 = arith.constant 45 : i32
          %add3A_630 = vector.broadcast %add3A_629 : i32 to vector<16xi32>
          %add3A_631 = arith.addi %mul3A_358, %add3A_630 : vector<16xi32>
          %gather3A_632 = tpu.vector_load_idx %arg14[%add3A_348, %add3A_631] : memref<256x128xf32, #tpu.memory_space<vmem>>[vector<16xi32>, vector<16xi32>], vector<16xf32>,
          %broadcast_in_dim3A_633 = arith.constant 45 : i32
          %broadcast_in_dim3A_634 = vector.broadcast %broadcast_in_dim3A_633 : i32 to vector<16xi32>
          tpu.vector_store_idx %arg15[%add3A_348, %broadcast_in_dim3A_634], %gather3A_632 : memref<256x128xf32, #tpu.memory_space<vmem>>[vector<16xi32>, vector<16xi32>], vector<16xf32>,
          %add3A_635 = arith.constant 46 : i32
          %add3A_636 = vector.broadcast %add3A_635 : i32 to vector<16xi32>
          %add3A_637 = arith.addi %mul3A_358, %add3A_636 : vector<16xi32>
          %gather3A_638 = tpu.vector_load_idx %arg14[%add3A_348, %add3A_637] : memref<256x128xf32, #tpu.memory_space<vmem>>[vector<16xi32>, vector<16xi32>], vector<16xf32>,
          %broadcast_in_dim3A_639 = arith.constant 46 : i32
          %broadcast_in_dim3A_640 = vector.broadcast %broadcast_in_dim3A_639 : i32 to vector<16xi32>
          tpu.vector_store_idx %arg15[%add3A_348, %broadcast_in_dim3A_640], %gather3A_638 : memref<256x128xf32, #tpu.memory_space<vmem>>[vector<16xi32>, vector<16xi32>], vector<16xf32>,
          %add3A_641 = arith.constant 47 : i32
          %add3A_642 = vector.broadcast %add3A_641 : i32 to vector<16xi32>
          %add3A_643 = arith.addi %mul3A_358, %add3A_642 : vector<16xi32>
          %gather3A_644 = tpu.vector_load_idx %arg14[%add3A_348, %add3A_643] : memref<256x128xf32, #tpu.memory_space<vmem>>[vector<16xi32>, vector<16xi32>], vector<16xf32>,
          %broadcast_in_dim3A_645 = arith.constant 47 : i32
          %broadcast_in_dim3A_646 = vector.broadcast %broadcast_in_dim3A_645 : i32 to vector<16xi32>
          tpu.vector_store_idx %arg15[%add3A_348, %broadcast_in_dim3A_646], %gather3A_644 : memref<256x128xf32, #tpu.memory_space<vmem>>[vector<16xi32>, vector<16xi32>], vector<16xf32>,
          %add3A_647 = arith.constant 48 : i32
          %add3A_648 = vector.broadcast %add3A_647 : i32 to vector<16xi32>
          %add3A_649 = arith.addi %mul3A_358, %add3A_648 : vector<16xi32>
          %gather3A_650 = tpu.vector_load_idx %arg14[%add3A_348, %add3A_649] : memref<256x128xf32, #tpu.memory_space<vmem>>[vector<16xi32>, vector<16xi32>], vector<16xf32>,
          %broadcast_in_dim3A_651 = arith.constant 48 : i32
          %broadcast_in_dim3A_652 = vector.broadcast %broadcast_in_dim3A_651 : i32 to vector<16xi32>
          tpu.vector_store_idx %arg15[%add3A_348, %broadcast_in_dim3A_652], %gather3A_650 : memref<256x128xf32, #tpu.memory_space<vmem>>[vector<16xi32>, vector<16xi32>], vector<16xf32>,
          %add3A_653 = arith.constant 49 : i32
          %add3A_654 = vector.broadcast %add3A_653 : i32 to vector<16xi32>
          %add3A_655 = arith.addi %mul3A_358, %add3A_654 : vector<16xi32>
          %gather3A_656 = tpu.vector_load_idx %arg14[%add3A_348, %add3A_655] : memref<256x128xf32, #tpu.memory_space<vmem>>[vector<16xi32>, vector<16xi32>], vector<16xf32>,
          %broadcast_in_dim3A_657 = arith.constant 49 : i32
          %broadcast_in_dim3A_658 = vector.broadcast %broadcast_in_dim3A_657 : i32 to vector<16xi32>
          tpu.vector_store_idx %arg15[%add3A_348, %broadcast_in_dim3A_658], %gather3A_656 : memref<256x128xf32, #tpu.memory_space<vmem>>[vector<16xi32>, vector<16xi32>], vector<16xf32>,
          %add3A_659 = arith.constant 50 : i32
          %add3A_660 = vector.broadcast %add3A_659 : i32 to vector<16xi32>
          %add3A_661 = arith.addi %mul3A_358, %add3A_660 : vector<16xi32>
          %gather3A_662 = tpu.vector_load_idx %arg14[%add3A_348, %add3A_661] : memref<256x128xf32, #tpu.memory_space<vmem>>[vector<16xi32>, vector<16xi32>], vector<16xf32>,
          %broadcast_in_dim3A_663 = arith.constant 50 : i32
          %broadcast_in_dim3A_664 = vector.broadcast %broadcast_in_dim3A_663 : i32 to vector<16xi32>
          tpu.vector_store_idx %arg15[%add3A_348, %broadcast_in_dim3A_664], %gather3A_662 : memref<256x128xf32, #tpu.memory_space<vmem>>[vector<16xi32>, vector<16xi32>], vector<16xf32>,
          %add3A_665 = arith.constant 51 : i32
          %add3A_666 = vector.broadcast %add3A_665 : i32 to vector<16xi32>
          %add3A_667 = arith.addi %mul3A_358, %add3A_666 : vector<16xi32>
          %gather3A_668 = tpu.vector_load_idx %arg14[%add3A_348, %add3A_667] : memref<256x128xf32, #tpu.memory_space<vmem>>[vector<16xi32>, vector<16xi32>], vector<16xf32>,
          %broadcast_in_dim3A_669 = arith.constant 51 : i32
          %broadcast_in_dim3A_670 = vector.broadcast %broadcast_in_dim3A_669 : i32 to vector<16xi32>
          tpu.vector_store_idx %arg15[%add3A_348, %broadcast_in_dim3A_670], %gather3A_668 : memref<256x128xf32, #tpu.memory_space<vmem>>[vector<16xi32>, vector<16xi32>], vector<16xf32>,
          %add3A_671 = arith.constant 52 : i32
          %add3A_672 = vector.broadcast %add3A_671 : i32 to vector<16xi32>
          %add3A_673 = arith.addi %mul3A_358, %add3A_672 : vector<16xi32>
          %gather3A_674 = tpu.vector_load_idx %arg14[%add3A_348, %add3A_673] : memref<256x128xf32, #tpu.memory_space<vmem>>[vector<16xi32>, vector<16xi32>], vector<16xf32>,
          %broadcast_in_dim3A_675 = arith.constant 52 : i32
          %broadcast_in_dim3A_676 = vector.broadcast %broadcast_in_dim3A_675 : i32 to vector<16xi32>
          tpu.vector_store_idx %arg15[%add3A_348, %broadcast_in_dim3A_676], %gather3A_674 : memref<256x128xf32, #tpu.memory_space<vmem>>[vector<16xi32>, vector<16xi32>], vector<16xf32>,
          %add3A_677 = arith.constant 53 : i32
          %add3A_678 = vector.broadcast %add3A_677 : i32 to vector<16xi32>
          %add3A_679 = arith.addi %mul3A_358, %add3A_678 : vector<16xi32>
          %gather3A_680 = tpu.vector_load_idx %arg14[%add3A_348, %add3A_679] : memref<256x128xf32, #tpu.memory_space<vmem>>[vector<16xi32>, vector<16xi32>], vector<16xf32>,
          %broadcast_in_dim3A_681 = arith.constant 53 : i32
          %broadcast_in_dim3A_682 = vector.broadcast %broadcast_in_dim3A_681 : i32 to vector<16xi32>
          tpu.vector_store_idx %arg15[%add3A_348, %broadcast_in_dim3A_682], %gather3A_680 : memref<256x128xf32, #tpu.memory_space<vmem>>[vector<16xi32>, vector<16xi32>], vector<16xf32>,
          %add3A_683 = arith.constant 54 : i32
          %add3A_684 = vector.broadcast %add3A_683 : i32 to vector<16xi32>
          %add3A_685 = arith.addi %mul3A_358, %add3A_684 : vector<16xi32>
          %gather3A_686 = tpu.vector_load_idx %arg14[%add3A_348, %add3A_685] : memref<256x128xf32, #tpu.memory_space<vmem>>[vector<16xi32>, vector<16xi32>], vector<16xf32>,
          %broadcast_in_dim3A_687 = arith.constant 54 : i32
          %broadcast_in_dim3A_688 = vector.broadcast %broadcast_in_dim3A_687 : i32 to vector<16xi32>
          tpu.vector_store_idx %arg15[%add3A_348, %broadcast_in_dim3A_688], %gather3A_686 : memref<256x128xf32, #tpu.memory_space<vmem>>[vector<16xi32>, vector<16xi32>], vector<16xf32>,
          %add3A_689 = arith.constant 55 : i32
          %add3A_690 = vector.broadcast %add3A_689 : i32 to vector<16xi32>
          %add3A_691 = arith.addi %mul3A_358, %add3A_690 : vector<16xi32>
          %gather3A_692 = tpu.vector_load_idx %arg14[%add3A_348, %add3A_691] : memref<256x128xf32, #tpu.memory_space<vmem>>[vector<16xi32>, vector<16xi32>], vector<16xf32>,
          %broadcast_in_dim3A_693 = arith.constant 55 : i32
          %broadcast_in_dim3A_694 = vector.broadcast %broadcast_in_dim3A_693 : i32 to vector<16xi32>
          tpu.vector_store_idx %arg15[%add3A_348, %broadcast_in_dim3A_694], %gather3A_692 : memref<256x128xf32, #tpu.memory_space<vmem>>[vector<16xi32>, vector<16xi32>], vector<16xf32>,
          %add3A_695 = arith.constant 56 : i32
          %add3A_696 = vector.broadcast %add3A_695 : i32 to vector<16xi32>
          %add3A_697 = arith.addi %mul3A_358, %add3A_696 : vector<16xi32>
          %gather3A_698 = tpu.vector_load_idx %arg14[%add3A_348, %add3A_697] : memref<256x128xf32, #tpu.memory_space<vmem>>[vector<16xi32>, vector<16xi32>], vector<16xf32>,
          %broadcast_in_dim3A_699 = arith.constant 56 : i32
          %broadcast_in_dim3A_700 = vector.broadcast %broadcast_in_dim3A_699 : i32 to vector<16xi32>
          tpu.vector_store_idx %arg15[%add3A_348, %broadcast_in_dim3A_700], %gather3A_698 : memref<256x128xf32, #tpu.memory_space<vmem>>[vector<16xi32>, vector<16xi32>], vector<16xf32>,
          %add3A_701 = arith.constant 57 : i32
          %add3A_702 = vector.broadcast %add3A_701 : i32 to vector<16xi32>
          %add3A_703 = arith.addi %mul3A_358, %add3A_702 : vector<16xi32>
          %gather3A_704 = tpu.vector_load_idx %arg14[%add3A_348, %add3A_703] : memref<256x128xf32, #tpu.memory_space<vmem>>[vector<16xi32>, vector<16xi32>], vector<16xf32>,
          %broadcast_in_dim3A_705 = arith.constant 57 : i32
          %broadcast_in_dim3A_706 = vector.broadcast %broadcast_in_dim3A_705 : i32 to vector<16xi32>
          tpu.vector_store_idx %arg15[%add3A_348, %broadcast_in_dim3A_706], %gather3A_704 : memref<256x128xf32, #tpu.memory_space<vmem>>[vector<16xi32>, vector<16xi32>], vector<16xf32>,
          %add3A_707 = arith.constant 58 : i32
          %add3A_708 = vector.broadcast %add3A_707 : i32 to vector<16xi32>
          %add3A_709 = arith.addi %mul3A_358, %add3A_708 : vector<16xi32>
          %gather3A_710 = tpu.vector_load_idx %arg14[%add3A_348, %add3A_709] : memref<256x128xf32, #tpu.memory_space<vmem>>[vector<16xi32>, vector<16xi32>], vector<16xf32>,
          %broadcast_in_dim3A_711 = arith.constant 58 : i32
          %broadcast_in_dim3A_712 = vector.broadcast %broadcast_in_dim3A_711 : i32 to vector<16xi32>
          tpu.vector_store_idx %arg15[%add3A_348, %broadcast_in_dim3A_712], %gather3A_710 : memref<256x128xf32, #tpu.memory_space<vmem>>[vector<16xi32>, vector<16xi32>], vector<16xf32>,
          %add3A_713 = arith.constant 59 : i32
          %add3A_714 = vector.broadcast %add3A_713 : i32 to vector<16xi32>
          %add3A_715 = arith.addi %mul3A_358, %add3A_714 : vector<16xi32>
          %gather3A_716 = tpu.vector_load_idx %arg14[%add3A_348, %add3A_715] : memref<256x128xf32, #tpu.memory_space<vmem>>[vector<16xi32>, vector<16xi32>], vector<16xf32>,
          %broadcast_in_dim3A_717 = arith.constant 59 : i32
          %broadcast_in_dim3A_718 = vector.broadcast %broadcast_in_dim3A_717 : i32 to vector<16xi32>
          tpu.vector_store_idx %arg15[%add3A_348, %broadcast_in_dim3A_718], %gather3A_716 : memref<256x128xf32, #tpu.memory_space<vmem>>[vector<16xi32>, vector<16xi32>], vector<16xf32>,
          %add3A_719 = arith.constant 60 : i32
          %add3A_720 = vector.broadcast %add3A_719 : i32 to vector<16xi32>
          %add3A_721 = arith.addi %mul3A_358, %add3A_720 : vector<16xi32>
          %gather3A_722 = tpu.vector_load_idx %arg14[%add3A_348, %add3A_721] : memref<256x128xf32, #tpu.memory_space<vmem>>[vector<16xi32>, vector<16xi32>], vector<16xf32>,
          %broadcast_in_dim3A_723 = arith.constant 60 : i32
          %broadcast_in_dim3A_724 = vector.broadcast %broadcast_in_dim3A_723 : i32 to vector<16xi32>
          tpu.vector_store_idx %arg15[%add3A_348, %broadcast_in_dim3A_724], %gather3A_722 : memref<256x128xf32, #tpu.memory_space<vmem>>[vector<16xi32>, vector<16xi32>], vector<16xf32>,
          %add3A_725 = arith.constant 61 : i32
          %add3A_726 = vector.broadcast %add3A_725 : i32 to vector<16xi32>
          %add3A_727 = arith.addi %mul3A_358, %add3A_726 : vector<16xi32>
          %gather3A_728 = tpu.vector_load_idx %arg14[%add3A_348, %add3A_727] : memref<256x128xf32, #tpu.memory_space<vmem>>[vector<16xi32>, vector<16xi32>], vector<16xf32>,
          %broadcast_in_dim3A_729 = arith.constant 61 : i32
          %broadcast_in_dim3A_730 = vector.broadcast %broadcast_in_dim3A_729 : i32 to vector<16xi32>
          tpu.vector_store_idx %arg15[%add3A_348, %broadcast_in_dim3A_730], %gather3A_728 : memref<256x128xf32, #tpu.memory_space<vmem>>[vector<16xi32>, vector<16xi32>], vector<16xf32>,
          %add3A_731 = arith.constant 62 : i32
          %add3A_732 = vector.broadcast %add3A_731 : i32 to vector<16xi32>
          %add3A_733 = arith.addi %mul3A_358, %add3A_732 : vector<16xi32>
          %gather3A_734 = tpu.vector_load_idx %arg14[%add3A_348, %add3A_733] : memref<256x128xf32, #tpu.memory_space<vmem>>[vector<16xi32>, vector<16xi32>], vector<16xf32>,
          %broadcast_in_dim3A_735 = arith.constant 62 : i32
          %broadcast_in_dim3A_736 = vector.broadcast %broadcast_in_dim3A_735 : i32 to vector<16xi32>
          tpu.vector_store_idx %arg15[%add3A_348, %broadcast_in_dim3A_736], %gather3A_734 : memref<256x128xf32, #tpu.memory_space<vmem>>[vector<16xi32>, vector<16xi32>], vector<16xf32>,
          %add3A_737 = arith.constant 63 : i32
          %add3A_738 = vector.broadcast %add3A_737 : i32 to vector<16xi32>
          %add3A_739 = arith.addi %mul3A_358, %add3A_738 : vector<16xi32>
          %gather3A_740 = tpu.vector_load_idx %arg14[%add3A_348, %add3A_739] : memref<256x128xf32, #tpu.memory_space<vmem>>[vector<16xi32>, vector<16xi32>], vector<16xf32>,
          %broadcast_in_dim3A_741 = arith.constant 63 : i32
          %broadcast_in_dim3A_742 = vector.broadcast %broadcast_in_dim3A_741 : i32 to vector<16xi32>
          tpu.vector_store_idx %arg15[%add3A_348, %broadcast_in_dim3A_742], %gather3A_740 : memref<256x128xf32, #tpu.memory_space<vmem>>[vector<16xi32>, vector<16xi32>], vector<16xf32>,
          %while3A_743 = arith.constant 0 : i32
          scf.yield %while3A_743 : i32
        }
        %while3A_318 = arith.constant 0 : i32
        %while3A_319 = arith.constant 0 : i32
        %while3A_320 = arith.subi %select_n3A_279, %while3A_318 : i32
        %while3A_321 = arith.addi %while3A_318, %while3A_320 : i32
        %while3A_322 = arith.constant 1 : i32
        %while3A_323 = arith.divsi %while3A_320, %while3A_322 : i32
        %while3A_324 = arith.muli %while3A_323, %while3A_322 : i32
        %while3A_325 = arith.addi %while3A_318, %while3A_324 : i32
        %while3A_326 = arith.constant 1 : i32
        %while3A_327 = scf.for %while3A_343 = %while3A_318 to %while3A_325 step %while3A_326 iter_args(%while3A_344 = %while3A_319) -> (i32)  : i32 {
          %mul3A_345 = arith.constant 128 : i32
          %mul3A_346 = arith.muli %while3A_343, %mul3A_345 : i32
          %mul3A_347 = arith.constant 128 : i32
          %mul3A_348 = arith.muli %while3A_343, %mul3A_347 : i32
          %add3A_349 = arith.addi %mul3A_251, %mul3A_348 : i32
          %dma_start3A = arith.constant 0 : i32
          %dma_start3A_350 = tpu.memref_slice %arg15[%mul3A_346, %dma_start3A] : memref<256x128xf32, #tpu.memory_space<vmem>> -> memref<128x128xf32, #tpu.memory_space<vmem>>
          %dma_start3A_351 = tpu.memref_slice %arg12[%add3A_349] : memref<4672xi32, #tpu.memory_space<vmem>> -> memref<128xi32, #tpu.memory_space<vmem>>
          %dma_start3A_352 = arith.constant 0 : i32
          %dma_start3A_353 = arith.constant 0 : i32
          %dma_start3A_354 = tpu.memref_slice %arg4[%dma_start3A_352, %dma_start3A_353] : memref<221184x128xf32, #tpu.memory_space<hbm>> -> memref<221184x128xf32, #tpu.memory_space<hbm>>
          tpu.enqueue_indirect_dma source(%dma_start3A_350 : memref<128x128xf32, #tpu.memory_space<vmem>>) target(%dma_start3A_354 : memref<221184x128xf32, #tpu.memory_space<hbm>>) offsets(%dma_start3A_351 : memref<128xi32, #tpu.memory_space<vmem>>) semaphore(%arg19 : memref<!tpu.dma_semaphore, #tpu.memory_space<semaphore_mem>>)
          %mul3A_355 = arith.constant 128 : i32
          %mul3A_356 = arith.muli %while3A_343, %mul3A_355 : i32
          %add3A_357 = arith.addi %mul3A_251, %mul3A_356 : i32
          %dma_start3A_358 = arith.constant 0 : i32
          %dma_start3A_359 = tpu.memref_slice %arg16[%dma_start3A_358] : memref<6912xf32, #tpu.memory_space<vmem>> -> memref<128xf32, #tpu.memory_space<vmem>>
          %dma_start3A_360 = tpu.memref_slice %arg12[%add3A_357] : memref<4672xi32, #tpu.memory_space<vmem>> -> memref<128xi32, #tpu.memory_space<vmem>>
          %dma_start3A_361 = arith.constant 0 : i32
          %dma_start3A_362 = tpu.memref_slice %arg5[%dma_start3A_361] : memref<221184xf32, #tpu.memory_space<hbm>> -> memref<221184xf32, #tpu.memory_space<hbm>>
          tpu.enqueue_indirect_dma source(%dma_start3A_359 : memref<128xf32, #tpu.memory_space<vmem>>) target(%dma_start3A_362 : memref<221184xf32, #tpu.memory_space<hbm>>) offsets(%dma_start3A_360 : memref<128xi32, #tpu.memory_space<vmem>>) semaphore(%arg19 : memref<!tpu.dma_semaphore, #tpu.memory_space<semaphore_mem>>)
          %while3A_363 = arith.constant 0 : i32
          scf.yield %while3A_363 : i32
        }
        %while3A_328 = arith.constant 1 : i32
        %while3A_329 = scf.for %while3A_343 = %while3A_325 to %while3A_321 step %while3A_328 iter_args(%while3A_344 = %while3A_327) -> (i32)  : i32 {
          %mul3A_345 = arith.constant 128 : i32
          %mul3A_346 = arith.muli %while3A_343, %mul3A_345 : i32
          %mul3A_347 = arith.constant 128 : i32
          %mul3A_348 = arith.muli %while3A_343, %mul3A_347 : i32
          %add3A_349 = arith.addi %mul3A_251, %mul3A_348 : i32
          %dma_start3A = arith.constant 0 : i32
          %dma_start3A_350 = tpu.memref_slice %arg15[%mul3A_346, %dma_start3A] : memref<256x128xf32, #tpu.memory_space<vmem>> -> memref<128x128xf32, #tpu.memory_space<vmem>>
          %dma_start3A_351 = tpu.memref_slice %arg12[%add3A_349] : memref<4672xi32, #tpu.memory_space<vmem>> -> memref<128xi32, #tpu.memory_space<vmem>>
          %dma_start3A_352 = arith.constant 0 : i32
          %dma_start3A_353 = arith.constant 0 : i32
          %dma_start3A_354 = tpu.memref_slice %arg4[%dma_start3A_352, %dma_start3A_353] : memref<221184x128xf32, #tpu.memory_space<hbm>> -> memref<221184x128xf32, #tpu.memory_space<hbm>>
          tpu.enqueue_indirect_dma source(%dma_start3A_350 : memref<128x128xf32, #tpu.memory_space<vmem>>) target(%dma_start3A_354 : memref<221184x128xf32, #tpu.memory_space<hbm>>) offsets(%dma_start3A_351 : memref<128xi32, #tpu.memory_space<vmem>>) semaphore(%arg19 : memref<!tpu.dma_semaphore, #tpu.memory_space<semaphore_mem>>)
          %mul3A_355 = arith.constant 128 : i32
          %mul3A_356 = arith.muli %while3A_343, %mul3A_355 : i32
          %add3A_357 = arith.addi %mul3A_251, %mul3A_356 : i32
          %dma_start3A_358 = arith.constant 0 : i32
          %dma_start3A_359 = tpu.memref_slice %arg16[%dma_start3A_358] : memref<6912xf32, #tpu.memory_space<vmem>> -> memref<128xf32, #tpu.memory_space<vmem>>
          %dma_start3A_360 = tpu.memref_slice %arg12[%add3A_357] : memref<4672xi32, #tpu.memory_space<vmem>> -> memref<128xi32, #tpu.memory_space<vmem>>
          %dma_start3A_361 = arith.constant 0 : i32
          %dma_start3A_362 = tpu.memref_slice %arg5[%dma_start3A_361] : memref<221184xf32, #tpu.memory_space<hbm>> -> memref<221184xf32, #tpu.memory_space<hbm>>
          tpu.enqueue_indirect_dma source(%dma_start3A_359 : memref<128xf32, #tpu.memory_space<vmem>>) target(%dma_start3A_362 : memref<221184xf32, #tpu.memory_space<hbm>>) offsets(%dma_start3A_360 : memref<128xi32, #tpu.memory_space<vmem>>) semaphore(%arg19 : memref<!tpu.dma_semaphore, #tpu.memory_space<semaphore_mem>>)
          %while3A_363 = arith.constant 0 : i32
          scf.yield %while3A_363 : i32
        }
        %while3A_330 = arith.constant 0 : i32
        %while3A_331 = arith.constant 0 : i32
        %while3A_332 = arith.subi %select_n3A_279, %while3A_330 : i32
        %while3A_333 = arith.addi %while3A_330, %while3A_332 : i32
        %while3A_334 = arith.constant 1 : i32
        %while3A_335 = arith.divsi %while3A_332, %while3A_334 : i32
        %while3A_336 = arith.muli %while3A_335, %while3A_334 : i32
        %while3A_337 = arith.addi %while3A_330, %while3A_336 : i32
        %while3A_338 = arith.constant 1 : i32
        %while3A_339 = scf.for %while3A_343 = %while3A_330 to %while3A_337 step %while3A_338 iter_args(%while3A_344 = %while3A_331) -> (i32)  : i32 {
          %mul3A_345 = arith.constant 128 : i32
          %mul3A_346 = arith.muli %while3A_343, %mul3A_345 : i32
          %mul3A_347 = arith.constant 128 : i32
          %mul3A_348 = arith.muli %while3A_343, %mul3A_347 : i32
          %add3A_349 = arith.addi %mul3A_251, %mul3A_348 : i32
          %dma_wait3A = arith.constant 0 : i32
          %dma_wait3A_350 = tpu.memref_slice %arg15[%mul3A_346, %dma_wait3A] : memref<256x128xf32, #tpu.memory_space<vmem>> -> memref<128x128xf32, #tpu.memory_space<vmem>>
          %dma_wait3A_351 = tpu.memref_slice %arg12[%add3A_349] : memref<4672xi32, #tpu.memory_space<vmem>> -> memref<128xi32, #tpu.memory_space<vmem>>
          %dma_wait3A_352 = arith.constant 0 : i32
          %dma_wait3A_353 = arith.constant 0 : i32
          %dma_wait3A_354 = tpu.memref_slice %arg4[%dma_wait3A_352, %dma_wait3A_353] : memref<221184x128xf32, #tpu.memory_space<hbm>> -> memref<221184x128xf32, #tpu.memory_space<hbm>>
          tpu.wait_indirect_dma semaphore(%arg19 : memref<!tpu.dma_semaphore, #tpu.memory_space<semaphore_mem>>) src(%dma_wait3A_350 : memref<128x128xf32, #tpu.memory_space<vmem>>) dst(%dma_wait3A_354 : memref<221184x128xf32, #tpu.memory_space<hbm>>)
          %mul3A_355 = arith.constant 128 : i32
          %mul3A_356 = arith.muli %while3A_343, %mul3A_355 : i32
          %add3A_357 = arith.addi %mul3A_251, %mul3A_356 : i32
          %dma_wait3A_358 = arith.constant 0 : i32
          %dma_wait3A_359 = tpu.memref_slice %arg16[%dma_wait3A_358] : memref<6912xf32, #tpu.memory_space<vmem>> -> memref<128xf32, #tpu.memory_space<vmem>>
          %dma_wait3A_360 = tpu.memref_slice %arg12[%add3A_357] : memref<4672xi32, #tpu.memory_space<vmem>> -> memref<128xi32, #tpu.memory_space<vmem>>
          %dma_wait3A_361 = arith.constant 0 : i32
          %dma_wait3A_362 = tpu.memref_slice %arg5[%dma_wait3A_361] : memref<221184xf32, #tpu.memory_space<hbm>> -> memref<221184xf32, #tpu.memory_space<hbm>>
          tpu.wait_indirect_dma semaphore(%arg19 : memref<!tpu.dma_semaphore, #tpu.memory_space<semaphore_mem>>) src(%dma_wait3A_359 : memref<128xf32, #tpu.memory_space<vmem>>) dst(%dma_wait3A_362 : memref<221184xf32, #tpu.memory_space<hbm>>)
          %while3A_363 = arith.constant 0 : i32
          scf.yield %while3A_363 : i32
        }
        %while3A_340 = arith.constant 1 : i32
        %while3A_341 = scf.for %while3A_343 = %while3A_337 to %while3A_333 step %while3A_340 iter_args(%while3A_344 = %while3A_339) -> (i32)  : i32 {
          %mul3A_345 = arith.constant 128 : i32
          %mul3A_346 = arith.muli %while3A_343, %mul3A_345 : i32
          %mul3A_347 = arith.constant 128 : i32
          %mul3A_348 = arith.muli %while3A_343, %mul3A_347 : i32
          %add3A_349 = arith.addi %mul3A_251, %mul3A_348 : i32
          %dma_wait3A = arith.constant 0 : i32
          %dma_wait3A_350 = tpu.memref_slice %arg15[%mul3A_346, %dma_wait3A] : memref<256x128xf32, #tpu.memory_space<vmem>> -> memref<128x128xf32, #tpu.memory_space<vmem>>
          %dma_wait3A_351 = tpu.memref_slice %arg12[%add3A_349] : memref<4672xi32, #tpu.memory_space<vmem>> -> memref<128xi32, #tpu.memory_space<vmem>>
          %dma_wait3A_352 = arith.constant 0 : i32
          %dma_wait3A_353 = arith.constant 0 : i32
          %dma_wait3A_354 = tpu.memref_slice %arg4[%dma_wait3A_352, %dma_wait3A_353] : memref<221184x128xf32, #tpu.memory_space<hbm>> -> memref<221184x128xf32, #tpu.memory_space<hbm>>
          tpu.wait_indirect_dma semaphore(%arg19 : memref<!tpu.dma_semaphore, #tpu.memory_space<semaphore_mem>>) src(%dma_wait3A_350 : memref<128x128xf32, #tpu.memory_space<vmem>>) dst(%dma_wait3A_354 : memref<221184x128xf32, #tpu.memory_space<hbm>>)
          %mul3A_355 = arith.constant 128 : i32
          %mul3A_356 = arith.muli %while3A_343, %mul3A_355 : i32
          %add3A_357 = arith.addi %mul3A_251, %mul3A_356 : i32
          %dma_wait3A_358 = arith.constant 0 : i32
          %dma_wait3A_359 = tpu.memref_slice %arg16[%dma_wait3A_358] : memref<6912xf32, #tpu.memory_space<vmem>> -> memref<128xf32, #tpu.memory_space<vmem>>
          %dma_wait3A_360 = tpu.memref_slice %arg12[%add3A_357] : memref<4672xi32, #tpu.memory_space<vmem>> -> memref<128xi32, #tpu.memory_space<vmem>>
          %dma_wait3A_361 = arith.constant 0 : i32
          %dma_wait3A_362 = tpu.memref_slice %arg5[%dma_wait3A_361] : memref<221184xf32, #tpu.memory_space<hbm>> -> memref<221184xf32, #tpu.memory_space<hbm>>
          tpu.wait_indirect_dma semaphore(%arg19 : memref<!tpu.dma_semaphore, #tpu.memory_space<semaphore_mem>>) src(%dma_wait3A_359 : memref<128xf32, #tpu.memory_space<vmem>>) dst(%dma_wait3A_362 : memref<221184xf32, #tpu.memory_space<hbm>>)
          %while3A_363 = arith.constant 0 : i32
          scf.yield %while3A_363 : i32
        }
        %while3A_342 = arith.constant 0 : i32
        scf.yield %while3A_342 : i32
      }
    } else {
    }
    return
  }
}

module attributes {stable_mosaic.version = 14 : i64} {
  func.func @_fin_body(%arg0: i32, %arg1: memref<8192x128xf32, #tpu.memory_space<vmem>>, %arg2: memref<64x128xf32, #tpu.memory_space<vmem>>, %arg3: memref<1x64x16x496xf32, #tpu.memory_space<vmem>>) attributes {dimension_semantics = [#tpu.dimension_semantics<arbitrary>], iteration_bounds = array<i64: 27>, scalar_prefetch = 0 : i64, scratch_operands = 0 : i64, tpu.core_type = #tpu.core_type<tc>, window_params = [{transform_indices = @transform_0, window_bounds = array<i64: 8192, 128>}, {transform_indices = @transform_1, window_bounds = array<i64: 64, 128>}, {transform_indices = @transform_2, window_bounds = array<i64: 1, 64, 16, 496>}]} {
    %get3A = arith.constant 0 : index
    %get3A_0 = arith.constant 0 : index
    %get3A_1 = vector.load %arg1[%get3A, %get3A_0] : memref<8192x128xf32, #tpu.memory_space<vmem>>, vector<8192x128xf32>
    %get3A_2 = arith.constant 0 : index
    %get3A_3 = arith.constant 0 : index
    %get3A_4 = vector.load %arg2[%get3A_2, %get3A_3] : memref<64x128xf32, #tpu.memory_space<vmem>>, vector<64x128xf32>
    %slice3A = vector.extract_strided_slice %get3A_1 {offsets = [0, 0], sizes = [8192, 64], strides = [1, 1]} : vector<8192x128xf32> to vector<8192x64xf32>
    %transpose3A = tpu.transpose %slice3A, [1, 0] : vector<8192x64xf32> -> vector<64x8192xf32>
    %reshape3A = vector.shape_cast %transpose3A : vector<64x8192xf32> to vector<64x16x512xf32>
    %reshape3A_5 = vector.shape_cast %get3A_4 : vector<64x128xf32> to vector<16x4x128xf32>
    %slice3A_6 = vector.extract_strided_slice %reshape3A_5 {offsets = [0, 0, 0], sizes = [16, 1, 128], strides = [1, 1, 1]} : vector<16x4x128xf32> to vector<16x1x128xf32>
    %squeeze3A = vector.shape_cast %slice3A_6 : vector<16x1x128xf32> to vector<16x128xf32>
    %slice3A_7 = vector.extract_strided_slice %reshape3A_5 {offsets = [0, 1, 0], sizes = [16, 1, 128], strides = [1, 1, 1]} : vector<16x4x128xf32> to vector<16x1x128xf32>
    %squeeze3A_8 = vector.shape_cast %slice3A_7 : vector<16x1x128xf32> to vector<16x128xf32>
    %slice3A_9 = vector.extract_strided_slice %reshape3A_5 {offsets = [0, 2, 0], sizes = [16, 1, 128], strides = [1, 1, 1]} : vector<16x4x128xf32> to vector<16x1x128xf32>
    %squeeze3A_10 = vector.shape_cast %slice3A_9 : vector<16x1x128xf32> to vector<16x128xf32>
    %slice3A_11 = vector.extract_strided_slice %reshape3A_5 {offsets = [0, 3, 0], sizes = [16, 1, 128], strides = [1, 1, 1]} : vector<16x4x128xf32> to vector<16x1x128xf32>
    %squeeze3A_12 = vector.shape_cast %slice3A_11 : vector<16x1x128xf32> to vector<16x128xf32>
    %concatenate3A = tpu.concatenate %squeeze3A, %squeeze3A_8, %squeeze3A_10, %squeeze3A_12 in 1 : vector<16x128xf32>, vector<16x128xf32>, vector<16x128xf32>, vector<16x128xf32> -> vector<16x512xf32>
    %broadcast_in_dim3A = vector.shape_cast %concatenate3A : vector<16x512xf32> to vector<1x16x512xf32>
    %ne3A = arith.constant 0.000000e+00 : f32
    %ne3A_13 = vector.broadcast %ne3A : f32 to vector<1x16x512xf32>
    %ne3A_14 = arith.cmpf one, %broadcast_in_dim3A, %ne3A_13 : vector<1x16x512xf32>
    %jit3A = arith.constant 0.000000e+00 : f32
    %broadcast_in_dim3A_15 = vector.shape_cast %ne3A_14 : vector<1x16x512xi1> to vector<1x16x512xi1>
    %broadcast_in_dim3A_16 = vector.broadcast %broadcast_in_dim3A_15 : vector<1x16x512xi1> to vector<64x16x512xi1>
    %broadcast_in_dim3A_17 = vector.broadcast %jit3A : f32 to vector<64x16x512xf32>
    %select_n3A = arith.select %broadcast_in_dim3A_16, %reshape3A, %broadcast_in_dim3A_17 : vector<64x16x512xi1>, vector<64x16x512xf32>
    %slice3A_18 = vector.extract_strided_slice %select_n3A {offsets = [0, 0, 0], sizes = [64, 16, 496], strides = [1, 1, 1]} : vector<64x16x512xf32> to vector<64x16x496xf32>
    %broadcast_in_dim3A_19 = vector.shape_cast %slice3A_18 : vector<64x16x496xf32> to vector<1x64x16x496xf32>
    %swap3A = arith.constant 0 : index
    %swap3A_20 = arith.constant 0 : index
    %swap3A_21 = arith.constant 0 : index
    %swap3A_22 = arith.constant 0 : index
    %swap3A_23 = vector.load %arg3[%swap3A, %swap3A_20, %swap3A_21, %swap3A_22] : memref<1x64x16x496xf32, #tpu.memory_space<vmem>>, vector<1x64x16x496xf32>
    tpu.vector_store %arg3[%swap3A, %swap3A_20, %swap3A_21, %swap3A_22], %broadcast_in_dim3A_19 {strides = array<i32>} : memref<1x64x16x496xf32, #tpu.memory_space<vmem>>, vector<1x64x16x496xf32>,
    return
  }
  func.func @transform_0(%arg0: i32) -> (i32, i32) {
    %c0_i32 = arith.constant 0 : i32
    %c0_i32_0 = arith.constant 0 : i32
    return %arg0, %c0_i32 : i32, i32
  }
  func.func @transform_1(%arg0: i32) -> (i32, i32) {
    %c0_i32 = arith.constant 0 : i32
    %c0_i32_0 = arith.constant 0 : i32
    return %arg0, %c0_i32 : i32, i32
  }
  func.func @transform_2(%arg0: i32) -> (i32, i32, i32, i32) {
    %c0_i32 = arith.constant 0 : i32
    %c0_i32_0 = arith.constant 0 : i32
    %c0_i32_1 = arith.constant 0 : i32
    %c0_i32_2 = arith.constant 0 : i32
    return %c0_i32, %c0_i32_0, %arg0, %c0_i32_1 : i32, i32, i32, i32
  }
}

</mosaic_0001>

<sc_bundles>
// kernel: kernel.4.cloned.1.call-start
scs
__scs_entry_jumppad:
0x0: {  	(pc) =	sbr.rel $0x88, $3  }
0x1: {  	(tag) =	ssettag $0x0;
	lr =	simm.s32 $0x1  }
0x2: {  	[smem:$0x3F9F] =	sst lr;
	_ =	strace $0xD0000000  }
0x3: {  	_ = 	snop  }
0x4: {  	_ = 	snop  }
0x5: {  	_ = 	snop  }
0x6: {  	_ = 	snop  }
0x7: {  	_ = 	snop  }
__scs_overlays_trampoline_lowered:
0x8: {  	[smem:$0x3FAE] =	sst s0  }
0x9: {  	[smem:$0x3FAF] =	sst s1  }
0xa: {  	[smem:$0x3FB0] =	sst s2  }
0xb: {  	[smem:$0x3FB1] =	sst s3  }
0xc: {  	[smem:$0x3FB2] =	sst s4  }
0xd: {  	[smem:$0x3FB3] =	sst s5  }
0xe: {  	[smem:$0x3FB4] =	sst s6  }
0xf: {  	[smem:$0x3FB5] =	sst s7  }
0x10: {  	[smem:$0x3FB6] =	sst s8  }
0x11: {  	[smem:$0x3FB7] =	sst s9;
	s0 =	simm.s32 @!p0 $0x0  }
0x12: {  	s1 =	sld [smem:$0x3F9D];
	s0 =	simm.s32 @p0 $0x1  }
0x13: {  	[smem:$0x3FB8] =	sst s0;
	s0 =	simm.s32 @!p1 $0x0  }
0x14: {  	s2 =	sld [smem:$0x3F9C];
	s0 =	simm.s32 @p1 $0x1  }
0x15: {  	[smem:$0x3FB9] =	sst s0;
	s0 =	simm.s32 @!p2 $0x0  }
0x16: {  	s3 =	sld [smem:$0x3FDB];
	s0 =	simm.s32 @p2 $0x1  }
0x17: {  	s4 =	simm.s32 $0x1BF5;
	[smem:$0x3FBB] =	sst s0  }
0x18: {  	s0 =	sld [smem:$0x3F9E];
	_ =	swait.ge [sflag:s4], $0x0  }
0x19: {  	s7 =	sld [smem:$0x3F9F]  }
0x1a: {  	s8 =	sadd.s32 $0xFFFFE003, lr  }
0x1b: {  	s9 =	sadd.s32 $0xFFFFFEF7, lr;
	s5 =	simm.s32 $0xFFFFFFFF;
	p2 =	slt.u32 s8, $0xFFFFF086  }
0x1c: {  	p1 =	slt.u32 s9, $0xF7A;
	s5 =	simm.s32 @!p2 $0x0  }
0x1d: {  	s5 =	simm.s32 @p1 $0x1;
	p0 =	seq.s32 s7, s2  }
0x1e: {  	s7 =	smul.u32 @!p0 $0xF7A, s2;
	p2 =	seq.s32 @!p0 s5, $0x0  }
0x1f: {  	s9 =	smul.u32 $0xF7A, s1;
	s8 =	simm.s32 @!p0 $0x1BF5;
	p2 =	por !p2, p0  }
0x20: {  	[sflag:s8] =	ssyncset.s32 @!p0 $0xFFFFF086;
	s6 =	sadd.s32 @!p0 s3, s7;
	s7 =	simm.s32 @!p0 $0x108  }
0x21: {  	s3 =	sadd.s32 s3, s9;
	s6 =	sadd.s32 @!p0 $0x88, s6;
	s7 =	simm.s32 @p2 $0x1082  }
0x22: {  	[simem:s7], [sflag:s8] =	dma.local @!p0 [hbm:s6], $0xF7A  }
0x23: {  	s9 =	sor.u32 $0xD0000000, s2;
	s6 =	simm.s32 $0x108;
	_ =	swait.ge @!p0 [sflag:s8], $0x0  }
0x24: {  	s3 =	sadd.s32 $0x88, s3;
	s6 =	simm.s32 @!p1 $0x1082;
	[sflag:s4] =	ssyncset.s32 $0xFFFFF086  }
0x25: {  	[simem:s6], [sflag:s4] =	dma.local [hbm:s3], $0xF7A  }
0x26: {  	[smem:$0x3F9F] =	sst s1;
	(tag) =	ssettag s2;
	_ =	strace s9  }
0x27: {  	s1 =	sld [smem:$0x3FAF]  }
0x28: {  	s2 =	sld [smem:$0x3FB0]  }
0x29: {  	s4 =	sld [smem:$0x3FB2]  }
0x2a: {  	p0 =	seq.s32 s5, $0x0;
	s5 =	sld [smem:$0x3FB3]  }
0x2b: {  	s6 =	sld [smem:$0x3FB4]  }
0x2c: {  	s7 =	sld [smem:$0x3FB5]  }
0x2d: {  	s3 =	simm.s32 $0x108;
	s8 =	sld [smem:$0x3FB6]  }
0x2e: {  	s3 =	simm.s32 @!p0 $0x1082;
	s9 =	sld [smem:$0x3FB7]  }
0x2f: {  	lr =	sadd.s32 s0, s3;
	s0 =	sld [smem:$0x3FAE]  }
0x30: {  	s3 =	sld [smem:$0x3FB1]  }
0x31: {  	[smem:$0x3FBA] =	sst s10  }
0x32: {  	s10 =	sld [smem:$0x3FB8];
	_ =	sdelay $0x3  }
0x33: {  	p0 =	seq.s32 s10, $0x1;
	s10 =	sld [smem:$0x3FBA];
	_ =	sdelay $0x3  }
0x34: {  	[smem:$0x3FBA] =	sst s10  }
0x35: {  	s10 =	sld [smem:$0x3FB9];
	_ =	sdelay $0x3  }
0x36: {  	p1 =	seq.s32 s10, $0x1;
	s10 =	sld [smem:$0x3FBA];
	_ =	sdelay $0x3  }
0x37: {  	[smem:$0x3FBA] =	sst s10  }
0x38: {  	s10 =	sld [smem:$0x3FBB]  }
0x39: {  	_ = 	snop;
	(pc) =	sbr.ind lr, $3  }
0x3a: {  	_ = 	snop  }
0x3b: {  	_ = 	snop  }
0x3c: {  	p2 =	seq.s32 s10, $0x1;
	s10 =	sld [smem:$0x3FBA]  }
0x3d: {  	_ =	shalt  }
0x3e: {  	_ =	shalt  }
0x3f: {  	_ =	shalt  }
0x40: {  	_ =	shalt  }
0x41: {  	_ =	shalt  }
0x42: {  	_ =	shalt  }
0x43: {  	_ =	shalt  }
0x44: {  	_ =	shalt  }
0x45: {  	_ =	shalt  }
0x46: {  	_ =	shalt  }
0x47: {  	_ =	shalt  }
0x48: {  	_ =	shalt  }
0x49: {  	_ =	shalt  }
0x4a: {  	_ =	shalt  }
0x4b: {  	_ =	shalt  }
0x4c: {  	_ =	shalt  }
0x4d: {  	_ =	shalt  }
0x4e: {  	_ =	shalt  }
0x4f: {  	_ =	shalt  }
0x50: {  	_ =	shalt  }
0x51: {  	_ =	shalt  }
0x52: {  	_ =	shalt  }
0x53: {  	_ =	shalt  }
0x54: {  	_ =	shalt  }
0x55: {  	_ =	shalt  }
0x56: {  	_ =	shalt  }
0x57: {  	_ =	shalt  }
0x58: {  	_ =	shalt  }
0x59: {  	_ =	shalt  }
0x5a: {  	_ =	shalt  }
0x5b: {  	_ =	shalt  }
0x5c: {  	_ =	shalt  }
0x5d: {  	_ =	shalt  }
0x5e: {  	_ =	shalt  }
0x5f: {  	_ =	shalt  }
0x60: {  	_ =	shalt  }
0x61: {  	_ =	shalt  }
0x62: {  	_ =	shalt  }
0x63: {  	_ =	shalt  }
0x64: {  	_ =	shalt  }
0x65: {  	_ =	shalt  }
0x66: {  	_ =	shalt  }
0x67: {  	_ =	shalt  }
0x68: {  	_ =	shalt  }
0x69: {  	_ =	shalt  }
0x6a: {  	_ =	shalt  }
0x6b: {  	_ =	shalt  }
0x6c: {  	_ =	shalt  }
0x6d: {  	_ =	shalt  }
0x6e: {  	_ =	shalt  }
0x6f: {  	_ =	shalt  }
0x70: {  	_ =	shalt  }
0x71: {  	_ =	shalt  }
0x72: {  	_ =	shalt  }
0x73: {  	_ =	shalt  }
0x74: {  	_ =	shalt  }
0x75: {  	_ =	shalt  }
0x76: {  	_ =	shalt  }
0x77: {  	_ =	shalt  }
0x78: {  	_ =	shalt  }
0x79: {  	_ =	shalt  }
0x7a: {  	_ =	shalt  }
0x7b: {  	_ =	shalt  }
0x7c: {  	_ =	shalt  }
0x7d: {  	_ =	shalt  }
0x7e: {  	_ =	shalt  }
0x7f: {  	_ =	shalt  }
0x80: {  	_ =	shalt  }
0x81: {  	_ =	shalt  }
0x82: {  	_ =	shalt  }
0x83: {  	_ =	shalt  }
0x84: {  	_ =	shalt  }
0x85: {  	_ =	shalt  }
0x86: {  	_ =	shalt  }
0x87: {  	_ =	shalt  }
.Lfunc_end0:
.L_simem_size_0:
called_computation_lowered:
.L_overlay_start_0:
0x88: {  	s2 =	sld [smem:$0x3FD9]  }
0x89: {  	s3 =	sld [smem:$0x3FFE];
	_ =	sdelay $0x1  }
0x8a: {  	s1 =	srdreg.scid  }
0x8b: {  	s0 =	sand.u32 $0x1, s1  }
0x8c: {  	s17 =	sshll.u32 s0, $0xA;
	s2 =	sadd.s32 s3, s2  }
0x8d: {  	s2 =	sadd.s32 s2, s17  }
0x8e: {  	[smem:$0x3FC6] =	sst s2  }
0x8f: {  	_ = 	snop  }
0x90: {  	s2 =	sld [smem:$0x3FD0];
	(tm) =	ssettm $0x1  }
0x91: {  	s18 =	sld [smem:$0x3FFB];
	_ =	sdelay $0x3  }
0x92: {  	_ =	strace s18  }
0x93: {  	s3 =	sld [smem:$0x3FFC];
	_ =	sdelay $0x3  }
0x94: {  	_ =	strace s3  }
0x95: {  	s3 =	sld [smem:$0x3FFD];
	_ =	sdelay $0x3  }
0x96: {  	_ =	strace s3  }
0x97: {  	_ =	strace $0x8FFFFFFF  }
0x98: {  	s19 =	sld [smem:$0x3FDB];
	_ =	sdelay $0x1  }
0x99: {  	s4 =	simm.s32 $_scs_section_size  }
0x9a: {  	s5 =	simm.s32 $_size__tile_overlayer_lowered;
	s6 =	simm.s32 $_tile_overlayer_lowered  }
0x9b: {  	s22 =	simm.s32 $0x1BFF;
	s21 =	sshll.u32 s6, $0x1;
	s3 =	sadd.s32 s4, s19  }
0x9c: {  	s7 =	simm.s32 $0x0;
	s20 =	sshll.u32 s5, $0x1;
	s5 =	sadd.s32 s21, s3  }
0x9d: {  	[timem:s7], [sflag:s22] =	dma.local [hbm:s5], s20  }
0x9e: {  	_ =	swait.ge [sflag:s22], s20  }
0x9f: {  	s4 =	ssub.s32 $0x0, s20;
	[sflag:s22] =	ssyncset.done $0x0  }
0xa0: {  	[sflag:s22] =	ssyncadd.s32 s4;
	_ =	sdelay $0x1  }
0xa1: {  	s23 =	simm.s32 $0x1B8B  }
0xa2: {  	_ =	swait.ge [sflag:s23], $0x1  }
0xa3: {  	[sflag:s23] =	ssyncset.done $0x0  }
0xa4: {  	s25 =	simm.s32 $0x1B8E;
	s24 =	sld [smem:$0x3FFE];
	[sflag:s23] =	ssyncadd.s32 $0xFFFFFFFF  }
0xa5: {  	s26 =	simm.s32 $execute0_lowered;
	[smem:$0x3FD2] =	sst s25  }
0xa6: {  	s5 =	sshll.u32 s26, $0x1;
	_ =	strace $0x80000046;
	[dreg:$0x1] =	wrdreg $0xFFFFFFFF  }
0xa7: {  	s28 =	simm.s32 $_size_execute0_lowered;
	s3 =	sadd.s32 s3, s5;
	[dreg:$0x0] =	wrdreg $0x0  }
0xa8: {  	s5 =	sshll.u32 s28, $0x1;
	[dreg:$0x2] =	wrdreg s3  }
0xa9: {  	[dreg:$0x3] =	wrdreg s5  }
0xaa: {  	[dreg:$0x4] =	wrdreg $0xC0  }
0xab: {  	_ =	task [dreg:s7], $0x5FFFF  }
0xac: {  	[dreg:$0x1] =	wrdreg $0xFFFFFFFF  }
0xad: {  	[dreg:$0x0] =	wrdreg $0x60  }
0xae: {  	[dreg:$0x2] =	wrdreg s2  }
0xaf: {  	[dreg:$0x3] =	wrdreg s24  }
0xb0: {  	[dreg:$0x4] =	wrdreg $0x9  }
0xb1: {  	_ =	task.clear_ibuf [dreg:s7], $0x5FFFF;
	_ =	strace $0x90000046  }
0xb2: {  	s29 =	simm.s32 $0x9;
	_ =	strace $0x80000048  }
0xb3: {  	_ =	swait.ge [sflag:s29], $0x1  }
0xb4: {  	[sflag:s29] =	ssyncadd.s32 $0xFFFFFFFF  }
0xb5: {  	_ =	strace $0x90000048  }
0xb6: {  	_ =	sfence  }
0xb7: {  	s30 =	sld [smem:$0x0];
	_ =	sdelay $0x2  }
0xb8: {  	s31 =	sshll.u32 s1, $0xD;
	s1 =	sshrl.u32 s1, $0x2  }
0xb9: {  	s3 =	sand.u32 $0x4000, s31;
	s1 =	sadd.s32 s1, s30  }
0xba: {  	s0 =	sor.u32 s3, s0;
	s1 =	sshll.u32 s1, $0x11  }
0xbb: {  	s0 =	sor.u32 s1, s0  }
0xbc: {  	s0 =	sadd.s32 $0x8F2B, s0  }
0xbd: {  	[sflag:s0] =	ssyncadd.remote.s32 $0x1  }
0xbe: {  	_ =	sfence.sel $0xFFFF  }
0xbf: {  	[dreg:$0x0] =	wrdreg $0xFFFFFFFF;
	(pc) =	sbr.abs _section_cstart, $3  }
0xc0: {  	[dreg:$0x1] =	wrdreg $0xFFFFFFFF  }
0xc1: {  	_ =	task.clear_ibuf [dreg:s7], $0x2FFFF;
	_ =	strace $0x9FFFFFFF  }
0xc2: {  	(tm) =	ssettm $0x7FFFFFFF  }
0xc3: {  	_ =	shalt  }
tec
execute0_lowered:
.L_overlay_start_1:
0x0: {  	(tag) =	ssettag $0x1  }
0x1: {  	s2 =	rddreg [dreg:$0x0]  }
0x2: {  	s0 =	rddreg [dreg:$0x1];
	s1 =	srdreg.scid  }
0x3: {  	s4 =	stileid.u32;
	s3 =	simm.s32 $0x0;
	s9 =	simm.s32 $0x1CE00  }
0x4: {  	s10 =	simm.s32 $0x3;
	s11 =	simm.s32 $0x4680;
	s12 =	simm.s32 $0x1  }
0x5: {  	s13 =	simm.s32 $0x5880;
	s14 =	simm.s32 $0x6A80;
	s15 =	simm.s32 $0x7C80  }
0x6: {  	s16 =	simm.s32 $0x8E80;
	s1 =	sand.u32 $0x1, s1;
	s4 =	sshll.u32 s4, $0x1  }
0x7: {  	s17 =	simm.s32 $0xA900;
	s18 =	simm.s32 $0xBB80;
	s4 =	sor.u32 s1, s4  }
0x8: {  	s19 =	simm.s32 $0xCE00;
	s20 =	simm.s32 $0x80;
	s7 =	smul.u32 $0x1A28, s4  }
0x9: {  	[smem:$0x7FF] =	sst s3;
	s5 =	sadd.s32 $0xC00, s0;
	s4 =	smul.u32 $0x360, s4  }
.Ltmp0:
0xa: {  	s6 =	sadd.s32 $0x1600, s0;
	s1 =	ssub.s32 $0x2, s1;
	(pc) =	sbr.rel .LBB2_1-.Ltmp0, $4  }
0xb: {  	_ =	strace $0x80000047;
	[dreg:$0x3] =	wrdreg s5;
	s29 =	sshrl.u32 s1, $0x1  }
0xc: {  	v2 =	vimm.f32 $0.0e+00;
	v3 =	vimm.f32 $1.000000000e+00;
	v4 =	vlaneseq.u32;
	s5 =	sadd.s32 $0x8200, s0;
	s0 =	ssub.s32 s1, s29;
	s30 =	sadd.s32 s6, s4  }
0xd: {  	v5 =	vimm.s32 $0x0;
	v6 =	vimm.s32 $0x4000000;
	vm0 =	vmmov $0xffff;
	s31 =	sadd.s32 $0x1A28, s7;
	s0 =	smax.u32 s0, $0x1;
	[dreg:$0x4] =	wrdreg s30  }
0xe: {  	s21 =	simm.s32 $0x2;
	s22 =	simm.s32 $0x0;
	v7 =	vmul.u32 $0x80, v4;
	v0 =	vmov s7;
	[dreg:$0x5] =	wrdreg s0;
	v1 =	vmov s31  }
.LBB2_31:
0xf: {  	s22 =	sadd.s32 $0x1, s22;
	s0 =	rddreg [dreg:$0x5]  }
0x10: {  	p0 =	sne.s32 s22, s0  }
.Ltmp1:
0x11: {  	_ = 	snop;
	(pc) =	sbr.rel @!p0 .LBB2_32-.Ltmp1, $1  }
0x12: {  	_ =	sdelay $0x3  }
.LBB2_1:
0x13: {  	s0 =	simm.s32 $0x40;
	s1 =	simm.s32 $0x0  }
.LBB2_2:
0x14: {  	p0 =	sne.s32 s0, $0x6BC0;
	[tilespmem:s1+$0x1CE00] =	vst v2;
	s1 =	smov.u32 s0;
	s0 =	sadd.s32 $0x40, s0  }
.Ltmp2:
0x15: {  	(pc) =	sbr.rel @p0 .LBB2_2-.Ltmp2, $2  }
0x16: {  	_ =	sdelay $0x2  }
0x17: {  	s1 =	sshra.s32 s1, $0x2  }
0x18: {  	[tilespmem:s1+$0x1CE00] =	vst v2;
	s0 =	simm.s32 $0x0;
	s29 =	rddreg [dreg:$0x4]  }
0x19: {  	[hbm4b:s29+s0] =	stream.linear.scatter [tilespmem:s9], [sflag:$0x3], $0x1B00, $0x38;
	[tilespmem:$0x1E980] =	vst v63  }
0x1a: {  	_ =	swait.ge [sflag:s10], $0x1B00  }
0x1b: {  	[sflag:s10] =	ssyncset.done $0x0  }
0x1c: {  	[sflag:s10] =	ssyncadd.s32 $0xFFFFE500  }
0x1d: {  	[tilespmem:$0x1CE00] =	vst v3  }
0x1e: {  	[tilespmem:$0x1CE10] =	vst v3  }
0x1f: {  	[tilespmem:$0x1CE20] =	vst v3  }
0x20: {  	[tilespmem:$0x1CE30] =	vst v3  }
0x21: {  	[tilespmem:$0x1CE40] =	vst v3  }
0x22: {  	v8 =	vor.u32 s0, v4;
	[tilespmem:$0x1CE50] =	vst v3  }
0x23: {  	v9 =	vshll.u32 v8, $0x2;
	[tilespmem:$0x1CE60] =	vst v3  }
0x24: {  	v10 =	vor.u32 $0x2, v9;
	s30 =	rddreg [dreg:$0x3];
	[tilespmem:$0x1CE70] =	vst v3  }
0x25: {  	[tilespmem:s0], [sflag:$0x3] =	stream.linear.gather [hbm4b:s30+s0], $0x4680, $0x38;
	[tilespmem:$0x1E980] =	vst v63  }
0x26: {  	v11 =	vor.u32 $0x1, v9;
	_ =	swait.ge [sflag:s10], $0x4680  }
0x27: {  	v9 =	vor.u32 $0x3, v9;
	[sflag:s10] =	ssyncset.done $0x0  }
0x28: {  	[sflag:s10] =	ssyncadd.s32 $0xFFFFB980  }
0x29: {  	v10 =	vld.idx.msk [tilespmem:v10+s3+$0x0], $0xffff;
	_ =	sdelay $0x1  }
0x2a: {  	v11 =	vld.idx.msk [tilespmem:v11+s3+$0x0], $0xffff  }
0x2b: {  	v9 =	vld.idx.msk [tilespmem:v9+s3+$0x0], $0xffff;
	_ =	sdelay $0x1  }
0x2c: {  	v10 =	vmul.u32 $0x1B0, v10;
	_ =	sdelay $0x1  }
0x2d: {  	v10 =	vadd.s32 v11, v10  }
0x2e: {  	v9 =	vadd.s32 v9, v10  }
0x2f: {  	vm1 =	vge.s32 v9, v0;
	vm2 =	vlt.s32 v9, v1  }
0x30: {  	vm1 =	vmand vm1, vm2  }
0x31: {  	v10 =	vsel vm1, $0x1, v5  }
0x32: {  	(xrf0) =	vadd.scan.msk.s32 $0xffff, v10;
	_ =	sdelay $0x2  }
0x33: {  	v10 =	vmov s0  }
0x34: {  	v10 =	vadd.s32 $0xFFFFFFFF, v10  }
0x35: {  	v11 =	vbroadcast v10, $0x0  }
0x36: {  	s31 =	simm.s32 $0x10;
	v10 =	vsub.s32 v9, v0;
	v12, _, _ =	vpop (xrf0)  }
0x37: {  	s23 =	simm.s32 $0x20;
	v9 =	vor.u32 s31, v4;
	v11 =	vadd.s32 v12, v11;
	(v2sf) =	vpush v12, $0xF  }
.LBB2_4:
0x38: {  	p0 =	sne.s32 s23, $0x1190;
	v12 =	vshll.u32 v9, $0x2;
	v11 =	vnsel vm1, $0x0, v11  }
0x39: {  	v13 =	vor.u32 $0x2, v12;
	_ =	sdelay $0x1  }
0x3a: {  	v10 =	vshll.u32 v10, $0xD;
	v14 =	vor.u32 $0x1, v12  }
0x3b: {  	v12 =	vor.u32 $0x3, v12;
	v10 =	vadd.s32 v8, v10;
	v8 =	vmov v9  }
0x3c: {  	[tilespmem:v11+s11+$0x0] =	vst.idx.msk vm1, v10  }
0x3d: {  	v9 =	vld.idx.msk [tilespmem:v13+s3+$0x0], $0xffff;
	_ =	sdelay $0x1  }
0x3e: {  	v10 =	vld.idx.msk [tilespmem:v14+s3+$0x0], $0xffff  }
0x3f: {  	v11 =	vld.idx.msk [tilespmem:v12+s3+$0x0], $0xffff;
	_ =	sdelay $0x2  }
0x40: {  	v9 =	vmul.u32 $0x1B0, v9;
	_ =	sdelay $0x1  }
0x41: {  	v9 =	vadd.s32 v10, v9;
	s1 =	spop (v2sf)  }
0x42: {  	v9 =	vadd.s32 v11, v9;
	s0 =	sadd.s32 s0, s1  }
0x43: {  	vm1 =	vge.s32 v9, v0;
	vm2 =	vlt.s32 v9, v1;
	v11 =	vmov s0  }
0x44: {  	v10 =	vsub.s32 v9, v0;
	vm1 =	vmand vm1, vm2;
	v9 =	vadd.s32 $0xFFFFFFFF, v11  }
0x45: {  	v11 =	vsel vm1, $0x1, v5;
	v12 =	vbroadcast v9, $0x0  }
0x46: {  	(xrf0) =	vadd.scan.msk.s32 $0xffff, v11;
	_ =	sdelay $0x2  }
.Ltmp3:
0x47: {  	(pc) =	sbr.rel @p0 .LBB2_4-.Ltmp3, $3  }
0x48: {  	_ =	sdelay $0x1  }
0x49: {  	v13, _, _ =	vpop (xrf0)  }
0x4a: {  	v9 =	vor.u32 s23, v4;
	s23 =	sadd.s32 $0x10, s23;
	v11 =	vadd.s32 v13, v12;
	(v2sf) =	vpush v13, $0xF  }
0x4b: {  	v12 =	vshll.u32 v9, $0x2;
	v11 =	vnsel vm1, $0x0, v11  }
0x4c: {  	v13 =	vor.u32 $0x2, v12;
	_ =	sdelay $0x1  }
0x4d: {  	v10 =	vshll.u32 v10, $0xD;
	v14 =	vor.u32 $0x1, v12  }
0x4e: {  	v12 =	vor.u32 $0x3, v12;
	v8 =	vadd.s32 v8, v10  }
0x4f: {  	[tilespmem:v11+s11+$0x0] =	vst.idx.msk vm1, v8  }
0x50: {  	v8 =	vld.idx.msk [tilespmem:v13+s3+$0x0], $0xffff;
	_ =	sdelay $0x1  }
0x51: {  	v60 =	vld.idx.msk [tilespmem:v14+s3+$0x0], $0xffff  }
0x52: {  	v11 =	vld.idx.msk [tilespmem:v12+s3+$0x0], $0xffff;
	_ =	sdelay $0x1  }
0x53: {  	v8 =	vmul.u32 $0x1B0, v8;
	_ =	sdelay $0x1  }
0x54: {  	v8 =	vadd.s32 v60, v8  }
0x55: {  	v8 =	vadd.s32 v11, v8  }
0x56: {  	vm1 =	vge.s32 v8, v0;
	vm2 =	vlt.s32 v8, v1  }
0x57: {  	vm1 =	vmand vm1, vm2  }
0x58: {  	v61 =	vsel vm1, $0x1, v5  }
0x59: {  	(xrf0) =	vadd.scan.msk.s32 $0xffff, v61;
	_ =	sdelay $0x5  }
0x5a: {  	v10, _, _ =	vpop (xrf0)  }
0x5b: {  	(v2sf) =	vpush v10, $0xF;
	_ =	sdelay $0xd  }
0x5c: {  	s1 =	spop (v2sf)  }
0x5d: {  	s0 =	sadd.s32 s0, s1;
	s30 =	spop (v2sf)  }
0x5e: {  	v62 =	vmov s0;
	s0 =	sadd.s32 s0, s30  }
0x5f: {  	s1 =	sadd.s32 $0xF, s0  }
0x60: {  	v11 =	vadd.s32 $0xFFFFFFFF, v62;
	s4 =	sand.u32 $0xF, s1  }
0x61: {  	v11 =	vbroadcast v11, $0x0;
	s31 =	sshra.s32 s1, $0x1F;
	p0 =	slt.s32 s1, $0x1;
	p1 =	sne.s32 s4, $0x0  }
0x62: {  	v63 =	vadd.s32 s0, v4;
	s0 =	sshrl.u32 s31, $0x1C;
	p0 =	por !p0, !p1  }
0x63: {  	v10 =	vadd.s32 v10, v11;
	s0 =	sadd.s32 s0, s1;
	s1 =	simm.s32 $0x1;
	p0 =	por !p0, !p0  }
0x64: {  	v10 =	vnsel vm1, $0x0, v10;
	s0 =	sshra.s32 s0, $0x4;
	s1 =	simm.s32 @!p0 $0x0  }
0x65: {  	s23 =	ssub.s32 s0, s1  }
0x66: {  	v8 =	vsub.s32 v8, v0;
	p0 =	slt.s32 s23, $0x1  }
.Ltmp4:
0x67: {  	v8 =	vshll.u32 v8, $0xD;
	(pc) =	sbr.rel @p0 .LBB2_31-.Ltmp4, $4  }
0x68: {  	v8 =	vadd.s32 v9, v8  }
0x69: {  	s24 =	simm.s32 $0x4680;
	[tilespmem:v10+s11+$0x0] =	vst.idx.msk vm1, v8  }
0x6a: {  	[tilespmem:v63+s24+$0x0] =	vst.idx.msk $0xffff, v6  }
0x6b: {  	[tilespmem:$0x1E910] =	vst v6;
	s0 =	simm.s32 $0x0  }
0x6c: {  	v8 =	vld [tilespmem:s24+$0x0];
	_ =	sdelay $0x4  }
0x6d: {  	v9 =	vxor.u32 $0x80000000, v8  }
0x6e: {  	(xrf1) =	vsort.ascd.msk.u32 $0xffff, v9, v8;
	_ =	sdelay $0xd  }
0x6f: {  	v9, _, _ =	vpop (xrf1)  }
0x70: {  	v8 =	vxor.u32 $0x80000000, v9  }
0x71: {  	[tilespmem:$0x1E900] =	vst v8  }
0x72: {  	v10 =	vld [tilespmem:$0x1E901];
	_ =	sdelay $0x1  }
0x73: {  	v11 =	vor.u32 s0, v4;
	_ =	sdelay $0x1  }
0x74: {  	p0 =	sne.s32 s23, $0x1;
	v12 =	vshra.s32 v8, $0xD  }
.Ltmp5:
0x75: {  	vm1 =	vlt.s32 v12, $0x1A27;
	v10 =	vshra.s32 v10, $0xD;
	(pc) =	sbr.rel @!p0 .LBB2_8-.Ltmp5, $4  }
0x76: {  	vm3 =	vlt.s32 v8, $0x4000000;
	v8 =	vnsel vm1, $0x1A27, v12;
	vm2 =	vne.s32 v12, v10  }
0x77: {  	v9 =	vand.u32 $0x1FFF, v9;
	[tilespmem:v11+s13+$0x0] =	vst.idx.msk $0xffff, v8;
	vm1 =	vmand vm3, vm2  }
0x78: {  	[tilespmem:v11+s14+$0x0] =	vst.idx.msk $0xffff, v9;
	v10 =	vsel vm1, $0x1, v5  }
0x79: {  	s25 =	sadd.s32 $0xFFFFFFFF, s23;
	s26 =	simm.s32 $0x0;
	[tilespmem:v11+s15+$0x0] =	vst.idx.msk $0xffff, v10  }
.LBB2_7:
0x7a: {  	_ =	sdelay $0x2  }
0x7b: {  	p0 =	sne.s32 s25, $0x1;
	[tilespmem:v8+s16+$0x0] =	vst.idx.msk vm1, v9;
	s24 =	sadd.s32 $0x10, s24;
	s26 =	sadd.s32 $0x10, s26  }
0x7c: {  	s25 =	sadd.s32 $0xFFFFFFFF, s25;
	v8 =	vld [tilespmem:s24+$0x0];
	_ =	sdelay $0x4  }
0x7d: {  	v9 =	vxor.u32 $0x80000000, v8  }
0x7e: {  	(xrf1) =	vsort.ascd.msk.u32 $0xffff, v9, v8;
	_ =	sdelay $0xd  }
0x7f: {  	v9, _, _ =	vpop (xrf1)  }
0x80: {  	v8 =	vxor.u32 $0x80000000, v9  }
0x81: {  	[tilespmem:$0x1E900] =	vst v8  }
0x82: {  	v10 =	vld [tilespmem:$0x1E901];
	_ =	sdelay $0x1  }
0x83: {  	v11 =	vor.u32 s26, v4;
	_ =	sdelay $0x1  }
0x84: {  	v12 =	vshra.s32 v8, $0xD  }
.Ltmp6:
0x85: {  	vm1 =	vlt.s32 v12, $0x1A27;
	v10 =	vshra.s32 v10, $0xD;
	(pc) =	sbr.rel @p0 .LBB2_7-.Ltmp6, $4  }
0x86: {  	vm3 =	vlt.s32 v8, $0x4000000;
	v8 =	vnsel vm1, $0x1A27, v12;
	vm2 =	vne.s32 v12, v10  }
0x87: {  	v9 =	vand.u32 $0x1FFF, v9;
	vm1 =	vmand vm3, vm2;
	[tilespmem:v11+s13+$0x0] =	vst.idx.msk $0xffff, v8  }
0x88: {  	[tilespmem:v11+s14+$0x0] =	vst.idx.msk $0xffff, v9;
	v10 =	vsel vm1, $0x1, v5  }
0x89: {  	[tilespmem:v11+s15+$0x0] =	vst.idx.msk $0xffff, v10  }
.LBB2_8:
0x8a: {  	p1 =	sne.s32 s23, $0x1  }
.Ltmp7:
0x8b: {  	_ = 	snop;
	(pc) =	sbr.rel @!p1 .LBB2_12-.Ltmp7, $3  }
0x8c: {  	_ =	sdelay $0x1  }
0x8d: {  	s1 =	sadd.s32 $0xFFFFFFFF, s23  }
0x8e: {  	[tilespmem:v8+s16+$0x0] =	vst.idx.msk vm1, v9;
	p0 =	por $0x0, $0x0;
	s23 =	simm.s32 $0x0;
	s24 =	simm.s32 $0x0  }
0x8f: {  	v8 =	vor.u32 s0, v4;
	_ =	sdelay $0x4  }
0x90: {  	v9 =	vld.idx.msk [tilespmem:v8+s13+$0x0], $0xffff;
	_ =	sdelay $0x5  }
0x91: {  	v10 =	vld.idx.msk [tilespmem:v8+s15+$0x0], $0xffff  }
0x92: {  	v8 =	vld.idx.msk [tilespmem:v8+s14+$0x0], $0xffff  }
0x93: {  	v11 =	vld.idx.msk [tilespmem:v9+s16+$0x0], $0xffff;
	_ =	sdelay $0x3  }
0x94: {  	p1 =	sne.s32 s1, $0x1  }
.Ltmp8:
0x95: {  	vm1 =	vne.s32 v10, $0x0;
	vm2 =	veq.s32 v11, v8;
	(pc) =	sbr.rel @!p1 .LBB2_10-.Ltmp8, $4  }
0x96: {  	v9 =	vadd.s32 v0, v9;
	vm1 =	vmand vm1, vm2  }
0x97: {  	v10 =	vcvt.s32.f32 v9;
	v11 =	vsel vm1, $0x1, v5  }
0x98: {  	s25 =	sadd.s32 $0xFFFFFFFF, s1;
	(xrf0) =	vadd.scan.msk.s32 $0xffff, v11  }
0x99: {  	p0 =	por $0x1, $0x1;
	s23 =	simm.s32 $0x0;
	s24 =	simm.s32 $0x0;
	v10 =	vadd.f32 $5.000000000e-01, v10  }
.LBB2_11:
0x9a: {  	p1 =	sne.s32 s25, $0x1  }
0x9b: {  	v11 =	vmov s23;
	v10 =	vmul.f32 $2.314814830e-03, v10  }
0x9c: {  	v11 =	vadd.s32 $0xFFFFFFFF, v11  }
0x9d: {  	v11 =	vbroadcast v11, $0x0;
	v10 =	vtrunc.f32 v10  }
0x9e: {  	v10 =	vcvt.f32.s32 v10;
	v12, _, _ =	vpop (xrf0)  }
0x9f: {  	v11 =	vadd.s32 v12, v11;
	(v2sf) =	vpush v12, $0xF  }
0xa0: {  	v12 =	vmul.u32 $0x7FFE50, v10;
	v11 =	vnsel vm1, $0x0, v11  }
0xa1: {  	s24 =	sadd.s32 $0x10, s24  }
0xa2: {  	v13 =	vor.u32 s24, v4;
	v9 =	vadd.s32 v9, v12  }
0xa3: {  	v9 =	vshll.u32 v9, $0x9  }
0xa4: {  	v9 =	vadd.s32 v10, v9  }
0xa5: {  	[tilespmem:v11+s17+$0x0] =	vst.idx.msk vm1, v9  }
0xa6: {  	[tilespmem:v11+s18+$0x0] =	vst.idx.msk vm1, v8  }
0xa7: {  	v9 =	vld.idx.msk [tilespmem:v13+s13+$0x0], $0xffff;
	_ =	sdelay $0x5  }
0xa8: {  	v10 =	vld.idx.msk [tilespmem:v13+s15+$0x0], $0xffff  }
0xa9: {  	v8 =	vld.idx.msk [tilespmem:v13+s14+$0x0], $0xffff;
	s1 =	spop (v2sf)  }
0xaa: {  	v11 =	vld.idx.msk [tilespmem:v9+s16+$0x0], $0xffff;
	s23 =	sadd.s32 s23, s1;
	_ =	sdelay $0x5  }
.Ltmp9:
0xab: {  	vm1 =	vne.s32 v10, $0x0;
	vm2 =	veq.s32 v11, v8;
	(pc) =	sbr.rel @p1 .LBB2_11-.Ltmp9, $4  }
0xac: {  	v9 =	vadd.s32 v0, v9;
	vm1 =	vmand vm1, vm2  }
0xad: {  	v10 =	vcvt.s32.f32 v9;
	v11 =	vsel vm1, $0x1, v5  }
0xae: {  	(xrf0) =	vadd.scan.msk.s32 $0xffff, v11  }
0xaf: {  	s25 =	sadd.s32 $0xFFFFFFFF, s25;
	v10 =	vadd.f32 $5.000000000e-01, v10  }
.LBB2_12:
0xb0: {  	_ = 	snop  }
0xb1: {  	v11 =	vmov @p0 s23;
	v10 =	vmul.f32 @p0 $2.314814830e-03, v10  }
0xb2: {  	v11 =	vadd.s32 @p0 $0xFFFFFFFF, v11  }
0xb3: {  	v11 =	vbroadcast @p0 v11, $0x0;
	v10 =	vtrunc.f32 @p0 v10  }
0xb4: {  	v10 =	vcvt.f32.s32 @p0 v10;
	v12, _, _ =	vpop @p0 (xrf0)  }
0xb5: {  	v11 =	vadd.s32 @p0 v12, v11  }
0xb6: {  	s1 =	sadd.s32 @p0 $0x10, s24;
	s4 =	simm.s32 $0x0;
	v13 =	vmul.u32 @p0 $0x7FFE50, v10;
	v11 =	vnsel @p0 vm1, $0x0, v11  }
0xb7: {  	s4 =	smov.u32 @p0 s1  }
0xb8: {  	v58 =	vor.u32 s4, v4;
	v9 =	vadd.s32 @p0 v9, v13  }
0xb9: {  	v9 =	vshll.u32 @p0 v9, $0x9  }
0xba: {  	v9 =	vadd.s32 @p0 v10, v9  }
0xbb: {  	[tilespmem:v11+s17+$0x0] =	vst.idx.msk @p0 vm1, v9  }
0xbc: {  	[tilespmem:v11+s18+$0x0] =	vst.idx.msk @p0 vm1, v8  }
0xbd: {  	v8 =	vld.idx.msk [tilespmem:v58+s13+$0x0], $0xffff;
	_ =	sdelay $0x5  }
0xbe: {  	v9 =	vld.idx.msk [tilespmem:v58+s15+$0x0], $0xffff  }
0xbf: {  	v59 =	vld.idx.msk [tilespmem:v58+s14+$0x0], $0xffff  }
0xc0: {  	v11 =	vld.idx.msk [tilespmem:v8+s16+$0x0], $0xffff;
	_ =	sdelay $0x3  }
0xc1: {  	(v2sf) =	vpush @p0 v12, $0xF  }
0xc2: {  	vm1 =	vne.s32 v9, $0x0;
	vm2 =	veq.s32 v11, v59  }
0xc3: {  	vm1 =	vmand vm1, vm2  }
0xc4: {  	v60 =	vsel vm1, $0x1, v5  }
0xc5: {  	(xrf0) =	vadd.scan.msk.s32 $0xffff, v60;
	_ =	sdelay $0x5  }
0xc6: {  	v9, _, _ =	vpop (xrf0)  }
0xc7: {  	(v2sf) =	vpush v9, $0xF;
	_ =	sdelay $0x1  }
0xc8: {  	v8 =	vadd.s32 v0, v8  }
0xc9: {  	v61 =	vcvt.s32.f32 v8  }
0xca: {  	s1 =	spop @p0 (v2sf)  }
0xcb: {  	s1 =	sadd.s32 @p0 s23, s1;
	v11 =	vadd.f32 $5.000000000e-01, v61  }
0xcc: {  	s0 =	smov.u32 @p0 s1  }
0xcd: {  	v62 =	vmov s0;
	v11 =	vmul.f32 $2.314814830e-03, v11  }
0xce: {  	v12 =	vadd.s32 $0xFFFFFFFF, v62  }
0xcf: {  	v12 =	vbroadcast v12, $0x0;
	v11 =	vtrunc.f32 v11  }
0xd0: {  	v11 =	vcvt.f32.s32 v11  }
0xd1: {  	v9 =	vadd.s32 v9, v12  }
0xd2: {  	v63 =	vmul.u32 $0x7FFE50, v11;
	v9 =	vnsel vm1, $0x0, v9;
	_ =	sdelay $0x1  }
0xd3: {  	v8 =	vadd.s32 v8, v63  }
0xd4: {  	v8 =	vshll.u32 v8, $0x9;
	s31 =	spop (v2sf)  }
0xd5: {  	v8 =	vadd.s32 v11, v8;
	s0 =	sadd.s32 s0, s31  }
0xd6: {  	[tilespmem:v9+s17+$0x0] =	vst.idx.msk vm1, v8;
	p0 =	slt.s32 s0, $0x1  }
0xd7: {  	[tilespmem:v9+s18+$0x0] =	vst.idx.msk vm1, v59;
	s23 =	simm.s32 @!p0 $0xA900;
	v8 =	vlaneseq.u32 @!p0  }
0xd8: {  	s1 =	simm.s32 @!p0 $0xBB80;
	v9 =	vld.msk @!p0 [tilespmem:s23+$0x0], $0xffff;
	v10 =	vadd.s32 @!p0 s0, v8  }
0xd9: {  	s4 =	sadd.s32 @!p0 $0x10, s0;
	v11 =	vld.msk @!p0 [tilespmem:s1+$0x0], $0xffff  }
0xda: {  	s7 =	sadd.s32 @!p0 $0xF, s0;
	v12 =	vadd.s32 @!p0 s4, v8;
	s4 =	sadd.s32 @!p0 $0x20, s0  }
0xdb: {  	v13 =	vadd.s32 @!p0 s4, v8;
	s4 =	sand.u32 @!p0 $0xF, s7  }
0xdc: {  	p1 =	slt.s32 @!p0 s7, $0x0;
	p2 =	sne.s32 @!p0 s4, $0x0  }
0xdd: {  	s8 =	sadd.s32 @!p0 $0x30, s0;
	s4 =	sshra.s32 @!p0 s7, $0x1F;
	p1 =	por @!p0 !p1, !p2;
	[tilespmem:v10+s23+$0x0] =	vst.idx.msk @!p0 $0xffff, v9  }
0xde: {  	s4 =	sshrl.u32 @!p0 s4, $0x1C;
	p1 =	por @!p0 !p1, !p1;
	[tilespmem:v10+s1+$0x0] =	vst.idx.msk @!p0 $0xffff, v11;
	v10 =	vadd.s32 @!p0 s8, v8  }
0xdf: {  	s4 =	sadd.s32 @!p0 s4, s7;
	s7 =	simm.s32 @!p0 $0x1;
	p1 =	por !p1, p0;
	[tilespmem:v12+s23+$0x0] =	vst.idx.msk @!p0 $0xffff, v9  }
0xe0: {  	s4 =	sshrl.u32 @!p0 s4, $0x4;
	s7 =	simm.s32 @p1 $0x0;
	[tilespmem:v12+s1+$0x0] =	vst.idx.msk @!p0 $0xffff, v11  }
0xe1: {  	s4 =	ssub.s32 @!p0 s4, s7;
	[tilespmem:v13+s23+$0x0] =	vst.idx.msk @!p0 $0xffff, v9  }
0xe2: {  	s8 =	sadd.s32 @!p0 $0x40, s0;
	s24 =	sshll.u32 @!p0 s4, $0x4;
	[tilespmem:v13+s1+$0x0] =	vst.idx.msk @!p0 $0xffff, v11  }
0xe3: {  	s7 =	sadd.s32 @!p0 $0x60, s0;
	v12 =	vadd.s32 @!p0 s8, v8;
	s4 =	sadd.s32 @!p0 $0xFF, s24;
	[tilespmem:v10+s23+$0x0] =	vst.idx.msk @!p0 $0xffff, v9  }
0xe4: {  	s8 =	sadd.s32 @!p0 $0x50, s0;
	s0 =	sadd.s32 @!p0 $0x70, s0;
	[tilespmem:v10+s1+$0x0] =	vst.idx.msk @!p0 $0xffff, v11;
	v10 =	vadd.s32 @!p0 s7, v8;
	s7 =	sshra.s32 @!p0 s4, $0x1F  }
0xe5: {  	v13 =	vadd.s32 @!p0 s8, v8;
	v8 =	vadd.s32 @!p0 s0, v8;
	s0 =	sshrl.u32 @!p0 s7, $0x18  }
0xe6: {  	s0 =	sadd.s32 @!p0 s0, s4  }
0xe7: {  	s0 =	sshra.s32 @!p0 s0, $0x8  }
0xe8: {  	[tilespmem:v12+s23+$0x0] =	vst.idx.msk @!p0 $0xffff, v9;
	s25 =	sadd.s32 @!p0 s7, s0  }
0xe9: {  	[tilespmem:v12+s1+$0x0] =	vst.idx.msk @!p0 $0xffff, v11;
	p1 =	slt.s32 @!p0 s25, $0x1  }
0xea: {  	[tilespmem:v13+s23+$0x0] =	vst.idx.msk @!p0 $0xffff, v9;
	p1 =	por p0, p1  }
.Ltmp10:
0xeb: {  	[tilespmem:v13+s1+$0x0] =	vst.idx.msk @!p0 $0xffff, v11;
	(pc) =	sbr.rel @!p1 .LBB2_13-.Ltmp10, $4  }
.Ltmp11:
0xec: {  	[tilespmem:v10+s23+$0x0] =	vst.idx.msk @!p0 $0xffff, v9;
	(pc) =	sbr.rel @p1 .LBB2_31-.Ltmp11, $4  }
0xed: {  	[tilespmem:v10+s1+$0x0] =	vst.idx.msk @!p0 $0xffff, v11  }
0xee: {  	s26 =	simm.s32 @!p0 $0x0;
	[tilespmem:v8+s23+$0x0] =	vst.idx.msk @!p0 $0xffff, v9  }
0xef: {  	s28 =	smov.u32 s26;
	[tilespmem:v8+s1+$0x0] =	vst.idx.msk @!p0 $0xffff, v11  }
0xf0: {  	_ = 	snop  }
.LBB2_29:
0xf1: {  	[sflag:s21] =	ssyncadd.s32 $0xFFFFFF80  }
.LBB2_30:
0xf2: {  	s28 =	sadd.s32 $0x1, s28  }
0xf3: {  	p0 =	sne.s32 s28, s25  }
.Ltmp12:
0xf4: {  	_ = 	snop;
	(pc) =	sbr.rel @!p0 .LBB2_31-.Ltmp12, $2  }
0xf5: {  	_ =	sdelay $0x2  }
0xf6: {  	s26 =	sadd.s32 $0x100, s26;
	s23 =	sadd.s32 $0x100, s23  }
.LBB2_13:
0xf7: {  	s0 =	sshll.u32 s28, $0x8  }
0xf8: {  	s0 =	ssub.s32 s24, s0  }
0xf9: {  	p0 =	slt.s32 s0, $0x100  }
0xfa: {  	p1 =	slt.s32 s0, $0xFFFFFF82;
	s0 =	simm.s32 @!p0 $0x100  }
0xfb: {  	s0 =	sadd.s32 $0x7F, s0  }
0xfc: {  	s1 =	sshra.s32 s0, $0x1F  }
0xfd: {  	s1 =	sshrl.u32 s1, $0x19  }
0xfe: {  	s0 =	sadd.s32 s1, s0;
	s1 =	simm.s32 $0x1  }
0xff: {  	s0 =	sshra.s32 s0, $0x7;
	s1 =	simm.s32 @!p1 $0x0  }
0x100: {  	s29 =	ssub.s32 s0, s1  }
0x101: {  	p0 =	slt.s32 s29, $0x1  }
.Ltmp13:
0x102: {  	_ = 	snop;
	(pc) =	sbr.rel @p0 .LBB2_30-.Ltmp13, $1  }
0x103: {  	_ =	sdelay $0x3  }
0x104: {  	s30 =	sshll.u32 s29, $0x3  }
0x105: {  	p2 =	sne.s32 s30, $0x1  }
.Ltmp14:
0x106: {  	_ = 	snop;
	(pc) =	sbr.rel @!p2 .LBB2_15-.Ltmp14, $4  }
0x107: {  	_ = 	snop  }
0x108: {  	s0 =	simm.s32 $0xCE00;
	s1 =	simm.s32 $0x0  }
0x109: {  	s4 =	sadd.s32 $0x0, s26;
	p0 =	por $0x0, $0x0;
	p1 =	por $0x0, $0x0  }
0x10a: {  	s31 =	sand.u32 $0xFFFFFF80, s4;
	s1 =	sand.u32 $0x70, s1;
	s4 =	sadd.s32 $0xFFFFFFFF, s30  }
0x10b: {  	s1 =	sor.u32 s1, s31  }
0x10c: {  	p2 =	sne.s32 s4, $0x1;
	v8 =	vld [tilespmem:s1+$0xBB80]  }
.Ltmp15:
0x10d: {  	_ = 	snop;
	(pc) =	sbr.rel @!p2 .LBB2_17-.Ltmp15, $3  }
0x10e: {  	_ =	sdelay $0x1  }
0x10f: {  	s8 =	sadd.s32 $0x10, s26;
	s7 =	simm.s32 $0x10;
	s4 =	sadd.s32 $0xFFFFFFFF, s4  }
0x110: {  	p0 =	por $0x1, $0x1;
	s31 =	sand.u32 $0xFFFFFF80, s8;
	s1 =	sand.u32 $0x70, s7;
	v8 =	vshra.s32 v8, $0x1  }
0x111: {  	_ =	sdelay $0x2  }
0x112: {  	s1 =	sor.u32 s1, s31  }
0x113: {  	[tilespmem:s0], [sflag:$0x1] =	stream.indirect_vreg.gather [hbm4b:s2+s3], $0x80, v8, vm0, $0xb8;
	[tilespmem:$0x1E980] =	vst v63  }
0x114: {  	v8 =	vld [tilespmem:s1+$0xBB80];
	_ =	sdelay $0x2  }
0x115: {  	p2 =	sne.s32 s4, $0x1  }
.Ltmp16:
0x116: {  	_ = 	snop;
	(pc) =	sbr.rel @!p2 .LBB2_19-.Ltmp16, $4  }
0x117: {  	v8 =	vshra.s32 v8, $0x1  }
0x118: {  	s8 =	sadd.s32 $0x20, s26  }
0x119: {  	s7 =	simm.s32 $0x20;
	p1 =	por $0x1, $0x1;
	s31 =	sand.u32 $0xFFFFFF80, s8  }
0x11a: {  	s1 =	sand.u32 $0x70, s7;
	s8 =	sadd.s32 $0xFFFFFFFF, s4;
	s4 =	simm.s32 $0xCE00  }
.LBB2_20:
0x11b: {  	p2 =	sne.s32 s8, $0x1;
	s1 =	sor.u32 s1, s31;
	s4 =	sadd.s32 $0x800, s4  }
0x11c: {  	[tilespmem:s4], [sflag:$0x1] =	stream.indirect_vreg.gather [hbm4b:s2+s3], $0x80, v8, vm0, $0xb8;
	[tilespmem:$0x1E980] =	vst v63  }
0x11d: {  	v8 =	vld [tilespmem:s1+$0xBB80];
	_ =	sdelay $0x3  }
.Ltmp17:
0x11e: {  	(pc) =	sbr.rel @p2 .LBB2_20-.Ltmp17, $4  }
0x11f: {  	v8 =	vshra.s32 v8, $0x1  }
0x120: {  	s7 =	sadd.s32 $0x10, s7  }
0x121: {  	s1 =	sadd.s32 s7, s26  }
0x122: {  	s8 =	sadd.s32 $0xFFFFFFFF, s8;
	s31 =	sand.u32 $0xFFFFFF80, s1;
	s1 =	sand.u32 $0x70, s7  }
.LBB2_21:
0x123: {  	_ =	sdelay $0x1  }
0x124: {  	s4 =	sadd.s32 @p1 $0x800, s4;
	s7 =	simm.s32 $0xCE00  }
0x125: {  	s1 =	sor.u32 s1, s31;
	s7 =	smov.u32 @p1 s4  }
0x126: {  	[tilespmem:s7], [sflag:$0x1] =	stream.indirect_vreg.gather @p0 [hbm4b:s2+s3], $0x80, v8, vm0, $0xb8;
	[tilespmem:$0x1E980] =	vst v63  }
0x127: {  	v8 =	vld [tilespmem:s1+$0xBB80];
	_ =	sdelay $0x4  }
0x128: {  	v8 =	vshra.s32 v8, $0x1;
	_ =	sdelay $0x2  }
0x129: {  	s1 =	sadd.s32 @p0 $0x800, s7  }
0x12a: {  	s0 =	smov.u32 @p0 s1  }
0x12b: {  	[tilespmem:s0], [sflag:$0x1] =	stream.indirect_vreg.gather [hbm4b:s2+s3], $0x80, v8, vm0, $0xb8;
	[tilespmem:$0x1E980] =	vst v63  }
0x12c: {  	s0 =	smov.u32 s30  }
.LBB2_22:
0x12d: {  	p0 =	sne.s32 s0, $0x1  }
.Ltmp18:
0x12e: {  	_ = 	snop;
	(pc) =	sbr.rel @p0 .LBB2_22-.Ltmp18, $4  }
0x12f: {  	_ = 	snop  }
0x130: {  	_ =	swait.ge [sflag:s12], $0x800  }
0x131: {  	[sflag:s12] =	ssyncset.done $0x0  }
0x132: {  	s0 =	sadd.s32 $0xFFFFFFFF, s0;
	[sflag:s12] =	ssyncadd.s32 $0xFFFFF800  }
0x133: {  	s31 =	simm.s32 $0x0  }
.LBB2_24:
0x134: {  	s0 =	sadd.s32 s31, s26  }
0x135: {  	s1 =	sand.u32 $0x70, s31;
	s0 =	sand.u32 $0xFFFFFF80, s0  }
0x136: {  	s0 =	sor.u32 s1, s0  }
0x137: {  	v8 =	vld [tilespmem:s0+$0xBB80];
	_ =	sdelay $0x3  }
0x138: {  	v9 =	vmov s31  }
0x139: {  	v9 =	vshll.u32 v9, $0x7;
	v8 =	vshll.u32 v8, $0x6  }
0x13a: {  	v10 =	vand.u32 $0x40, v8;
	v8 =	vor.u32 v7, v9  }
0x13b: {  	v9 =	vor.u32 v8, v10;
	_ =	sdelay $0x4  }
0x13c: {  	v10 =	vld.idx.msk [tilespmem:v9+s19+$0x0], $0xffff  }
0x13d: {  	v11 =	vor.u32 $0x1, v9;
	_ =	sdelay $0x2  }
0x13e: {  	s0 =	simm.s32 $0x14E00  }
0x13f: {  	[tilespmem:v8+s0+$0x0] =	vst.idx.msk $0xffff, v10  }
0x140: {  	v38 =	vor.u32 $0x1, v8;
	v10 =	vld.idx.msk [tilespmem:v11+s19+$0x0], $0xffff  }
0x141: {  	v12 =	vor.u32 $0x2, v9;
	_ =	sdelay $0x3  }
0x142: {  	[tilespmem:v38+s0+$0x0] =	vst.idx.msk $0xffff, v10  }
0x143: {  	v39 =	vor.u32 $0x2, v8;
	v10 =	vld.idx.msk [tilespmem:v12+s19+$0x0], $0xffff  }
0x144: {  	v40 =	vor.u32 $0x3, v9;
	_ =	sdelay $0x3  }
0x145: {  	[tilespmem:v39+s0+$0x0] =	vst.idx.msk $0xffff, v10  }
0x146: {  	v41 =	vor.u32 $0x3, v8;
	v10 =	vld.idx.msk [tilespmem:v40+s19+$0x0], $0xffff  }
0x147: {  	v42 =	vor.u32 $0x4, v9;
	_ =	sdelay $0x3  }
0x148: {  	[tilespmem:v41+s0+$0x0] =	vst.idx.msk $0xffff, v10  }
0x149: {  	v43 =	vor.u32 $0x4, v8;
	v10 =	vld.idx.msk [tilespmem:v42+s19+$0x0], $0xffff  }
0x14a: {  	v44 =	vor.u32 $0x5, v9;
	_ =	sdelay $0x3  }
0x14b: {  	[tilespmem:v43+s0+$0x0] =	vst.idx.msk $0xffff, v10  }
0x14c: {  	v45 =	vor.u32 $0x5, v8;
	v10 =	vld.idx.msk [tilespmem:v44+s19+$0x0], $0xffff  }
0x14d: {  	v46 =	vor.u32 $0x6, v9;
	_ =	sdelay $0x3  }
0x14e: {  	[tilespmem:v45+s0+$0x0] =	vst.idx.msk $0xffff, v10  }
0x14f: {  	v47 =	vor.u32 $0x6, v8;
	v10 =	vld.idx.msk [tilespmem:v46+s19+$0x0], $0xffff  }
0x150: {  	v48 =	vor.u32 $0x7, v9;
	_ =	sdelay $0x3  }
0x151: {  	[tilespmem:v47+s0+$0x0] =	vst.idx.msk $0xffff, v10  }
0x152: {  	v49 =	vor.u32 $0x7, v8;
	v10 =	vld.idx.msk [tilespmem:v48+s19+$0x0], $0xffff  }
0x153: {  	v50 =	vor.u32 $0x8, v9;
	_ =	sdelay $0x3  }
0x154: {  	[tilespmem:v49+s0+$0x0] =	vst.idx.msk $0xffff, v10  }
0x155: {  	v51 =	vor.u32 $0x8, v8;
	v10 =	vld.idx.msk [tilespmem:v50+s19+$0x0], $0xffff  }
0x156: {  	v52 =	vor.u32 $0x9, v9;
	_ =	sdelay $0x3  }
0x157: {  	[tilespmem:v51+s0+$0x0] =	vst.idx.msk $0xffff, v10  }
0x158: {  	v53 =	vor.u32 $0x9, v8;
	v10 =	vld.idx.msk [tilespmem:v52+s19+$0x0], $0xffff  }
0x159: {  	v54 =	vor.u32 $0xA, v9;
	_ =	sdelay $0x3  }
0x15a: {  	[tilespmem:v53+s0+$0x0] =	vst.idx.msk $0xffff, v10  }
0x15b: {  	v55 =	vor.u32 $0xA, v8;
	v10 =	vld.idx.msk [tilespmem:v54+s19+$0x0], $0xffff  }
0x15c: {  	v56 =	vor.u32 $0xB, v9;
	_ =	sdelay $0x3  }
0x15d: {  	[tilespmem:v55+s0+$0x0] =	vst.idx.msk $0xffff, v10  }
0x15e: {  	v57 =	vor.u32 $0xB, v8;
	v10 =	vld.idx.msk [tilespmem:v56+s19+$0x0], $0xffff  }
0x15f: {  	v58 =	vor.u32 $0xC, v9;
	_ =	sdelay $0x3  }
0x160: {  	[tilespmem:v57+s0+$0x0] =	vst.idx.msk $0xffff, v10  }
0x161: {  	v59 =	vor.u32 $0xC, v8;
	v10 =	vld.idx.msk [tilespmem:v58+s19+$0x0], $0xffff  }
0x162: {  	v60 =	vor.u32 $0xD, v9;
	_ =	sdelay $0x3  }
0x163: {  	[tilespmem:v59+s0+$0x0] =	vst.idx.msk $0xffff, v10  }
0x164: {  	v61 =	vor.u32 $0xD, v8;
	v10 =	vld.idx.msk [tilespmem:v60+s19+$0x0], $0xffff  }
0x165: {  	v62 =	vor.u32 $0xE, v9;
	_ =	sdelay $0x3  }
0x166: {  	[tilespmem:v61+s0+$0x0] =	vst.idx.msk $0xffff, v10  }
0x167: {  	v63 =	vor.u32 $0xE, v8;
	v10 =	vld.idx.msk [tilespmem:v62+s19+$0x0], $0xffff  }
0x168: {  	v16 =	vor.u32 $0xF, v9;
	_ =	sdelay $0x3  }
0x169: {  	[tilespmem:v63+s0+$0x0] =	vst.idx.msk $0xffff, v10  }
0x16a: {  	v17 =	vor.u32 $0xF, v8;
	v10 =	vld.idx.msk [tilespmem:v16+s19+$0x0], $0xffff  }
0x16b: {  	v18 =	vor.u32 $0x10, v9;
	_ =	sdelay $0x3  }
0x16c: {  	[tilespmem:v17+s0+$0x0] =	vst.idx.msk $0xffff, v10  }
0x16d: {  	v19 =	vor.u32 $0x10, v8;
	v10 =	vld.idx.msk [tilespmem:v18+s19+$0x0], $0xffff  }
0x16e: {  	v20 =	vor.u32 $0x11, v9;
	_ =	sdelay $0x3  }
0x16f: {  	[tilespmem:v19+s0+$0x0] =	vst.idx.msk $0xffff, v10  }
0x170: {  	v21 =	vor.u32 $0x11, v8;
	v10 =	vld.idx.msk [tilespmem:v20+s19+$0x0], $0xffff  }
0x171: {  	v22 =	vor.u32 $0x12, v9;
	_ =	sdelay $0x3  }
0x172: {  	[tilespmem:v21+s0+$0x0] =	vst.idx.msk $0xffff, v10  }
0x173: {  	v23 =	vor.u32 $0x12, v8;
	v10 =	vld.idx.msk [tilespmem:v22+s19+$0x0], $0xffff  }
0x174: {  	v24 =	vor.u32 $0x13, v9;
	_ =	sdelay $0x3  }
0x175: {  	[tilespmem:v23+s0+$0x0] =	vst.idx.msk $0xffff, v10  }
0x176: {  	v25 =	vor.u32 $0x13, v8;
	v10 =	vld.idx.msk [tilespmem:v24+s19+$0x0], $0xffff  }
0x177: {  	v26 =	vor.u32 $0x14, v9;
	_ =	sdelay $0x3  }
0x178: {  	[tilespmem:v25+s0+$0x0] =	vst.idx.msk $0xffff, v10  }
0x179: {  	v27 =	vor.u32 $0x14, v8;
	v10 =	vld.idx.msk [tilespmem:v26+s19+$0x0], $0xffff  }
0x17a: {  	v28 =	vor.u32 $0x15, v9;
	_ =	sdelay $0x3  }
0x17b: {  	[tilespmem:v27+s0+$0x0] =	vst.idx.msk $0xffff, v10  }
0x17c: {  	v29 =	vor.u32 $0x15, v8;
	v10 =	vld.idx.msk [tilespmem:v28+s19+$0x0], $0xffff  }
0x17d: {  	v30 =	vor.u32 $0x16, v9;
	_ =	sdelay $0x3  }
0x17e: {  	[tilespmem:v29+s0+$0x0] =	vst.idx.msk $0xffff, v10  }
0x17f: {  	v31 =	vor.u32 $0x16, v8;
	v10 =	vld.idx.msk [tilespmem:v30+s19+$0x0], $0xffff  }
0x180: {  	v32 =	vor.u32 $0x17, v9;
	_ =	sdelay $0x3  }
0x181: {  	[tilespmem:v31+s0+$0x0] =	vst.idx.msk $0xffff, v10  }
0x182: {  	v33 =	vor.u32 $0x17, v8;
	v10 =	vld.idx.msk [tilespmem:v32+s19+$0x0], $0xffff  }
0x183: {  	v34 =	vor.u32 $0x18, v9;
	_ =	sdelay $0x3  }
0x184: {  	[tilespmem:v33+s0+$0x0] =	vst.idx.msk $0xffff, v10  }
0x185: {  	v35 =	vor.u32 $0x18, v8;
	v10 =	vld.idx.msk [tilespmem:v34+s19+$0x0], $0xffff  }
0x186: {  	v36 =	vor.u32 $0x19, v9;
	_ =	sdelay $0x3  }
0x187: {  	[tilespmem:v35+s0+$0x0] =	vst.idx.msk $0xffff, v10  }
0x188: {  	v37 =	vor.u32 $0x19, v8;
	v10 =	vld.idx.msk [tilespmem:v36+s19+$0x0], $0xffff  }
0x189: {  	v38 =	vor.u32 $0x1A, v9;
	_ =	sdelay $0x3  }
0x18a: {  	[tilespmem:v37+s0+$0x0] =	vst.idx.msk $0xffff, v10  }
0x18b: {  	v39 =	vor.u32 $0x1A, v8;
	v10 =	vld.idx.msk [tilespmem:v38+s19+$0x0], $0xffff  }
0x18c: {  	v40 =	vor.u32 $0x1B, v9;
	_ =	sdelay $0x3  }
0x18d: {  	[tilespmem:v39+s0+$0x0] =	vst.idx.msk $0xffff, v10  }
0x18e: {  	v41 =	vor.u32 $0x1B, v8;
	v10 =	vld.idx.msk [tilespmem:v40+s19+$0x0], $0xffff  }
0x18f: {  	v42 =	vor.u32 $0x1C, v9;
	_ =	sdelay $0x3  }
0x190: {  	[tilespmem:v41+s0+$0x0] =	vst.idx.msk $0xffff, v10  }
0x191: {  	v43 =	vor.u32 $0x1C, v8;
	v10 =	vld.idx.msk [tilespmem:v42+s19+$0x0], $0xffff  }
0x192: {  	v44 =	vor.u32 $0x1D, v9;
	_ =	sdelay $0x3  }
0x193: {  	[tilespmem:v43+s0+$0x0] =	vst.idx.msk $0xffff, v10  }
0x194: {  	v45 =	vor.u32 $0x1D, v8;
	v10 =	vld.idx.msk [tilespmem:v44+s19+$0x0], $0xffff  }
0x195: {  	v46 =	vor.u32 $0x1E, v9;
	_ =	sdelay $0x3  }
0x196: {  	[tilespmem:v45+s0+$0x0] =	vst.idx.msk $0xffff, v10  }
0x197: {  	v47 =	vor.u32 $0x1E, v8;
	v10 =	vld.idx.msk [tilespmem:v46+s19+$0x0], $0xffff  }
0x198: {  	v48 =	vor.u32 $0x1F, v9;
	_ =	sdelay $0x3  }
0x199: {  	[tilespmem:v47+s0+$0x0] =	vst.idx.msk $0xffff, v10  }
0x19a: {  	v49 =	vor.u32 $0x1F, v8;
	v10 =	vld.idx.msk [tilespmem:v48+s19+$0x0], $0xffff  }
0x19b: {  	v50 =	vor.u32 $0x20, v9;
	_ =	sdelay $0x3  }
0x19c: {  	[tilespmem:v49+s0+$0x0] =	vst.idx.msk $0xffff, v10  }
0x19d: {  	v51 =	vor.u32 $0x20, v8;
	v10 =	vld.idx.msk [tilespmem:v50+s19+$0x0], $0xffff  }
0x19e: {  	v52 =	vor.u32 $0x21, v9;
	_ =	sdelay $0x3  }
0x19f: {  	[tilespmem:v51+s0+$0x0] =	vst.idx.msk $0xffff, v10  }
0x1a0: {  	v53 =	vor.u32 $0x21, v8;
	v10 =	vld.idx.msk [tilespmem:v52+s19+$0x0], $0xffff  }
0x1a1: {  	v54 =	vor.u32 $0x22, v9;
	_ =	sdelay $0x3  }
0x1a2: {  	[tilespmem:v53+s0+$0x0] =	vst.idx.msk $0xffff, v10  }
0x1a3: {  	v55 =	vor.u32 $0x22, v8;
	v10 =	vld.idx.msk [tilespmem:v54+s19+$0x0], $0xffff  }
0x1a4: {  	v56 =	vor.u32 $0x23, v9;
	_ =	sdelay $0x3  }
0x1a5: {  	[tilespmem:v55+s0+$0x0] =	vst.idx.msk $0xffff, v10  }
0x1a6: {  	v57 =	vor.u32 $0x23, v8;
	v10 =	vld.idx.msk [tilespmem:v56+s19+$0x0], $0xffff  }
0x1a7: {  	v58 =	vor.u32 $0x24, v9;
	_ =	sdelay $0x3  }
0x1a8: {  	[tilespmem:v57+s0+$0x0] =	vst.idx.msk $0xffff, v10  }
0x1a9: {  	v59 =	vor.u32 $0x24, v8;
	v10 =	vld.idx.msk [tilespmem:v58+s19+$0x0], $0xffff  }
0x1aa: {  	v60 =	vor.u32 $0x25, v9;
	_ =	sdelay $0x3  }
0x1ab: {  	[tilespmem:v59+s0+$0x0] =	vst.idx.msk $0xffff, v10  }
0x1ac: {  	v61 =	vor.u32 $0x25, v8;
	v10 =	vld.idx.msk [tilespmem:v60+s19+$0x0], $0xffff  }
0x1ad: {  	v62 =	vor.u32 $0x26, v9;
	_ =	sdelay $0x3  }
0x1ae: {  	[tilespmem:v61+s0+$0x0] =	vst.idx.msk $0xffff, v10  }
0x1af: {  	v63 =	vor.u32 $0x26, v8;
	v10 =	vld.idx.msk [tilespmem:v62+s19+$0x0], $0xffff  }
0x1b0: {  	v16 =	vor.u32 $0x27, v9;
	_ =	sdelay $0x3  }
0x1b1: {  	[tilespmem:v63+s0+$0x0] =	vst.idx.msk $0xffff, v10  }
0x1b2: {  	v17 =	vor.u32 $0x27, v8;
	v10 =	vld.idx.msk [tilespmem:v16+s19+$0x0], $0xffff  }
0x1b3: {  	v18 =	vor.u32 $0x28, v9;
	_ =	sdelay $0x3  }
0x1b4: {  	[tilespmem:v17+s0+$0x0] =	vst.idx.msk $0xffff, v10  }
0x1b5: {  	v19 =	vor.u32 $0x28, v8;
	v10 =	vld.idx.msk [tilespmem:v18+s19+$0x0], $0xffff  }
0x1b6: {  	v20 =	vor.u32 $0x29, v9;
	_ =	sdelay $0x3  }
0x1b7: {  	[tilespmem:v19+s0+$0x0] =	vst.idx.msk $0xffff, v10  }
0x1b8: {  	v21 =	vor.u32 $0x29, v8;
	v10 =	vld.idx.msk [tilespmem:v20+s19+$0x0], $0xffff  }
0x1b9: {  	v22 =	vor.u32 $0x2A, v9;
	_ =	sdelay $0x3  }
0x1ba: {  	[tilespmem:v21+s0+$0x0] =	vst.idx.msk $0xffff, v10  }
0x1bb: {  	v23 =	vor.u32 $0x2A, v8;
	v10 =	vld.idx.msk [tilespmem:v22+s19+$0x0], $0xffff  }
0x1bc: {  	v24 =	vor.u32 $0x2B, v9;
	_ =	sdelay $0x3  }
0x1bd: {  	[tilespmem:v23+s0+$0x0] =	vst.idx.msk $0xffff, v10  }
0x1be: {  	v25 =	vor.u32 $0x2B, v8;
	v10 =	vld.idx.msk [tilespmem:v24+s19+$0x0], $0xffff  }
0x1bf: {  	v26 =	vor.u32 $0x2C, v9;
	_ =	sdelay $0x3  }
0x1c0: {  	[tilespmem:v25+s0+$0x0] =	vst.idx.msk $0xffff, v10  }
0x1c1: {  	v27 =	vor.u32 $0x2C, v8;
	v10 =	vld.idx.msk [tilespmem:v26+s19+$0x0], $0xffff  }
0x1c2: {  	v28 =	vor.u32 $0x2D, v9;
	_ =	sdelay $0x3  }
0x1c3: {  	[tilespmem:v27+s0+$0x0] =	vst.idx.msk $0xffff, v10  }
0x1c4: {  	v29 =	vor.u32 $0x2D, v8;
	v10 =	vld.idx.msk [tilespmem:v28+s19+$0x0], $0xffff  }
0x1c5: {  	v30 =	vor.u32 $0x2E, v9;
	_ =	sdelay $0x3  }
0x1c6: {  	[tilespmem:v29+s0+$0x0] =	vst.idx.msk $0xffff, v10  }
0x1c7: {  	v31 =	vor.u32 $0x2E, v8;
	v10 =	vld.idx.msk [tilespmem:v30+s19+$0x0], $0xffff  }
0x1c8: {  	v32 =	vor.u32 $0x2F, v9;
	_ =	sdelay $0x3  }
0x1c9: {  	[tilespmem:v31+s0+$0x0] =	vst.idx.msk $0xffff, v10  }
0x1ca: {  	v33 =	vor.u32 $0x2F, v8;
	v10 =	vld.idx.msk [tilespmem:v32+s19+$0x0], $0xffff  }
0x1cb: {  	v34 =	vor.u32 $0x30, v9;
	_ =	sdelay $0x3  }
0x1cc: {  	[tilespmem:v33+s0+$0x0] =	vst.idx.msk $0xffff, v10  }
0x1cd: {  	v35 =	vor.u32 $0x30, v8;
	v10 =	vld.idx.msk [tilespmem:v34+s19+$0x0], $0xffff  }
0x1ce: {  	v36 =	vor.u32 $0x31, v9;
	_ =	sdelay $0x3  }
0x1cf: {  	[tilespmem:v35+s0+$0x0] =	vst.idx.msk $0xffff, v10  }
0x1d0: {  	v37 =	vor.u32 $0x31, v8;
	v10 =	vld.idx.msk [tilespmem:v36+s19+$0x0], $0xffff  }
0x1d1: {  	v38 =	vor.u32 $0x32, v9;
	_ =	sdelay $0x3  }
0x1d2: {  	[tilespmem:v37+s0+$0x0] =	vst.idx.msk $0xffff, v10  }
0x1d3: {  	v39 =	vor.u32 $0x32, v8;
	v10 =	vld.idx.msk [tilespmem:v38+s19+$0x0], $0xffff  }
0x1d4: {  	v40 =	vor.u32 $0x33, v9;
	_ =	sdelay $0x3  }
0x1d5: {  	[tilespmem:v39+s0+$0x0] =	vst.idx.msk $0xffff, v10  }
0x1d6: {  	v41 =	vor.u32 $0x33, v8;
	v10 =	vld.idx.msk [tilespmem:v40+s19+$0x0], $0xffff  }
0x1d7: {  	v42 =	vor.u32 $0x34, v9;
	_ =	sdelay $0x3  }
0x1d8: {  	[tilespmem:v41+s0+$0x0] =	vst.idx.msk $0xffff, v10  }
0x1d9: {  	v43 =	vor.u32 $0x34, v8;
	v10 =	vld.idx.msk [tilespmem:v42+s19+$0x0], $0xffff  }
0x1da: {  	v44 =	vor.u32 $0x35, v9;
	_ =	sdelay $0x3  }
0x1db: {  	[tilespmem:v43+s0+$0x0] =	vst.idx.msk $0xffff, v10  }
0x1dc: {  	v45 =	vor.u32 $0x35, v8;
	v10 =	vld.idx.msk [tilespmem:v44+s19+$0x0], $0xffff  }
0x1dd: {  	v46 =	vor.u32 $0x36, v9;
	_ =	sdelay $0x3  }
0x1de: {  	[tilespmem:v45+s0+$0x0] =	vst.idx.msk $0xffff, v10  }
0x1df: {  	v47 =	vor.u32 $0x36, v8;
	v10 =	vld.idx.msk [tilespmem:v46+s19+$0x0], $0xffff  }
0x1e0: {  	v48 =	vor.u32 $0x37, v9;
	_ =	sdelay $0x3  }
0x1e1: {  	[tilespmem:v47+s0+$0x0] =	vst.idx.msk $0xffff, v10  }
0x1e2: {  	v49 =	vor.u32 $0x37, v8;
	v10 =	vld.idx.msk [tilespmem:v48+s19+$0x0], $0xffff  }
0x1e3: {  	v50 =	vor.u32 $0x38, v9;
	_ =	sdelay $0x3  }
0x1e4: {  	[tilespmem:v49+s0+$0x0] =	vst.idx.msk $0xffff, v10  }
0x1e5: {  	v51 =	vor.u32 $0x38, v8;
	v10 =	vld.idx.msk [tilespmem:v50+s19+$0x0], $0xffff  }
0x1e6: {  	v52 =	vor.u32 $0x39, v9;
	_ =	sdelay $0x3  }
0x1e7: {  	[tilespmem:v51+s0+$0x0] =	vst.idx.msk $0xffff, v10  }
0x1e8: {  	v53 =	vor.u32 $0x39, v8;
	v10 =	vld.idx.msk [tilespmem:v52+s19+$0x0], $0xffff  }
0x1e9: {  	v54 =	vor.u32 $0x3A, v9;
	_ =	sdelay $0x3  }
0x1ea: {  	[tilespmem:v53+s0+$0x0] =	vst.idx.msk $0xffff, v10  }
0x1eb: {  	v55 =	vor.u32 $0x3A, v8;
	v10 =	vld.idx.msk [tilespmem:v54+s19+$0x0], $0xffff  }
0x1ec: {  	v56 =	vor.u32 $0x3B, v9;
	_ =	sdelay $0x3  }
0x1ed: {  	[tilespmem:v55+s0+$0x0] =	vst.idx.msk $0xffff, v10  }
0x1ee: {  	v57 =	vor.u32 $0x3B, v8;
	v10 =	vld.idx.msk [tilespmem:v56+s19+$0x0], $0xffff  }
0x1ef: {  	v58 =	vor.u32 $0x3C, v9;
	_ =	sdelay $0x3  }
0x1f0: {  	[tilespmem:v57+s0+$0x0] =	vst.idx.msk $0xffff, v10  }
0x1f1: {  	v59 =	vor.u32 $0x3C, v8;
	v10 =	vld.idx.msk [tilespmem:v58+s19+$0x0], $0xffff  }
0x1f2: {  	v60 =	vor.u32 $0x3D, v9;
	_ =	sdelay $0x3  }
0x1f3: {  	[tilespmem:v59+s0+$0x0] =	vst.idx.msk $0xffff, v10  }
0x1f4: {  	v61 =	vor.u32 $0x3D, v8;
	v10 =	vld.idx.msk [tilespmem:v60+s19+$0x0], $0xffff  }
0x1f5: {  	v62 =	vor.u32 $0x3E, v9;
	_ =	sdelay $0x3  }
0x1f6: {  	[tilespmem:v61+s0+$0x0] =	vst.idx.msk $0xffff, v10  }
0x1f7: {  	v63 =	vor.u32 $0x3E, v8;
	v10 =	vld.idx.msk [tilespmem:v62+s19+$0x0], $0xffff  }
0x1f8: {  	v9 =	vor.u32 $0x3F, v9;
	_ =	sdelay $0x3  }
0x1f9: {  	[tilespmem:v63+s0+$0x0] =	vst.idx.msk $0xffff, v10  }
0x1fa: {  	p0 =	sne.s32 s30, $0x1;
	v8 =	vor.u32 $0x3F, v8;
	v9 =	vld.idx.msk [tilespmem:v9+s19+$0x0], $0xffff  }
.Ltmp19:
0x1fb: {  	_ = 	snop;
	(pc) =	sbr.rel @p0 .LBB2_24-.Ltmp19, $2  }
0x1fc: {  	_ =	sdelay $0x2  }
0x1fd: {  	s31 =	sadd.s32 $0x10, s31;
	s30 =	sadd.s32 $0xFFFFFFFF, s30;
	[tilespmem:v8+s0+$0x0] =	vst.idx.msk $0xffff, v9  }
0x1fe: {  	p0 =	sne.s32 s29, $0x1  }
.Ltmp20:
0x1ff: {  	_ = 	snop;
	(pc) =	sbr.rel @!p0 .LBB2_27-.Ltmp20, $4  }
0x200: {  	_ = 	snop  }
0x201: {  	[hbm4b:s5+s20] =	stream.indirect.scatter [tilespmem:s0], [sflag:$0x2], $0x80, s23, s20, $0xb8;
	[tilespmem:$0x1E980] =	vst v63  }
0x202: {  	s0 =	sadd.s32 $0xFFFFFFFF, s29  }
0x203: {  	s1 =	sadd.s32 $0x80, s23;
	s4 =	simm.s32 $0x18E00;
	s7 =	smov.u32 s23  }
.LBB2_26:
0x204: {  	[hbm4b:s6+s20] =	stream.indirect.scatter [tilespmem:s9], [sflag:$0x2], $0x1, s7, s20, $0xb8;
	[tilespmem:$0x1E980] =	vst v63  }
0x205: {  	p1 =	sne.s32 s0, $0x1  }
.Ltmp21:
0x206: {  	s0 =	sadd.s32 $0xFFFFFFFF, s0;
	(pc) =	sbr.rel @p1 .LBB2_26-.Ltmp21, $3  }
0x207: {  	s7 =	smov.u32 s1;
	_ =	sdelay $0x1  }
0x208: {  	[hbm4b:s5+s20] =	stream.indirect.scatter [tilespmem:s4], [sflag:$0x2], $0x80, s1, s20, $0xb8;
	[tilespmem:$0x1E980] =	vst v63  }
0x209: {  	s1 =	sadd.s32 $0x80, s1;
	s4 =	sadd.s32 $0x4000, s4  }
.LBB2_27:
0x20a: {  	[hbm4b:s6+s20] =	stream.indirect.scatter [tilespmem:s9], [sflag:$0x2], $0x1, s7, s20, $0xb8;
	[tilespmem:$0x1E980] =	vst v63  }
.Ltmp22:
0x20b: {  	_ =	swait.ge [sflag:s21], $0x4000;
	(pc) =	sbr.rel @!p0 .LBB2_29-.Ltmp22, $4  }
0x20c: {  	[sflag:s21] =	ssyncset.done $0x0  }
0x20d: {  	[sflag:s21] =	ssyncadd.s32 $0xFFFFC000  }
0x20e: {  	_ =	swait.ge [sflag:s21], $0x80  }
0x20f: {  	s0 =	sadd.s32 $0xFFFFFFFF, s29;
	[sflag:s21] =	ssyncset.done $0x0  }
.LBB2_28:
0x210: {  	p0 =	sne.s32 s0, $0x1;
	s0 =	sadd.s32 $0xFFFFFFFF, s0;
	[sflag:s21] =	ssyncadd.s32 $0xFFFFFF80  }
.Ltmp23:
0x211: {  	_ =	swait.ge [sflag:s21], $0x4000;
	(pc) =	sbr.rel @p0 .LBB2_28-.Ltmp23, $4  }
0x212: {  	[sflag:s21] =	ssyncset.done $0x0  }
0x213: {  	[sflag:s21] =	ssyncadd.s32 $0xFFFFC000  }
0x214: {  	_ =	swait.ge [sflag:s21], $0x80  }
0x215: {  	[sflag:s21] =	ssyncset.done $0x0  }
.Ltmp24:
0x216: {  	_ = 	snop;
	(pc) =	sbr.rel .LBB2_29-.Ltmp24, $1  }
0x217: {  	_ =	sdelay $0x3  }
.LBB2_15:
.Ltmp25:
0x218: {  	(pc) =	sbr.rel .LBB2_21-.Ltmp25, $2  }
0x219: {  	_ =	sdelay $0x2  }
0x21a: {  	s4 =	simm.s32 $0xCE00  }
.LBB2_17:
.Ltmp26:
0x21b: {  	(pc) =	sbr.rel .LBB2_21-.Ltmp26, $2  }
0x21c: {  	_ =	sdelay $0x2  }
0x21d: {  	s4 =	simm.s32 $0xCE00  }
.LBB2_19:
.Ltmp27:
0x21e: {  	(pc) =	sbr.rel .LBB2_21-.Ltmp27, $2  }
0x21f: {  	_ =	sdelay $0x2  }
0x220: {  	s4 =	simm.s32 $0xCE00  }
.LBB2_10:
.Ltmp28:
0x221: {  	(pc) =	sbr.rel .LBB2_12-.Ltmp28, $2  }
0x222: {  	_ =	sdelay $0x2  }
0x223: {  	s23 =	simm.s32 $0x0;
	s24 =	simm.s32 $0x0  }
.LBB2_32:
0x224: {  	_ =	sfence.sel $0x180000  }
0x225: {  	[bflag:$0x0] =	sbarrier.arrive $0xFFFF  }
0x226: {  	_ =	strace $0x90000047  }
0x227: {  	s0 =	stileid.u32;
	[bflag:$0x2] =	sbarrier.arrive $0xFFFF  }
0x228: {  	p0 =	sne.s32 s0, $0x0;
	s0 =	rddreg [dreg:$0x2]  }
0x229: {  	s0 =	sadd.s32 @!p0 $0x100000, s0  }
0x22a: {  	[sflag:s0] =	ssyncadd.tile.s32 @!p0 $0x1;
	_ =	shalt  }
.Lfunc_end2:
_tile_overlayer_lowered:
.L_overlay_start_2:
0x22b: {  	(tag) =	ssettag $0x2  }
0x22c: {  	s0 =	rddreg [dreg:$0x0];
	s2 =	stileid.u32  }
0x22d: {  	s1 =	rddreg [dreg:$0x1];
	p0 =	sne.s32 s2, $0x0  }
0x22e: {  	s3 =	rddreg [dreg:$0x2];
	[bflag:$0x3] =	sbarrier.arrive $0xFFFF;
	s2 =	simm.s32 @!p0 $0x1C03  }
0x22f: {  	[timem:s3], [sflag:s2] =	dma.local @!p0 [hbm:s0], s1  }
0x230: {  	s0 =	simm.s32 @!p0 $0x3  }
0x231: {  	_ =	swait.ge @!p0 [sflag:s0], s1  }
0x232: {  	s1 =	ssub.s32 @!p0 $0x0, s1;
	[sflag:s0] =	ssyncset.done @!p0 $0x0  }
0x233: {  	[sflag:s0] =	ssyncadd.s32 @!p0 s1  }
0x234: {  	[bflag:$0x3] =	sbarrier.arrive $0xFFFF  }
0x235: {  	_ =	shalt  }

</sc_bundles>
